<compile_context>
chip_gen: v7x
topology: tpu7x:2x2x1
jax: 0.10.2.dev20260603
libtpu: 0.0.44.dev20260713+nightly
codegen_flags: <defaults>
</compile_context>

<pallas_src>
import functools

import jax
import jax.numpy as jnp
from jax import lax
from jax.experimental import pallas as pl
from jax.experimental.pallas import tpu as pltpu
from jax.experimental.pallas import tpu_sc as plsc

_NP = 10240
_C = 80
_NBLK = 4




def _ln_matmul_body(x_ref, w_ref, g_ref, b_ref, o_ref):
    x = x_ref[...]
    mu = jnp.mean(x, axis=-1, keepdims=True)
    var = jnp.mean((x - mu) ** 2, axis=-1, keepdims=True)
    xn = (x - mu) * jax.lax.rsqrt(var + 1e-5) * g_ref[...] + b_ref[...]
    o_ref[...] = jnp.dot(xn, w_ref[...], preferred_element_type=jnp.float32)


def _ln_matmul(x, w, gamma, beta):
    n, d = x.shape
    return pl.pallas_call(
        _ln_matmul_body,
        out_shape=jax.ShapeDtypeStruct((n, d), jnp.float32),
    )(x, w, gamma, beta)


def _edge_feat_body(nvalid, a_ref, w_ref, b_ref, ef_ref, ew_ref):
    a = a_ref[...]
    ef_ref[...] = jax.nn.relu(
        jnp.dot(a, w_ref[...], preferred_element_type=jnp.float32) + b_ref[...]
    )
    valid = (pl.program_id(0) < nvalid).astype(jnp.float32)
    ew_ref[...] = valid * jnp.sqrt(jnp.sum(a * a, axis=-1, keepdims=True))


def _edge_feat(edge_attr, w_ep, b_ep, ep):
    e, de = edge_attr.shape
    d = w_ep.shape[1]
    blk = 2560
    nvalid = e // blk
    ef, ew = pl.pallas_call(
        functools.partial(_edge_feat_body, nvalid),
        grid=(ep // blk,),
        in_specs=[
            pl.BlockSpec((blk, de),
                         lambda i: (jnp.minimum(i, nvalid - 1), 0)),
            pl.BlockSpec((de, d), lambda i: (0, 0)),
            pl.BlockSpec((d,), lambda i: (0,)),
        ],
        out_specs=[
            pl.BlockSpec((blk, d), lambda i: (i, 0)),
            pl.BlockSpec((blk, 1), lambda i: (i, 0)),
        ],
        out_shape=[
            jax.ShapeDtypeStruct((ep, d), jnp.float32),
            jax.ShapeDtypeStruct((ep, 1), jnp.float32),
        ],
    )(edge_attr, w_ep, b_ep)
    return ef, ew[:, 0]


def _scale_table_body(xl_ref, degp_ref, o_ref):
    deg = 1.0 + degp_ref[0, :] + degp_ref[1, :]
    o_ref[...] = xl_ref[...] * jax.lax.rsqrt(deg)[:, None]


def _scale_table(xl, degp):
    n, d = xl.shape
    br = 2048
    return pl.pallas_call(
        _scale_table_body,
        grid=(_NP // br,),
        in_specs=[
            pl.BlockSpec((br, d), lambda i: (i, 0)),
            pl.BlockSpec((2, br), lambda i: (0, i)),
        ],
        out_specs=pl.BlockSpec((br, d), lambda i: (i, 0)),
        out_shape=jax.ShapeDtypeStruct((n, d), jnp.float32),
    )(xl, degp)


def _finish_body(accp_ref, aggp_ref, xl_ref, degp_ref, wec_ref, bec_ref,
                 bconv_ref, wep_ref, bep_ref, o_ref):
    deg = 1.0 + degp_ref[0, :] + degp_ref[1, :]
    dis = jax.lax.rsqrt(deg)
    acc = accp_ref[0] + accp_ref[1]
    out = (dis[:, None] * acc
           + xl_ref[...] * (1.0 / deg)[:, None] + bconv_ref[...])
    f_loop = jax.nn.relu(jnp.sum(wep_ref[...], axis=0) + bep_ref[...])
    aggr = aggp_ref[0] + aggp_ref[1] + f_loop[None, :]
    d = out.shape[-1]
    z = (jnp.dot(out, wec_ref[:d, :], preferred_element_type=jnp.float32)
         + jnp.dot(aggr, wec_ref[d:, :], preferred_element_type=jnp.float32)
         + bec_ref[...])
    gate = jax.nn.sigmoid(z)
    o_ref[...] = jax.nn.relu(gate * out + (1.0 - gate) * aggr)


def _finish(accp, aggp, xl, degp, w_ec, b_ec, b_conv, w_ep, b_ep):
    n, d = xl.shape
    br = 2048
    return pl.pallas_call(
        _finish_body,
        grid=(_NP // br,),
        in_specs=[
            pl.BlockSpec((2, br, d), lambda i: (0, i, 0)),
            pl.BlockSpec((2, br, d), lambda i: (0, i, 0)),
            pl.BlockSpec((br, d), lambda i: (i, 0)),
            pl.BlockSpec((2, br), lambda i: (0, i)),
            pl.BlockSpec((2 * d, d), lambda i: (0, 0)),
            pl.BlockSpec((d,), lambda i: (0,)),
            pl.BlockSpec((d,), lambda i: (0,)),
            pl.BlockSpec(w_ep.shape, lambda i: (0, 0)),
            pl.BlockSpec((d,), lambda i: (0,)),
        ],
        out_specs=pl.BlockSpec((br, d), lambda i: (i, 0)),
        out_shape=jax.ShapeDtypeStruct((n, d), jnp.float32),
    )(accp, aggp, xl, degp, w_ec, b_ec, b_conv, w_ep, b_ep)




def _deg_sc_body(dst1, ew1, zrow, degp, didx_v, val_v, acc_sh):
    c = lax.axis_index("c")
    s = lax.axis_index("s")
    tid = c * 16 + s
    et = dst1.shape[0] // 32
    pltpu.sync_copy(zrow, acc_sh.at[pl.ds(s * 640, 640)])
    plsc.subcore_barrier()
    pltpu.sync_copy(dst1.at[pl.ds(tid * et, et)], didx_v)
    pltpu.sync_copy(ew1.at[pl.ds(tid * et, et)], val_v)

    def chunk(i, _):
        sl = pl.ds(i * _C, _C)
        pltpu.sync_copy(val_v.at[sl], acc_sh.at[didx_v.at[sl]], add=True)
        return 0

    lax.fori_loop(0, et // _C, chunk, 0)
    plsc.subcore_barrier()
    pltpu.sync_copy(acc_sh.at[pl.ds(s * 640, 640)],
                    degp.at[c, pl.ds(s * 640, 640)])


def _deg_sc(dst1, ew1):
    mesh = plsc.VectorSubcoreMesh(core_axis_name="c", subcore_axis_name="s")
    et = dst1.shape[0] // 32
    f = pl.kernel(
        _deg_sc_body,
        out_type=jax.ShapeDtypeStruct((2, _NP), jnp.float32),
        mesh=mesh,
        scratch_types=[
            pltpu.VMEM((et,), jnp.int32),
            pltpu.VMEM((et,), jnp.float32),
            pltpu.VMEM_SHARED((_NP,), jnp.float32),
        ],
    )
    zrow = jnp.zeros((640,), jnp.float32)
    return f(dst1, ew1, zrow)


def _zero_acc(rows_v, acc_sh, s):
    nr = rows_v.shape[0]

    def zrow(r, _):
        for j in range(8):
            rows_v[r, pl.ds(j * 16, 16)] = jnp.zeros((16,), jnp.float32)
        return 0

    lax.fori_loop(0, nr, zrow, 0)
    for k in range(640 // nr):
        pltpu.sync_copy(rows_v, acc_sh.at[pl.ds(s * 640 + k * nr, nr)])


def _scale_rows(rows_v, gain_v, i2):
    def grouploop(t, _):
        gvec = gain_v[pl.ds(i2 * _C + t * 16, 16)]
        for r16 in range(16):
            g = gvec[r16]
            r = t * 16 + r16
            for j in range(8):
                sl = pl.ds(j * 16, 16)
                rows_v[r, sl] = rows_v[r, sl] * g
        return 0

    lax.fori_loop(0, _C // 16, grouploop, 0)


def _conv_sc_body(src1, dst1, ew1, xls, outp,
                  sidx_v, didx_v, gain_v, rows0_v, rows1_v,
                  sem0, sem1, ssem0, ssem1, acc_sh):
    c = lax.axis_index("c")
    s = lax.axis_index("s")
    tid = c * 16 + s
    nblk = _NBLK
    sblk = src1.shape[0] // (32 * nblk * _C)
    et = nblk * sblk * _C

    _zero_acc(rows0_v, acc_sh, s)
    plsc.subcore_barrier()

    def idx(i2):
        return pl.ds(i2 * _C, _C)

    def blkloop1(b, _):
        base = tid * et + b * sblk * _C
        bsl = pl.ds(base, sblk * _C)
        pltpu.sync_copy(src1.at[bsl], sidx_v)
        pltpu.sync_copy(dst1.at[bsl], didx_v)
        pltpu.sync_copy(ew1.at[bsl], gain_v)
        pltpu.async_copy(xls.at[sidx_v.at[idx(0)]], rows0_v, sem0)
        pltpu.async_copy(xls.at[sidx_v.at[idx(1)]], rows1_v, sem1)

        def pair(p, _):
            i0 = 2 * p
            pltpu.make_async_copy(xls.at[sidx_v.at[idx(i0)]], rows0_v,
                                  sem0).wait()
            _scale_rows(rows0_v, gain_v, i0)
            pltpu.sync_copy(rows0_v, acc_sh.at[didx_v.at[idx(i0)]], add=True)

            @pl.when(p < sblk // 2 - 1)
            def _():
                pltpu.async_copy(xls.at[sidx_v.at[idx(i0 + 2)]], rows0_v,
                                 sem0)

            pltpu.make_async_copy(xls.at[sidx_v.at[idx(i0 + 1)]], rows1_v,
                                  sem1).wait()
            _scale_rows(rows1_v, gain_v, i0 + 1)
            pltpu.sync_copy(rows1_v, acc_sh.at[didx_v.at[idx(i0 + 1)]],
                            add=True)

            @pl.when(p < sblk // 2 - 1)
            def _():
                pltpu.async_copy(xls.at[sidx_v.at[idx(i0 + 3)]], rows1_v,
                                 sem1)

            return 0

        lax.fori_loop(0, sblk // 2, pair, 0)
        return 0

    lax.fori_loop(0, nblk, blkloop1, 0)
    plsc.subcore_barrier()
    pltpu.sync_copy(acc_sh.at[pl.ds(s * 640, 640)],
                    outp.at[c, pl.ds(s * 640, 640)])


def _agg_fused_body(src1, dst1, ew1, xls, ef3d, outp, aggp,
                    sidx_v, didx_v, gain_v, rows0_v, rows1_v,
                    sem0, sem1, ssem0, ssem1, acc_sh):
    _conv_sc_body(src1, dst1, ew1, xls, outp,
                  sidx_v, didx_v, gain_v, rows0_v, rows1_v,
                  sem0, sem1, ssem0, ssem1, acc_sh)
    plsc.subcore_barrier()
    _aggr_sc_body(dst1, ef3d, aggp,
                  didx_v, rows0_v, rows1_v,
                  sem0, sem1, ssem0, ssem1, acc_sh)


def _agg_fused(src1, dst1, ew1, xls, ef3d):
    mesh = plsc.VectorSubcoreMesh(core_axis_name="c", subcore_axis_name="s")
    sblk = src1.shape[0] // (32 * _NBLK * _C)
    d = xls.shape[1]
    f = pl.kernel(
        _agg_fused_body,
        out_type=[
            jax.ShapeDtypeStruct((2, _NP, d), jnp.float32),
            jax.ShapeDtypeStruct((2, _NP, d), jnp.float32),
        ],
        mesh=mesh,
        scratch_types=[
            pltpu.VMEM((sblk * _C,), jnp.int32),
            pltpu.VMEM((sblk * _C,), jnp.int32),
            pltpu.VMEM((sblk * _C,), jnp.float32),
            pltpu.VMEM((_C, d), jnp.float32),
            pltpu.VMEM((_C, d), jnp.float32),
            pltpu.SemaphoreType.DMA,
            pltpu.SemaphoreType.DMA,
            pltpu.SemaphoreType.DMA,
            pltpu.SemaphoreType.DMA,
            pltpu.VMEM_SHARED((_NP, d), jnp.float32),
        ],
    )
    return f(src1, dst1, ew1, xls, ef3d)


def _aggr_sc_body(dst1, ef3d, aggp,
                  didx_v, rows0_v, rows1_v,
                  sem0, sem1, ssem0, ssem1, acc_sh):
    c = lax.axis_index("c")
    s = lax.axis_index("s")
    tid = c * 16 + s
    nblk = _NBLK
    sblk = dst1.shape[0] // (32 * nblk * _C)
    et = nblk * sblk * _C
    nrows = nblk * sblk

    _zero_acc(rows0_v, acc_sh, s)
    plsc.subcore_barrier()

    def idx(i2):
        return pl.ds(i2 * _C, _C)

    def blkloop2(b, _):
        pltpu.sync_copy(dst1.at[pl.ds(tid * et + b * sblk * _C, sblk * _C)],
                        didx_v)
        base = tid * nrows + b * sblk
        pltpu.async_copy(ef3d.at[base], rows0_v, sem0)
        pltpu.async_copy(ef3d.at[base + 1], rows1_v, sem1)

        def pair(p, _):
            i0 = 2 * p
            pltpu.make_async_copy(ef3d.at[base + i0], rows0_v, sem0).wait()
            pltpu.sync_copy(rows0_v, acc_sh.at[didx_v.at[idx(i0)]], add=True)

            @pl.when(p < sblk // 2 - 1)
            def _():
                pltpu.async_copy(ef3d.at[base + i0 + 2], rows0_v, sem0)

            pltpu.make_async_copy(ef3d.at[base + i0 + 1], rows1_v,
                                  sem1).wait()
            pltpu.sync_copy(rows1_v, acc_sh.at[didx_v.at[idx(i0 + 1)]],
                            add=True)

            @pl.when(p < sblk // 2 - 1)
            def _():
                pltpu.async_copy(ef3d.at[base + i0 + 3], rows1_v, sem1)

            return 0

        lax.fori_loop(0, sblk // 2, pair, 0)
        return 0

    lax.fori_loop(0, nblk, blkloop2, 0)
    plsc.subcore_barrier()
    pltpu.sync_copy(acc_sh.at[pl.ds(s * 640, 640)],
                    aggp.at[c, pl.ds(s * 640, 640)])




def kernel(x, edge_index, edge_attr, W_conv, b_conv, W_ep, b_ep, W_ec, b_ec,
           gamma, beta):
    n, d = x.shape
    src, dst = edge_index[0], edge_index[1]
    e = src.shape[0]

    ep = 327680
    pad = ep - e
    ar = jnp.arange(pad, dtype=src.dtype)
    src_p = jnp.concatenate([src, (ar * 997) % n])
    dst_p = jnp.concatenate([dst, n + ar % (_NP - n)])

    ef, ew = _edge_feat(edge_attr, W_ep, b_ep, ep)

    degp = _deg_sc(dst_p, ew)
    xl = _ln_matmul(x, W_conv, gamma, beta)

    xls = _scale_table(xl, degp)

    ef3d = ef.reshape(ep // _C, _C, d)
    outp, aggp = _agg_fused(src_p, dst_p, ew, xls, ef3d)

    return _finish(outp, aggp, xl, degp, W_ec, b_ec, b_conv, W_ep, b_ep)

# --- scband reference (transcript-rebuilt; emitter-appended) ---
"""Pipeline reference for scband-co-gnnlayer-47605417509015 (READ-ONLY COPY).

The authoritative reference and input builder live on the scoring server;
editing this copy changes nothing except your own understanding.
"""

import jax, jax.numpy as jnp
import numpy as np

N = 10000
E = 320000
D = 128
DE = 16

def setup_inputs(seed: int = 0):
    key = jax.random.key(seed)
    ks = jax.random.split(key, 10)
    x = jax.random.normal(ks[0], (N, D), dtype=jnp.float32)
    src = jax.random.randint(ks[1], (E,), 0, N, dtype=jnp.int32)
    off = jax.random.randint(ks[2], (E,), 1, N, dtype=jnp.int32)
    dst = (src + off) % N  # guaranteed no self loops
    edge_index = jnp.stack([src, dst], axis=0)
    edge_attr = 0.5 * jax.random.normal(ks[3], (E, DE), dtype=jnp.float32)
    W_conv = jax.random.normal(ks[4], (D, D), dtype=jnp.float32) / np.sqrt(D)
    b_conv = jnp.zeros((D,), jnp.float32)
    W_ep = jax.random.normal(ks[5], (DE, D), dtype=jnp.float32) / np.sqrt(DE)
    b_ep = jnp.zeros((D,), jnp.float32)
    W_ec = jax.random.normal(ks[6], (2 * D, D), dtype=jnp.float32) / np.sqrt(2 * D)
    b_ec = jnp.zeros((D,), jnp.float32)
    gamma = jnp.ones((D,), jnp.float32)
    beta = jnp.zeros((D,), jnp.float32)
    return {"x": x, "edge_index": edge_index, "edge_attr": edge_attr,
            "W_conv": W_conv, "b_conv": b_conv, "W_ep": W_ep, "b_ep": b_ep,
            "W_ec": W_ec, "b_ec": b_ec, "gamma": gamma, "beta": beta}

def _forward(x, edge_attr, W_conv, b_conv, W_ep, b_ep, W_ec, b_ec, gamma, beta, edge_index):
    n = x.shape[0]
    src, dst = edge_index[0], edge_index[1]
    # remove_self_loops implemented as masking (shape-static equivalent)
    keep = (src != dst).astype(x.dtype)
    ew = jnp.sqrt(jnp.sum(edge_attr * edge_attr, axis=-1)) * keep
    # add_self_loops with attr=ones, weight=1
    loop = jnp.arange(n, dtype=src.dtype)
    src_f = jnp.concatenate([src, loop])
    dst_f = jnp.concatenate([dst, loop])
    ew_f = jnp.concatenate([ew, jnp.ones((n,), x.dtype)])
    attr_f = jnp.concatenate([edge_attr, jnp.ones((n, edge_attr.shape[1]), x.dtype)], axis=0)
    keep_f = jnp.concatenate([keep, jnp.ones((n,), x.dtype)])
    # edge_proj: Linear + ReLU (+ Dropout=identity in eval)
    edge_features = jax.nn.relu(attr_f @ W_ep + b_ep)
    # LayerNorm
    mu = jnp.mean(x, axis=-1, keepdims=True)
    var = jnp.var(x, axis=-1, keepdims=True)
    xn = (x - mu) / jnp.sqrt(var + 1e-5) * gamma + beta
    # WeightedGCNConv: symmetric degree normalization with edge weights
    deg = jax.ops.segment_sum(ew_f, dst_f, num_segments=n)
    dis = jnp.where(deg > 0, 1.0 / jnp.sqrt(jnp.where(deg > 0, deg, 1.0)), 0.0)
    norm = dis[src_f] * ew_f * dis[dst_f]
    xl = xn @ W_conv
    out = jax.ops.segment_sum(norm[:, None] * xl[src_f], dst_f, num_segments=n) + b_conv
    # edge feature aggregation (scatter_add by dst) + gated combine
    aggr = jax.ops.segment_sum(edge_features * keep_f[:, None], dst_f, num_segments=n)
    gate = jax.nn.sigmoid(jnp.concatenate([out, aggr], axis=-1) @ W_ec + b_ec)
    out = gate * out + (1.0 - gate) * aggr
    # Dropout = identity in eval; ReLU
    return jax.nn.relu(out)

def reference(x, edge_index, edge_attr, W_conv, b_conv, W_ep, b_ep, W_ec, b_ec, gamma, beta):
    return _forward(x, edge_attr, W_conv, b_conv, W_ep, b_ep, W_ec, b_ec, gamma, beta, edge_index)

if __name__ == "__main__":
    import jax
    _d = setup_inputs()
    print(jax.jit(kernel)(*tuple(_d.values())))

</pallas_src>

<mosaic_0001>
#map = affine_map<(d0, d1) -> (0)>
#map1 = affine_map<(d0, d1) -> (0, 0)>
#map2 = affine_map<(d0, d1) -> (0, 0, 0)>
module attributes {stable_mosaic.version = 14 : i64} {
  func.func @_agg_fused_body(%arg0: i32, %arg1: i32, %arg2: memref<327680xi32, #tpu.memory_space<hbm>>, %arg3: memref<327680xi32, #tpu.memory_space<hbm>>, %arg4: memref<327680xf32, #tpu.memory_space<hbm>>, %arg5: memref<10000x128xf32, #tpu.memory_space<hbm>>, %arg6: memref<4096x80x128xf32, #tpu.memory_space<hbm>>, %arg7: memref<2x10240x128xf32, #tpu.memory_space<hbm>>, %arg8: memref<2x10240x128xf32, #tpu.memory_space<hbm>>, %arg9: memref<2560xi32, #tpu.memory_space<vmem>>, %arg10: memref<2560xi32, #tpu.memory_space<vmem>>, %arg11: memref<2560xf32, #tpu.memory_space<vmem>>, %arg12: memref<80x128xf32, #tpu.memory_space<vmem>>, %arg13: memref<80x128xf32, #tpu.memory_space<vmem>>, %arg14: memref<!tpu.dma_semaphore, #tpu.memory_space<semaphore_mem>>, %arg15: memref<!tpu.dma_semaphore, #tpu.memory_space<semaphore_mem>>, %arg16: memref<!tpu.dma_semaphore, #tpu.memory_space<semaphore_mem>>, %arg17: memref<!tpu.dma_semaphore, #tpu.memory_space<semaphore_mem>>, %arg18: memref<10240x128xf32, #tpu.memory_space<vmem_shared>>) attributes {dimension_semantics = [#tpu.dimension_semantics<core_parallel>, #tpu.dimension_semantics<subcore_parallel>], iteration_bounds = array<i64: 2, 16>, scalar_prefetch = 0 : i64, scratch_operands = 10 : i64, tpu.core_type = #tpu.core_type<sc_vector_subcore>, window_params = [{transform_indices = #map}, {transform_indices = #map}, {transform_indices = #map}, {transform_indices = #map1}, {transform_indices = #map2}, {transform_indices = #map2}, {transform_indices = #map2}]} {
    %mul3A = arith.constant 16 : i32
    %mul3A_0 = arith.muli %arg0, %mul3A : i32
    %add3A = arith.addi %mul3A_0, %arg1 : i32
    %scan3A = arith.constant 0 : i32
    %scan3A_1 = arith.constant 0 : i32
    %scan3A_2 = arith.constant 80 : i32
    %scan3A_3 = arith.addi %scan3A_1, %scan3A_2 : i32
    %scan3A_4 = arith.constant 1 : i32
    %scan3A_5 = scf.for %scan3A_107 = %scan3A_1 to %scan3A_3 step %scan3A_4 iter_args(%scan3A_108 = %scan3A) -> (i32)  : i32 {
      %broadcast_in_dim3A = arith.constant 0.000000e+00 : f32
      %broadcast_in_dim3A_109 = vector.broadcast %broadcast_in_dim3A : f32 to vector<16xf32>
      %swap3A = arith.index_cast %scan3A_107 : i32 to index
      %swap3A_110 = arith.constant 0 : index
      %swap3A_111 = tpu.vector_load %arg12[%swap3A, %swap3A_110] {strides = array<i32>} : memref<80x128xf32, #tpu.memory_space<vmem>>, vector<1x16xf32>,
      %swap3A_112 = vector.shape_cast %swap3A_111 : vector<1x16xf32> to vector<16xf32>
      %swap3A_113 = vector.shape_cast %broadcast_in_dim3A_109 : vector<16xf32> to vector<1x16xf32>
      tpu.vector_store %arg12[%swap3A, %swap3A_110], %swap3A_113 {strides = array<i32>} : memref<80x128xf32, #tpu.memory_space<vmem>>, vector<1x16xf32>,
      %broadcast_in_dim3A_114 = arith.constant 0.000000e+00 : f32
      %broadcast_in_dim3A_115 = vector.broadcast %broadcast_in_dim3A_114 : f32 to vector<16xf32>
      %swap3A_116 = arith.index_cast %scan3A_107 : i32 to index
      %swap3A_117 = arith.constant 16 : index
      %swap3A_118 = tpu.vector_load %arg12[%swap3A_116, %swap3A_117] {strides = array<i32>} : memref<80x128xf32, #tpu.memory_space<vmem>>, vector<1x16xf32>,
      %swap3A_119 = vector.shape_cast %swap3A_118 : vector<1x16xf32> to vector<16xf32>
      %swap3A_120 = vector.shape_cast %broadcast_in_dim3A_115 : vector<16xf32> to vector<1x16xf32>
      tpu.vector_store %arg12[%swap3A_116, %swap3A_117], %swap3A_120 {strides = array<i32>} : memref<80x128xf32, #tpu.memory_space<vmem>>, vector<1x16xf32>,
      %broadcast_in_dim3A_121 = arith.constant 0.000000e+00 : f32
      %broadcast_in_dim3A_122 = vector.broadcast %broadcast_in_dim3A_121 : f32 to vector<16xf32>
      %swap3A_123 = arith.index_cast %scan3A_107 : i32 to index
      %swap3A_124 = arith.constant 32 : index
      %swap3A_125 = tpu.vector_load %arg12[%swap3A_123, %swap3A_124] {strides = array<i32>} : memref<80x128xf32, #tpu.memory_space<vmem>>, vector<1x16xf32>,
      %swap3A_126 = vector.shape_cast %swap3A_125 : vector<1x16xf32> to vector<16xf32>
      %swap3A_127 = vector.shape_cast %broadcast_in_dim3A_122 : vector<16xf32> to vector<1x16xf32>
      tpu.vector_store %arg12[%swap3A_123, %swap3A_124], %swap3A_127 {strides = array<i32>} : memref<80x128xf32, #tpu.memory_space<vmem>>, vector<1x16xf32>,
      %broadcast_in_dim3A_128 = arith.constant 0.000000e+00 : f32
      %broadcast_in_dim3A_129 = vector.broadcast %broadcast_in_dim3A_128 : f32 to vector<16xf32>
      %swap3A_130 = arith.index_cast %scan3A_107 : i32 to index
      %swap3A_131 = arith.constant 48 : index
      %swap3A_132 = tpu.vector_load %arg12[%swap3A_130, %swap3A_131] {strides = array<i32>} : memref<80x128xf32, #tpu.memory_space<vmem>>, vector<1x16xf32>,
      %swap3A_133 = vector.shape_cast %swap3A_132 : vector<1x16xf32> to vector<16xf32>
      %swap3A_134 = vector.shape_cast %broadcast_in_dim3A_129 : vector<16xf32> to vector<1x16xf32>
      tpu.vector_store %arg12[%swap3A_130, %swap3A_131], %swap3A_134 {strides = array<i32>} : memref<80x128xf32, #tpu.memory_space<vmem>>, vector<1x16xf32>,
      %broadcast_in_dim3A_135 = arith.constant 0.000000e+00 : f32
      %broadcast_in_dim3A_136 = vector.broadcast %broadcast_in_dim3A_135 : f32 to vector<16xf32>
      %swap3A_137 = arith.index_cast %scan3A_107 : i32 to index
      %swap3A_138 = arith.constant 64 : index
      %swap3A_139 = tpu.vector_load %arg12[%swap3A_137, %swap3A_138] {strides = array<i32>} : memref<80x128xf32, #tpu.memory_space<vmem>>, vector<1x16xf32>,
      %swap3A_140 = vector.shape_cast %swap3A_139 : vector<1x16xf32> to vector<16xf32>
      %swap3A_141 = vector.shape_cast %broadcast_in_dim3A_136 : vector<16xf32> to vector<1x16xf32>
      tpu.vector_store %arg12[%swap3A_137, %swap3A_138], %swap3A_141 {strides = array<i32>} : memref<80x128xf32, #tpu.memory_space<vmem>>, vector<1x16xf32>,
      %broadcast_in_dim3A_142 = arith.constant 0.000000e+00 : f32
      %broadcast_in_dim3A_143 = vector.broadcast %broadcast_in_dim3A_142 : f32 to vector<16xf32>
      %swap3A_144 = arith.index_cast %scan3A_107 : i32 to index
      %swap3A_145 = arith.constant 80 : index
      %swap3A_146 = tpu.vector_load %arg12[%swap3A_144, %swap3A_145] {strides = array<i32>} : memref<80x128xf32, #tpu.memory_space<vmem>>, vector<1x16xf32>,
      %swap3A_147 = vector.shape_cast %swap3A_146 : vector<1x16xf32> to vector<16xf32>
      %swap3A_148 = vector.shape_cast %broadcast_in_dim3A_143 : vector<16xf32> to vector<1x16xf32>
      tpu.vector_store %arg12[%swap3A_144, %swap3A_145], %swap3A_148 {strides = array<i32>} : memref<80x128xf32, #tpu.memory_space<vmem>>, vector<1x16xf32>,
      %broadcast_in_dim3A_149 = arith.constant 0.000000e+00 : f32
      %broadcast_in_dim3A_150 = vector.broadcast %broadcast_in_dim3A_149 : f32 to vector<16xf32>
      %swap3A_151 = arith.index_cast %scan3A_107 : i32 to index
      %swap3A_152 = arith.constant 96 : index
      %swap3A_153 = tpu.vector_load %arg12[%swap3A_151, %swap3A_152] {strides = array<i32>} : memref<80x128xf32, #tpu.memory_space<vmem>>, vector<1x16xf32>,
      %swap3A_154 = vector.shape_cast %swap3A_153 : vector<1x16xf32> to vector<16xf32>
      %swap3A_155 = vector.shape_cast %broadcast_in_dim3A_150 : vector<16xf32> to vector<1x16xf32>
      tpu.vector_store %arg12[%swap3A_151, %swap3A_152], %swap3A_155 {strides = array<i32>} : memref<80x128xf32, #tpu.memory_space<vmem>>, vector<1x16xf32>,
      %broadcast_in_dim3A_156 = arith.constant 0.000000e+00 : f32
      %broadcast_in_dim3A_157 = vector.broadcast %broadcast_in_dim3A_156 : f32 to vector<16xf32>
      %swap3A_158 = arith.index_cast %scan3A_107 : i32 to index
      %swap3A_159 = arith.constant 112 : index
      %swap3A_160 = tpu.vector_load %arg12[%swap3A_158, %swap3A_159] {strides = array<i32>} : memref<80x128xf32, #tpu.memory_space<vmem>>, vector<1x16xf32>,
      %swap3A_161 = vector.shape_cast %swap3A_160 : vector<1x16xf32> to vector<16xf32>
      %swap3A_162 = vector.shape_cast %broadcast_in_dim3A_157 : vector<16xf32> to vector<1x16xf32>
      tpu.vector_store %arg12[%swap3A_158, %swap3A_159], %swap3A_162 {strides = array<i32>} : memref<80x128xf32, #tpu.memory_space<vmem>>, vector<1x16xf32>,
      %scan3A_163 = arith.constant 0 : i32
      scf.yield %scan3A_163 : i32
    }
    %scan3A_6 = arith.constant 80 : i32
    %mul3A_7 = arith.constant 640 : i32
    %mul3A_8 = arith.muli %arg1, %mul3A_7 : i32
    %add3A_9 = arith.constant 0 : i32
    %add3A_10 = arith.addi %mul3A_8, %add3A_9 : i32
    "tpu.region"() ({
      %run_scoped3A = tpu.sem_alloc : memref<!tpu.dma_semaphore, #tpu.memory_space<semaphore_mem>>
      %dma_start3A = arith.constant 0 : i32
      %dma_start3A_107 = tpu.memref_slice %arg18[%add3A_10, %dma_start3A] : memref<10240x128xf32, #tpu.memory_space<vmem_shared>> -> memref<80x128xf32, #tpu.memory_space<vmem_shared>>
      %dma_start3A_108 = arith.constant 0 : i32
      %dma_start3A_109 = tpu.memref_slice %arg18[%add3A_10, %dma_start3A_108] : memref<10240x128xf32, #tpu.memory_space<vmem_shared>> -> memref<80x128xf32, #tpu.memory_space<vmem_shared>>
      tpu.enqueue_dma source(%arg12 : memref<80x128xf32, #tpu.memory_space<vmem>>) target(%dma_start3A_109 : memref<80x128xf32, #tpu.memory_space<vmem_shared>>) target_semaphore(%run_scoped3A : memref<!tpu.dma_semaphore, #tpu.memory_space<semaphore_mem>>)
      %dma_wait3A = arith.constant 0 : i32
      %dma_wait3A_110 = tpu.memref_slice %arg18[%add3A_10, %dma_wait3A] : memref<10240x128xf32, #tpu.memory_space<vmem_shared>> -> memref<80x128xf32, #tpu.memory_space<vmem_shared>>
      %dma_wait3A_111 = arith.constant 0 : i32
      %dma_wait3A_112 = tpu.memref_slice %arg18[%add3A_10, %dma_wait3A_111] : memref<10240x128xf32, #tpu.memory_space<vmem_shared>> -> memref<80x128xf32, #tpu.memory_space<vmem_shared>>
      tpu.wait_dma2 semaphore(%run_scoped3A : memref<!tpu.dma_semaphore, #tpu.memory_space<semaphore_mem>>) src(%arg12 : memref<80x128xf32, #tpu.memory_space<vmem>>) dst(%dma_wait3A_112 : memref<80x128xf32, #tpu.memory_space<vmem_shared>>)
      tpu.yield
    }) : () -> ()
    %mul3A_11 = arith.constant 640 : i32
    %mul3A_12 = arith.muli %arg1, %mul3A_11 : i32
    %add3A_13 = arith.constant 80 : i32
    %add3A_14 = arith.addi %mul3A_12, %add3A_13 : i32
    "tpu.region"() ({
      %run_scoped3A = tpu.sem_alloc : memref<!tpu.dma_semaphore, #tpu.memory_space<semaphore_mem>>
      %dma_start3A = arith.constant 0 : i32
      %dma_start3A_107 = tpu.memref_slice %arg18[%add3A_14, %dma_start3A] : memref<10240x128xf32, #tpu.memory_space<vmem_shared>> -> memref<80x128xf32, #tpu.memory_space<vmem_shared>>
      %dma_start3A_108 = arith.constant 0 : i32
      %dma_start3A_109 = tpu.memref_slice %arg18[%add3A_14, %dma_start3A_108] : memref<10240x128xf32, #tpu.memory_space<vmem_shared>> -> memref<80x128xf32, #tpu.memory_space<vmem_shared>>
      tpu.enqueue_dma source(%arg12 : memref<80x128xf32, #tpu.memory_space<vmem>>) target(%dma_start3A_109 : memref<80x128xf32, #tpu.memory_space<vmem_shared>>) target_semaphore(%run_scoped3A : memref<!tpu.dma_semaphore, #tpu.memory_space<semaphore_mem>>)
      %dma_wait3A = arith.constant 0 : i32
      %dma_wait3A_110 = tpu.memref_slice %arg18[%add3A_14, %dma_wait3A] : memref<10240x128xf32, #tpu.memory_space<vmem_shared>> -> memref<80x128xf32, #tpu.memory_space<vmem_shared>>
      %dma_wait3A_111 = arith.constant 0 : i32
      %dma_wait3A_112 = tpu.memref_slice %arg18[%add3A_14, %dma_wait3A_111] : memref<10240x128xf32, #tpu.memory_space<vmem_shared>> -> memref<80x128xf32, #tpu.memory_space<vmem_shared>>
      tpu.wait_dma2 semaphore(%run_scoped3A : memref<!tpu.dma_semaphore, #tpu.memory_space<semaphore_mem>>) src(%arg12 : memref<80x128xf32, #tpu.memory_space<vmem>>) dst(%dma_wait3A_112 : memref<80x128xf32, #tpu.memory_space<vmem_shared>>)
      tpu.yield
    }) : () -> ()
    %mul3A_15 = arith.constant 640 : i32
    %mul3A_16 = arith.muli %arg1, %mul3A_15 : i32
    %add3A_17 = arith.constant 160 : i32
    %add3A_18 = arith.addi %mul3A_16, %add3A_17 : i32
    "tpu.region"() ({
      %run_scoped3A = tpu.sem_alloc : memref<!tpu.dma_semaphore, #tpu.memory_space<semaphore_mem>>
      %dma_start3A = arith.constant 0 : i32
      %dma_start3A_107 = tpu.memref_slice %arg18[%add3A_18, %dma_start3A] : memref<10240x128xf32, #tpu.memory_space<vmem_shared>> -> memref<80x128xf32, #tpu.memory_space<vmem_shared>>
      %dma_start3A_108 = arith.constant 0 : i32
      %dma_start3A_109 = tpu.memref_slice %arg18[%add3A_18, %dma_start3A_108] : memref<10240x128xf32, #tpu.memory_space<vmem_shared>> -> memref<80x128xf32, #tpu.memory_space<vmem_shared>>
      tpu.enqueue_dma source(%arg12 : memref<80x128xf32, #tpu.memory_space<vmem>>) target(%dma_start3A_109 : memref<80x128xf32, #tpu.memory_space<vmem_shared>>) target_semaphore(%run_scoped3A : memref<!tpu.dma_semaphore, #tpu.memory_space<semaphore_mem>>)
      %dma_wait3A = arith.constant 0 : i32
      %dma_wait3A_110 = tpu.memref_slice %arg18[%add3A_18, %dma_wait3A] : memref<10240x128xf32, #tpu.memory_space<vmem_shared>> -> memref<80x128xf32, #tpu.memory_space<vmem_shared>>
      %dma_wait3A_111 = arith.constant 0 : i32
      %dma_wait3A_112 = tpu.memref_slice %arg18[%add3A_18, %dma_wait3A_111] : memref<10240x128xf32, #tpu.memory_space<vmem_shared>> -> memref<80x128xf32, #tpu.memory_space<vmem_shared>>
      tpu.wait_dma2 semaphore(%run_scoped3A : memref<!tpu.dma_semaphore, #tpu.memory_space<semaphore_mem>>) src(%arg12 : memref<80x128xf32, #tpu.memory_space<vmem>>) dst(%dma_wait3A_112 : memref<80x128xf32, #tpu.memory_space<vmem_shared>>)
      tpu.yield
    }) : () -> ()
    %mul3A_19 = arith.constant 640 : i32
    %mul3A_20 = arith.muli %arg1, %mul3A_19 : i32
    %add3A_21 = arith.constant 240 : i32
    %add3A_22 = arith.addi %mul3A_20, %add3A_21 : i32
    "tpu.region"() ({
      %run_scoped3A = tpu.sem_alloc : memref<!tpu.dma_semaphore, #tpu.memory_space<semaphore_mem>>
      %dma_start3A = arith.constant 0 : i32
      %dma_start3A_107 = tpu.memref_slice %arg18[%add3A_22, %dma_start3A] : memref<10240x128xf32, #tpu.memory_space<vmem_shared>> -> memref<80x128xf32, #tpu.memory_space<vmem_shared>>
      %dma_start3A_108 = arith.constant 0 : i32
      %dma_start3A_109 = tpu.memref_slice %arg18[%add3A_22, %dma_start3A_108] : memref<10240x128xf32, #tpu.memory_space<vmem_shared>> -> memref<80x128xf32, #tpu.memory_space<vmem_shared>>
      tpu.enqueue_dma source(%arg12 : memref<80x128xf32, #tpu.memory_space<vmem>>) target(%dma_start3A_109 : memref<80x128xf32, #tpu.memory_space<vmem_shared>>) target_semaphore(%run_scoped3A : memref<!tpu.dma_semaphore, #tpu.memory_space<semaphore_mem>>)
      %dma_wait3A = arith.constant 0 : i32
      %dma_wait3A_110 = tpu.memref_slice %arg18[%add3A_22, %dma_wait3A] : memref<10240x128xf32, #tpu.memory_space<vmem_shared>> -> memref<80x128xf32, #tpu.memory_space<vmem_shared>>
      %dma_wait3A_111 = arith.constant 0 : i32
      %dma_wait3A_112 = tpu.memref_slice %arg18[%add3A_22, %dma_wait3A_111] : memref<10240x128xf32, #tpu.memory_space<vmem_shared>> -> memref<80x128xf32, #tpu.memory_space<vmem_shared>>
      tpu.wait_dma2 semaphore(%run_scoped3A : memref<!tpu.dma_semaphore, #tpu.memory_space<semaphore_mem>>) src(%arg12 : memref<80x128xf32, #tpu.memory_space<vmem>>) dst(%dma_wait3A_112 : memref<80x128xf32, #tpu.memory_space<vmem_shared>>)
      tpu.yield
    }) : () -> ()
    %mul3A_23 = arith.constant 640 : i32
    %mul3A_24 = arith.muli %arg1, %mul3A_23 : i32
    %add3A_25 = arith.constant 320 : i32
    %add3A_26 = arith.addi %mul3A_24, %add3A_25 : i32
    "tpu.region"() ({
      %run_scoped3A = tpu.sem_alloc : memref<!tpu.dma_semaphore, #tpu.memory_space<semaphore_mem>>
      %dma_start3A = arith.constant 0 : i32
      %dma_start3A_107 = tpu.memref_slice %arg18[%add3A_26, %dma_start3A] : memref<10240x128xf32, #tpu.memory_space<vmem_shared>> -> memref<80x128xf32, #tpu.memory_space<vmem_shared>>
      %dma_start3A_108 = arith.constant 0 : i32
      %dma_start3A_109 = tpu.memref_slice %arg18[%add3A_26, %dma_start3A_108] : memref<10240x128xf32, #tpu.memory_space<vmem_shared>> -> memref<80x128xf32, #tpu.memory_space<vmem_shared>>
      tpu.enqueue_dma source(%arg12 : memref<80x128xf32, #tpu.memory_space<vmem>>) target(%dma_start3A_109 : memref<80x128xf32, #tpu.memory_space<vmem_shared>>) target_semaphore(%run_scoped3A : memref<!tpu.dma_semaphore, #tpu.memory_space<semaphore_mem>>)
      %dma_wait3A = arith.constant 0 : i32
      %dma_wait3A_110 = tpu.memref_slice %arg18[%add3A_26, %dma_wait3A] : memref<10240x128xf32, #tpu.memory_space<vmem_shared>> -> memref<80x128xf32, #tpu.memory_space<vmem_shared>>
      %dma_wait3A_111 = arith.constant 0 : i32
      %dma_wait3A_112 = tpu.memref_slice %arg18[%add3A_26, %dma_wait3A_111] : memref<10240x128xf32, #tpu.memory_space<vmem_shared>> -> memref<80x128xf32, #tpu.memory_space<vmem_shared>>
      tpu.wait_dma2 semaphore(%run_scoped3A : memref<!tpu.dma_semaphore, #tpu.memory_space<semaphore_mem>>) src(%arg12 : memref<80x128xf32, #tpu.memory_space<vmem>>) dst(%dma_wait3A_112 : memref<80x128xf32, #tpu.memory_space<vmem_shared>>)
      tpu.yield
    }) : () -> ()
    %mul3A_27 = arith.constant 640 : i32
    %mul3A_28 = arith.muli %arg1, %mul3A_27 : i32
    %add3A_29 = arith.constant 400 : i32
    %add3A_30 = arith.addi %mul3A_28, %add3A_29 : i32
    "tpu.region"() ({
      %run_scoped3A = tpu.sem_alloc : memref<!tpu.dma_semaphore, #tpu.memory_space<semaphore_mem>>
      %dma_start3A = arith.constant 0 : i32
      %dma_start3A_107 = tpu.memref_slice %arg18[%add3A_30, %dma_start3A] : memref<10240x128xf32, #tpu.memory_space<vmem_shared>> -> memref<80x128xf32, #tpu.memory_space<vmem_shared>>
      %dma_start3A_108 = arith.constant 0 : i32
      %dma_start3A_109 = tpu.memref_slice %arg18[%add3A_30, %dma_start3A_108] : memref<10240x128xf32, #tpu.memory_space<vmem_shared>> -> memref<80x128xf32, #tpu.memory_space<vmem_shared>>
      tpu.enqueue_dma source(%arg12 : memref<80x128xf32, #tpu.memory_space<vmem>>) target(%dma_start3A_109 : memref<80x128xf32, #tpu.memory_space<vmem_shared>>) target_semaphore(%run_scoped3A : memref<!tpu.dma_semaphore, #tpu.memory_space<semaphore_mem>>)
      %dma_wait3A = arith.constant 0 : i32
      %dma_wait3A_110 = tpu.memref_slice %arg18[%add3A_30, %dma_wait3A] : memref<10240x128xf32, #tpu.memory_space<vmem_shared>> -> memref<80x128xf32, #tpu.memory_space<vmem_shared>>
      %dma_wait3A_111 = arith.constant 0 : i32
      %dma_wait3A_112 = tpu.memref_slice %arg18[%add3A_30, %dma_wait3A_111] : memref<10240x128xf32, #tpu.memory_space<vmem_shared>> -> memref<80x128xf32, #tpu.memory_space<vmem_shared>>
      tpu.wait_dma2 semaphore(%run_scoped3A : memref<!tpu.dma_semaphore, #tpu.memory_space<semaphore_mem>>) src(%arg12 : memref<80x128xf32, #tpu.memory_space<vmem>>) dst(%dma_wait3A_112 : memref<80x128xf32, #tpu.memory_space<vmem_shared>>)
      tpu.yield
    }) : () -> ()
    %mul3A_31 = arith.constant 640 : i32
    %mul3A_32 = arith.muli %arg1, %mul3A_31 : i32
    %add3A_33 = arith.constant 480 : i32
    %add3A_34 = arith.addi %mul3A_32, %add3A_33 : i32
    "tpu.region"() ({
      %run_scoped3A = tpu.sem_alloc : memref<!tpu.dma_semaphore, #tpu.memory_space<semaphore_mem>>
      %dma_start3A = arith.constant 0 : i32
      %dma_start3A_107 = tpu.memref_slice %arg18[%add3A_34, %dma_start3A] : memref<10240x128xf32, #tpu.memory_space<vmem_shared>> -> memref<80x128xf32, #tpu.memory_space<vmem_shared>>
      %dma_start3A_108 = arith.constant 0 : i32
      %dma_start3A_109 = tpu.memref_slice %arg18[%add3A_34, %dma_start3A_108] : memref<10240x128xf32, #tpu.memory_space<vmem_shared>> -> memref<80x128xf32, #tpu.memory_space<vmem_shared>>
      tpu.enqueue_dma source(%arg12 : memref<80x128xf32, #tpu.memory_space<vmem>>) target(%dma_start3A_109 : memref<80x128xf32, #tpu.memory_space<vmem_shared>>) target_semaphore(%run_scoped3A : memref<!tpu.dma_semaphore, #tpu.memory_space<semaphore_mem>>)
      %dma_wait3A = arith.constant 0 : i32
      %dma_wait3A_110 = tpu.memref_slice %arg18[%add3A_34, %dma_wait3A] : memref<10240x128xf32, #tpu.memory_space<vmem_shared>> -> memref<80x128xf32, #tpu.memory_space<vmem_shared>>
      %dma_wait3A_111 = arith.constant 0 : i32
      %dma_wait3A_112 = tpu.memref_slice %arg18[%add3A_34, %dma_wait3A_111] : memref<10240x128xf32, #tpu.memory_space<vmem_shared>> -> memref<80x128xf32, #tpu.memory_space<vmem_shared>>
      tpu.wait_dma2 semaphore(%run_scoped3A : memref<!tpu.dma_semaphore, #tpu.memory_space<semaphore_mem>>) src(%arg12 : memref<80x128xf32, #tpu.memory_space<vmem>>) dst(%dma_wait3A_112 : memref<80x128xf32, #tpu.memory_space<vmem_shared>>)
      tpu.yield
    }) : () -> ()
    %mul3A_35 = arith.constant 640 : i32
    %mul3A_36 = arith.muli %arg1, %mul3A_35 : i32
    %add3A_37 = arith.constant 560 : i32
    %add3A_38 = arith.addi %mul3A_36, %add3A_37 : i32
    "tpu.region"() ({
      %run_scoped3A = tpu.sem_alloc : memref<!tpu.dma_semaphore, #tpu.memory_space<semaphore_mem>>
      %dma_start3A = arith.constant 0 : i32
      %dma_start3A_107 = tpu.memref_slice %arg18[%add3A_38, %dma_start3A] : memref<10240x128xf32, #tpu.memory_space<vmem_shared>> -> memref<80x128xf32, #tpu.memory_space<vmem_shared>>
      %dma_start3A_108 = arith.constant 0 : i32
      %dma_start3A_109 = tpu.memref_slice %arg18[%add3A_38, %dma_start3A_108] : memref<10240x128xf32, #tpu.memory_space<vmem_shared>> -> memref<80x128xf32, #tpu.memory_space<vmem_shared>>
      tpu.enqueue_dma source(%arg12 : memref<80x128xf32, #tpu.memory_space<vmem>>) target(%dma_start3A_109 : memref<80x128xf32, #tpu.memory_space<vmem_shared>>) target_semaphore(%run_scoped3A : memref<!tpu.dma_semaphore, #tpu.memory_space<semaphore_mem>>)
      %dma_wait3A = arith.constant 0 : i32
      %dma_wait3A_110 = tpu.memref_slice %arg18[%add3A_38, %dma_wait3A] : memref<10240x128xf32, #tpu.memory_space<vmem_shared>> -> memref<80x128xf32, #tpu.memory_space<vmem_shared>>
      %dma_wait3A_111 = arith.constant 0 : i32
      %dma_wait3A_112 = tpu.memref_slice %arg18[%add3A_38, %dma_wait3A_111] : memref<10240x128xf32, #tpu.memory_space<vmem_shared>> -> memref<80x128xf32, #tpu.memory_space<vmem_shared>>
      tpu.wait_dma2 semaphore(%run_scoped3A : memref<!tpu.dma_semaphore, #tpu.memory_space<semaphore_mem>>) src(%arg12 : memref<80x128xf32, #tpu.memory_space<vmem>>) dst(%dma_wait3A_112 : memref<80x128xf32, #tpu.memory_space<vmem_shared>>)
      tpu.yield
    }) : () -> ()
    %barrier3A = arith.constant 0 : index
    tpu.barrier barrier_id(%barrier3A)
    %scan3A_39 = arith.constant 0 : i32
    %scan3A_40 = arith.constant 0 : i32
    %scan3A_41 = arith.constant 4 : i32
    %scan3A_42 = arith.addi %scan3A_40, %scan3A_41 : i32
    %scan3A_43 = arith.constant 1 : i32
    %scan3A_44 = scf.for %scan3A_107 = %scan3A_40 to %scan3A_42 step %scan3A_43 iter_args(%scan3A_108 = %scan3A_39) -> (i32)  : i32 {
      %mul3A_109 = arith.constant 10240 : i32
      %mul3A_110 = arith.muli %add3A, %mul3A_109 : i32
      %mul3A_111 = arith.constant 32 : i32
      %mul3A_112 = arith.muli %scan3A_107, %mul3A_111 : i32
      %mul3A_113 = arith.constant 80 : i32
      %mul3A_114 = arith.muli %mul3A_112, %mul3A_113 : i32
      %add3A_115 = arith.addi %mul3A_110, %mul3A_114 : i32
      "tpu.region"() ({
        %run_scoped3A = tpu.sem_alloc : memref<!tpu.dma_semaphore, #tpu.memory_space<semaphore_mem>>
        %dma_start3A_133 = tpu.memref_slice %arg2[%add3A_115] : memref<327680xi32, #tpu.memory_space<hbm>> -> memref<2560xi32, #tpu.memory_space<hbm>>
        %dma_start3A_134 = tpu.memref_slice %arg2[%add3A_115] : memref<327680xi32, #tpu.memory_space<hbm>> -> memref<2560xi32, #tpu.memory_space<hbm>>
        tpu.enqueue_dma source(%dma_start3A_134 : memref<2560xi32, #tpu.memory_space<hbm>>) target(%arg9 : memref<2560xi32, #tpu.memory_space<vmem>>) target_semaphore(%run_scoped3A : memref<!tpu.dma_semaphore, #tpu.memory_space<semaphore_mem>>)
        %dma_wait3A = tpu.memref_slice %arg2[%add3A_115] : memref<327680xi32, #tpu.memory_space<hbm>> -> memref<2560xi32, #tpu.memory_space<hbm>>
        %dma_wait3A_135 = tpu.memref_slice %arg2[%add3A_115] : memref<327680xi32, #tpu.memory_space<hbm>> -> memref<2560xi32, #tpu.memory_space<hbm>>
        tpu.wait_dma2 semaphore(%run_scoped3A : memref<!tpu.dma_semaphore, #tpu.memory_space<semaphore_mem>>) src(%dma_wait3A_135 : memref<2560xi32, #tpu.memory_space<hbm>>) dst(%arg9 : memref<2560xi32, #tpu.memory_space<vmem>>)
        tpu.yield
      }) : () -> ()
      "tpu.region"() ({
        %run_scoped3A = tpu.sem_alloc : memref<!tpu.dma_semaphore, #tpu.memory_space<semaphore_mem>>
        %dma_start3A_133 = tpu.memref_slice %arg3[%add3A_115] : memref<327680xi32, #tpu.memory_space<hbm>> -> memref<2560xi32, #tpu.memory_space<hbm>>
        %dma_start3A_134 = tpu.memref_slice %arg3[%add3A_115] : memref<327680xi32, #tpu.memory_space<hbm>> -> memref<2560xi32, #tpu.memory_space<hbm>>
        tpu.enqueue_dma source(%dma_start3A_134 : memref<2560xi32, #tpu.memory_space<hbm>>) target(%arg10 : memref<2560xi32, #tpu.memory_space<vmem>>) target_semaphore(%run_scoped3A : memref<!tpu.dma_semaphore, #tpu.memory_space<semaphore_mem>>)
        %dma_wait3A = tpu.memref_slice %arg3[%add3A_115] : memref<327680xi32, #tpu.memory_space<hbm>> -> memref<2560xi32, #tpu.memory_space<hbm>>
        %dma_wait3A_135 = tpu.memref_slice %arg3[%add3A_115] : memref<327680xi32, #tpu.memory_space<hbm>> -> memref<2560xi32, #tpu.memory_space<hbm>>
        tpu.wait_dma2 semaphore(%run_scoped3A : memref<!tpu.dma_semaphore, #tpu.memory_space<semaphore_mem>>) src(%dma_wait3A_135 : memref<2560xi32, #tpu.memory_space<hbm>>) dst(%arg10 : memref<2560xi32, #tpu.memory_space<vmem>>)
        tpu.yield
      }) : () -> ()
      "tpu.region"() ({
        %run_scoped3A = tpu.sem_alloc : memref<!tpu.dma_semaphore, #tpu.memory_space<semaphore_mem>>
        %dma_start3A_133 = tpu.memref_slice %arg4[%add3A_115] : memref<327680xf32, #tpu.memory_space<hbm>> -> memref<2560xf32, #tpu.memory_space<hbm>>
        %dma_start3A_134 = tpu.memref_slice %arg4[%add3A_115] : memref<327680xf32, #tpu.memory_space<hbm>> -> memref<2560xf32, #tpu.memory_space<hbm>>
        tpu.enqueue_dma source(%dma_start3A_134 : memref<2560xf32, #tpu.memory_space<hbm>>) target(%arg11 : memref<2560xf32, #tpu.memory_space<vmem>>) target_semaphore(%run_scoped3A : memref<!tpu.dma_semaphore, #tpu.memory_space<semaphore_mem>>)
        %dma_wait3A = tpu.memref_slice %arg4[%add3A_115] : memref<327680xf32, #tpu.memory_space<hbm>> -> memref<2560xf32, #tpu.memory_space<hbm>>
        %dma_wait3A_135 = tpu.memref_slice %arg4[%add3A_115] : memref<327680xf32, #tpu.memory_space<hbm>> -> memref<2560xf32, #tpu.memory_space<hbm>>
        tpu.wait_dma2 semaphore(%run_scoped3A : memref<!tpu.dma_semaphore, #tpu.memory_space<semaphore_mem>>) src(%dma_wait3A_135 : memref<2560xf32, #tpu.memory_space<hbm>>) dst(%arg11 : memref<2560xf32, #tpu.memory_space<vmem>>)
        tpu.yield
      }) : () -> ()
      %dma_start3A = arith.constant 0 : i32
      %dma_start3A_116 = tpu.memref_slice %arg9[%dma_start3A] : memref<2560xi32, #tpu.memory_space<vmem>> -> memref<80xi32, #tpu.memory_space<vmem>>
      %dma_start3A_117 = arith.constant 0 : i32
      %dma_start3A_118 = arith.constant 0 : i32
      %dma_start3A_119 = tpu.memref_slice %arg5[%dma_start3A_117, %dma_start3A_118] : memref<10000x128xf32, #tpu.memory_space<hbm>> -> memref<10000x128xf32, #tpu.memory_space<hbm>>
      tpu.enqueue_indirect_dma source(%dma_start3A_119 : memref<10000x128xf32, #tpu.memory_space<hbm>>) target(%arg12 : memref<80x128xf32, #tpu.memory_space<vmem>>) offsets(%dma_start3A_116 : memref<80xi32, #tpu.memory_space<vmem>>) semaphore(%arg14 : memref<!tpu.dma_semaphore, #tpu.memory_space<semaphore_mem>>)
      %dma_start3A_120 = arith.constant 80 : i32
      %dma_start3A_121 = tpu.memref_slice %arg9[%dma_start3A_120] : memref<2560xi32, #tpu.memory_space<vmem>> -> memref<80xi32, #tpu.memory_space<vmem>>
      %dma_start3A_122 = arith.constant 0 : i32
      %dma_start3A_123 = arith.constant 0 : i32
      %dma_start3A_124 = tpu.memref_slice %arg5[%dma_start3A_122, %dma_start3A_123] : memref<10000x128xf32, #tpu.memory_space<hbm>> -> memref<10000x128xf32, #tpu.memory_space<hbm>>
      tpu.enqueue_indirect_dma source(%dma_start3A_124 : memref<10000x128xf32, #tpu.memory_space<hbm>>) target(%arg13 : memref<80x128xf32, #tpu.memory_space<vmem>>) offsets(%dma_start3A_121 : memref<80xi32, #tpu.memory_space<vmem>>) semaphore(%arg15 : memref<!tpu.dma_semaphore, #tpu.memory_space<semaphore_mem>>)
      %scan3A_125 = arith.constant 0 : i32
      %scan3A_126 = arith.constant 0 : i32
      %scan3A_127 = arith.constant 16 : i32
      %scan3A_128 = arith.addi %scan3A_126, %scan3A_127 : i32
      %scan3A_129 = arith.constant 1 : i32
      %scan3A_130 = scf.for %scan3A_133 = %scan3A_126 to %scan3A_128 step %scan3A_129 iter_args(%scan3A_134 = %scan3A_125) -> (i32)  : i32 {
        %mul3A_135 = arith.constant 2 : i32
        %mul3A_136 = arith.muli %mul3A_135, %scan3A_133 : i32
        %mul3A_137 = arith.constant 80 : i32
        %mul3A_138 = arith.muli %mul3A_136, %mul3A_137 : i32
        %dma_wait3A = tpu.memref_slice %arg9[%mul3A_138] : memref<2560xi32, #tpu.memory_space<vmem>> -> memref<80xi32, #tpu.memory_space<vmem>>
        %dma_wait3A_139 = arith.constant 0 : i32
        %dma_wait3A_140 = arith.constant 0 : i32
        %dma_wait3A_141 = tpu.memref_slice %arg5[%dma_wait3A_139, %dma_wait3A_140] : memref<10000x128xf32, #tpu.memory_space<hbm>> -> memref<10000x128xf32, #tpu.memory_space<hbm>>
        tpu.wait_indirect_dma semaphore(%arg14 : memref<!tpu.dma_semaphore, #tpu.memory_space<semaphore_mem>>) src(%dma_wait3A_141 : memref<10000x128xf32, #tpu.memory_space<hbm>>) dst(%arg12 : memref<80x128xf32, #tpu.memory_space<vmem>>)
        %scan3A_142 = arith.constant 0 : i32
        %scan3A_143 = arith.constant 0 : i32
        %scan3A_144 = arith.constant 5 : i32
        %scan3A_145 = arith.addi %scan3A_143, %scan3A_144 : i32
        %scan3A_146 = arith.constant 1 : i32
        %scan3A_147 = scf.for %scan3A_180 = %scan3A_143 to %scan3A_145 step %scan3A_146 iter_args(%scan3A_181 = %scan3A_142) -> (i32)  : i32 {
          %mul3A_182 = arith.constant 80 : i32
          %mul3A_183 = arith.muli %mul3A_136, %mul3A_182 : i32
          %mul3A_184 = arith.constant 16 : i32
          %mul3A_185 = arith.muli %scan3A_180, %mul3A_184 : i32
          %add3A_186 = arith.addi %mul3A_183, %mul3A_185 : i32
          %get3A = arith.index_cast %add3A_186 : i32 to index
          %get3A_187 = tpu.vector_load %arg11[%get3A] {strides = array<i32>} : memref<2560xf32, #tpu.memory_space<vmem>>, vector<16xf32>,
          %get3A_188 = vector.shape_cast %get3A_187 : vector<16xf32> to vector<16xf32>
          %slice3A = vector.extract_strided_slice %get3A_188 {offsets = [0], sizes = [1], strides = [1]} : vector<16xf32> to vector<1xf32>
          %squeeze3A = vector.extract %slice3A[0] : f32 from vector<1xf32>
          %mul3A_189 = arith.constant 16 : i32
          %mul3A_190 = arith.muli %scan3A_180, %mul3A_189 : i32
          %add3A_191 = arith.constant 0 : i32
          %add3A_192 = arith.addi %mul3A_190, %add3A_191 : i32
          %get3A_193 = arith.index_cast %add3A_192 : i32 to index
          %get3A_194 = arith.constant 0 : index
          %get3A_195 = tpu.vector_load %arg12[%get3A_193, %get3A_194] {strides = array<i32>} : memref<80x128xf32, #tpu.memory_space<vmem>>, vector<1x16xf32>,
          %get3A_196 = vector.shape_cast %get3A_195 : vector<1x16xf32> to vector<16xf32>
          %mul3A_197 = vector.broadcast %squeeze3A : f32 to vector<16xf32>
          %mul3A_198 = arith.mulf %get3A_196, %mul3A_197 : vector<16xf32>
          %swap3A = arith.index_cast %add3A_192 : i32 to index
          %swap3A_199 = arith.constant 0 : index
          %swap3A_200 = tpu.vector_load %arg12[%swap3A, %swap3A_199] {strides = array<i32>} : memref<80x128xf32, #tpu.memory_space<vmem>>, vector<1x16xf32>,
          %swap3A_201 = vector.shape_cast %swap3A_200 : vector<1x16xf32> to vector<16xf32>
          %swap3A_202 = vector.shape_cast %mul3A_198 : vector<16xf32> to vector<1x16xf32>
          tpu.vector_store %arg12[%swap3A, %swap3A_199], %swap3A_202 {strides = array<i32>} : memref<80x128xf32, #tpu.memory_space<vmem>>, vector<1x16xf32>,
          %get3A_203 = arith.index_cast %add3A_192 : i32 to index
          %get3A_204 = arith.constant 16 : index
          %get3A_205 = tpu.vector_load %arg12[%get3A_203, %get3A_204] {strides = array<i32>} : memref<80x128xf32, #tpu.memory_space<vmem>>, vector<1x16xf32>,
          %get3A_206 = vector.shape_cast %get3A_205 : vector<1x16xf32> to vector<16xf32>
          %mul3A_207 = vector.broadcast %squeeze3A : f32 to vector<16xf32>
          %mul3A_208 = arith.mulf %get3A_206, %mul3A_207 : vector<16xf32>
          %swap3A_209 = arith.index_cast %add3A_192 : i32 to index
          %swap3A_210 = arith.constant 16 : index
          %swap3A_211 = tpu.vector_load %arg12[%swap3A_209, %swap3A_210] {strides = array<i32>} : memref<80x128xf32, #tpu.memory_space<vmem>>, vector<1x16xf32>,
          %swap3A_212 = vector.shape_cast %swap3A_211 : vector<1x16xf32> to vector<16xf32>
          %swap3A_213 = vector.shape_cast %mul3A_208 : vector<16xf32> to vector<1x16xf32>
          tpu.vector_store %arg12[%swap3A_209, %swap3A_210], %swap3A_213 {strides = array<i32>} : memref<80x128xf32, #tpu.memory_space<vmem>>, vector<1x16xf32>,
          %get3A_214 = arith.index_cast %add3A_192 : i32 to index
          %get3A_215 = arith.constant 32 : index
          %get3A_216 = tpu.vector_load %arg12[%get3A_214, %get3A_215] {strides = array<i32>} : memref<80x128xf32, #tpu.memory_space<vmem>>, vector<1x16xf32>,
          %get3A_217 = vector.shape_cast %get3A_216 : vector<1x16xf32> to vector<16xf32>
          %mul3A_218 = vector.broadcast %squeeze3A : f32 to vector<16xf32>
          %mul3A_219 = arith.mulf %get3A_217, %mul3A_218 : vector<16xf32>
          %swap3A_220 = arith.index_cast %add3A_192 : i32 to index
          %swap3A_221 = arith.constant 32 : index
          %swap3A_222 = tpu.vector_load %arg12[%swap3A_220, %swap3A_221] {strides = array<i32>} : memref<80x128xf32, #tpu.memory_space<vmem>>, vector<1x16xf32>,
          %swap3A_223 = vector.shape_cast %swap3A_222 : vector<1x16xf32> to vector<16xf32>
          %swap3A_224 = vector.shape_cast %mul3A_219 : vector<16xf32> to vector<1x16xf32>
          tpu.vector_store %arg12[%swap3A_220, %swap3A_221], %swap3A_224 {strides = array<i32>} : memref<80x128xf32, #tpu.memory_space<vmem>>, vector<1x16xf32>,
          %get3A_225 = arith.index_cast %add3A_192 : i32 to index
          %get3A_226 = arith.constant 48 : index
          %get3A_227 = tpu.vector_load %arg12[%get3A_225, %get3A_226] {strides = array<i32>} : memref<80x128xf32, #tpu.memory_space<vmem>>, vector<1x16xf32>,
          %get3A_228 = vector.shape_cast %get3A_227 : vector<1x16xf32> to vector<16xf32>
          %mul3A_229 = vector.broadcast %squeeze3A : f32 to vector<16xf32>
          %mul3A_230 = arith.mulf %get3A_228, %mul3A_229 : vector<16xf32>
          %swap3A_231 = arith.index_cast %add3A_192 : i32 to index
          %swap3A_232 = arith.constant 48 : index
          %swap3A_233 = tpu.vector_load %arg12[%swap3A_231, %swap3A_232] {strides = array<i32>} : memref<80x128xf32, #tpu.memory_space<vmem>>, vector<1x16xf32>,
          %swap3A_234 = vector.shape_cast %swap3A_233 : vector<1x16xf32> to vector<16xf32>
          %swap3A_235 = vector.shape_cast %mul3A_230 : vector<16xf32> to vector<1x16xf32>
          tpu.vector_store %arg12[%swap3A_231, %swap3A_232], %swap3A_235 {strides = array<i32>} : memref<80x128xf32, #tpu.memory_space<vmem>>, vector<1x16xf32>,
          %get3A_236 = arith.index_cast %add3A_192 : i32 to index
          %get3A_237 = arith.constant 64 : index
          %get3A_238 = tpu.vector_load %arg12[%get3A_236, %get3A_237] {strides = array<i32>} : memref<80x128xf32, #tpu.memory_space<vmem>>, vector<1x16xf32>,
          %get3A_239 = vector.shape_cast %get3A_238 : vector<1x16xf32> to vector<16xf32>
          %mul3A_240 = vector.broadcast %squeeze3A : f32 to vector<16xf32>
          %mul3A_241 = arith.mulf %get3A_239, %mul3A_240 : vector<16xf32>
          %swap3A_242 = arith.index_cast %add3A_192 : i32 to index
          %swap3A_243 = arith.constant 64 : index
          %swap3A_244 = tpu.vector_load %arg12[%swap3A_242, %swap3A_243] {strides = array<i32>} : memref<80x128xf32, #tpu.memory_space<vmem>>, vector<1x16xf32>,
          %swap3A_245 = vector.shape_cast %swap3A_244 : vector<1x16xf32> to vector<16xf32>
          %swap3A_246 = vector.shape_cast %mul3A_241 : vector<16xf32> to vector<1x16xf32>
          tpu.vector_store %arg12[%swap3A_242, %swap3A_243], %swap3A_246 {strides = array<i32>} : memref<80x128xf32, #tpu.memory_space<vmem>>, vector<1x16xf32>,
          %get3A_247 = arith.index_cast %add3A_192 : i32 to index
          %get3A_248 = arith.constant 80 : index
          %get3A_249 = tpu.vector_load %arg12[%get3A_247, %get3A_248] {strides = array<i32>} : memref<80x128xf32, #tpu.memory_space<vmem>>, vector<1x16xf32>,
          %get3A_250 = vector.shape_cast %get3A_249 : vector<1x16xf32> to vector<16xf32>
          %mul3A_251 = vector.broadcast %squeeze3A : f32 to vector<16xf32>
          %mul3A_252 = arith.mulf %get3A_250, %mul3A_251 : vector<16xf32>
          %swap3A_253 = arith.index_cast %add3A_192 : i32 to index
          %swap3A_254 = arith.constant 80 : index
          %swap3A_255 = tpu.vector_load %arg12[%swap3A_253, %swap3A_254] {strides = array<i32>} : memref<80x128xf32, #tpu.memory_space<vmem>>, vector<1x16xf32>,
          %swap3A_256 = vector.shape_cast %swap3A_255 : vector<1x16xf32> to vector<16xf32>
          %swap3A_257 = vector.shape_cast %mul3A_252 : vector<16xf32> to vector<1x16xf32>
          tpu.vector_store %arg12[%swap3A_253, %swap3A_254], %swap3A_257 {strides = array<i32>} : memref<80x128xf32, #tpu.memory_space<vmem>>, vector<1x16xf32>,
          %get3A_258 = arith.index_cast %add3A_192 : i32 to index
          %get3A_259 = arith.constant 96 : index
          %get3A_260 = tpu.vector_load %arg12[%get3A_258, %get3A_259] {strides = array<i32>} : memref<80x128xf32, #tpu.memory_space<vmem>>, vector<1x16xf32>,
          %get3A_261 = vector.shape_cast %get3A_260 : vector<1x16xf32> to vector<16xf32>
          %mul3A_262 = vector.broadcast %squeeze3A : f32 to vector<16xf32>
          %mul3A_263 = arith.mulf %get3A_261, %mul3A_262 : vector<16xf32>
          %swap3A_264 = arith.index_cast %add3A_192 : i32 to index
          %swap3A_265 = arith.constant 96 : index
          %swap3A_266 = tpu.vector_load %arg12[%swap3A_264, %swap3A_265] {strides = array<i32>} : memref<80x128xf32, #tpu.memory_space<vmem>>, vector<1x16xf32>,
          %swap3A_267 = vector.shape_cast %swap3A_266 : vector<1x16xf32> to vector<16xf32>
          %swap3A_268 = vector.shape_cast %mul3A_263 : vector<16xf32> to vector<1x16xf32>
          tpu.vector_store %arg12[%swap3A_264, %swap3A_265], %swap3A_268 {strides = array<i32>} : memref<80x128xf32, #tpu.memory_space<vmem>>, vector<1x16xf32>,
          %get3A_269 = arith.index_cast %add3A_192 : i32 to index
          %get3A_270 = arith.constant 112 : index
          %get3A_271 = tpu.vector_load %arg12[%get3A_269, %get3A_270] {strides = array<i32>} : memref<80x128xf32, #tpu.memory_space<vmem>>, vector<1x16xf32>,
          %get3A_272 = vector.shape_cast %get3A_271 : vector<1x16xf32> to vector<16xf32>
          %mul3A_273 = vector.broadcast %squeeze3A : f32 to vector<16xf32>
          %mul3A_274 = arith.mulf %get3A_272, %mul3A_273 : vector<16xf32>
          %swap3A_275 = arith.index_cast %add3A_192 : i32 to index
          %swap3A_276 = arith.constant 112 : index
          %swap3A_277 = tpu.vector_load %arg12[%swap3A_275, %swap3A_276] {strides = array<i32>} : memref<80x128xf32, #tpu.memory_space<vmem>>, vector<1x16xf32>,
          %swap3A_278 = vector.shape_cast %swap3A_277 : vector<1x16xf32> to vector<16xf32>
          %swap3A_279 = vector.shape_cast %mul3A_274 : vector<16xf32> to vector<1x16xf32>
          tpu.vector_store %arg12[%swap3A_275, %swap3A_276], %swap3A_279 {strides = array<i32>} : memref<80x128xf32, #tpu.memory_space<vmem>>, vector<1x16xf32>,
          %slice3A_280 = vector.extract_strided_slice %get3A_188 {offsets = [1], sizes = [1], strides = [1]} : vector<16xf32> to vector<1xf32>
          %squeeze3A_281 = vector.extract %slice3A_280[0] : f32 from vector<1xf32>
          %mul3A_282 = arith.constant 16 : i32
          %mul3A_283 = arith.muli %scan3A_180, %mul3A_282 : i32
          %add3A_284 = arith.constant 1 : i32
          %add3A_285 = arith.addi %mul3A_283, %add3A_284 : i32
          %get3A_286 = arith.index_cast %add3A_285 : i32 to index
          %get3A_287 = arith.constant 0 : index
          %get3A_288 = tpu.vector_load %arg12[%get3A_286, %get3A_287] {strides = array<i32>} : memref<80x128xf32, #tpu.memory_space<vmem>>, vector<1x16xf32>,
          %get3A_289 = vector.shape_cast %get3A_288 : vector<1x16xf32> to vector<16xf32>
          %mul3A_290 = vector.broadcast %squeeze3A_281 : f32 to vector<16xf32>
          %mul3A_291 = arith.mulf %get3A_289, %mul3A_290 : vector<16xf32>
          %swap3A_292 = arith.index_cast %add3A_285 : i32 to index
          %swap3A_293 = arith.constant 0 : index
          %swap3A_294 = tpu.vector_load %arg12[%swap3A_292, %swap3A_293] {strides = array<i32>} : memref<80x128xf32, #tpu.memory_space<vmem>>, vector<1x16xf32>,
          %swap3A_295 = vector.shape_cast %swap3A_294 : vector<1x16xf32> to vector<16xf32>
          %swap3A_296 = vector.shape_cast %mul3A_291 : vector<16xf32> to vector<1x16xf32>
          tpu.vector_store %arg12[%swap3A_292, %swap3A_293], %swap3A_296 {strides = array<i32>} : memref<80x128xf32, #tpu.memory_space<vmem>>, vector<1x16xf32>,
          %get3A_297 = arith.index_cast %add3A_285 : i32 to index
          %get3A_298 = arith.constant 16 : index
          %get3A_299 = tpu.vector_load %arg12[%get3A_297, %get3A_298] {strides = array<i32>} : memref<80x128xf32, #tpu.memory_space<vmem>>, vector<1x16xf32>,
          %get3A_300 = vector.shape_cast %get3A_299 : vector<1x16xf32> to vector<16xf32>
          %mul3A_301 = vector.broadcast %squeeze3A_281 : f32 to vector<16xf32>
          %mul3A_302 = arith.mulf %get3A_300, %mul3A_301 : vector<16xf32>
          %swap3A_303 = arith.index_cast %add3A_285 : i32 to index
          %swap3A_304 = arith.constant 16 : index
          %swap3A_305 = tpu.vector_load %arg12[%swap3A_303, %swap3A_304] {strides = array<i32>} : memref<80x128xf32, #tpu.memory_space<vmem>>, vector<1x16xf32>,
          %swap3A_306 = vector.shape_cast %swap3A_305 : vector<1x16xf32> to vector<16xf32>
          %swap3A_307 = vector.shape_cast %mul3A_302 : vector<16xf32> to vector<1x16xf32>
          tpu.vector_store %arg12[%swap3A_303, %swap3A_304], %swap3A_307 {strides = array<i32>} : memref<80x128xf32, #tpu.memory_space<vmem>>, vector<1x16xf32>,
          %get3A_308 = arith.index_cast %add3A_285 : i32 to index
          %get3A_309 = arith.constant 32 : index
          %get3A_310 = tpu.vector_load %arg12[%get3A_308, %get3A_309] {strides = array<i32>} : memref<80x128xf32, #tpu.memory_space<vmem>>, vector<1x16xf32>,
          %get3A_311 = vector.shape_cast %get3A_310 : vector<1x16xf32> to vector<16xf32>
          %mul3A_312 = vector.broadcast %squeeze3A_281 : f32 to vector<16xf32>
          %mul3A_313 = arith.mulf %get3A_311, %mul3A_312 : vector<16xf32>
          %swap3A_314 = arith.index_cast %add3A_285 : i32 to index
          %swap3A_315 = arith.constant 32 : index
          %swap3A_316 = tpu.vector_load %arg12[%swap3A_314, %swap3A_315] {strides = array<i32>} : memref<80x128xf32, #tpu.memory_space<vmem>>, vector<1x16xf32>,
          %swap3A_317 = vector.shape_cast %swap3A_316 : vector<1x16xf32> to vector<16xf32>
          %swap3A_318 = vector.shape_cast %mul3A_313 : vector<16xf32> to vector<1x16xf32>
          tpu.vector_store %arg12[%swap3A_314, %swap3A_315], %swap3A_318 {strides = array<i32>} : memref<80x128xf32, #tpu.memory_space<vmem>>, vector<1x16xf32>,
          %get3A_319 = arith.index_cast %add3A_285 : i32 to index
          %get3A_320 = arith.constant 48 : index
          %get3A_321 = tpu.vector_load %arg12[%get3A_319, %get3A_320] {strides = array<i32>} : memref<80x128xf32, #tpu.memory_space<vmem>>, vector<1x16xf32>,
          %get3A_322 = vector.shape_cast %get3A_321 : vector<1x16xf32> to vector<16xf32>
          %mul3A_323 = vector.broadcast %squeeze3A_281 : f32 to vector<16xf32>
          %mul3A_324 = arith.mulf %get3A_322, %mul3A_323 : vector<16xf32>
          %swap3A_325 = arith.index_cast %add3A_285 : i32 to index
          %swap3A_326 = arith.constant 48 : index
          %swap3A_327 = tpu.vector_load %arg12[%swap3A_325, %swap3A_326] {strides = array<i32>} : memref<80x128xf32, #tpu.memory_space<vmem>>, vector<1x16xf32>,
          %swap3A_328 = vector.shape_cast %swap3A_327 : vector<1x16xf32> to vector<16xf32>
          %swap3A_329 = vector.shape_cast %mul3A_324 : vector<16xf32> to vector<1x16xf32>
          tpu.vector_store %arg12[%swap3A_325, %swap3A_326], %swap3A_329 {strides = array<i32>} : memref<80x128xf32, #tpu.memory_space<vmem>>, vector<1x16xf32>,
          %get3A_330 = arith.index_cast %add3A_285 : i32 to index
          %get3A_331 = arith.constant 64 : index
          %get3A_332 = tpu.vector_load %arg12[%get3A_330, %get3A_331] {strides = array<i32>} : memref<80x128xf32, #tpu.memory_space<vmem>>, vector<1x16xf32>,
          %get3A_333 = vector.shape_cast %get3A_332 : vector<1x16xf32> to vector<16xf32>
          %mul3A_334 = vector.broadcast %squeeze3A_281 : f32 to vector<16xf32>
          %mul3A_335 = arith.mulf %get3A_333, %mul3A_334 : vector<16xf32>
          %swap3A_336 = arith.index_cast %add3A_285 : i32 to index
          %swap3A_337 = arith.constant 64 : index
          %swap3A_338 = tpu.vector_load %arg12[%swap3A_336, %swap3A_337] {strides = array<i32>} : memref<80x128xf32, #tpu.memory_space<vmem>>, vector<1x16xf32>,
          %swap3A_339 = vector.shape_cast %swap3A_338 : vector<1x16xf32> to vector<16xf32>
          %swap3A_340 = vector.shape_cast %mul3A_335 : vector<16xf32> to vector<1x16xf32>
          tpu.vector_store %arg12[%swap3A_336, %swap3A_337], %swap3A_340 {strides = array<i32>} : memref<80x128xf32, #tpu.memory_space<vmem>>, vector<1x16xf32>,
          %get3A_341 = arith.index_cast %add3A_285 : i32 to index
          %get3A_342 = arith.constant 80 : index
          %get3A_343 = tpu.vector_load %arg12[%get3A_341, %get3A_342] {strides = array<i32>} : memref<80x128xf32, #tpu.memory_space<vmem>>, vector<1x16xf32>,
          %get3A_344 = vector.shape_cast %get3A_343 : vector<1x16xf32> to vector<16xf32>
          %mul3A_345 = vector.broadcast %squeeze3A_281 : f32 to vector<16xf32>
          %mul3A_346 = arith.mulf %get3A_344, %mul3A_345 : vector<16xf32>
          %swap3A_347 = arith.index_cast %add3A_285 : i32 to index
          %swap3A_348 = arith.constant 80 : index
          %swap3A_349 = tpu.vector_load %arg12[%swap3A_347, %swap3A_348] {strides = array<i32>} : memref<80x128xf32, #tpu.memory_space<vmem>>, vector<1x16xf32>,
          %swap3A_350 = vector.shape_cast %swap3A_349 : vector<1x16xf32> to vector<16xf32>
          %swap3A_351 = vector.shape_cast %mul3A_346 : vector<16xf32> to vector<1x16xf32>
          tpu.vector_store %arg12[%swap3A_347, %swap3A_348], %swap3A_351 {strides = array<i32>} : memref<80x128xf32, #tpu.memory_space<vmem>>, vector<1x16xf32>,
          %get3A_352 = arith.index_cast %add3A_285 : i32 to index
          %get3A_353 = arith.constant 96 : index
          %get3A_354 = tpu.vector_load %arg12[%get3A_352, %get3A_353] {strides = array<i32>} : memref<80x128xf32, #tpu.memory_space<vmem>>, vector<1x16xf32>,
          %get3A_355 = vector.shape_cast %get3A_354 : vector<1x16xf32> to vector<16xf32>
          %mul3A_356 = vector.broadcast %squeeze3A_281 : f32 to vector<16xf32>
          %mul3A_357 = arith.mulf %get3A_355, %mul3A_356 : vector<16xf32>
          %swap3A_358 = arith.index_cast %add3A_285 : i32 to index
          %swap3A_359 = arith.constant 96 : index
          %swap3A_360 = tpu.vector_load %arg12[%swap3A_358, %swap3A_359] {strides = array<i32>} : memref<80x128xf32, #tpu.memory_space<vmem>>, vector<1x16xf32>,
          %swap3A_361 = vector.shape_cast %swap3A_360 : vector<1x16xf32> to vector<16xf32>
          %swap3A_362 = vector.shape_cast %mul3A_357 : vector<16xf32> to vector<1x16xf32>
          tpu.vector_store %arg12[%swap3A_358, %swap3A_359], %swap3A_362 {strides = array<i32>} : memref<80x128xf32, #tpu.memory_space<vmem>>, vector<1x16xf32>,
          %get3A_363 = arith.index_cast %add3A_285 : i32 to index
          %get3A_364 = arith.constant 112 : index
          %get3A_365 = tpu.vector_load %arg12[%get3A_363, %get3A_364] {strides = array<i32>} : memref<80x128xf32, #tpu.memory_space<vmem>>, vector<1x16xf32>,
          %get3A_366 = vector.shape_cast %get3A_365 : vector<1x16xf32> to vector<16xf32>
          %mul3A_367 = vector.broadcast %squeeze3A_281 : f32 to vector<16xf32>
          %mul3A_368 = arith.mulf %get3A_366, %mul3A_367 : vector<16xf32>
          %swap3A_369 = arith.index_cast %add3A_285 : i32 to index
          %swap3A_370 = arith.constant 112 : index
          %swap3A_371 = tpu.vector_load %arg12[%swap3A_369, %swap3A_370] {strides = array<i32>} : memref<80x128xf32, #tpu.memory_space<vmem>>, vector<1x16xf32>,
          %swap3A_372 = vector.shape_cast %swap3A_371 : vector<1x16xf32> to vector<16xf32>
          %swap3A_373 = vector.shape_cast %mul3A_368 : vector<16xf32> to vector<1x16xf32>
          tpu.vector_store %arg12[%swap3A_369, %swap3A_370], %swap3A_373 {strides = array<i32>} : memref<80x128xf32, #tpu.memory_space<vmem>>, vector<1x16xf32>,
          %slice3A_374 = vector.extract_strided_slice %get3A_188 {offsets = [2], sizes = [1], strides = [1]} : vector<16xf32> to vector<1xf32>
          %squeeze3A_375 = vector.extract %slice3A_374[0] : f32 from vector<1xf32>
          %mul3A_376 = arith.constant 16 : i32
          %mul3A_377 = arith.muli %scan3A_180, %mul3A_376 : i32
          %add3A_378 = arith.constant 2 : i32
          %add3A_379 = arith.addi %mul3A_377, %add3A_378 : i32
          %get3A_380 = arith.index_cast %add3A_379 : i32 to index
          %get3A_381 = arith.constant 0 : index
          %get3A_382 = tpu.vector_load %arg12[%get3A_380, %get3A_381] {strides = array<i32>} : memref<80x128xf32, #tpu.memory_space<vmem>>, vector<1x16xf32>,
          %get3A_383 = vector.shape_cast %get3A_382 : vector<1x16xf32> to vector<16xf32>
          %mul3A_384 = vector.broadcast %squeeze3A_375 : f32 to vector<16xf32>
          %mul3A_385 = arith.mulf %get3A_383, %mul3A_384 : vector<16xf32>
          %swap3A_386 = arith.index_cast %add3A_379 : i32 to index
          %swap3A_387 = arith.constant 0 : index
          %swap3A_388 = tpu.vector_load %arg12[%swap3A_386, %swap3A_387] {strides = array<i32>} : memref<80x128xf32, #tpu.memory_space<vmem>>, vector<1x16xf32>,
          %swap3A_389 = vector.shape_cast %swap3A_388 : vector<1x16xf32> to vector<16xf32>
          %swap3A_390 = vector.shape_cast %mul3A_385 : vector<16xf32> to vector<1x16xf32>
          tpu.vector_store %arg12[%swap3A_386, %swap3A_387], %swap3A_390 {strides = array<i32>} : memref<80x128xf32, #tpu.memory_space<vmem>>, vector<1x16xf32>,
          %get3A_391 = arith.index_cast %add3A_379 : i32 to index
          %get3A_392 = arith.constant 16 : index
          %get3A_393 = tpu.vector_load %arg12[%get3A_391, %get3A_392] {strides = array<i32>} : memref<80x128xf32, #tpu.memory_space<vmem>>, vector<1x16xf32>,
          %get3A_394 = vector.shape_cast %get3A_393 : vector<1x16xf32> to vector<16xf32>
          %mul3A_395 = vector.broadcast %squeeze3A_375 : f32 to vector<16xf32>
          %mul3A_396 = arith.mulf %get3A_394, %mul3A_395 : vector<16xf32>
          %swap3A_397 = arith.index_cast %add3A_379 : i32 to index
          %swap3A_398 = arith.constant 16 : index
          %swap3A_399 = tpu.vector_load %arg12[%swap3A_397, %swap3A_398] {strides = array<i32>} : memref<80x128xf32, #tpu.memory_space<vmem>>, vector<1x16xf32>,
          %swap3A_400 = vector.shape_cast %swap3A_399 : vector<1x16xf32> to vector<16xf32>
          %swap3A_401 = vector.shape_cast %mul3A_396 : vector<16xf32> to vector<1x16xf32>
          tpu.vector_store %arg12[%swap3A_397, %swap3A_398], %swap3A_401 {strides = array<i32>} : memref<80x128xf32, #tpu.memory_space<vmem>>, vector<1x16xf32>,
          %get3A_402 = arith.index_cast %add3A_379 : i32 to index
          %get3A_403 = arith.constant 32 : index
          %get3A_404 = tpu.vector_load %arg12[%get3A_402, %get3A_403] {strides = array<i32>} : memref<80x128xf32, #tpu.memory_space<vmem>>, vector<1x16xf32>,
          %get3A_405 = vector.shape_cast %get3A_404 : vector<1x16xf32> to vector<16xf32>
          %mul3A_406 = vector.broadcast %squeeze3A_375 : f32 to vector<16xf32>
          %mul3A_407 = arith.mulf %get3A_405, %mul3A_406 : vector<16xf32>
          %swap3A_408 = arith.index_cast %add3A_379 : i32 to index
          %swap3A_409 = arith.constant 32 : index
          %swap3A_410 = tpu.vector_load %arg12[%swap3A_408, %swap3A_409] {strides = array<i32>} : memref<80x128xf32, #tpu.memory_space<vmem>>, vector<1x16xf32>,
          %swap3A_411 = vector.shape_cast %swap3A_410 : vector<1x16xf32> to vector<16xf32>
          %swap3A_412 = vector.shape_cast %mul3A_407 : vector<16xf32> to vector<1x16xf32>
          tpu.vector_store %arg12[%swap3A_408, %swap3A_409], %swap3A_412 {strides = array<i32>} : memref<80x128xf32, #tpu.memory_space<vmem>>, vector<1x16xf32>,
          %get3A_413 = arith.index_cast %add3A_379 : i32 to index
          %get3A_414 = arith.constant 48 : index
          %get3A_415 = tpu.vector_load %arg12[%get3A_413, %get3A_414] {strides = array<i32>} : memref<80x128xf32, #tpu.memory_space<vmem>>, vector<1x16xf32>,
          %get3A_416 = vector.shape_cast %get3A_415 : vector<1x16xf32> to vector<16xf32>
          %mul3A_417 = vector.broadcast %squeeze3A_375 : f32 to vector<16xf32>
          %mul3A_418 = arith.mulf %get3A_416, %mul3A_417 : vector<16xf32>
          %swap3A_419 = arith.index_cast %add3A_379 : i32 to index
          %swap3A_420 = arith.constant 48 : index
          %swap3A_421 = tpu.vector_load %arg12[%swap3A_419, %swap3A_420] {strides = array<i32>} : memref<80x128xf32, #tpu.memory_space<vmem>>, vector<1x16xf32>,
          %swap3A_422 = vector.shape_cast %swap3A_421 : vector<1x16xf32> to vector<16xf32>
          %swap3A_423 = vector.shape_cast %mul3A_418 : vector<16xf32> to vector<1x16xf32>
          tpu.vector_store %arg12[%swap3A_419, %swap3A_420], %swap3A_423 {strides = array<i32>} : memref<80x128xf32, #tpu.memory_space<vmem>>, vector<1x16xf32>,
          %get3A_424 = arith.index_cast %add3A_379 : i32 to index
          %get3A_425 = arith.constant 64 : index
          %get3A_426 = tpu.vector_load %arg12[%get3A_424, %get3A_425] {strides = array<i32>} : memref<80x128xf32, #tpu.memory_space<vmem>>, vector<1x16xf32>,
          %get3A_427 = vector.shape_cast %get3A_426 : vector<1x16xf32> to vector<16xf32>
          %mul3A_428 = vector.broadcast %squeeze3A_375 : f32 to vector<16xf32>
          %mul3A_429 = arith.mulf %get3A_427, %mul3A_428 : vector<16xf32>
          %swap3A_430 = arith.index_cast %add3A_379 : i32 to index
          %swap3A_431 = arith.constant 64 : index
          %swap3A_432 = tpu.vector_load %arg12[%swap3A_430, %swap3A_431] {strides = array<i32>} : memref<80x128xf32, #tpu.memory_space<vmem>>, vector<1x16xf32>,
          %swap3A_433 = vector.shape_cast %swap3A_432 : vector<1x16xf32> to vector<16xf32>
          %swap3A_434 = vector.shape_cast %mul3A_429 : vector<16xf32> to vector<1x16xf32>
          tpu.vector_store %arg12[%swap3A_430, %swap3A_431], %swap3A_434 {strides = array<i32>} : memref<80x128xf32, #tpu.memory_space<vmem>>, vector<1x16xf32>,
          %get3A_435 = arith.index_cast %add3A_379 : i32 to index
          %get3A_436 = arith.constant 80 : index
          %get3A_437 = tpu.vector_load %arg12[%get3A_435, %get3A_436] {strides = array<i32>} : memref<80x128xf32, #tpu.memory_space<vmem>>, vector<1x16xf32>,
          %get3A_438 = vector.shape_cast %get3A_437 : vector<1x16xf32> to vector<16xf32>
          %mul3A_439 = vector.broadcast %squeeze3A_375 : f32 to vector<16xf32>
          %mul3A_440 = arith.mulf %get3A_438, %mul3A_439 : vector<16xf32>
          %swap3A_441 = arith.index_cast %add3A_379 : i32 to index
          %swap3A_442 = arith.constant 80 : index
          %swap3A_443 = tpu.vector_load %arg12[%swap3A_441, %swap3A_442] {strides = array<i32>} : memref<80x128xf32, #tpu.memory_space<vmem>>, vector<1x16xf32>,
          %swap3A_444 = vector.shape_cast %swap3A_443 : vector<1x16xf32> to vector<16xf32>
          %swap3A_445 = vector.shape_cast %mul3A_440 : vector<16xf32> to vector<1x16xf32>
          tpu.vector_store %arg12[%swap3A_441, %swap3A_442], %swap3A_445 {strides = array<i32>} : memref<80x128xf32, #tpu.memory_space<vmem>>, vector<1x16xf32>,
          %get3A_446 = arith.index_cast %add3A_379 : i32 to index
          %get3A_447 = arith.constant 96 : index
          %get3A_448 = tpu.vector_load %arg12[%get3A_446, %get3A_447] {strides = array<i32>} : memref<80x128xf32, #tpu.memory_space<vmem>>, vector<1x16xf32>,
          %get3A_449 = vector.shape_cast %get3A_448 : vector<1x16xf32> to vector<16xf32>
          %mul3A_450 = vector.broadcast %squeeze3A_375 : f32 to vector<16xf32>
          %mul3A_451 = arith.mulf %get3A_449, %mul3A_450 : vector<16xf32>
          %swap3A_452 = arith.index_cast %add3A_379 : i32 to index
          %swap3A_453 = arith.constant 96 : index
          %swap3A_454 = tpu.vector_load %arg12[%swap3A_452, %swap3A_453] {strides = array<i32>} : memref<80x128xf32, #tpu.memory_space<vmem>>, vector<1x16xf32>,
          %swap3A_455 = vector.shape_cast %swap3A_454 : vector<1x16xf32> to vector<16xf32>
          %swap3A_456 = vector.shape_cast %mul3A_451 : vector<16xf32> to vector<1x16xf32>
          tpu.vector_store %arg12[%swap3A_452, %swap3A_453], %swap3A_456 {strides = array<i32>} : memref<80x128xf32, #tpu.memory_space<vmem>>, vector<1x16xf32>,
          %get3A_457 = arith.index_cast %add3A_379 : i32 to index
          %get3A_458 = arith.constant 112 : index
          %get3A_459 = tpu.vector_load %arg12[%get3A_457, %get3A_458] {strides = array<i32>} : memref<80x128xf32, #tpu.memory_space<vmem>>, vector<1x16xf32>,
          %get3A_460 = vector.shape_cast %get3A_459 : vector<1x16xf32> to vector<16xf32>
          %mul3A_461 = vector.broadcast %squeeze3A_375 : f32 to vector<16xf32>
          %mul3A_462 = arith.mulf %get3A_460, %mul3A_461 : vector<16xf32>
          %swap3A_463 = arith.index_cast %add3A_379 : i32 to index
          %swap3A_464 = arith.constant 112 : index
          %swap3A_465 = tpu.vector_load %arg12[%swap3A_463, %swap3A_464] {strides = array<i32>} : memref<80x128xf32, #tpu.memory_space<vmem>>, vector<1x16xf32>,
          %swap3A_466 = vector.shape_cast %swap3A_465 : vector<1x16xf32> to vector<16xf32>
          %swap3A_467 = vector.shape_cast %mul3A_462 : vector<16xf32> to vector<1x16xf32>
          tpu.vector_store %arg12[%swap3A_463, %swap3A_464], %swap3A_467 {strides = array<i32>} : memref<80x128xf32, #tpu.memory_space<vmem>>, vector<1x16xf32>,
          %slice3A_468 = vector.extract_strided_slice %get3A_188 {offsets = [3], sizes = [1], strides = [1]} : vector<16xf32> to vector<1xf32>
          %squeeze3A_469 = vector.extract %slice3A_468[0] : f32 from vector<1xf32>
          %mul3A_470 = arith.constant 16 : i32
          %mul3A_471 = arith.muli %scan3A_180, %mul3A_470 : i32
          %add3A_472 = arith.constant 3 : i32
          %add3A_473 = arith.addi %mul3A_471, %add3A_472 : i32
          %get3A_474 = arith.index_cast %add3A_473 : i32 to index
          %get3A_475 = arith.constant 0 : index
          %get3A_476 = tpu.vector_load %arg12[%get3A_474, %get3A_475] {strides = array<i32>} : memref<80x128xf32, #tpu.memory_space<vmem>>, vector<1x16xf32>,
          %get3A_477 = vector.shape_cast %get3A_476 : vector<1x16xf32> to vector<16xf32>
          %mul3A_478 = vector.broadcast %squeeze3A_469 : f32 to vector<16xf32>
          %mul3A_479 = arith.mulf %get3A_477, %mul3A_478 : vector<16xf32>
          %swap3A_480 = arith.index_cast %add3A_473 : i32 to index
          %swap3A_481 = arith.constant 0 : index
          %swap3A_482 = tpu.vector_load %arg12[%swap3A_480, %swap3A_481] {strides = array<i32>} : memref<80x128xf32, #tpu.memory_space<vmem>>, vector<1x16xf32>,
          %swap3A_483 = vector.shape_cast %swap3A_482 : vector<1x16xf32> to vector<16xf32>
          %swap3A_484 = vector.shape_cast %mul3A_479 : vector<16xf32> to vector<1x16xf32>
          tpu.vector_store %arg12[%swap3A_480, %swap3A_481], %swap3A_484 {strides = array<i32>} : memref<80x128xf32, #tpu.memory_space<vmem>>, vector<1x16xf32>,
          %get3A_485 = arith.index_cast %add3A_473 : i32 to index
          %get3A_486 = arith.constant 16 : index
          %get3A_487 = tpu.vector_load %arg12[%get3A_485, %get3A_486] {strides = array<i32>} : memref<80x128xf32, #tpu.memory_space<vmem>>, vector<1x16xf32>,
          %get3A_488 = vector.shape_cast %get3A_487 : vector<1x16xf32> to vector<16xf32>
          %mul3A_489 = vector.broadcast %squeeze3A_469 : f32 to vector<16xf32>
          %mul3A_490 = arith.mulf %get3A_488, %mul3A_489 : vector<16xf32>
          %swap3A_491 = arith.index_cast %add3A_473 : i32 to index
          %swap3A_492 = arith.constant 16 : index
          %swap3A_493 = tpu.vector_load %arg12[%swap3A_491, %swap3A_492] {strides = array<i32>} : memref<80x128xf32, #tpu.memory_space<vmem>>, vector<1x16xf32>,
          %swap3A_494 = vector.shape_cast %swap3A_493 : vector<1x16xf32> to vector<16xf32>
          %swap3A_495 = vector.shape_cast %mul3A_490 : vector<16xf32> to vector<1x16xf32>
          tpu.vector_store %arg12[%swap3A_491, %swap3A_492], %swap3A_495 {strides = array<i32>} : memref<80x128xf32, #tpu.memory_space<vmem>>, vector<1x16xf32>,
          %get3A_496 = arith.index_cast %add3A_473 : i32 to index
          %get3A_497 = arith.constant 32 : index
          %get3A_498 = tpu.vector_load %arg12[%get3A_496, %get3A_497] {strides = array<i32>} : memref<80x128xf32, #tpu.memory_space<vmem>>, vector<1x16xf32>,
          %get3A_499 = vector.shape_cast %get3A_498 : vector<1x16xf32> to vector<16xf32>
          %mul3A_500 = vector.broadcast %squeeze3A_469 : f32 to vector<16xf32>
          %mul3A_501 = arith.mulf %get3A_499, %mul3A_500 : vector<16xf32>
          %swap3A_502 = arith.index_cast %add3A_473 : i32 to index
          %swap3A_503 = arith.constant 32 : index
          %swap3A_504 = tpu.vector_load %arg12[%swap3A_502, %swap3A_503] {strides = array<i32>} : memref<80x128xf32, #tpu.memory_space<vmem>>, vector<1x16xf32>,
          %swap3A_505 = vector.shape_cast %swap3A_504 : vector<1x16xf32> to vector<16xf32>
          %swap3A_506 = vector.shape_cast %mul3A_501 : vector<16xf32> to vector<1x16xf32>
          tpu.vector_store %arg12[%swap3A_502, %swap3A_503], %swap3A_506 {strides = array<i32>} : memref<80x128xf32, #tpu.memory_space<vmem>>, vector<1x16xf32>,
          %get3A_507 = arith.index_cast %add3A_473 : i32 to index
          %get3A_508 = arith.constant 48 : index
          %get3A_509 = tpu.vector_load %arg12[%get3A_507, %get3A_508] {strides = array<i32>} : memref<80x128xf32, #tpu.memory_space<vmem>>, vector<1x16xf32>,
          %get3A_510 = vector.shape_cast %get3A_509 : vector<1x16xf32> to vector<16xf32>
          %mul3A_511 = vector.broadcast %squeeze3A_469 : f32 to vector<16xf32>
          %mul3A_512 = arith.mulf %get3A_510, %mul3A_511 : vector<16xf32>
          %swap3A_513 = arith.index_cast %add3A_473 : i32 to index
          %swap3A_514 = arith.constant 48 : index
          %swap3A_515 = tpu.vector_load %arg12[%swap3A_513, %swap3A_514] {strides = array<i32>} : memref<80x128xf32, #tpu.memory_space<vmem>>, vector<1x16xf32>,
          %swap3A_516 = vector.shape_cast %swap3A_515 : vector<1x16xf32> to vector<16xf32>
          %swap3A_517 = vector.shape_cast %mul3A_512 : vector<16xf32> to vector<1x16xf32>
          tpu.vector_store %arg12[%swap3A_513, %swap3A_514], %swap3A_517 {strides = array<i32>} : memref<80x128xf32, #tpu.memory_space<vmem>>, vector<1x16xf32>,
          %get3A_518 = arith.index_cast %add3A_473 : i32 to index
          %get3A_519 = arith.constant 64 : index
          %get3A_520 = tpu.vector_load %arg12[%get3A_518, %get3A_519] {strides = array<i32>} : memref<80x128xf32, #tpu.memory_space<vmem>>, vector<1x16xf32>,
          %get3A_521 = vector.shape_cast %get3A_520 : vector<1x16xf32> to vector<16xf32>
          %mul3A_522 = vector.broadcast %squeeze3A_469 : f32 to vector<16xf32>
          %mul3A_523 = arith.mulf %get3A_521, %mul3A_522 : vector<16xf32>
          %swap3A_524 = arith.index_cast %add3A_473 : i32 to index
          %swap3A_525 = arith.constant 64 : index
          %swap3A_526 = tpu.vector_load %arg12[%swap3A_524, %swap3A_525] {strides = array<i32>} : memref<80x128xf32, #tpu.memory_space<vmem>>, vector<1x16xf32>,
          %swap3A_527 = vector.shape_cast %swap3A_526 : vector<1x16xf32> to vector<16xf32>
          %swap3A_528 = vector.shape_cast %mul3A_523 : vector<16xf32> to vector<1x16xf32>
          tpu.vector_store %arg12[%swap3A_524, %swap3A_525], %swap3A_528 {strides = array<i32>} : memref<80x128xf32, #tpu.memory_space<vmem>>, vector<1x16xf32>,
          %get3A_529 = arith.index_cast %add3A_473 : i32 to index
          %get3A_530 = arith.constant 80 : index
          %get3A_531 = tpu.vector_load %arg12[%get3A_529, %get3A_530] {strides = array<i32>} : memref<80x128xf32, #tpu.memory_space<vmem>>, vector<1x16xf32>,
          %get3A_532 = vector.shape_cast %get3A_531 : vector<1x16xf32> to vector<16xf32>
          %mul3A_533 = vector.broadcast %squeeze3A_469 : f32 to vector<16xf32>
          %mul3A_534 = arith.mulf %get3A_532, %mul3A_533 : vector<16xf32>
          %swap3A_535 = arith.index_cast %add3A_473 : i32 to index
          %swap3A_536 = arith.constant 80 : index
          %swap3A_537 = tpu.vector_load %arg12[%swap3A_535, %swap3A_536] {strides = array<i32>} : memref<80x128xf32, #tpu.memory_space<vmem>>, vector<1x16xf32>,
          %swap3A_538 = vector.shape_cast %swap3A_537 : vector<1x16xf32> to vector<16xf32>
          %swap3A_539 = vector.shape_cast %mul3A_534 : vector<16xf32> to vector<1x16xf32>
          tpu.vector_store %arg12[%swap3A_535, %swap3A_536], %swap3A_539 {strides = array<i32>} : memref<80x128xf32, #tpu.memory_space<vmem>>, vector<1x16xf32>,
          %get3A_540 = arith.index_cast %add3A_473 : i32 to index
          %get3A_541 = arith.constant 96 : index
          %get3A_542 = tpu.vector_load %arg12[%get3A_540, %get3A_541] {strides = array<i32>} : memref<80x128xf32, #tpu.memory_space<vmem>>, vector<1x16xf32>,
          %get3A_543 = vector.shape_cast %get3A_542 : vector<1x16xf32> to vector<16xf32>
          %mul3A_544 = vector.broadcast %squeeze3A_469 : f32 to vector<16xf32>
          %mul3A_545 = arith.mulf %get3A_543, %mul3A_544 : vector<16xf32>
          %swap3A_546 = arith.index_cast %add3A_473 : i32 to index
          %swap3A_547 = arith.constant 96 : index
          %swap3A_548 = tpu.vector_load %arg12[%swap3A_546, %swap3A_547] {strides = array<i32>} : memref<80x128xf32, #tpu.memory_space<vmem>>, vector<1x16xf32>,
          %swap3A_549 = vector.shape_cast %swap3A_548 : vector<1x16xf32> to vector<16xf32>
          %swap3A_550 = vector.shape_cast %mul3A_545 : vector<16xf32> to vector<1x16xf32>
          tpu.vector_store %arg12[%swap3A_546, %swap3A_547], %swap3A_550 {strides = array<i32>} : memref<80x128xf32, #tpu.memory_space<vmem>>, vector<1x16xf32>,
          %get3A_551 = arith.index_cast %add3A_473 : i32 to index
          %get3A_552 = arith.constant 112 : index
          %get3A_553 = tpu.vector_load %arg12[%get3A_551, %get3A_552] {strides = array<i32>} : memref<80x128xf32, #tpu.memory_space<vmem>>, vector<1x16xf32>,
          %get3A_554 = vector.shape_cast %get3A_553 : vector<1x16xf32> to vector<16xf32>
          %mul3A_555 = vector.broadcast %squeeze3A_469 : f32 to vector<16xf32>
          %mul3A_556 = arith.mulf %get3A_554, %mul3A_555 : vector<16xf32>
          %swap3A_557 = arith.index_cast %add3A_473 : i32 to index
          %swap3A_558 = arith.constant 112 : index
          %swap3A_559 = tpu.vector_load %arg12[%swap3A_557, %swap3A_558] {strides = array<i32>} : memref<80x128xf32, #tpu.memory_space<vmem>>, vector<1x16xf32>,
          %swap3A_560 = vector.shape_cast %swap3A_559 : vector<1x16xf32> to vector<16xf32>
          %swap3A_561 = vector.shape_cast %mul3A_556 : vector<16xf32> to vector<1x16xf32>
          tpu.vector_store %arg12[%swap3A_557, %swap3A_558], %swap3A_561 {strides = array<i32>} : memref<80x128xf32, #tpu.memory_space<vmem>>, vector<1x16xf32>,
          %slice3A_562 = vector.extract_strided_slice %get3A_188 {offsets = [4], sizes = [1], strides = [1]} : vector<16xf32> to vector<1xf32>
          %squeeze3A_563 = vector.extract %slice3A_562[0] : f32 from vector<1xf32>
          %mul3A_564 = arith.constant 16 : i32
          %mul3A_565 = arith.muli %scan3A_180, %mul3A_564 : i32
          %add3A_566 = arith.constant 4 : i32
          %add3A_567 = arith.addi %mul3A_565, %add3A_566 : i32
          %get3A_568 = arith.index_cast %add3A_567 : i32 to index
          %get3A_569 = arith.constant 0 : index
          %get3A_570 = tpu.vector_load %arg12[%get3A_568, %get3A_569] {strides = array<i32>} : memref<80x128xf32, #tpu.memory_space<vmem>>, vector<1x16xf32>,
          %get3A_571 = vector.shape_cast %get3A_570 : vector<1x16xf32> to vector<16xf32>
          %mul3A_572 = vector.broadcast %squeeze3A_563 : f32 to vector<16xf32>
          %mul3A_573 = arith.mulf %get3A_571, %mul3A_572 : vector<16xf32>
          %swap3A_574 = arith.index_cast %add3A_567 : i32 to index
          %swap3A_575 = arith.constant 0 : index
          %swap3A_576 = tpu.vector_load %arg12[%swap3A_574, %swap3A_575] {strides = array<i32>} : memref<80x128xf32, #tpu.memory_space<vmem>>, vector<1x16xf32>,
          %swap3A_577 = vector.shape_cast %swap3A_576 : vector<1x16xf32> to vector<16xf32>
          %swap3A_578 = vector.shape_cast %mul3A_573 : vector<16xf32> to vector<1x16xf32>
          tpu.vector_store %arg12[%swap3A_574, %swap3A_575], %swap3A_578 {strides = array<i32>} : memref<80x128xf32, #tpu.memory_space<vmem>>, vector<1x16xf32>,
          %get3A_579 = arith.index_cast %add3A_567 : i32 to index
          %get3A_580 = arith.constant 16 : index
          %get3A_581 = tpu.vector_load %arg12[%get3A_579, %get3A_580] {strides = array<i32>} : memref<80x128xf32, #tpu.memory_space<vmem>>, vector<1x16xf32>,
          %get3A_582 = vector.shape_cast %get3A_581 : vector<1x16xf32> to vector<16xf32>
          %mul3A_583 = vector.broadcast %squeeze3A_563 : f32 to vector<16xf32>
          %mul3A_584 = arith.mulf %get3A_582, %mul3A_583 : vector<16xf32>
          %swap3A_585 = arith.index_cast %add3A_567 : i32 to index
          %swap3A_586 = arith.constant 16 : index
          %swap3A_587 = tpu.vector_load %arg12[%swap3A_585, %swap3A_586] {strides = array<i32>} : memref<80x128xf32, #tpu.memory_space<vmem>>, vector<1x16xf32>,
          %swap3A_588 = vector.shape_cast %swap3A_587 : vector<1x16xf32> to vector<16xf32>
          %swap3A_589 = vector.shape_cast %mul3A_584 : vector<16xf32> to vector<1x16xf32>
          tpu.vector_store %arg12[%swap3A_585, %swap3A_586], %swap3A_589 {strides = array<i32>} : memref<80x128xf32, #tpu.memory_space<vmem>>, vector<1x16xf32>,
          %get3A_590 = arith.index_cast %add3A_567 : i32 to index
          %get3A_591 = arith.constant 32 : index
          %get3A_592 = tpu.vector_load %arg12[%get3A_590, %get3A_591] {strides = array<i32>} : memref<80x128xf32, #tpu.memory_space<vmem>>, vector<1x16xf32>,
          %get3A_593 = vector.shape_cast %get3A_592 : vector<1x16xf32> to vector<16xf32>
          %mul3A_594 = vector.broadcast %squeeze3A_563 : f32 to vector<16xf32>
          %mul3A_595 = arith.mulf %get3A_593, %mul3A_594 : vector<16xf32>
          %swap3A_596 = arith.index_cast %add3A_567 : i32 to index
          %swap3A_597 = arith.constant 32 : index
          %swap3A_598 = tpu.vector_load %arg12[%swap3A_596, %swap3A_597] {strides = array<i32>} : memref<80x128xf32, #tpu.memory_space<vmem>>, vector<1x16xf32>,
          %swap3A_599 = vector.shape_cast %swap3A_598 : vector<1x16xf32> to vector<16xf32>
          %swap3A_600 = vector.shape_cast %mul3A_595 : vector<16xf32> to vector<1x16xf32>
          tpu.vector_store %arg12[%swap3A_596, %swap3A_597], %swap3A_600 {strides = array<i32>} : memref<80x128xf32, #tpu.memory_space<vmem>>, vector<1x16xf32>,
          %get3A_601 = arith.index_cast %add3A_567 : i32 to index
          %get3A_602 = arith.constant 48 : index
          %get3A_603 = tpu.vector_load %arg12[%get3A_601, %get3A_602] {strides = array<i32>} : memref<80x128xf32, #tpu.memory_space<vmem>>, vector<1x16xf32>,
          %get3A_604 = vector.shape_cast %get3A_603 : vector<1x16xf32> to vector<16xf32>
          %mul3A_605 = vector.broadcast %squeeze3A_563 : f32 to vector<16xf32>
          %mul3A_606 = arith.mulf %get3A_604, %mul3A_605 : vector<16xf32>
          %swap3A_607 = arith.index_cast %add3A_567 : i32 to index
          %swap3A_608 = arith.constant 48 : index
          %swap3A_609 = tpu.vector_load %arg12[%swap3A_607, %swap3A_608] {strides = array<i32>} : memref<80x128xf32, #tpu.memory_space<vmem>>, vector<1x16xf32>,
          %swap3A_610 = vector.shape_cast %swap3A_609 : vector<1x16xf32> to vector<16xf32>
          %swap3A_611 = vector.shape_cast %mul3A_606 : vector<16xf32> to vector<1x16xf32>
          tpu.vector_store %arg12[%swap3A_607, %swap3A_608], %swap3A_611 {strides = array<i32>} : memref<80x128xf32, #tpu.memory_space<vmem>>, vector<1x16xf32>,
          %get3A_612 = arith.index_cast %add3A_567 : i32 to index
          %get3A_613 = arith.constant 64 : index
          %get3A_614 = tpu.vector_load %arg12[%get3A_612, %get3A_613] {strides = array<i32>} : memref<80x128xf32, #tpu.memory_space<vmem>>, vector<1x16xf32>,
          %get3A_615 = vector.shape_cast %get3A_614 : vector<1x16xf32> to vector<16xf32>
          %mul3A_616 = vector.broadcast %squeeze3A_563 : f32 to vector<16xf32>
          %mul3A_617 = arith.mulf %get3A_615, %mul3A_616 : vector<16xf32>
          %swap3A_618 = arith.index_cast %add3A_567 : i32 to index
          %swap3A_619 = arith.constant 64 : index
          %swap3A_620 = tpu.vector_load %arg12[%swap3A_618, %swap3A_619] {strides = array<i32>} : memref<80x128xf32, #tpu.memory_space<vmem>>, vector<1x16xf32>,
          %swap3A_621 = vector.shape_cast %swap3A_620 : vector<1x16xf32> to vector<16xf32>
          %swap3A_622 = vector.shape_cast %mul3A_617 : vector<16xf32> to vector<1x16xf32>
          tpu.vector_store %arg12[%swap3A_618, %swap3A_619], %swap3A_622 {strides = array<i32>} : memref<80x128xf32, #tpu.memory_space<vmem>>, vector<1x16xf32>,
          %get3A_623 = arith.index_cast %add3A_567 : i32 to index
          %get3A_624 = arith.constant 80 : index
          %get3A_625 = tpu.vector_load %arg12[%get3A_623, %get3A_624] {strides = array<i32>} : memref<80x128xf32, #tpu.memory_space<vmem>>, vector<1x16xf32>,
          %get3A_626 = vector.shape_cast %get3A_625 : vector<1x16xf32> to vector<16xf32>
          %mul3A_627 = vector.broadcast %squeeze3A_563 : f32 to vector<16xf32>
          %mul3A_628 = arith.mulf %get3A_626, %mul3A_627 : vector<16xf32>
          %swap3A_629 = arith.index_cast %add3A_567 : i32 to index
          %swap3A_630 = arith.constant 80 : index
          %swap3A_631 = tpu.vector_load %arg12[%swap3A_629, %swap3A_630] {strides = array<i32>} : memref<80x128xf32, #tpu.memory_space<vmem>>, vector<1x16xf32>,
          %swap3A_632 = vector.shape_cast %swap3A_631 : vector<1x16xf32> to vector<16xf32>
          %swap3A_633 = vector.shape_cast %mul3A_628 : vector<16xf32> to vector<1x16xf32>
          tpu.vector_store %arg12[%swap3A_629, %swap3A_630], %swap3A_633 {strides = array<i32>} : memref<80x128xf32, #tpu.memory_space<vmem>>, vector<1x16xf32>,
          %get3A_634 = arith.index_cast %add3A_567 : i32 to index
          %get3A_635 = arith.constant 96 : index
          %get3A_636 = tpu.vector_load %arg12[%get3A_634, %get3A_635] {strides = array<i32>} : memref<80x128xf32, #tpu.memory_space<vmem>>, vector<1x16xf32>,
          %get3A_637 = vector.shape_cast %get3A_636 : vector<1x16xf32> to vector<16xf32>
          %mul3A_638 = vector.broadcast %squeeze3A_563 : f32 to vector<16xf32>
          %mul3A_639 = arith.mulf %get3A_637, %mul3A_638 : vector<16xf32>
          %swap3A_640 = arith.index_cast %add3A_567 : i32 to index
          %swap3A_641 = arith.constant 96 : index
          %swap3A_642 = tpu.vector_load %arg12[%swap3A_640, %swap3A_641] {strides = array<i32>} : memref<80x128xf32, #tpu.memory_space<vmem>>, vector<1x16xf32>,
          %swap3A_643 = vector.shape_cast %swap3A_642 : vector<1x16xf32> to vector<16xf32>
          %swap3A_644 = vector.shape_cast %mul3A_639 : vector<16xf32> to vector<1x16xf32>
          tpu.vector_store %arg12[%swap3A_640, %swap3A_641], %swap3A_644 {strides = array<i32>} : memref<80x128xf32, #tpu.memory_space<vmem>>, vector<1x16xf32>,
          %get3A_645 = arith.index_cast %add3A_567 : i32 to index
          %get3A_646 = arith.constant 112 : index
          %get3A_647 = tpu.vector_load %arg12[%get3A_645, %get3A_646] {strides = array<i32>} : memref<80x128xf32, #tpu.memory_space<vmem>>, vector<1x16xf32>,
          %get3A_648 = vector.shape_cast %get3A_647 : vector<1x16xf32> to vector<16xf32>
          %mul3A_649 = vector.broadcast %squeeze3A_563 : f32 to vector<16xf32>
          %mul3A_650 = arith.mulf %get3A_648, %mul3A_649 : vector<16xf32>
          %swap3A_651 = arith.index_cast %add3A_567 : i32 to index
          %swap3A_652 = arith.constant 112 : index
          %swap3A_653 = tpu.vector_load %arg12[%swap3A_651, %swap3A_652] {strides = array<i32>} : memref<80x128xf32, #tpu.memory_space<vmem>>, vector<1x16xf32>,
          %swap3A_654 = vector.shape_cast %swap3A_653 : vector<1x16xf32> to vector<16xf32>
          %swap3A_655 = vector.shape_cast %mul3A_650 : vector<16xf32> to vector<1x16xf32>
          tpu.vector_store %arg12[%swap3A_651, %swap3A_652], %swap3A_655 {strides = array<i32>} : memref<80x128xf32, #tpu.memory_space<vmem>>, vector<1x16xf32>,
          %slice3A_656 = vector.extract_strided_slice %get3A_188 {offsets = [5], sizes = [1], strides = [1]} : vector<16xf32> to vector<1xf32>
          %squeeze3A_657 = vector.extract %slice3A_656[0] : f32 from vector<1xf32>
          %mul3A_658 = arith.constant 16 : i32
          %mul3A_659 = arith.muli %scan3A_180, %mul3A_658 : i32
          %add3A_660 = arith.constant 5 : i32
          %add3A_661 = arith.addi %mul3A_659, %add3A_660 : i32
          %get3A_662 = arith.index_cast %add3A_661 : i32 to index
          %get3A_663 = arith.constant 0 : index
          %get3A_664 = tpu.vector_load %arg12[%get3A_662, %get3A_663] {strides = array<i32>} : memref<80x128xf32, #tpu.memory_space<vmem>>, vector<1x16xf32>,
          %get3A_665 = vector.shape_cast %get3A_664 : vector<1x16xf32> to vector<16xf32>
          %mul3A_666 = vector.broadcast %squeeze3A_657 : f32 to vector<16xf32>
          %mul3A_667 = arith.mulf %get3A_665, %mul3A_666 : vector<16xf32>
          %swap3A_668 = arith.index_cast %add3A_661 : i32 to index
          %swap3A_669 = arith.constant 0 : index
          %swap3A_670 = tpu.vector_load %arg12[%swap3A_668, %swap3A_669] {strides = array<i32>} : memref<80x128xf32, #tpu.memory_space<vmem>>, vector<1x16xf32>,
          %swap3A_671 = vector.shape_cast %swap3A_670 : vector<1x16xf32> to vector<16xf32>
          %swap3A_672 = vector.shape_cast %mul3A_667 : vector<16xf32> to vector<1x16xf32>
          tpu.vector_store %arg12[%swap3A_668, %swap3A_669], %swap3A_672 {strides = array<i32>} : memref<80x128xf32, #tpu.memory_space<vmem>>, vector<1x16xf32>,
          %get3A_673 = arith.index_cast %add3A_661 : i32 to index
          %get3A_674 = arith.constant 16 : index
          %get3A_675 = tpu.vector_load %arg12[%get3A_673, %get3A_674] {strides = array<i32>} : memref<80x128xf32, #tpu.memory_space<vmem>>, vector<1x16xf32>,
          %get3A_676 = vector.shape_cast %get3A_675 : vector<1x16xf32> to vector<16xf32>
          %mul3A_677 = vector.broadcast %squeeze3A_657 : f32 to vector<16xf32>
          %mul3A_678 = arith.mulf %get3A_676, %mul3A_677 : vector<16xf32>
          %swap3A_679 = arith.index_cast %add3A_661 : i32 to index
          %swap3A_680 = arith.constant 16 : index
          %swap3A_681 = tpu.vector_load %arg12[%swap3A_679, %swap3A_680] {strides = array<i32>} : memref<80x128xf32, #tpu.memory_space<vmem>>, vector<1x16xf32>,
          %swap3A_682 = vector.shape_cast %swap3A_681 : vector<1x16xf32> to vector<16xf32>
          %swap3A_683 = vector.shape_cast %mul3A_678 : vector<16xf32> to vector<1x16xf32>
          tpu.vector_store %arg12[%swap3A_679, %swap3A_680], %swap3A_683 {strides = array<i32>} : memref<80x128xf32, #tpu.memory_space<vmem>>, vector<1x16xf32>,
          %get3A_684 = arith.index_cast %add3A_661 : i32 to index
          %get3A_685 = arith.constant 32 : index
          %get3A_686 = tpu.vector_load %arg12[%get3A_684, %get3A_685] {strides = array<i32>} : memref<80x128xf32, #tpu.memory_space<vmem>>, vector<1x16xf32>,
          %get3A_687 = vector.shape_cast %get3A_686 : vector<1x16xf32> to vector<16xf32>
          %mul3A_688 = vector.broadcast %squeeze3A_657 : f32 to vector<16xf32>
          %mul3A_689 = arith.mulf %get3A_687, %mul3A_688 : vector<16xf32>
          %swap3A_690 = arith.index_cast %add3A_661 : i32 to index
          %swap3A_691 = arith.constant 32 : index
          %swap3A_692 = tpu.vector_load %arg12[%swap3A_690, %swap3A_691] {strides = array<i32>} : memref<80x128xf32, #tpu.memory_space<vmem>>, vector<1x16xf32>,
          %swap3A_693 = vector.shape_cast %swap3A_692 : vector<1x16xf32> to vector<16xf32>
          %swap3A_694 = vector.shape_cast %mul3A_689 : vector<16xf32> to vector<1x16xf32>
          tpu.vector_store %arg12[%swap3A_690, %swap3A_691], %swap3A_694 {strides = array<i32>} : memref<80x128xf32, #tpu.memory_space<vmem>>, vector<1x16xf32>,
          %get3A_695 = arith.index_cast %add3A_661 : i32 to index
          %get3A_696 = arith.constant 48 : index
          %get3A_697 = tpu.vector_load %arg12[%get3A_695, %get3A_696] {strides = array<i32>} : memref<80x128xf32, #tpu.memory_space<vmem>>, vector<1x16xf32>,
          %get3A_698 = vector.shape_cast %get3A_697 : vector<1x16xf32> to vector<16xf32>
          %mul3A_699 = vector.broadcast %squeeze3A_657 : f32 to vector<16xf32>
          %mul3A_700 = arith.mulf %get3A_698, %mul3A_699 : vector<16xf32>
          %swap3A_701 = arith.index_cast %add3A_661 : i32 to index
          %swap3A_702 = arith.constant 48 : index
          %swap3A_703 = tpu.vector_load %arg12[%swap3A_701, %swap3A_702] {strides = array<i32>} : memref<80x128xf32, #tpu.memory_space<vmem>>, vector<1x16xf32>,
          %swap3A_704 = vector.shape_cast %swap3A_703 : vector<1x16xf32> to vector<16xf32>
          %swap3A_705 = vector.shape_cast %mul3A_700 : vector<16xf32> to vector<1x16xf32>
          tpu.vector_store %arg12[%swap3A_701, %swap3A_702], %swap3A_705 {strides = array<i32>} : memref<80x128xf32, #tpu.memory_space<vmem>>, vector<1x16xf32>,
          %get3A_706 = arith.index_cast %add3A_661 : i32 to index
          %get3A_707 = arith.constant 64 : index
          %get3A_708 = tpu.vector_load %arg12[%get3A_706, %get3A_707] {strides = array<i32>} : memref<80x128xf32, #tpu.memory_space<vmem>>, vector<1x16xf32>,
          %get3A_709 = vector.shape_cast %get3A_708 : vector<1x16xf32> to vector<16xf32>
          %mul3A_710 = vector.broadcast %squeeze3A_657 : f32 to vector<16xf32>
          %mul3A_711 = arith.mulf %get3A_709, %mul3A_710 : vector<16xf32>
          %swap3A_712 = arith.index_cast %add3A_661 : i32 to index
          %swap3A_713 = arith.constant 64 : index
          %swap3A_714 = tpu.vector_load %arg12[%swap3A_712, %swap3A_713] {strides = array<i32>} : memref<80x128xf32, #tpu.memory_space<vmem>>, vector<1x16xf32>,
          %swap3A_715 = vector.shape_cast %swap3A_714 : vector<1x16xf32> to vector<16xf32>
          %swap3A_716 = vector.shape_cast %mul3A_711 : vector<16xf32> to vector<1x16xf32>
          tpu.vector_store %arg12[%swap3A_712, %swap3A_713], %swap3A_716 {strides = array<i32>} : memref<80x128xf32, #tpu.memory_space<vmem>>, vector<1x16xf32>,
          %get3A_717 = arith.index_cast %add3A_661 : i32 to index
          %get3A_718 = arith.constant 80 : index
          %get3A_719 = tpu.vector_load %arg12[%get3A_717, %get3A_718] {strides = array<i32>} : memref<80x128xf32, #tpu.memory_space<vmem>>, vector<1x16xf32>,
          %get3A_720 = vector.shape_cast %get3A_719 : vector<1x16xf32> to vector<16xf32>
          %mul3A_721 = vector.broadcast %squeeze3A_657 : f32 to vector<16xf32>
          %mul3A_722 = arith.mulf %get3A_720, %mul3A_721 : vector<16xf32>
          %swap3A_723 = arith.index_cast %add3A_661 : i32 to index
          %swap3A_724 = arith.constant 80 : index
          %swap3A_725 = tpu.vector_load %arg12[%swap3A_723, %swap3A_724] {strides = array<i32>} : memref<80x128xf32, #tpu.memory_space<vmem>>, vector<1x16xf32>,
          %swap3A_726 = vector.shape_cast %swap3A_725 : vector<1x16xf32> to vector<16xf32>
          %swap3A_727 = vector.shape_cast %mul3A_722 : vector<16xf32> to vector<1x16xf32>
          tpu.vector_store %arg12[%swap3A_723, %swap3A_724], %swap3A_727 {strides = array<i32>} : memref<80x128xf32, #tpu.memory_space<vmem>>, vector<1x16xf32>,
          %get3A_728 = arith.index_cast %add3A_661 : i32 to index
          %get3A_729 = arith.constant 96 : index
          %get3A_730 = tpu.vector_load %arg12[%get3A_728, %get3A_729] {strides = array<i32>} : memref<80x128xf32, #tpu.memory_space<vmem>>, vector<1x16xf32>,
          %get3A_731 = vector.shape_cast %get3A_730 : vector<1x16xf32> to vector<16xf32>
          %mul3A_732 = vector.broadcast %squeeze3A_657 : f32 to vector<16xf32>
          %mul3A_733 = arith.mulf %get3A_731, %mul3A_732 : vector<16xf32>
          %swap3A_734 = arith.index_cast %add3A_661 : i32 to index
          %swap3A_735 = arith.constant 96 : index
          %swap3A_736 = tpu.vector_load %arg12[%swap3A_734, %swap3A_735] {strides = array<i32>} : memref<80x128xf32, #tpu.memory_space<vmem>>, vector<1x16xf32>,
          %swap3A_737 = vector.shape_cast %swap3A_736 : vector<1x16xf32> to vector<16xf32>
          %swap3A_738 = vector.shape_cast %mul3A_733 : vector<16xf32> to vector<1x16xf32>
          tpu.vector_store %arg12[%swap3A_734, %swap3A_735], %swap3A_738 {strides = array<i32>} : memref<80x128xf32, #tpu.memory_space<vmem>>, vector<1x16xf32>,
          %get3A_739 = arith.index_cast %add3A_661 : i32 to index
          %get3A_740 = arith.constant 112 : index
          %get3A_741 = tpu.vector_load %arg12[%get3A_739, %get3A_740] {strides = array<i32>} : memref<80x128xf32, #tpu.memory_space<vmem>>, vector<1x16xf32>,
          %get3A_742 = vector.shape_cast %get3A_741 : vector<1x16xf32> to vector<16xf32>
          %mul3A_743 = vector.broadcast %squeeze3A_657 : f32 to vector<16xf32>
          %mul3A_744 = arith.mulf %get3A_742, %mul3A_743 : vector<16xf32>
          %swap3A_745 = arith.index_cast %add3A_661 : i32 to index
          %swap3A_746 = arith.constant 112 : index
          %swap3A_747 = tpu.vector_load %arg12[%swap3A_745, %swap3A_746] {strides = array<i32>} : memref<80x128xf32, #tpu.memory_space<vmem>>, vector<1x16xf32>,
          %swap3A_748 = vector.shape_cast %swap3A_747 : vector<1x16xf32> to vector<16xf32>
          %swap3A_749 = vector.shape_cast %mul3A_744 : vector<16xf32> to vector<1x16xf32>
          tpu.vector_store %arg12[%swap3A_745, %swap3A_746], %swap3A_749 {strides = array<i32>} : memref<80x128xf32, #tpu.memory_space<vmem>>, vector<1x16xf32>,
          %slice3A_750 = vector.extract_strided_slice %get3A_188 {offsets = [6], sizes = [1], strides = [1]} : vector<16xf32> to vector<1xf32>
          %squeeze3A_751 = vector.extract %slice3A_750[0] : f32 from vector<1xf32>
          %mul3A_752 = arith.constant 16 : i32
          %mul3A_753 = arith.muli %scan3A_180, %mul3A_752 : i32
          %add3A_754 = arith.constant 6 : i32
          %add3A_755 = arith.addi %mul3A_753, %add3A_754 : i32
          %get3A_756 = arith.index_cast %add3A_755 : i32 to index
          %get3A_757 = arith.constant 0 : index
          %get3A_758 = tpu.vector_load %arg12[%get3A_756, %get3A_757] {strides = array<i32>} : memref<80x128xf32, #tpu.memory_space<vmem>>, vector<1x16xf32>,
          %get3A_759 = vector.shape_cast %get3A_758 : vector<1x16xf32> to vector<16xf32>
          %mul3A_760 = vector.broadcast %squeeze3A_751 : f32 to vector<16xf32>
          %mul3A_761 = arith.mulf %get3A_759, %mul3A_760 : vector<16xf32>
          %swap3A_762 = arith.index_cast %add3A_755 : i32 to index
          %swap3A_763 = arith.constant 0 : index
          %swap3A_764 = tpu.vector_load %arg12[%swap3A_762, %swap3A_763] {strides = array<i32>} : memref<80x128xf32, #tpu.memory_space<vmem>>, vector<1x16xf32>,
          %swap3A_765 = vector.shape_cast %swap3A_764 : vector<1x16xf32> to vector<16xf32>
          %swap3A_766 = vector.shape_cast %mul3A_761 : vector<16xf32> to vector<1x16xf32>
          tpu.vector_store %arg12[%swap3A_762, %swap3A_763], %swap3A_766 {strides = array<i32>} : memref<80x128xf32, #tpu.memory_space<vmem>>, vector<1x16xf32>,
          %get3A_767 = arith.index_cast %add3A_755 : i32 to index
          %get3A_768 = arith.constant 16 : index
          %get3A_769 = tpu.vector_load %arg12[%get3A_767, %get3A_768] {strides = array<i32>} : memref<80x128xf32, #tpu.memory_space<vmem>>, vector<1x16xf32>,
          %get3A_770 = vector.shape_cast %get3A_769 : vector<1x16xf32> to vector<16xf32>
          %mul3A_771 = vector.broadcast %squeeze3A_751 : f32 to vector<16xf32>
          %mul3A_772 = arith.mulf %get3A_770, %mul3A_771 : vector<16xf32>
          %swap3A_773 = arith.index_cast %add3A_755 : i32 to index
          %swap3A_774 = arith.constant 16 : index
          %swap3A_775 = tpu.vector_load %arg12[%swap3A_773, %swap3A_774] {strides = array<i32>} : memref<80x128xf32, #tpu.memory_space<vmem>>, vector<1x16xf32>,
          %swap3A_776 = vector.shape_cast %swap3A_775 : vector<1x16xf32> to vector<16xf32>
          %swap3A_777 = vector.shape_cast %mul3A_772 : vector<16xf32> to vector<1x16xf32>
          tpu.vector_store %arg12[%swap3A_773, %swap3A_774], %swap3A_777 {strides = array<i32>} : memref<80x128xf32, #tpu.memory_space<vmem>>, vector<1x16xf32>,
          %get3A_778 = arith.index_cast %add3A_755 : i32 to index
          %get3A_779 = arith.constant 32 : index
          %get3A_780 = tpu.vector_load %arg12[%get3A_778, %get3A_779] {strides = array<i32>} : memref<80x128xf32, #tpu.memory_space<vmem>>, vector<1x16xf32>,
          %get3A_781 = vector.shape_cast %get3A_780 : vector<1x16xf32> to vector<16xf32>
          %mul3A_782 = vector.broadcast %squeeze3A_751 : f32 to vector<16xf32>
          %mul3A_783 = arith.mulf %get3A_781, %mul3A_782 : vector<16xf32>
          %swap3A_784 = arith.index_cast %add3A_755 : i32 to index
          %swap3A_785 = arith.constant 32 : index
          %swap3A_786 = tpu.vector_load %arg12[%swap3A_784, %swap3A_785] {strides = array<i32>} : memref<80x128xf32, #tpu.memory_space<vmem>>, vector<1x16xf32>,
          %swap3A_787 = vector.shape_cast %swap3A_786 : vector<1x16xf32> to vector<16xf32>
          %swap3A_788 = vector.shape_cast %mul3A_783 : vector<16xf32> to vector<1x16xf32>
          tpu.vector_store %arg12[%swap3A_784, %swap3A_785], %swap3A_788 {strides = array<i32>} : memref<80x128xf32, #tpu.memory_space<vmem>>, vector<1x16xf32>,
          %get3A_789 = arith.index_cast %add3A_755 : i32 to index
          %get3A_790 = arith.constant 48 : index
          %get3A_791 = tpu.vector_load %arg12[%get3A_789, %get3A_790] {strides = array<i32>} : memref<80x128xf32, #tpu.memory_space<vmem>>, vector<1x16xf32>,
          %get3A_792 = vector.shape_cast %get3A_791 : vector<1x16xf32> to vector<16xf32>
          %mul3A_793 = vector.broadcast %squeeze3A_751 : f32 to vector<16xf32>
          %mul3A_794 = arith.mulf %get3A_792, %mul3A_793 : vector<16xf32>
          %swap3A_795 = arith.index_cast %add3A_755 : i32 to index
          %swap3A_796 = arith.constant 48 : index
          %swap3A_797 = tpu.vector_load %arg12[%swap3A_795, %swap3A_796] {strides = array<i32>} : memref<80x128xf32, #tpu.memory_space<vmem>>, vector<1x16xf32>,
          %swap3A_798 = vector.shape_cast %swap3A_797 : vector<1x16xf32> to vector<16xf32>
          %swap3A_799 = vector.shape_cast %mul3A_794 : vector<16xf32> to vector<1x16xf32>
          tpu.vector_store %arg12[%swap3A_795, %swap3A_796], %swap3A_799 {strides = array<i32>} : memref<80x128xf32, #tpu.memory_space<vmem>>, vector<1x16xf32>,
          %get3A_800 = arith.index_cast %add3A_755 : i32 to index
          %get3A_801 = arith.constant 64 : index
          %get3A_802 = tpu.vector_load %arg12[%get3A_800, %get3A_801] {strides = array<i32>} : memref<80x128xf32, #tpu.memory_space<vmem>>, vector<1x16xf32>,
          %get3A_803 = vector.shape_cast %get3A_802 : vector<1x16xf32> to vector<16xf32>
          %mul3A_804 = vector.broadcast %squeeze3A_751 : f32 to vector<16xf32>
          %mul3A_805 = arith.mulf %get3A_803, %mul3A_804 : vector<16xf32>
          %swap3A_806 = arith.index_cast %add3A_755 : i32 to index
          %swap3A_807 = arith.constant 64 : index
          %swap3A_808 = tpu.vector_load %arg12[%swap3A_806, %swap3A_807] {strides = array<i32>} : memref<80x128xf32, #tpu.memory_space<vmem>>, vector<1x16xf32>,
          %swap3A_809 = vector.shape_cast %swap3A_808 : vector<1x16xf32> to vector<16xf32>
          %swap3A_810 = vector.shape_cast %mul3A_805 : vector<16xf32> to vector<1x16xf32>
          tpu.vector_store %arg12[%swap3A_806, %swap3A_807], %swap3A_810 {strides = array<i32>} : memref<80x128xf32, #tpu.memory_space<vmem>>, vector<1x16xf32>,
          %get3A_811 = arith.index_cast %add3A_755 : i32 to index
          %get3A_812 = arith.constant 80 : index
          %get3A_813 = tpu.vector_load %arg12[%get3A_811, %get3A_812] {strides = array<i32>} : memref<80x128xf32, #tpu.memory_space<vmem>>, vector<1x16xf32>,
          %get3A_814 = vector.shape_cast %get3A_813 : vector<1x16xf32> to vector<16xf32>
          %mul3A_815 = vector.broadcast %squeeze3A_751 : f32 to vector<16xf32>
          %mul3A_816 = arith.mulf %get3A_814, %mul3A_815 : vector<16xf32>
          %swap3A_817 = arith.index_cast %add3A_755 : i32 to index
          %swap3A_818 = arith.constant 80 : index
          %swap3A_819 = tpu.vector_load %arg12[%swap3A_817, %swap3A_818] {strides = array<i32>} : memref<80x128xf32, #tpu.memory_space<vmem>>, vector<1x16xf32>,
          %swap3A_820 = vector.shape_cast %swap3A_819 : vector<1x16xf32> to vector<16xf32>
          %swap3A_821 = vector.shape_cast %mul3A_816 : vector<16xf32> to vector<1x16xf32>
          tpu.vector_store %arg12[%swap3A_817, %swap3A_818], %swap3A_821 {strides = array<i32>} : memref<80x128xf32, #tpu.memory_space<vmem>>, vector<1x16xf32>,
          %get3A_822 = arith.index_cast %add3A_755 : i32 to index
          %get3A_823 = arith.constant 96 : index
          %get3A_824 = tpu.vector_load %arg12[%get3A_822, %get3A_823] {strides = array<i32>} : memref<80x128xf32, #tpu.memory_space<vmem>>, vector<1x16xf32>,
          %get3A_825 = vector.shape_cast %get3A_824 : vector<1x16xf32> to vector<16xf32>
          %mul3A_826 = vector.broadcast %squeeze3A_751 : f32 to vector<16xf32>
          %mul3A_827 = arith.mulf %get3A_825, %mul3A_826 : vector<16xf32>
          %swap3A_828 = arith.index_cast %add3A_755 : i32 to index
          %swap3A_829 = arith.constant 96 : index
          %swap3A_830 = tpu.vector_load %arg12[%swap3A_828, %swap3A_829] {strides = array<i32>} : memref<80x128xf32, #tpu.memory_space<vmem>>, vector<1x16xf32>,
          %swap3A_831 = vector.shape_cast %swap3A_830 : vector<1x16xf32> to vector<16xf32>
          %swap3A_832 = vector.shape_cast %mul3A_827 : vector<16xf32> to vector<1x16xf32>
          tpu.vector_store %arg12[%swap3A_828, %swap3A_829], %swap3A_832 {strides = array<i32>} : memref<80x128xf32, #tpu.memory_space<vmem>>, vector<1x16xf32>,
          %get3A_833 = arith.index_cast %add3A_755 : i32 to index
          %get3A_834 = arith.constant 112 : index
          %get3A_835 = tpu.vector_load %arg12[%get3A_833, %get3A_834] {strides = array<i32>} : memref<80x128xf32, #tpu.memory_space<vmem>>, vector<1x16xf32>,
          %get3A_836 = vector.shape_cast %get3A_835 : vector<1x16xf32> to vector<16xf32>
          %mul3A_837 = vector.broadcast %squeeze3A_751 : f32 to vector<16xf32>
          %mul3A_838 = arith.mulf %get3A_836, %mul3A_837 : vector<16xf32>
          %swap3A_839 = arith.index_cast %add3A_755 : i32 to index
          %swap3A_840 = arith.constant 112 : index
          %swap3A_841 = tpu.vector_load %arg12[%swap3A_839, %swap3A_840] {strides = array<i32>} : memref<80x128xf32, #tpu.memory_space<vmem>>, vector<1x16xf32>,
          %swap3A_842 = vector.shape_cast %swap3A_841 : vector<1x16xf32> to vector<16xf32>
          %swap3A_843 = vector.shape_cast %mul3A_838 : vector<16xf32> to vector<1x16xf32>
          tpu.vector_store %arg12[%swap3A_839, %swap3A_840], %swap3A_843 {strides = array<i32>} : memref<80x128xf32, #tpu.memory_space<vmem>>, vector<1x16xf32>,
          %slice3A_844 = vector.extract_strided_slice %get3A_188 {offsets = [7], sizes = [1], strides = [1]} : vector<16xf32> to vector<1xf32>
          %squeeze3A_845 = vector.extract %slice3A_844[0] : f32 from vector<1xf32>
          %mul3A_846 = arith.constant 16 : i32
          %mul3A_847 = arith.muli %scan3A_180, %mul3A_846 : i32
          %add3A_848 = arith.constant 7 : i32
          %add3A_849 = arith.addi %mul3A_847, %add3A_848 : i32
          %get3A_850 = arith.index_cast %add3A_849 : i32 to index
          %get3A_851 = arith.constant 0 : index
          %get3A_852 = tpu.vector_load %arg12[%get3A_850, %get3A_851] {strides = array<i32>} : memref<80x128xf32, #tpu.memory_space<vmem>>, vector<1x16xf32>,
          %get3A_853 = vector.shape_cast %get3A_852 : vector<1x16xf32> to vector<16xf32>
          %mul3A_854 = vector.broadcast %squeeze3A_845 : f32 to vector<16xf32>
          %mul3A_855 = arith.mulf %get3A_853, %mul3A_854 : vector<16xf32>
          %swap3A_856 = arith.index_cast %add3A_849 : i32 to index
          %swap3A_857 = arith.constant 0 : index
          %swap3A_858 = tpu.vector_load %arg12[%swap3A_856, %swap3A_857] {strides = array<i32>} : memref<80x128xf32, #tpu.memory_space<vmem>>, vector<1x16xf32>,
          %swap3A_859 = vector.shape_cast %swap3A_858 : vector<1x16xf32> to vector<16xf32>
          %swap3A_860 = vector.shape_cast %mul3A_855 : vector<16xf32> to vector<1x16xf32>
          tpu.vector_store %arg12[%swap3A_856, %swap3A_857], %swap3A_860 {strides = array<i32>} : memref<80x128xf32, #tpu.memory_space<vmem>>, vector<1x16xf32>,
          %get3A_861 = arith.index_cast %add3A_849 : i32 to index
          %get3A_862 = arith.constant 16 : index
          %get3A_863 = tpu.vector_load %arg12[%get3A_861, %get3A_862] {strides = array<i32>} : memref<80x128xf32, #tpu.memory_space<vmem>>, vector<1x16xf32>,
          %get3A_864 = vector.shape_cast %get3A_863 : vector<1x16xf32> to vector<16xf32>
          %mul3A_865 = vector.broadcast %squeeze3A_845 : f32 to vector<16xf32>
          %mul3A_866 = arith.mulf %get3A_864, %mul3A_865 : vector<16xf32>
          %swap3A_867 = arith.index_cast %add3A_849 : i32 to index
          %swap3A_868 = arith.constant 16 : index
          %swap3A_869 = tpu.vector_load %arg12[%swap3A_867, %swap3A_868] {strides = array<i32>} : memref<80x128xf32, #tpu.memory_space<vmem>>, vector<1x16xf32>,
          %swap3A_870 = vector.shape_cast %swap3A_869 : vector<1x16xf32> to vector<16xf32>
          %swap3A_871 = vector.shape_cast %mul3A_866 : vector<16xf32> to vector<1x16xf32>
          tpu.vector_store %arg12[%swap3A_867, %swap3A_868], %swap3A_871 {strides = array<i32>} : memref<80x128xf32, #tpu.memory_space<vmem>>, vector<1x16xf32>,
          %get3A_872 = arith.index_cast %add3A_849 : i32 to index
          %get3A_873 = arith.constant 32 : index
          %get3A_874 = tpu.vector_load %arg12[%get3A_872, %get3A_873] {strides = array<i32>} : memref<80x128xf32, #tpu.memory_space<vmem>>, vector<1x16xf32>,
          %get3A_875 = vector.shape_cast %get3A_874 : vector<1x16xf32> to vector<16xf32>
          %mul3A_876 = vector.broadcast %squeeze3A_845 : f32 to vector<16xf32>
          %mul3A_877 = arith.mulf %get3A_875, %mul3A_876 : vector<16xf32>
          %swap3A_878 = arith.index_cast %add3A_849 : i32 to index
          %swap3A_879 = arith.constant 32 : index
          %swap3A_880 = tpu.vector_load %arg12[%swap3A_878, %swap3A_879] {strides = array<i32>} : memref<80x128xf32, #tpu.memory_space<vmem>>, vector<1x16xf32>,
          %swap3A_881 = vector.shape_cast %swap3A_880 : vector<1x16xf32> to vector<16xf32>
          %swap3A_882 = vector.shape_cast %mul3A_877 : vector<16xf32> to vector<1x16xf32>
          tpu.vector_store %arg12[%swap3A_878, %swap3A_879], %swap3A_882 {strides = array<i32>} : memref<80x128xf32, #tpu.memory_space<vmem>>, vector<1x16xf32>,
          %get3A_883 = arith.index_cast %add3A_849 : i32 to index
          %get3A_884 = arith.constant 48 : index
          %get3A_885 = tpu.vector_load %arg12[%get3A_883, %get3A_884] {strides = array<i32>} : memref<80x128xf32, #tpu.memory_space<vmem>>, vector<1x16xf32>,
          %get3A_886 = vector.shape_cast %get3A_885 : vector<1x16xf32> to vector<16xf32>
          %mul3A_887 = vector.broadcast %squeeze3A_845 : f32 to vector<16xf32>
          %mul3A_888 = arith.mulf %get3A_886, %mul3A_887 : vector<16xf32>
          %swap3A_889 = arith.index_cast %add3A_849 : i32 to index
          %swap3A_890 = arith.constant 48 : index
          %swap3A_891 = tpu.vector_load %arg12[%swap3A_889, %swap3A_890] {strides = array<i32>} : memref<80x128xf32, #tpu.memory_space<vmem>>, vector<1x16xf32>,
          %swap3A_892 = vector.shape_cast %swap3A_891 : vector<1x16xf32> to vector<16xf32>
          %swap3A_893 = vector.shape_cast %mul3A_888 : vector<16xf32> to vector<1x16xf32>
          tpu.vector_store %arg12[%swap3A_889, %swap3A_890], %swap3A_893 {strides = array<i32>} : memref<80x128xf32, #tpu.memory_space<vmem>>, vector<1x16xf32>,
          %get3A_894 = arith.index_cast %add3A_849 : i32 to index
          %get3A_895 = arith.constant 64 : index
          %get3A_896 = tpu.vector_load %arg12[%get3A_894, %get3A_895] {strides = array<i32>} : memref<80x128xf32, #tpu.memory_space<vmem>>, vector<1x16xf32>,
          %get3A_897 = vector.shape_cast %get3A_896 : vector<1x16xf32> to vector<16xf32>
          %mul3A_898 = vector.broadcast %squeeze3A_845 : f32 to vector<16xf32>
          %mul3A_899 = arith.mulf %get3A_897, %mul3A_898 : vector<16xf32>
          %swap3A_900 = arith.index_cast %add3A_849 : i32 to index
          %swap3A_901 = arith.constant 64 : index
          %swap3A_902 = tpu.vector_load %arg12[%swap3A_900, %swap3A_901] {strides = array<i32>} : memref<80x128xf32, #tpu.memory_space<vmem>>, vector<1x16xf32>,
          %swap3A_903 = vector.shape_cast %swap3A_902 : vector<1x16xf32> to vector<16xf32>
          %swap3A_904 = vector.shape_cast %mul3A_899 : vector<16xf32> to vector<1x16xf32>
          tpu.vector_store %arg12[%swap3A_900, %swap3A_901], %swap3A_904 {strides = array<i32>} : memref<80x128xf32, #tpu.memory_space<vmem>>, vector<1x16xf32>,
          %get3A_905 = arith.index_cast %add3A_849 : i32 to index
          %get3A_906 = arith.constant 80 : index
          %get3A_907 = tpu.vector_load %arg12[%get3A_905, %get3A_906] {strides = array<i32>} : memref<80x128xf32, #tpu.memory_space<vmem>>, vector<1x16xf32>,
          %get3A_908 = vector.shape_cast %get3A_907 : vector<1x16xf32> to vector<16xf32>
          %mul3A_909 = vector.broadcast %squeeze3A_845 : f32 to vector<16xf32>
          %mul3A_910 = arith.mulf %get3A_908, %mul3A_909 : vector<16xf32>
          %swap3A_911 = arith.index_cast %add3A_849 : i32 to index
          %swap3A_912 = arith.constant 80 : index
          %swap3A_913 = tpu.vector_load %arg12[%swap3A_911, %swap3A_912] {strides = array<i32>} : memref<80x128xf32, #tpu.memory_space<vmem>>, vector<1x16xf32>,
          %swap3A_914 = vector.shape_cast %swap3A_913 : vector<1x16xf32> to vector<16xf32>
          %swap3A_915 = vector.shape_cast %mul3A_910 : vector<16xf32> to vector<1x16xf32>
          tpu.vector_store %arg12[%swap3A_911, %swap3A_912], %swap3A_915 {strides = array<i32>} : memref<80x128xf32, #tpu.memory_space<vmem>>, vector<1x16xf32>,
          %get3A_916 = arith.index_cast %add3A_849 : i32 to index
          %get3A_917 = arith.constant 96 : index
          %get3A_918 = tpu.vector_load %arg12[%get3A_916, %get3A_917] {strides = array<i32>} : memref<80x128xf32, #tpu.memory_space<vmem>>, vector<1x16xf32>,
          %get3A_919 = vector.shape_cast %get3A_918 : vector<1x16xf32> to vector<16xf32>
          %mul3A_920 = vector.broadcast %squeeze3A_845 : f32 to vector<16xf32>
          %mul3A_921 = arith.mulf %get3A_919, %mul3A_920 : vector<16xf32>
          %swap3A_922 = arith.index_cast %add3A_849 : i32 to index
          %swap3A_923 = arith.constant 96 : index
          %swap3A_924 = tpu.vector_load %arg12[%swap3A_922, %swap3A_923] {strides = array<i32>} : memref<80x128xf32, #tpu.memory_space<vmem>>, vector<1x16xf32>,
          %swap3A_925 = vector.shape_cast %swap3A_924 : vector<1x16xf32> to vector<16xf32>
          %swap3A_926 = vector.shape_cast %mul3A_921 : vector<16xf32> to vector<1x16xf32>
          tpu.vector_store %arg12[%swap3A_922, %swap3A_923], %swap3A_926 {strides = array<i32>} : memref<80x128xf32, #tpu.memory_space<vmem>>, vector<1x16xf32>,
          %get3A_927 = arith.index_cast %add3A_849 : i32 to index
          %get3A_928 = arith.constant 112 : index
          %get3A_929 = tpu.vector_load %arg12[%get3A_927, %get3A_928] {strides = array<i32>} : memref<80x128xf32, #tpu.memory_space<vmem>>, vector<1x16xf32>,
          %get3A_930 = vector.shape_cast %get3A_929 : vector<1x16xf32> to vector<16xf32>
          %mul3A_931 = vector.broadcast %squeeze3A_845 : f32 to vector<16xf32>
          %mul3A_932 = arith.mulf %get3A_930, %mul3A_931 : vector<16xf32>
          %swap3A_933 = arith.index_cast %add3A_849 : i32 to index
          %swap3A_934 = arith.constant 112 : index
          %swap3A_935 = tpu.vector_load %arg12[%swap3A_933, %swap3A_934] {strides = array<i32>} : memref<80x128xf32, #tpu.memory_space<vmem>>, vector<1x16xf32>,
          %swap3A_936 = vector.shape_cast %swap3A_935 : vector<1x16xf32> to vector<16xf32>
          %swap3A_937 = vector.shape_cast %mul3A_932 : vector<16xf32> to vector<1x16xf32>
          tpu.vector_store %arg12[%swap3A_933, %swap3A_934], %swap3A_937 {strides = array<i32>} : memref<80x128xf32, #tpu.memory_space<vmem>>, vector<1x16xf32>,
          %slice3A_938 = vector.extract_strided_slice %get3A_188 {offsets = [8], sizes = [1], strides = [1]} : vector<16xf32> to vector<1xf32>
          %squeeze3A_939 = vector.extract %slice3A_938[0] : f32 from vector<1xf32>
          %mul3A_940 = arith.constant 16 : i32
          %mul3A_941 = arith.muli %scan3A_180, %mul3A_940 : i32
          %add3A_942 = arith.constant 8 : i32
          %add3A_943 = arith.addi %mul3A_941, %add3A_942 : i32
          %get3A_944 = arith.index_cast %add3A_943 : i32 to index
          %get3A_945 = arith.constant 0 : index
          %get3A_946 = tpu.vector_load %arg12[%get3A_944, %get3A_945] {strides = array<i32>} : memref<80x128xf32, #tpu.memory_space<vmem>>, vector<1x16xf32>,
          %get3A_947 = vector.shape_cast %get3A_946 : vector<1x16xf32> to vector<16xf32>
          %mul3A_948 = vector.broadcast %squeeze3A_939 : f32 to vector<16xf32>
          %mul3A_949 = arith.mulf %get3A_947, %mul3A_948 : vector<16xf32>
          %swap3A_950 = arith.index_cast %add3A_943 : i32 to index
          %swap3A_951 = arith.constant 0 : index
          %swap3A_952 = tpu.vector_load %arg12[%swap3A_950, %swap3A_951] {strides = array<i32>} : memref<80x128xf32, #tpu.memory_space<vmem>>, vector<1x16xf32>,
          %swap3A_953 = vector.shape_cast %swap3A_952 : vector<1x16xf32> to vector<16xf32>
          %swap3A_954 = vector.shape_cast %mul3A_949 : vector<16xf32> to vector<1x16xf32>
          tpu.vector_store %arg12[%swap3A_950, %swap3A_951], %swap3A_954 {strides = array<i32>} : memref<80x128xf32, #tpu.memory_space<vmem>>, vector<1x16xf32>,
          %get3A_955 = arith.index_cast %add3A_943 : i32 to index
          %get3A_956 = arith.constant 16 : index
          %get3A_957 = tpu.vector_load %arg12[%get3A_955, %get3A_956] {strides = array<i32>} : memref<80x128xf32, #tpu.memory_space<vmem>>, vector<1x16xf32>,
          %get3A_958 = vector.shape_cast %get3A_957 : vector<1x16xf32> to vector<16xf32>
          %mul3A_959 = vector.broadcast %squeeze3A_939 : f32 to vector<16xf32>
          %mul3A_960 = arith.mulf %get3A_958, %mul3A_959 : vector<16xf32>
          %swap3A_961 = arith.index_cast %add3A_943 : i32 to index
          %swap3A_962 = arith.constant 16 : index
          %swap3A_963 = tpu.vector_load %arg12[%swap3A_961, %swap3A_962] {strides = array<i32>} : memref<80x128xf32, #tpu.memory_space<vmem>>, vector<1x16xf32>,
          %swap3A_964 = vector.shape_cast %swap3A_963 : vector<1x16xf32> to vector<16xf32>
          %swap3A_965 = vector.shape_cast %mul3A_960 : vector<16xf32> to vector<1x16xf32>
          tpu.vector_store %arg12[%swap3A_961, %swap3A_962], %swap3A_965 {strides = array<i32>} : memref<80x128xf32, #tpu.memory_space<vmem>>, vector<1x16xf32>,
          %get3A_966 = arith.index_cast %add3A_943 : i32 to index
          %get3A_967 = arith.constant 32 : index
          %get3A_968 = tpu.vector_load %arg12[%get3A_966, %get3A_967] {strides = array<i32>} : memref<80x128xf32, #tpu.memory_space<vmem>>, vector<1x16xf32>,
          %get3A_969 = vector.shape_cast %get3A_968 : vector<1x16xf32> to vector<16xf32>
          %mul3A_970 = vector.broadcast %squeeze3A_939 : f32 to vector<16xf32>
          %mul3A_971 = arith.mulf %get3A_969, %mul3A_970 : vector<16xf32>
          %swap3A_972 = arith.index_cast %add3A_943 : i32 to index
          %swap3A_973 = arith.constant 32 : index
          %swap3A_974 = tpu.vector_load %arg12[%swap3A_972, %swap3A_973] {strides = array<i32>} : memref<80x128xf32, #tpu.memory_space<vmem>>, vector<1x16xf32>,
          %swap3A_975 = vector.shape_cast %swap3A_974 : vector<1x16xf32> to vector<16xf32>
          %swap3A_976 = vector.shape_cast %mul3A_971 : vector<16xf32> to vector<1x16xf32>
          tpu.vector_store %arg12[%swap3A_972, %swap3A_973], %swap3A_976 {strides = array<i32>} : memref<80x128xf32, #tpu.memory_space<vmem>>, vector<1x16xf32>,
          %get3A_977 = arith.index_cast %add3A_943 : i32 to index
          %get3A_978 = arith.constant 48 : index
          %get3A_979 = tpu.vector_load %arg12[%get3A_977, %get3A_978] {strides = array<i32>} : memref<80x128xf32, #tpu.memory_space<vmem>>, vector<1x16xf32>,
          %get3A_980 = vector.shape_cast %get3A_979 : vector<1x16xf32> to vector<16xf32>
          %mul3A_981 = vector.broadcast %squeeze3A_939 : f32 to vector<16xf32>
          %mul3A_982 = arith.mulf %get3A_980, %mul3A_981 : vector<16xf32>
          %swap3A_983 = arith.index_cast %add3A_943 : i32 to index
          %swap3A_984 = arith.constant 48 : index
          %swap3A_985 = tpu.vector_load %arg12[%swap3A_983, %swap3A_984] {strides = array<i32>} : memref<80x128xf32, #tpu.memory_space<vmem>>, vector<1x16xf32>,
          %swap3A_986 = vector.shape_cast %swap3A_985 : vector<1x16xf32> to vector<16xf32>
          %swap3A_987 = vector.shape_cast %mul3A_982 : vector<16xf32> to vector<1x16xf32>
          tpu.vector_store %arg12[%swap3A_983, %swap3A_984], %swap3A_987 {strides = array<i32>} : memref<80x128xf32, #tpu.memory_space<vmem>>, vector<1x16xf32>,
          %get3A_988 = arith.index_cast %add3A_943 : i32 to index
          %get3A_989 = arith.constant 64 : index
          %get3A_990 = tpu.vector_load %arg12[%get3A_988, %get3A_989] {strides = array<i32>} : memref<80x128xf32, #tpu.memory_space<vmem>>, vector<1x16xf32>,
          %get3A_991 = vector.shape_cast %get3A_990 : vector<1x16xf32> to vector<16xf32>
          %mul3A_992 = vector.broadcast %squeeze3A_939 : f32 to vector<16xf32>
          %mul3A_993 = arith.mulf %get3A_991, %mul3A_992 : vector<16xf32>
          %swap3A_994 = arith.index_cast %add3A_943 : i32 to index
          %swap3A_995 = arith.constant 64 : index
          %swap3A_996 = tpu.vector_load %arg12[%swap3A_994, %swap3A_995] {strides = array<i32>} : memref<80x128xf32, #tpu.memory_space<vmem>>, vector<1x16xf32>,
          %swap3A_997 = vector.shape_cast %swap3A_996 : vector<1x16xf32> to vector<16xf32>
          %swap3A_998 = vector.shape_cast %mul3A_993 : vector<16xf32> to vector<1x16xf32>
          tpu.vector_store %arg12[%swap3A_994, %swap3A_995], %swap3A_998 {strides = array<i32>} : memref<80x128xf32, #tpu.memory_space<vmem>>, vector<1x16xf32>,
          %get3A_999 = arith.index_cast %add3A_943 : i32 to index
          %get3A_1000 = arith.constant 80 : index
          %get3A_1001 = tpu.vector_load %arg12[%get3A_999, %get3A_1000] {strides = array<i32>} : memref<80x128xf32, #tpu.memory_space<vmem>>, vector<1x16xf32>,
          %get3A_1002 = vector.shape_cast %get3A_1001 : vector<1x16xf32> to vector<16xf32>
          %mul3A_1003 = vector.broadcast %squeeze3A_939 : f32 to vector<16xf32>
          %mul3A_1004 = arith.mulf %get3A_1002, %mul3A_1003 : vector<16xf32>
          %swap3A_1005 = arith.index_cast %add3A_943 : i32 to index
          %swap3A_1006 = arith.constant 80 : index
          %swap3A_1007 = tpu.vector_load %arg12[%swap3A_1005, %swap3A_1006] {strides = array<i32>} : memref<80x128xf32, #tpu.memory_space<vmem>>, vector<1x16xf32>,
          %swap3A_1008 = vector.shape_cast %swap3A_1007 : vector<1x16xf32> to vector<16xf32>
          %swap3A_1009 = vector.shape_cast %mul3A_1004 : vector<16xf32> to vector<1x16xf32>
          tpu.vector_store %arg12[%swap3A_1005, %swap3A_1006], %swap3A_1009 {strides = array<i32>} : memref<80x128xf32, #tpu.memory_space<vmem>>, vector<1x16xf32>,
          %get3A_1010 = arith.index_cast %add3A_943 : i32 to index
          %get3A_1011 = arith.constant 96 : index
          %get3A_1012 = tpu.vector_load %arg12[%get3A_1010, %get3A_1011] {strides = array<i32>} : memref<80x128xf32, #tpu.memory_space<vmem>>, vector<1x16xf32>,
          %get3A_1013 = vector.shape_cast %get3A_1012 : vector<1x16xf32> to vector<16xf32>
          %mul3A_1014 = vector.broadcast %squeeze3A_939 : f32 to vector<16xf32>
          %mul3A_1015 = arith.mulf %get3A_1013, %mul3A_1014 : vector<16xf32>
          %swap3A_1016 = arith.index_cast %add3A_943 : i32 to index
          %swap3A_1017 = arith.constant 96 : index
          %swap3A_1018 = tpu.vector_load %arg12[%swap3A_1016, %swap3A_1017] {strides = array<i32>} : memref<80x128xf32, #tpu.memory_space<vmem>>, vector<1x16xf32>,
          %swap3A_1019 = vector.shape_cast %swap3A_1018 : vector<1x16xf32> to vector<16xf32>
          %swap3A_1020 = vector.shape_cast %mul3A_1015 : vector<16xf32> to vector<1x16xf32>
          tpu.vector_store %arg12[%swap3A_1016, %swap3A_1017], %swap3A_1020 {strides = array<i32>} : memref<80x128xf32, #tpu.memory_space<vmem>>, vector<1x16xf32>,
          %get3A_1021 = arith.index_cast %add3A_943 : i32 to index
          %get3A_1022 = arith.constant 112 : index
          %get3A_1023 = tpu.vector_load %arg12[%get3A_1021, %get3A_1022] {strides = array<i32>} : memref<80x128xf32, #tpu.memory_space<vmem>>, vector<1x16xf32>,
          %get3A_1024 = vector.shape_cast %get3A_1023 : vector<1x16xf32> to vector<16xf32>
          %mul3A_1025 = vector.broadcast %squeeze3A_939 : f32 to vector<16xf32>
          %mul3A_1026 = arith.mulf %get3A_1024, %mul3A_1025 : vector<16xf32>
          %swap3A_1027 = arith.index_cast %add3A_943 : i32 to index
          %swap3A_1028 = arith.constant 112 : index
          %swap3A_1029 = tpu.vector_load %arg12[%swap3A_1027, %swap3A_1028] {strides = array<i32>} : memref<80x128xf32, #tpu.memory_space<vmem>>, vector<1x16xf32>,
          %swap3A_1030 = vector.shape_cast %swap3A_1029 : vector<1x16xf32> to vector<16xf32>
          %swap3A_1031 = vector.shape_cast %mul3A_1026 : vector<16xf32> to vector<1x16xf32>
          tpu.vector_store %arg12[%swap3A_1027, %swap3A_1028], %swap3A_1031 {strides = array<i32>} : memref<80x128xf32, #tpu.memory_space<vmem>>, vector<1x16xf32>,
          %slice3A_1032 = vector.extract_strided_slice %get3A_188 {offsets = [9], sizes = [1], strides = [1]} : vector<16xf32> to vector<1xf32>
          %squeeze3A_1033 = vector.extract %slice3A_1032[0] : f32 from vector<1xf32>
          %mul3A_1034 = arith.constant 16 : i32
          %mul3A_1035 = arith.muli %scan3A_180, %mul3A_1034 : i32
          %add3A_1036 = arith.constant 9 : i32
          %add3A_1037 = arith.addi %mul3A_1035, %add3A_1036 : i32
          %get3A_1038 = arith.index_cast %add3A_1037 : i32 to index
          %get3A_1039 = arith.constant 0 : index
          %get3A_1040 = tpu.vector_load %arg12[%get3A_1038, %get3A_1039] {strides = array<i32>} : memref<80x128xf32, #tpu.memory_space<vmem>>, vector<1x16xf32>,
          %get3A_1041 = vector.shape_cast %get3A_1040 : vector<1x16xf32> to vector<16xf32>
          %mul3A_1042 = vector.broadcast %squeeze3A_1033 : f32 to vector<16xf32>
          %mul3A_1043 = arith.mulf %get3A_1041, %mul3A_1042 : vector<16xf32>
          %swap3A_1044 = arith.index_cast %add3A_1037 : i32 to index
          %swap3A_1045 = arith.constant 0 : index
          %swap3A_1046 = tpu.vector_load %arg12[%swap3A_1044, %swap3A_1045] {strides = array<i32>} : memref<80x128xf32, #tpu.memory_space<vmem>>, vector<1x16xf32>,
          %swap3A_1047 = vector.shape_cast %swap3A_1046 : vector<1x16xf32> to vector<16xf32>
          %swap3A_1048 = vector.shape_cast %mul3A_1043 : vector<16xf32> to vector<1x16xf32>
          tpu.vector_store %arg12[%swap3A_1044, %swap3A_1045], %swap3A_1048 {strides = array<i32>} : memref<80x128xf32, #tpu.memory_space<vmem>>, vector<1x16xf32>,
          %get3A_1049 = arith.index_cast %add3A_1037 : i32 to index
          %get3A_1050 = arith.constant 16 : index
          %get3A_1051 = tpu.vector_load %arg12[%get3A_1049, %get3A_1050] {strides = array<i32>} : memref<80x128xf32, #tpu.memory_space<vmem>>, vector<1x16xf32>,
          %get3A_1052 = vector.shape_cast %get3A_1051 : vector<1x16xf32> to vector<16xf32>
          %mul3A_1053 = vector.broadcast %squeeze3A_1033 : f32 to vector<16xf32>
          %mul3A_1054 = arith.mulf %get3A_1052, %mul3A_1053 : vector<16xf32>
          %swap3A_1055 = arith.index_cast %add3A_1037 : i32 to index
          %swap3A_1056 = arith.constant 16 : index
          %swap3A_1057 = tpu.vector_load %arg12[%swap3A_1055, %swap3A_1056] {strides = array<i32>} : memref<80x128xf32, #tpu.memory_space<vmem>>, vector<1x16xf32>,
          %swap3A_1058 = vector.shape_cast %swap3A_1057 : vector<1x16xf32> to vector<16xf32>
          %swap3A_1059 = vector.shape_cast %mul3A_1054 : vector<16xf32> to vector<1x16xf32>
          tpu.vector_store %arg12[%swap3A_1055, %swap3A_1056], %swap3A_1059 {strides = array<i32>} : memref<80x128xf32, #tpu.memory_space<vmem>>, vector<1x16xf32>,
          %get3A_1060 = arith.index_cast %add3A_1037 : i32 to index
          %get3A_1061 = arith.constant 32 : index
          %get3A_1062 = tpu.vector_load %arg12[%get3A_1060, %get3A_1061] {strides = array<i32>} : memref<80x128xf32, #tpu.memory_space<vmem>>, vector<1x16xf32>,
          %get3A_1063 = vector.shape_cast %get3A_1062 : vector<1x16xf32> to vector<16xf32>
          %mul3A_1064 = vector.broadcast %squeeze3A_1033 : f32 to vector<16xf32>
          %mul3A_1065 = arith.mulf %get3A_1063, %mul3A_1064 : vector<16xf32>
          %swap3A_1066 = arith.index_cast %add3A_1037 : i32 to index
          %swap3A_1067 = arith.constant 32 : index
          %swap3A_1068 = tpu.vector_load %arg12[%swap3A_1066, %swap3A_1067] {strides = array<i32>} : memref<80x128xf32, #tpu.memory_space<vmem>>, vector<1x16xf32>,
          %swap3A_1069 = vector.shape_cast %swap3A_1068 : vector<1x16xf32> to vector<16xf32>
          %swap3A_1070 = vector.shape_cast %mul3A_1065 : vector<16xf32> to vector<1x16xf32>
          tpu.vector_store %arg12[%swap3A_1066, %swap3A_1067], %swap3A_1070 {strides = array<i32>} : memref<80x128xf32, #tpu.memory_space<vmem>>, vector<1x16xf32>,
          %get3A_1071 = arith.index_cast %add3A_1037 : i32 to index
          %get3A_1072 = arith.constant 48 : index
          %get3A_1073 = tpu.vector_load %arg12[%get3A_1071, %get3A_1072] {strides = array<i32>} : memref<80x128xf32, #tpu.memory_space<vmem>>, vector<1x16xf32>,
          %get3A_1074 = vector.shape_cast %get3A_1073 : vector<1x16xf32> to vector<16xf32>
          %mul3A_1075 = vector.broadcast %squeeze3A_1033 : f32 to vector<16xf32>
          %mul3A_1076 = arith.mulf %get3A_1074, %mul3A_1075 : vector<16xf32>
          %swap3A_1077 = arith.index_cast %add3A_1037 : i32 to index
          %swap3A_1078 = arith.constant 48 : index
          %swap3A_1079 = tpu.vector_load %arg12[%swap3A_1077, %swap3A_1078] {strides = array<i32>} : memref<80x128xf32, #tpu.memory_space<vmem>>, vector<1x16xf32>,
          %swap3A_1080 = vector.shape_cast %swap3A_1079 : vector<1x16xf32> to vector<16xf32>
          %swap3A_1081 = vector.shape_cast %mul3A_1076 : vector<16xf32> to vector<1x16xf32>
          tpu.vector_store %arg12[%swap3A_1077, %swap3A_1078], %swap3A_1081 {strides = array<i32>} : memref<80x128xf32, #tpu.memory_space<vmem>>, vector<1x16xf32>,
          %get3A_1082 = arith.index_cast %add3A_1037 : i32 to index
          %get3A_1083 = arith.constant 64 : index
          %get3A_1084 = tpu.vector_load %arg12[%get3A_1082, %get3A_1083] {strides = array<i32>} : memref<80x128xf32, #tpu.memory_space<vmem>>, vector<1x16xf32>,
          %get3A_1085 = vector.shape_cast %get3A_1084 : vector<1x16xf32> to vector<16xf32>
          %mul3A_1086 = vector.broadcast %squeeze3A_1033 : f32 to vector<16xf32>
          %mul3A_1087 = arith.mulf %get3A_1085, %mul3A_1086 : vector<16xf32>
          %swap3A_1088 = arith.index_cast %add3A_1037 : i32 to index
          %swap3A_1089 = arith.constant 64 : index
          %swap3A_1090 = tpu.vector_load %arg12[%swap3A_1088, %swap3A_1089] {strides = array<i32>} : memref<80x128xf32, #tpu.memory_space<vmem>>, vector<1x16xf32>,
          %swap3A_1091 = vector.shape_cast %swap3A_1090 : vector<1x16xf32> to vector<16xf32>
          %swap3A_1092 = vector.shape_cast %mul3A_1087 : vector<16xf32> to vector<1x16xf32>
          tpu.vector_store %arg12[%swap3A_1088, %swap3A_1089], %swap3A_1092 {strides = array<i32>} : memref<80x128xf32, #tpu.memory_space<vmem>>, vector<1x16xf32>,
          %get3A_1093 = arith.index_cast %add3A_1037 : i32 to index
          %get3A_1094 = arith.constant 80 : index
          %get3A_1095 = tpu.vector_load %arg12[%get3A_1093, %get3A_1094] {strides = array<i32>} : memref<80x128xf32, #tpu.memory_space<vmem>>, vector<1x16xf32>,
          %get3A_1096 = vector.shape_cast %get3A_1095 : vector<1x16xf32> to vector<16xf32>
          %mul3A_1097 = vector.broadcast %squeeze3A_1033 : f32 to vector<16xf32>
          %mul3A_1098 = arith.mulf %get3A_1096, %mul3A_1097 : vector<16xf32>
          %swap3A_1099 = arith.index_cast %add3A_1037 : i32 to index
          %swap3A_1100 = arith.constant 80 : index
          %swap3A_1101 = tpu.vector_load %arg12[%swap3A_1099, %swap3A_1100] {strides = array<i32>} : memref<80x128xf32, #tpu.memory_space<vmem>>, vector<1x16xf32>,
          %swap3A_1102 = vector.shape_cast %swap3A_1101 : vector<1x16xf32> to vector<16xf32>
          %swap3A_1103 = vector.shape_cast %mul3A_1098 : vector<16xf32> to vector<1x16xf32>
          tpu.vector_store %arg12[%swap3A_1099, %swap3A_1100], %swap3A_1103 {strides = array<i32>} : memref<80x128xf32, #tpu.memory_space<vmem>>, vector<1x16xf32>,
          %get3A_1104 = arith.index_cast %add3A_1037 : i32 to index
          %get3A_1105 = arith.constant 96 : index
          %get3A_1106 = tpu.vector_load %arg12[%get3A_1104, %get3A_1105] {strides = array<i32>} : memref<80x128xf32, #tpu.memory_space<vmem>>, vector<1x16xf32>,
          %get3A_1107 = vector.shape_cast %get3A_1106 : vector<1x16xf32> to vector<16xf32>
          %mul3A_1108 = vector.broadcast %squeeze3A_1033 : f32 to vector<16xf32>
          %mul3A_1109 = arith.mulf %get3A_1107, %mul3A_1108 : vector<16xf32>
          %swap3A_1110 = arith.index_cast %add3A_1037 : i32 to index
          %swap3A_1111 = arith.constant 96 : index
          %swap3A_1112 = tpu.vector_load %arg12[%swap3A_1110, %swap3A_1111] {strides = array<i32>} : memref<80x128xf32, #tpu.memory_space<vmem>>, vector<1x16xf32>,
          %swap3A_1113 = vector.shape_cast %swap3A_1112 : vector<1x16xf32> to vector<16xf32>
          %swap3A_1114 = vector.shape_cast %mul3A_1109 : vector<16xf32> to vector<1x16xf32>
          tpu.vector_store %arg12[%swap3A_1110, %swap3A_1111], %swap3A_1114 {strides = array<i32>} : memref<80x128xf32, #tpu.memory_space<vmem>>, vector<1x16xf32>,
          %get3A_1115 = arith.index_cast %add3A_1037 : i32 to index
          %get3A_1116 = arith.constant 112 : index
          %get3A_1117 = tpu.vector_load %arg12[%get3A_1115, %get3A_1116] {strides = array<i32>} : memref<80x128xf32, #tpu.memory_space<vmem>>, vector<1x16xf32>,
          %get3A_1118 = vector.shape_cast %get3A_1117 : vector<1x16xf32> to vector<16xf32>
          %mul3A_1119 = vector.broadcast %squeeze3A_1033 : f32 to vector<16xf32>
          %mul3A_1120 = arith.mulf %get3A_1118, %mul3A_1119 : vector<16xf32>
          %swap3A_1121 = arith.index_cast %add3A_1037 : i32 to index
          %swap3A_1122 = arith.constant 112 : index
          %swap3A_1123 = tpu.vector_load %arg12[%swap3A_1121, %swap3A_1122] {strides = array<i32>} : memref<80x128xf32, #tpu.memory_space<vmem>>, vector<1x16xf32>,
          %swap3A_1124 = vector.shape_cast %swap3A_1123 : vector<1x16xf32> to vector<16xf32>
          %swap3A_1125 = vector.shape_cast %mul3A_1120 : vector<16xf32> to vector<1x16xf32>
          tpu.vector_store %arg12[%swap3A_1121, %swap3A_1122], %swap3A_1125 {strides = array<i32>} : memref<80x128xf32, #tpu.memory_space<vmem>>, vector<1x16xf32>,
          %slice3A_1126 = vector.extract_strided_slice %get3A_188 {offsets = [10], sizes = [1], strides = [1]} : vector<16xf32> to vector<1xf32>
          %squeeze3A_1127 = vector.extract %slice3A_1126[0] : f32 from vector<1xf32>
          %mul3A_1128 = arith.constant 16 : i32
          %mul3A_1129 = arith.muli %scan3A_180, %mul3A_1128 : i32
          %add3A_1130 = arith.constant 10 : i32
          %add3A_1131 = arith.addi %mul3A_1129, %add3A_1130 : i32
          %get3A_1132 = arith.index_cast %add3A_1131 : i32 to index
          %get3A_1133 = arith.constant 0 : index
          %get3A_1134 = tpu.vector_load %arg12[%get3A_1132, %get3A_1133] {strides = array<i32>} : memref<80x128xf32, #tpu.memory_space<vmem>>, vector<1x16xf32>,
          %get3A_1135 = vector.shape_cast %get3A_1134 : vector<1x16xf32> to vector<16xf32>
          %mul3A_1136 = vector.broadcast %squeeze3A_1127 : f32 to vector<16xf32>
          %mul3A_1137 = arith.mulf %get3A_1135, %mul3A_1136 : vector<16xf32>
          %swap3A_1138 = arith.index_cast %add3A_1131 : i32 to index
          %swap3A_1139 = arith.constant 0 : index
          %swap3A_1140 = tpu.vector_load %arg12[%swap3A_1138, %swap3A_1139] {strides = array<i32>} : memref<80x128xf32, #tpu.memory_space<vmem>>, vector<1x16xf32>,
          %swap3A_1141 = vector.shape_cast %swap3A_1140 : vector<1x16xf32> to vector<16xf32>
          %swap3A_1142 = vector.shape_cast %mul3A_1137 : vector<16xf32> to vector<1x16xf32>
          tpu.vector_store %arg12[%swap3A_1138, %swap3A_1139], %swap3A_1142 {strides = array<i32>} : memref<80x128xf32, #tpu.memory_space<vmem>>, vector<1x16xf32>,
          %get3A_1143 = arith.index_cast %add3A_1131 : i32 to index
          %get3A_1144 = arith.constant 16 : index
          %get3A_1145 = tpu.vector_load %arg12[%get3A_1143, %get3A_1144] {strides = array<i32>} : memref<80x128xf32, #tpu.memory_space<vmem>>, vector<1x16xf32>,
          %get3A_1146 = vector.shape_cast %get3A_1145 : vector<1x16xf32> to vector<16xf32>
          %mul3A_1147 = vector.broadcast %squeeze3A_1127 : f32 to vector<16xf32>
          %mul3A_1148 = arith.mulf %get3A_1146, %mul3A_1147 : vector<16xf32>
          %swap3A_1149 = arith.index_cast %add3A_1131 : i32 to index
          %swap3A_1150 = arith.constant 16 : index
          %swap3A_1151 = tpu.vector_load %arg12[%swap3A_1149, %swap3A_1150] {strides = array<i32>} : memref<80x128xf32, #tpu.memory_space<vmem>>, vector<1x16xf32>,
          %swap3A_1152 = vector.shape_cast %swap3A_1151 : vector<1x16xf32> to vector<16xf32>
          %swap3A_1153 = vector.shape_cast %mul3A_1148 : vector<16xf32> to vector<1x16xf32>
          tpu.vector_store %arg12[%swap3A_1149, %swap3A_1150], %swap3A_1153 {strides = array<i32>} : memref<80x128xf32, #tpu.memory_space<vmem>>, vector<1x16xf32>,
          %get3A_1154 = arith.index_cast %add3A_1131 : i32 to index
          %get3A_1155 = arith.constant 32 : index
          %get3A_1156 = tpu.vector_load %arg12[%get3A_1154, %get3A_1155] {strides = array<i32>} : memref<80x128xf32, #tpu.memory_space<vmem>>, vector<1x16xf32>,
          %get3A_1157 = vector.shape_cast %get3A_1156 : vector<1x16xf32> to vector<16xf32>
          %mul3A_1158 = vector.broadcast %squeeze3A_1127 : f32 to vector<16xf32>
          %mul3A_1159 = arith.mulf %get3A_1157, %mul3A_1158 : vector<16xf32>
          %swap3A_1160 = arith.index_cast %add3A_1131 : i32 to index
          %swap3A_1161 = arith.constant 32 : index
          %swap3A_1162 = tpu.vector_load %arg12[%swap3A_1160, %swap3A_1161] {strides = array<i32>} : memref<80x128xf32, #tpu.memory_space<vmem>>, vector<1x16xf32>,
          %swap3A_1163 = vector.shape_cast %swap3A_1162 : vector<1x16xf32> to vector<16xf32>
          %swap3A_1164 = vector.shape_cast %mul3A_1159 : vector<16xf32> to vector<1x16xf32>
          tpu.vector_store %arg12[%swap3A_1160, %swap3A_1161], %swap3A_1164 {strides = array<i32>} : memref<80x128xf32, #tpu.memory_space<vmem>>, vector<1x16xf32>,
          %get3A_1165 = arith.index_cast %add3A_1131 : i32 to index
          %get3A_1166 = arith.constant 48 : index
          %get3A_1167 = tpu.vector_load %arg12[%get3A_1165, %get3A_1166] {strides = array<i32>} : memref<80x128xf32, #tpu.memory_space<vmem>>, vector<1x16xf32>,
          %get3A_1168 = vector.shape_cast %get3A_1167 : vector<1x16xf32> to vector<16xf32>
          %mul3A_1169 = vector.broadcast %squeeze3A_1127 : f32 to vector<16xf32>
          %mul3A_1170 = arith.mulf %get3A_1168, %mul3A_1169 : vector<16xf32>
          %swap3A_1171 = arith.index_cast %add3A_1131 : i32 to index
          %swap3A_1172 = arith.constant 48 : index
          %swap3A_1173 = tpu.vector_load %arg12[%swap3A_1171, %swap3A_1172] {strides = array<i32>} : memref<80x128xf32, #tpu.memory_space<vmem>>, vector<1x16xf32>,
          %swap3A_1174 = vector.shape_cast %swap3A_1173 : vector<1x16xf32> to vector<16xf32>
          %swap3A_1175 = vector.shape_cast %mul3A_1170 : vector<16xf32> to vector<1x16xf32>
          tpu.vector_store %arg12[%swap3A_1171, %swap3A_1172], %swap3A_1175 {strides = array<i32>} : memref<80x128xf32, #tpu.memory_space<vmem>>, vector<1x16xf32>,
          %get3A_1176 = arith.index_cast %add3A_1131 : i32 to index
          %get3A_1177 = arith.constant 64 : index
          %get3A_1178 = tpu.vector_load %arg12[%get3A_1176, %get3A_1177] {strides = array<i32>} : memref<80x128xf32, #tpu.memory_space<vmem>>, vector<1x16xf32>,
          %get3A_1179 = vector.shape_cast %get3A_1178 : vector<1x16xf32> to vector<16xf32>
          %mul3A_1180 = vector.broadcast %squeeze3A_1127 : f32 to vector<16xf32>
          %mul3A_1181 = arith.mulf %get3A_1179, %mul3A_1180 : vector<16xf32>
          %swap3A_1182 = arith.index_cast %add3A_1131 : i32 to index
          %swap3A_1183 = arith.constant 64 : index
          %swap3A_1184 = tpu.vector_load %arg12[%swap3A_1182, %swap3A_1183] {strides = array<i32>} : memref<80x128xf32, #tpu.memory_space<vmem>>, vector<1x16xf32>,
          %swap3A_1185 = vector.shape_cast %swap3A_1184 : vector<1x16xf32> to vector<16xf32>
          %swap3A_1186 = vector.shape_cast %mul3A_1181 : vector<16xf32> to vector<1x16xf32>
          tpu.vector_store %arg12[%swap3A_1182, %swap3A_1183], %swap3A_1186 {strides = array<i32>} : memref<80x128xf32, #tpu.memory_space<vmem>>, vector<1x16xf32>,
          %get3A_1187 = arith.index_cast %add3A_1131 : i32 to index
          %get3A_1188 = arith.constant 80 : index
          %get3A_1189 = tpu.vector_load %arg12[%get3A_1187, %get3A_1188] {strides = array<i32>} : memref<80x128xf32, #tpu.memory_space<vmem>>, vector<1x16xf32>,
          %get3A_1190 = vector.shape_cast %get3A_1189 : vector<1x16xf32> to vector<16xf32>
          %mul3A_1191 = vector.broadcast %squeeze3A_1127 : f32 to vector<16xf32>
          %mul3A_1192 = arith.mulf %get3A_1190, %mul3A_1191 : vector<16xf32>
          %swap3A_1193 = arith.index_cast %add3A_1131 : i32 to index
          %swap3A_1194 = arith.constant 80 : index
          %swap3A_1195 = tpu.vector_load %arg12[%swap3A_1193, %swap3A_1194] {strides = array<i32>} : memref<80x128xf32, #tpu.memory_space<vmem>>, vector<1x16xf32>,
          %swap3A_1196 = vector.shape_cast %swap3A_1195 : vector<1x16xf32> to vector<16xf32>
          %swap3A_1197 = vector.shape_cast %mul3A_1192 : vector<16xf32> to vector<1x16xf32>
          tpu.vector_store %arg12[%swap3A_1193, %swap3A_1194], %swap3A_1197 {strides = array<i32>} : memref<80x128xf32, #tpu.memory_space<vmem>>, vector<1x16xf32>,
          %get3A_1198 = arith.index_cast %add3A_1131 : i32 to index
          %get3A_1199 = arith.constant 96 : index
          %get3A_1200 = tpu.vector_load %arg12[%get3A_1198, %get3A_1199] {strides = array<i32>} : memref<80x128xf32, #tpu.memory_space<vmem>>, vector<1x16xf32>,
          %get3A_1201 = vector.shape_cast %get3A_1200 : vector<1x16xf32> to vector<16xf32>
          %mul3A_1202 = vector.broadcast %squeeze3A_1127 : f32 to vector<16xf32>
          %mul3A_1203 = arith.mulf %get3A_1201, %mul3A_1202 : vector<16xf32>
          %swap3A_1204 = arith.index_cast %add3A_1131 : i32 to index
          %swap3A_1205 = arith.constant 96 : index
          %swap3A_1206 = tpu.vector_load %arg12[%swap3A_1204, %swap3A_1205] {strides = array<i32>} : memref<80x128xf32, #tpu.memory_space<vmem>>, vector<1x16xf32>,
          %swap3A_1207 = vector.shape_cast %swap3A_1206 : vector<1x16xf32> to vector<16xf32>
          %swap3A_1208 = vector.shape_cast %mul3A_1203 : vector<16xf32> to vector<1x16xf32>
          tpu.vector_store %arg12[%swap3A_1204, %swap3A_1205], %swap3A_1208 {strides = array<i32>} : memref<80x128xf32, #tpu.memory_space<vmem>>, vector<1x16xf32>,
          %get3A_1209 = arith.index_cast %add3A_1131 : i32 to index
          %get3A_1210 = arith.constant 112 : index
          %get3A_1211 = tpu.vector_load %arg12[%get3A_1209, %get3A_1210] {strides = array<i32>} : memref<80x128xf32, #tpu.memory_space<vmem>>, vector<1x16xf32>,
          %get3A_1212 = vector.shape_cast %get3A_1211 : vector<1x16xf32> to vector<16xf32>
          %mul3A_1213 = vector.broadcast %squeeze3A_1127 : f32 to vector<16xf32>
          %mul3A_1214 = arith.mulf %get3A_1212, %mul3A_1213 : vector<16xf32>
          %swap3A_1215 = arith.index_cast %add3A_1131 : i32 to index
          %swap3A_1216 = arith.constant 112 : index
          %swap3A_1217 = tpu.vector_load %arg12[%swap3A_1215, %swap3A_1216] {strides = array<i32>} : memref<80x128xf32, #tpu.memory_space<vmem>>, vector<1x16xf32>,
          %swap3A_1218 = vector.shape_cast %swap3A_1217 : vector<1x16xf32> to vector<16xf32>
          %swap3A_1219 = vector.shape_cast %mul3A_1214 : vector<16xf32> to vector<1x16xf32>
          tpu.vector_store %arg12[%swap3A_1215, %swap3A_1216], %swap3A_1219 {strides = array<i32>} : memref<80x128xf32, #tpu.memory_space<vmem>>, vector<1x16xf32>,
          %slice3A_1220 = vector.extract_strided_slice %get3A_188 {offsets = [11], sizes = [1], strides = [1]} : vector<16xf32> to vector<1xf32>
          %squeeze3A_1221 = vector.extract %slice3A_1220[0] : f32 from vector<1xf32>
          %mul3A_1222 = arith.constant 16 : i32
          %mul3A_1223 = arith.muli %scan3A_180, %mul3A_1222 : i32
          %add3A_1224 = arith.constant 11 : i32
          %add3A_1225 = arith.addi %mul3A_1223, %add3A_1224 : i32
          %get3A_1226 = arith.index_cast %add3A_1225 : i32 to index
          %get3A_1227 = arith.constant 0 : index
          %get3A_1228 = tpu.vector_load %arg12[%get3A_1226, %get3A_1227] {strides = array<i32>} : memref<80x128xf32, #tpu.memory_space<vmem>>, vector<1x16xf32>,
          %get3A_1229 = vector.shape_cast %get3A_1228 : vector<1x16xf32> to vector<16xf32>
          %mul3A_1230 = vector.broadcast %squeeze3A_1221 : f32 to vector<16xf32>
          %mul3A_1231 = arith.mulf %get3A_1229, %mul3A_1230 : vector<16xf32>
          %swap3A_1232 = arith.index_cast %add3A_1225 : i32 to index
          %swap3A_1233 = arith.constant 0 : index
          %swap3A_1234 = tpu.vector_load %arg12[%swap3A_1232, %swap3A_1233] {strides = array<i32>} : memref<80x128xf32, #tpu.memory_space<vmem>>, vector<1x16xf32>,
          %swap3A_1235 = vector.shape_cast %swap3A_1234 : vector<1x16xf32> to vector<16xf32>
          %swap3A_1236 = vector.shape_cast %mul3A_1231 : vector<16xf32> to vector<1x16xf32>
          tpu.vector_store %arg12[%swap3A_1232, %swap3A_1233], %swap3A_1236 {strides = array<i32>} : memref<80x128xf32, #tpu.memory_space<vmem>>, vector<1x16xf32>,
          %get3A_1237 = arith.index_cast %add3A_1225 : i32 to index
          %get3A_1238 = arith.constant 16 : index
          %get3A_1239 = tpu.vector_load %arg12[%get3A_1237, %get3A_1238] {strides = array<i32>} : memref<80x128xf32, #tpu.memory_space<vmem>>, vector<1x16xf32>,
          %get3A_1240 = vector.shape_cast %get3A_1239 : vector<1x16xf32> to vector<16xf32>
          %mul3A_1241 = vector.broadcast %squeeze3A_1221 : f32 to vector<16xf32>
          %mul3A_1242 = arith.mulf %get3A_1240, %mul3A_1241 : vector<16xf32>
          %swap3A_1243 = arith.index_cast %add3A_1225 : i32 to index
          %swap3A_1244 = arith.constant 16 : index
          %swap3A_1245 = tpu.vector_load %arg12[%swap3A_1243, %swap3A_1244] {strides = array<i32>} : memref<80x128xf32, #tpu.memory_space<vmem>>, vector<1x16xf32>,
          %swap3A_1246 = vector.shape_cast %swap3A_1245 : vector<1x16xf32> to vector<16xf32>
          %swap3A_1247 = vector.shape_cast %mul3A_1242 : vector<16xf32> to vector<1x16xf32>
          tpu.vector_store %arg12[%swap3A_1243, %swap3A_1244], %swap3A_1247 {strides = array<i32>} : memref<80x128xf32, #tpu.memory_space<vmem>>, vector<1x16xf32>,
          %get3A_1248 = arith.index_cast %add3A_1225 : i32 to index
          %get3A_1249 = arith.constant 32 : index
          %get3A_1250 = tpu.vector_load %arg12[%get3A_1248, %get3A_1249] {strides = array<i32>} : memref<80x128xf32, #tpu.memory_space<vmem>>, vector<1x16xf32>,
          %get3A_1251 = vector.shape_cast %get3A_1250 : vector<1x16xf32> to vector<16xf32>
          %mul3A_1252 = vector.broadcast %squeeze3A_1221 : f32 to vector<16xf32>
          %mul3A_1253 = arith.mulf %get3A_1251, %mul3A_1252 : vector<16xf32>
          %swap3A_1254 = arith.index_cast %add3A_1225 : i32 to index
          %swap3A_1255 = arith.constant 32 : index
          %swap3A_1256 = tpu.vector_load %arg12[%swap3A_1254, %swap3A_1255] {strides = array<i32>} : memref<80x128xf32, #tpu.memory_space<vmem>>, vector<1x16xf32>,
          %swap3A_1257 = vector.shape_cast %swap3A_1256 : vector<1x16xf32> to vector<16xf32>
          %swap3A_1258 = vector.shape_cast %mul3A_1253 : vector<16xf32> to vector<1x16xf32>
          tpu.vector_store %arg12[%swap3A_1254, %swap3A_1255], %swap3A_1258 {strides = array<i32>} : memref<80x128xf32, #tpu.memory_space<vmem>>, vector<1x16xf32>,
          %get3A_1259 = arith.index_cast %add3A_1225 : i32 to index
          %get3A_1260 = arith.constant 48 : index
          %get3A_1261 = tpu.vector_load %arg12[%get3A_1259, %get3A_1260] {strides = array<i32>} : memref<80x128xf32, #tpu.memory_space<vmem>>, vector<1x16xf32>,
          %get3A_1262 = vector.shape_cast %get3A_1261 : vector<1x16xf32> to vector<16xf32>
          %mul3A_1263 = vector.broadcast %squeeze3A_1221 : f32 to vector<16xf32>
          %mul3A_1264 = arith.mulf %get3A_1262, %mul3A_1263 : vector<16xf32>
          %swap3A_1265 = arith.index_cast %add3A_1225 : i32 to index
          %swap3A_1266 = arith.constant 48 : index
          %swap3A_1267 = tpu.vector_load %arg12[%swap3A_1265, %swap3A_1266] {strides = array<i32>} : memref<80x128xf32, #tpu.memory_space<vmem>>, vector<1x16xf32>,
          %swap3A_1268 = vector.shape_cast %swap3A_1267 : vector<1x16xf32> to vector<16xf32>
          %swap3A_1269 = vector.shape_cast %mul3A_1264 : vector<16xf32> to vector<1x16xf32>
          tpu.vector_store %arg12[%swap3A_1265, %swap3A_1266], %swap3A_1269 {strides = array<i32>} : memref<80x128xf32, #tpu.memory_space<vmem>>, vector<1x16xf32>,
          %get3A_1270 = arith.index_cast %add3A_1225 : i32 to index
          %get3A_1271 = arith.constant 64 : index
          %get3A_1272 = tpu.vector_load %arg12[%get3A_1270, %get3A_1271] {strides = array<i32>} : memref<80x128xf32, #tpu.memory_space<vmem>>, vector<1x16xf32>,
          %get3A_1273 = vector.shape_cast %get3A_1272 : vector<1x16xf32> to vector<16xf32>
          %mul3A_1274 = vector.broadcast %squeeze3A_1221 : f32 to vector<16xf32>
          %mul3A_1275 = arith.mulf %get3A_1273, %mul3A_1274 : vector<16xf32>
          %swap3A_1276 = arith.index_cast %add3A_1225 : i32 to index
          %swap3A_1277 = arith.constant 64 : index
          %swap3A_1278 = tpu.vector_load %arg12[%swap3A_1276, %swap3A_1277] {strides = array<i32>} : memref<80x128xf32, #tpu.memory_space<vmem>>, vector<1x16xf32>,
          %swap3A_1279 = vector.shape_cast %swap3A_1278 : vector<1x16xf32> to vector<16xf32>
          %swap3A_1280 = vector.shape_cast %mul3A_1275 : vector<16xf32> to vector<1x16xf32>
          tpu.vector_store %arg12[%swap3A_1276, %swap3A_1277], %swap3A_1280 {strides = array<i32>} : memref<80x128xf32, #tpu.memory_space<vmem>>, vector<1x16xf32>,
          %get3A_1281 = arith.index_cast %add3A_1225 : i32 to index
          %get3A_1282 = arith.constant 80 : index
          %get3A_1283 = tpu.vector_load %arg12[%get3A_1281, %get3A_1282] {strides = array<i32>} : memref<80x128xf32, #tpu.memory_space<vmem>>, vector<1x16xf32>,
          %get3A_1284 = vector.shape_cast %get3A_1283 : vector<1x16xf32> to vector<16xf32>
          %mul3A_1285 = vector.broadcast %squeeze3A_1221 : f32 to vector<16xf32>
          %mul3A_1286 = arith.mulf %get3A_1284, %mul3A_1285 : vector<16xf32>
          %swap3A_1287 = arith.index_cast %add3A_1225 : i32 to index
          %swap3A_1288 = arith.constant 80 : index
          %swap3A_1289 = tpu.vector_load %arg12[%swap3A_1287, %swap3A_1288] {strides = array<i32>} : memref<80x128xf32, #tpu.memory_space<vmem>>, vector<1x16xf32>,
          %swap3A_1290 = vector.shape_cast %swap3A_1289 : vector<1x16xf32> to vector<16xf32>
          %swap3A_1291 = vector.shape_cast %mul3A_1286 : vector<16xf32> to vector<1x16xf32>
          tpu.vector_store %arg12[%swap3A_1287, %swap3A_1288], %swap3A_1291 {strides = array<i32>} : memref<80x128xf32, #tpu.memory_space<vmem>>, vector<1x16xf32>,
          %get3A_1292 = arith.index_cast %add3A_1225 : i32 to index
          %get3A_1293 = arith.constant 96 : index
          %get3A_1294 = tpu.vector_load %arg12[%get3A_1292, %get3A_1293] {strides = array<i32>} : memref<80x128xf32, #tpu.memory_space<vmem>>, vector<1x16xf32>,
          %get3A_1295 = vector.shape_cast %get3A_1294 : vector<1x16xf32> to vector<16xf32>
          %mul3A_1296 = vector.broadcast %squeeze3A_1221 : f32 to vector<16xf32>
          %mul3A_1297 = arith.mulf %get3A_1295, %mul3A_1296 : vector<16xf32>
          %swap3A_1298 = arith.index_cast %add3A_1225 : i32 to index
          %swap3A_1299 = arith.constant 96 : index
          %swap3A_1300 = tpu.vector_load %arg12[%swap3A_1298, %swap3A_1299] {strides = array<i32>} : memref<80x128xf32, #tpu.memory_space<vmem>>, vector<1x16xf32>,
          %swap3A_1301 = vector.shape_cast %swap3A_1300 : vector<1x16xf32> to vector<16xf32>
          %swap3A_1302 = vector.shape_cast %mul3A_1297 : vector<16xf32> to vector<1x16xf32>
          tpu.vector_store %arg12[%swap3A_1298, %swap3A_1299], %swap3A_1302 {strides = array<i32>} : memref<80x128xf32, #tpu.memory_space<vmem>>, vector<1x16xf32>,
          %get3A_1303 = arith.index_cast %add3A_1225 : i32 to index
          %get3A_1304 = arith.constant 112 : index
          %get3A_1305 = tpu.vector_load %arg12[%get3A_1303, %get3A_1304] {strides = array<i32>} : memref<80x128xf32, #tpu.memory_space<vmem>>, vector<1x16xf32>,
          %get3A_1306 = vector.shape_cast %get3A_1305 : vector<1x16xf32> to vector<16xf32>
          %mul3A_1307 = vector.broadcast %squeeze3A_1221 : f32 to vector<16xf32>
          %mul3A_1308 = arith.mulf %get3A_1306, %mul3A_1307 : vector<16xf32>
          %swap3A_1309 = arith.index_cast %add3A_1225 : i32 to index
          %swap3A_1310 = arith.constant 112 : index
          %swap3A_1311 = tpu.vector_load %arg12[%swap3A_1309, %swap3A_1310] {strides = array<i32>} : memref<80x128xf32, #tpu.memory_space<vmem>>, vector<1x16xf32>,
          %swap3A_1312 = vector.shape_cast %swap3A_1311 : vector<1x16xf32> to vector<16xf32>
          %swap3A_1313 = vector.shape_cast %mul3A_1308 : vector<16xf32> to vector<1x16xf32>
          tpu.vector_store %arg12[%swap3A_1309, %swap3A_1310], %swap3A_1313 {strides = array<i32>} : memref<80x128xf32, #tpu.memory_space<vmem>>, vector<1x16xf32>,
          %slice3A_1314 = vector.extract_strided_slice %get3A_188 {offsets = [12], sizes = [1], strides = [1]} : vector<16xf32> to vector<1xf32>
          %squeeze3A_1315 = vector.extract %slice3A_1314[0] : f32 from vector<1xf32>
          %mul3A_1316 = arith.constant 16 : i32
          %mul3A_1317 = arith.muli %scan3A_180, %mul3A_1316 : i32
          %add3A_1318 = arith.constant 12 : i32
          %add3A_1319 = arith.addi %mul3A_1317, %add3A_1318 : i32
          %get3A_1320 = arith.index_cast %add3A_1319 : i32 to index
          %get3A_1321 = arith.constant 0 : index
          %get3A_1322 = tpu.vector_load %arg12[%get3A_1320, %get3A_1321] {strides = array<i32>} : memref<80x128xf32, #tpu.memory_space<vmem>>, vector<1x16xf32>,
          %get3A_1323 = vector.shape_cast %get3A_1322 : vector<1x16xf32> to vector<16xf32>
          %mul3A_1324 = vector.broadcast %squeeze3A_1315 : f32 to vector<16xf32>
          %mul3A_1325 = arith.mulf %get3A_1323, %mul3A_1324 : vector<16xf32>
          %swap3A_1326 = arith.index_cast %add3A_1319 : i32 to index
          %swap3A_1327 = arith.constant 0 : index
          %swap3A_1328 = tpu.vector_load %arg12[%swap3A_1326, %swap3A_1327] {strides = array<i32>} : memref<80x128xf32, #tpu.memory_space<vmem>>, vector<1x16xf32>,
          %swap3A_1329 = vector.shape_cast %swap3A_1328 : vector<1x16xf32> to vector<16xf32>
          %swap3A_1330 = vector.shape_cast %mul3A_1325 : vector<16xf32> to vector<1x16xf32>
          tpu.vector_store %arg12[%swap3A_1326, %swap3A_1327], %swap3A_1330 {strides = array<i32>} : memref<80x128xf32, #tpu.memory_space<vmem>>, vector<1x16xf32>,
          %get3A_1331 = arith.index_cast %add3A_1319 : i32 to index
          %get3A_1332 = arith.constant 16 : index
          %get3A_1333 = tpu.vector_load %arg12[%get3A_1331, %get3A_1332] {strides = array<i32>} : memref<80x128xf32, #tpu.memory_space<vmem>>, vector<1x16xf32>,
          %get3A_1334 = vector.shape_cast %get3A_1333 : vector<1x16xf32> to vector<16xf32>
          %mul3A_1335 = vector.broadcast %squeeze3A_1315 : f32 to vector<16xf32>
          %mul3A_1336 = arith.mulf %get3A_1334, %mul3A_1335 : vector<16xf32>
          %swap3A_1337 = arith.index_cast %add3A_1319 : i32 to index
          %swap3A_1338 = arith.constant 16 : index
          %swap3A_1339 = tpu.vector_load %arg12[%swap3A_1337, %swap3A_1338] {strides = array<i32>} : memref<80x128xf32, #tpu.memory_space<vmem>>, vector<1x16xf32>,
          %swap3A_1340 = vector.shape_cast %swap3A_1339 : vector<1x16xf32> to vector<16xf32>
          %swap3A_1341 = vector.shape_cast %mul3A_1336 : vector<16xf32> to vector<1x16xf32>
          tpu.vector_store %arg12[%swap3A_1337, %swap3A_1338], %swap3A_1341 {strides = array<i32>} : memref<80x128xf32, #tpu.memory_space<vmem>>, vector<1x16xf32>,
          %get3A_1342 = arith.index_cast %add3A_1319 : i32 to index
          %get3A_1343 = arith.constant 32 : index
          %get3A_1344 = tpu.vector_load %arg12[%get3A_1342, %get3A_1343] {strides = array<i32>} : memref<80x128xf32, #tpu.memory_space<vmem>>, vector<1x16xf32>,
          %get3A_1345 = vector.shape_cast %get3A_1344 : vector<1x16xf32> to vector<16xf32>
          %mul3A_1346 = vector.broadcast %squeeze3A_1315 : f32 to vector<16xf32>
          %mul3A_1347 = arith.mulf %get3A_1345, %mul3A_1346 : vector<16xf32>
          %swap3A_1348 = arith.index_cast %add3A_1319 : i32 to index
          %swap3A_1349 = arith.constant 32 : index
          %swap3A_1350 = tpu.vector_load %arg12[%swap3A_1348, %swap3A_1349] {strides = array<i32>} : memref<80x128xf32, #tpu.memory_space<vmem>>, vector<1x16xf32>,
          %swap3A_1351 = vector.shape_cast %swap3A_1350 : vector<1x16xf32> to vector<16xf32>
          %swap3A_1352 = vector.shape_cast %mul3A_1347 : vector<16xf32> to vector<1x16xf32>
          tpu.vector_store %arg12[%swap3A_1348, %swap3A_1349], %swap3A_1352 {strides = array<i32>} : memref<80x128xf32, #tpu.memory_space<vmem>>, vector<1x16xf32>,
          %get3A_1353 = arith.index_cast %add3A_1319 : i32 to index
          %get3A_1354 = arith.constant 48 : index
          %get3A_1355 = tpu.vector_load %arg12[%get3A_1353, %get3A_1354] {strides = array<i32>} : memref<80x128xf32, #tpu.memory_space<vmem>>, vector<1x16xf32>,
          %get3A_1356 = vector.shape_cast %get3A_1355 : vector<1x16xf32> to vector<16xf32>
          %mul3A_1357 = vector.broadcast %squeeze3A_1315 : f32 to vector<16xf32>
          %mul3A_1358 = arith.mulf %get3A_1356, %mul3A_1357 : vector<16xf32>
          %swap3A_1359 = arith.index_cast %add3A_1319 : i32 to index
          %swap3A_1360 = arith.constant 48 : index
          %swap3A_1361 = tpu.vector_load %arg12[%swap3A_1359, %swap3A_1360] {strides = array<i32>} : memref<80x128xf32, #tpu.memory_space<vmem>>, vector<1x16xf32>,
          %swap3A_1362 = vector.shape_cast %swap3A_1361 : vector<1x16xf32> to vector<16xf32>
          %swap3A_1363 = vector.shape_cast %mul3A_1358 : vector<16xf32> to vector<1x16xf32>
          tpu.vector_store %arg12[%swap3A_1359, %swap3A_1360], %swap3A_1363 {strides = array<i32>} : memref<80x128xf32, #tpu.memory_space<vmem>>, vector<1x16xf32>,
          %get3A_1364 = arith.index_cast %add3A_1319 : i32 to index
          %get3A_1365 = arith.constant 64 : index
          %get3A_1366 = tpu.vector_load %arg12[%get3A_1364, %get3A_1365] {strides = array<i32>} : memref<80x128xf32, #tpu.memory_space<vmem>>, vector<1x16xf32>,
          %get3A_1367 = vector.shape_cast %get3A_1366 : vector<1x16xf32> to vector<16xf32>
          %mul3A_1368 = vector.broadcast %squeeze3A_1315 : f32 to vector<16xf32>
          %mul3A_1369 = arith.mulf %get3A_1367, %mul3A_1368 : vector<16xf32>
          %swap3A_1370 = arith.index_cast %add3A_1319 : i32 to index
          %swap3A_1371 = arith.constant 64 : index
          %swap3A_1372 = tpu.vector_load %arg12[%swap3A_1370, %swap3A_1371] {strides = array<i32>} : memref<80x128xf32, #tpu.memory_space<vmem>>, vector<1x16xf32>,
          %swap3A_1373 = vector.shape_cast %swap3A_1372 : vector<1x16xf32> to vector<16xf32>
          %swap3A_1374 = vector.shape_cast %mul3A_1369 : vector<16xf32> to vector<1x16xf32>
          tpu.vector_store %arg12[%swap3A_1370, %swap3A_1371], %swap3A_1374 {strides = array<i32>} : memref<80x128xf32, #tpu.memory_space<vmem>>, vector<1x16xf32>,
          %get3A_1375 = arith.index_cast %add3A_1319 : i32 to index
          %get3A_1376 = arith.constant 80 : index
          %get3A_1377 = tpu.vector_load %arg12[%get3A_1375, %get3A_1376] {strides = array<i32>} : memref<80x128xf32, #tpu.memory_space<vmem>>, vector<1x16xf32>,
          %get3A_1378 = vector.shape_cast %get3A_1377 : vector<1x16xf32> to vector<16xf32>
          %mul3A_1379 = vector.broadcast %squeeze3A_1315 : f32 to vector<16xf32>
          %mul3A_1380 = arith.mulf %get3A_1378, %mul3A_1379 : vector<16xf32>
          %swap3A_1381 = arith.index_cast %add3A_1319 : i32 to index
          %swap3A_1382 = arith.constant 80 : index
          %swap3A_1383 = tpu.vector_load %arg12[%swap3A_1381, %swap3A_1382] {strides = array<i32>} : memref<80x128xf32, #tpu.memory_space<vmem>>, vector<1x16xf32>,
          %swap3A_1384 = vector.shape_cast %swap3A_1383 : vector<1x16xf32> to vector<16xf32>
          %swap3A_1385 = vector.shape_cast %mul3A_1380 : vector<16xf32> to vector<1x16xf32>
          tpu.vector_store %arg12[%swap3A_1381, %swap3A_1382], %swap3A_1385 {strides = array<i32>} : memref<80x128xf32, #tpu.memory_space<vmem>>, vector<1x16xf32>,
          %get3A_1386 = arith.index_cast %add3A_1319 : i32 to index
          %get3A_1387 = arith.constant 96 : index
          %get3A_1388 = tpu.vector_load %arg12[%get3A_1386, %get3A_1387] {strides = array<i32>} : memref<80x128xf32, #tpu.memory_space<vmem>>, vector<1x16xf32>,
          %get3A_1389 = vector.shape_cast %get3A_1388 : vector<1x16xf32> to vector<16xf32>
          %mul3A_1390 = vector.broadcast %squeeze3A_1315 : f32 to vector<16xf32>
          %mul3A_1391 = arith.mulf %get3A_1389, %mul3A_1390 : vector<16xf32>
          %swap3A_1392 = arith.index_cast %add3A_1319 : i32 to index
          %swap3A_1393 = arith.constant 96 : index
          %swap3A_1394 = tpu.vector_load %arg12[%swap3A_1392, %swap3A_1393] {strides = array<i32>} : memref<80x128xf32, #tpu.memory_space<vmem>>, vector<1x16xf32>,
          %swap3A_1395 = vector.shape_cast %swap3A_1394 : vector<1x16xf32> to vector<16xf32>
          %swap3A_1396 = vector.shape_cast %mul3A_1391 : vector<16xf32> to vector<1x16xf32>
          tpu.vector_store %arg12[%swap3A_1392, %swap3A_1393], %swap3A_1396 {strides = array<i32>} : memref<80x128xf32, #tpu.memory_space<vmem>>, vector<1x16xf32>,
          %get3A_1397 = arith.index_cast %add3A_1319 : i32 to index
          %get3A_1398 = arith.constant 112 : index
          %get3A_1399 = tpu.vector_load %arg12[%get3A_1397, %get3A_1398] {strides = array<i32>} : memref<80x128xf32, #tpu.memory_space<vmem>>, vector<1x16xf32>,
          %get3A_1400 = vector.shape_cast %get3A_1399 : vector<1x16xf32> to vector<16xf32>
          %mul3A_1401 = vector.broadcast %squeeze3A_1315 : f32 to vector<16xf32>
          %mul3A_1402 = arith.mulf %get3A_1400, %mul3A_1401 : vector<16xf32>
          %swap3A_1403 = arith.index_cast %add3A_1319 : i32 to index
          %swap3A_1404 = arith.constant 112 : index
          %swap3A_1405 = tpu.vector_load %arg12[%swap3A_1403, %swap3A_1404] {strides = array<i32>} : memref<80x128xf32, #tpu.memory_space<vmem>>, vector<1x16xf32>,
          %swap3A_1406 = vector.shape_cast %swap3A_1405 : vector<1x16xf32> to vector<16xf32>
          %swap3A_1407 = vector.shape_cast %mul3A_1402 : vector<16xf32> to vector<1x16xf32>
          tpu.vector_store %arg12[%swap3A_1403, %swap3A_1404], %swap3A_1407 {strides = array<i32>} : memref<80x128xf32, #tpu.memory_space<vmem>>, vector<1x16xf32>,
          %slice3A_1408 = vector.extract_strided_slice %get3A_188 {offsets = [13], sizes = [1], strides = [1]} : vector<16xf32> to vector<1xf32>
          %squeeze3A_1409 = vector.extract %slice3A_1408[0] : f32 from vector<1xf32>
          %mul3A_1410 = arith.constant 16 : i32
          %mul3A_1411 = arith.muli %scan3A_180, %mul3A_1410 : i32
          %add3A_1412 = arith.constant 13 : i32
          %add3A_1413 = arith.addi %mul3A_1411, %add3A_1412 : i32
          %get3A_1414 = arith.index_cast %add3A_1413 : i32 to index
          %get3A_1415 = arith.constant 0 : index
          %get3A_1416 = tpu.vector_load %arg12[%get3A_1414, %get3A_1415] {strides = array<i32>} : memref<80x128xf32, #tpu.memory_space<vmem>>, vector<1x16xf32>,
          %get3A_1417 = vector.shape_cast %get3A_1416 : vector<1x16xf32> to vector<16xf32>
          %mul3A_1418 = vector.broadcast %squeeze3A_1409 : f32 to vector<16xf32>
          %mul3A_1419 = arith.mulf %get3A_1417, %mul3A_1418 : vector<16xf32>
          %swap3A_1420 = arith.index_cast %add3A_1413 : i32 to index
          %swap3A_1421 = arith.constant 0 : index
          %swap3A_1422 = tpu.vector_load %arg12[%swap3A_1420, %swap3A_1421] {strides = array<i32>} : memref<80x128xf32, #tpu.memory_space<vmem>>, vector<1x16xf32>,
          %swap3A_1423 = vector.shape_cast %swap3A_1422 : vector<1x16xf32> to vector<16xf32>
          %swap3A_1424 = vector.shape_cast %mul3A_1419 : vector<16xf32> to vector<1x16xf32>
          tpu.vector_store %arg12[%swap3A_1420, %swap3A_1421], %swap3A_1424 {strides = array<i32>} : memref<80x128xf32, #tpu.memory_space<vmem>>, vector<1x16xf32>,
          %get3A_1425 = arith.index_cast %add3A_1413 : i32 to index
          %get3A_1426 = arith.constant 16 : index
          %get3A_1427 = tpu.vector_load %arg12[%get3A_1425, %get3A_1426] {strides = array<i32>} : memref<80x128xf32, #tpu.memory_space<vmem>>, vector<1x16xf32>,
          %get3A_1428 = vector.shape_cast %get3A_1427 : vector<1x16xf32> to vector<16xf32>
          %mul3A_1429 = vector.broadcast %squeeze3A_1409 : f32 to vector<16xf32>
          %mul3A_1430 = arith.mulf %get3A_1428, %mul3A_1429 : vector<16xf32>
          %swap3A_1431 = arith.index_cast %add3A_1413 : i32 to index
          %swap3A_1432 = arith.constant 16 : index
          %swap3A_1433 = tpu.vector_load %arg12[%swap3A_1431, %swap3A_1432] {strides = array<i32>} : memref<80x128xf32, #tpu.memory_space<vmem>>, vector<1x16xf32>,
          %swap3A_1434 = vector.shape_cast %swap3A_1433 : vector<1x16xf32> to vector<16xf32>
          %swap3A_1435 = vector.shape_cast %mul3A_1430 : vector<16xf32> to vector<1x16xf32>
          tpu.vector_store %arg12[%swap3A_1431, %swap3A_1432], %swap3A_1435 {strides = array<i32>} : memref<80x128xf32, #tpu.memory_space<vmem>>, vector<1x16xf32>,
          %get3A_1436 = arith.index_cast %add3A_1413 : i32 to index
          %get3A_1437 = arith.constant 32 : index
          %get3A_1438 = tpu.vector_load %arg12[%get3A_1436, %get3A_1437] {strides = array<i32>} : memref<80x128xf32, #tpu.memory_space<vmem>>, vector<1x16xf32>,
          %get3A_1439 = vector.shape_cast %get3A_1438 : vector<1x16xf32> to vector<16xf32>
          %mul3A_1440 = vector.broadcast %squeeze3A_1409 : f32 to vector<16xf32>
          %mul3A_1441 = arith.mulf %get3A_1439, %mul3A_1440 : vector<16xf32>
          %swap3A_1442 = arith.index_cast %add3A_1413 : i32 to index
          %swap3A_1443 = arith.constant 32 : index
          %swap3A_1444 = tpu.vector_load %arg12[%swap3A_1442, %swap3A_1443] {strides = array<i32>} : memref<80x128xf32, #tpu.memory_space<vmem>>, vector<1x16xf32>,
          %swap3A_1445 = vector.shape_cast %swap3A_1444 : vector<1x16xf32> to vector<16xf32>
          %swap3A_1446 = vector.shape_cast %mul3A_1441 : vector<16xf32> to vector<1x16xf32>
          tpu.vector_store %arg12[%swap3A_1442, %swap3A_1443], %swap3A_1446 {strides = array<i32>} : memref<80x128xf32, #tpu.memory_space<vmem>>, vector<1x16xf32>,
          %get3A_1447 = arith.index_cast %add3A_1413 : i32 to index
          %get3A_1448 = arith.constant 48 : index
          %get3A_1449 = tpu.vector_load %arg12[%get3A_1447, %get3A_1448] {strides = array<i32>} : memref<80x128xf32, #tpu.memory_space<vmem>>, vector<1x16xf32>,
          %get3A_1450 = vector.shape_cast %get3A_1449 : vector<1x16xf32> to vector<16xf32>
          %mul3A_1451 = vector.broadcast %squeeze3A_1409 : f32 to vector<16xf32>
          %mul3A_1452 = arith.mulf %get3A_1450, %mul3A_1451 : vector<16xf32>
          %swap3A_1453 = arith.index_cast %add3A_1413 : i32 to index
          %swap3A_1454 = arith.constant 48 : index
          %swap3A_1455 = tpu.vector_load %arg12[%swap3A_1453, %swap3A_1454] {strides = array<i32>} : memref<80x128xf32, #tpu.memory_space<vmem>>, vector<1x16xf32>,
          %swap3A_1456 = vector.shape_cast %swap3A_1455 : vector<1x16xf32> to vector<16xf32>
          %swap3A_1457 = vector.shape_cast %mul3A_1452 : vector<16xf32> to vector<1x16xf32>
          tpu.vector_store %arg12[%swap3A_1453, %swap3A_1454], %swap3A_1457 {strides = array<i32>} : memref<80x128xf32, #tpu.memory_space<vmem>>, vector<1x16xf32>,
          %get3A_1458 = arith.index_cast %add3A_1413 : i32 to index
          %get3A_1459 = arith.constant 64 : index
          %get3A_1460 = tpu.vector_load %arg12[%get3A_1458, %get3A_1459] {strides = array<i32>} : memref<80x128xf32, #tpu.memory_space<vmem>>, vector<1x16xf32>,
          %get3A_1461 = vector.shape_cast %get3A_1460 : vector<1x16xf32> to vector<16xf32>
          %mul3A_1462 = vector.broadcast %squeeze3A_1409 : f32 to vector<16xf32>
          %mul3A_1463 = arith.mulf %get3A_1461, %mul3A_1462 : vector<16xf32>
          %swap3A_1464 = arith.index_cast %add3A_1413 : i32 to index
          %swap3A_1465 = arith.constant 64 : index
          %swap3A_1466 = tpu.vector_load %arg12[%swap3A_1464, %swap3A_1465] {strides = array<i32>} : memref<80x128xf32, #tpu.memory_space<vmem>>, vector<1x16xf32>,
          %swap3A_1467 = vector.shape_cast %swap3A_1466 : vector<1x16xf32> to vector<16xf32>
          %swap3A_1468 = vector.shape_cast %mul3A_1463 : vector<16xf32> to vector<1x16xf32>
          tpu.vector_store %arg12[%swap3A_1464, %swap3A_1465], %swap3A_1468 {strides = array<i32>} : memref<80x128xf32, #tpu.memory_space<vmem>>, vector<1x16xf32>,
          %get3A_1469 = arith.index_cast %add3A_1413 : i32 to index
          %get3A_1470 = arith.constant 80 : index
          %get3A_1471 = tpu.vector_load %arg12[%get3A_1469, %get3A_1470] {strides = array<i32>} : memref<80x128xf32, #tpu.memory_space<vmem>>, vector<1x16xf32>,
          %get3A_1472 = vector.shape_cast %get3A_1471 : vector<1x16xf32> to vector<16xf32>
          %mul3A_1473 = vector.broadcast %squeeze3A_1409 : f32 to vector<16xf32>
          %mul3A_1474 = arith.mulf %get3A_1472, %mul3A_1473 : vector<16xf32>
          %swap3A_1475 = arith.index_cast %add3A_1413 : i32 to index
          %swap3A_1476 = arith.constant 80 : index
          %swap3A_1477 = tpu.vector_load %arg12[%swap3A_1475, %swap3A_1476] {strides = array<i32>} : memref<80x128xf32, #tpu.memory_space<vmem>>, vector<1x16xf32>,
          %swap3A_1478 = vector.shape_cast %swap3A_1477 : vector<1x16xf32> to vector<16xf32>
          %swap3A_1479 = vector.shape_cast %mul3A_1474 : vector<16xf32> to vector<1x16xf32>
          tpu.vector_store %arg12[%swap3A_1475, %swap3A_1476], %swap3A_1479 {strides = array<i32>} : memref<80x128xf32, #tpu.memory_space<vmem>>, vector<1x16xf32>,
          %get3A_1480 = arith.index_cast %add3A_1413 : i32 to index
          %get3A_1481 = arith.constant 96 : index
          %get3A_1482 = tpu.vector_load %arg12[%get3A_1480, %get3A_1481] {strides = array<i32>} : memref<80x128xf32, #tpu.memory_space<vmem>>, vector<1x16xf32>,
          %get3A_1483 = vector.shape_cast %get3A_1482 : vector<1x16xf32> to vector<16xf32>
          %mul3A_1484 = vector.broadcast %squeeze3A_1409 : f32 to vector<16xf32>
          %mul3A_1485 = arith.mulf %get3A_1483, %mul3A_1484 : vector<16xf32>
          %swap3A_1486 = arith.index_cast %add3A_1413 : i32 to index
          %swap3A_1487 = arith.constant 96 : index
          %swap3A_1488 = tpu.vector_load %arg12[%swap3A_1486, %swap3A_1487] {strides = array<i32>} : memref<80x128xf32, #tpu.memory_space<vmem>>, vector<1x16xf32>,
          %swap3A_1489 = vector.shape_cast %swap3A_1488 : vector<1x16xf32> to vector<16xf32>
          %swap3A_1490 = vector.shape_cast %mul3A_1485 : vector<16xf32> to vector<1x16xf32>
          tpu.vector_store %arg12[%swap3A_1486, %swap3A_1487], %swap3A_1490 {strides = array<i32>} : memref<80x128xf32, #tpu.memory_space<vmem>>, vector<1x16xf32>,
          %get3A_1491 = arith.index_cast %add3A_1413 : i32 to index
          %get3A_1492 = arith.constant 112 : index
          %get3A_1493 = tpu.vector_load %arg12[%get3A_1491, %get3A_1492] {strides = array<i32>} : memref<80x128xf32, #tpu.memory_space<vmem>>, vector<1x16xf32>,
          %get3A_1494 = vector.shape_cast %get3A_1493 : vector<1x16xf32> to vector<16xf32>
          %mul3A_1495 = vector.broadcast %squeeze3A_1409 : f32 to vector<16xf32>
          %mul3A_1496 = arith.mulf %get3A_1494, %mul3A_1495 : vector<16xf32>
          %swap3A_1497 = arith.index_cast %add3A_1413 : i32 to index
          %swap3A_1498 = arith.constant 112 : index
          %swap3A_1499 = tpu.vector_load %arg12[%swap3A_1497, %swap3A_1498] {strides = array<i32>} : memref<80x128xf32, #tpu.memory_space<vmem>>, vector<1x16xf32>,
          %swap3A_1500 = vector.shape_cast %swap3A_1499 : vector<1x16xf32> to vector<16xf32>
          %swap3A_1501 = vector.shape_cast %mul3A_1496 : vector<16xf32> to vector<1x16xf32>
          tpu.vector_store %arg12[%swap3A_1497, %swap3A_1498], %swap3A_1501 {strides = array<i32>} : memref<80x128xf32, #tpu.memory_space<vmem>>, vector<1x16xf32>,
          %slice3A_1502 = vector.extract_strided_slice %get3A_188 {offsets = [14], sizes = [1], strides = [1]} : vector<16xf32> to vector<1xf32>
          %squeeze3A_1503 = vector.extract %slice3A_1502[0] : f32 from vector<1xf32>
          %mul3A_1504 = arith.constant 16 : i32
          %mul3A_1505 = arith.muli %scan3A_180, %mul3A_1504 : i32
          %add3A_1506 = arith.constant 14 : i32
          %add3A_1507 = arith.addi %mul3A_1505, %add3A_1506 : i32
          %get3A_1508 = arith.index_cast %add3A_1507 : i32 to index
          %get3A_1509 = arith.constant 0 : index
          %get3A_1510 = tpu.vector_load %arg12[%get3A_1508, %get3A_1509] {strides = array<i32>} : memref<80x128xf32, #tpu.memory_space<vmem>>, vector<1x16xf32>,
          %get3A_1511 = vector.shape_cast %get3A_1510 : vector<1x16xf32> to vector<16xf32>
          %mul3A_1512 = vector.broadcast %squeeze3A_1503 : f32 to vector<16xf32>
          %mul3A_1513 = arith.mulf %get3A_1511, %mul3A_1512 : vector<16xf32>
          %swap3A_1514 = arith.index_cast %add3A_1507 : i32 to index
          %swap3A_1515 = arith.constant 0 : index
          %swap3A_1516 = tpu.vector_load %arg12[%swap3A_1514, %swap3A_1515] {strides = array<i32>} : memref<80x128xf32, #tpu.memory_space<vmem>>, vector<1x16xf32>,
          %swap3A_1517 = vector.shape_cast %swap3A_1516 : vector<1x16xf32> to vector<16xf32>
          %swap3A_1518 = vector.shape_cast %mul3A_1513 : vector<16xf32> to vector<1x16xf32>
          tpu.vector_store %arg12[%swap3A_1514, %swap3A_1515], %swap3A_1518 {strides = array<i32>} : memref<80x128xf32, #tpu.memory_space<vmem>>, vector<1x16xf32>,
          %get3A_1519 = arith.index_cast %add3A_1507 : i32 to index
          %get3A_1520 = arith.constant 16 : index
          %get3A_1521 = tpu.vector_load %arg12[%get3A_1519, %get3A_1520] {strides = array<i32>} : memref<80x128xf32, #tpu.memory_space<vmem>>, vector<1x16xf32>,
          %get3A_1522 = vector.shape_cast %get3A_1521 : vector<1x16xf32> to vector<16xf32>
          %mul3A_1523 = vector.broadcast %squeeze3A_1503 : f32 to vector<16xf32>
          %mul3A_1524 = arith.mulf %get3A_1522, %mul3A_1523 : vector<16xf32>
          %swap3A_1525 = arith.index_cast %add3A_1507 : i32 to index
          %swap3A_1526 = arith.constant 16 : index
          %swap3A_1527 = tpu.vector_load %arg12[%swap3A_1525, %swap3A_1526] {strides = array<i32>} : memref<80x128xf32, #tpu.memory_space<vmem>>, vector<1x16xf32>,
          %swap3A_1528 = vector.shape_cast %swap3A_1527 : vector<1x16xf32> to vector<16xf32>
          %swap3A_1529 = vector.shape_cast %mul3A_1524 : vector<16xf32> to vector<1x16xf32>
          tpu.vector_store %arg12[%swap3A_1525, %swap3A_1526], %swap3A_1529 {strides = array<i32>} : memref<80x128xf32, #tpu.memory_space<vmem>>, vector<1x16xf32>,
          %get3A_1530 = arith.index_cast %add3A_1507 : i32 to index
          %get3A_1531 = arith.constant 32 : index
          %get3A_1532 = tpu.vector_load %arg12[%get3A_1530, %get3A_1531] {strides = array<i32>} : memref<80x128xf32, #tpu.memory_space<vmem>>, vector<1x16xf32>,
          %get3A_1533 = vector.shape_cast %get3A_1532 : vector<1x16xf32> to vector<16xf32>
          %mul3A_1534 = vector.broadcast %squeeze3A_1503 : f32 to vector<16xf32>
          %mul3A_1535 = arith.mulf %get3A_1533, %mul3A_1534 : vector<16xf32>
          %swap3A_1536 = arith.index_cast %add3A_1507 : i32 to index
          %swap3A_1537 = arith.constant 32 : index
          %swap3A_1538 = tpu.vector_load %arg12[%swap3A_1536, %swap3A_1537] {strides = array<i32>} : memref<80x128xf32, #tpu.memory_space<vmem>>, vector<1x16xf32>,
          %swap3A_1539 = vector.shape_cast %swap3A_1538 : vector<1x16xf32> to vector<16xf32>
          %swap3A_1540 = vector.shape_cast %mul3A_1535 : vector<16xf32> to vector<1x16xf32>
          tpu.vector_store %arg12[%swap3A_1536, %swap3A_1537], %swap3A_1540 {strides = array<i32>} : memref<80x128xf32, #tpu.memory_space<vmem>>, vector<1x16xf32>,
          %get3A_1541 = arith.index_cast %add3A_1507 : i32 to index
          %get3A_1542 = arith.constant 48 : index
          %get3A_1543 = tpu.vector_load %arg12[%get3A_1541, %get3A_1542] {strides = array<i32>} : memref<80x128xf32, #tpu.memory_space<vmem>>, vector<1x16xf32>,
          %get3A_1544 = vector.shape_cast %get3A_1543 : vector<1x16xf32> to vector<16xf32>
          %mul3A_1545 = vector.broadcast %squeeze3A_1503 : f32 to vector<16xf32>
          %mul3A_1546 = arith.mulf %get3A_1544, %mul3A_1545 : vector<16xf32>
          %swap3A_1547 = arith.index_cast %add3A_1507 : i32 to index
          %swap3A_1548 = arith.constant 48 : index
          %swap3A_1549 = tpu.vector_load %arg12[%swap3A_1547, %swap3A_1548] {strides = array<i32>} : memref<80x128xf32, #tpu.memory_space<vmem>>, vector<1x16xf32>,
          %swap3A_1550 = vector.shape_cast %swap3A_1549 : vector<1x16xf32> to vector<16xf32>
          %swap3A_1551 = vector.shape_cast %mul3A_1546 : vector<16xf32> to vector<1x16xf32>
          tpu.vector_store %arg12[%swap3A_1547, %swap3A_1548], %swap3A_1551 {strides = array<i32>} : memref<80x128xf32, #tpu.memory_space<vmem>>, vector<1x16xf32>,
          %get3A_1552 = arith.index_cast %add3A_1507 : i32 to index
          %get3A_1553 = arith.constant 64 : index
          %get3A_1554 = tpu.vector_load %arg12[%get3A_1552, %get3A_1553] {strides = array<i32>} : memref<80x128xf32, #tpu.memory_space<vmem>>, vector<1x16xf32>,
          %get3A_1555 = vector.shape_cast %get3A_1554 : vector<1x16xf32> to vector<16xf32>
          %mul3A_1556 = vector.broadcast %squeeze3A_1503 : f32 to vector<16xf32>
          %mul3A_1557 = arith.mulf %get3A_1555, %mul3A_1556 : vector<16xf32>
          %swap3A_1558 = arith.index_cast %add3A_1507 : i32 to index
          %swap3A_1559 = arith.constant 64 : index
          %swap3A_1560 = tpu.vector_load %arg12[%swap3A_1558, %swap3A_1559] {strides = array<i32>} : memref<80x128xf32, #tpu.memory_space<vmem>>, vector<1x16xf32>,
          %swap3A_1561 = vector.shape_cast %swap3A_1560 : vector<1x16xf32> to vector<16xf32>
          %swap3A_1562 = vector.shape_cast %mul3A_1557 : vector<16xf32> to vector<1x16xf32>
          tpu.vector_store %arg12[%swap3A_1558, %swap3A_1559], %swap3A_1562 {strides = array<i32>} : memref<80x128xf32, #tpu.memory_space<vmem>>, vector<1x16xf32>,
          %get3A_1563 = arith.index_cast %add3A_1507 : i32 to index
          %get3A_1564 = arith.constant 80 : index
          %get3A_1565 = tpu.vector_load %arg12[%get3A_1563, %get3A_1564] {strides = array<i32>} : memref<80x128xf32, #tpu.memory_space<vmem>>, vector<1x16xf32>,
          %get3A_1566 = vector.shape_cast %get3A_1565 : vector<1x16xf32> to vector<16xf32>
          %mul3A_1567 = vector.broadcast %squeeze3A_1503 : f32 to vector<16xf32>
          %mul3A_1568 = arith.mulf %get3A_1566, %mul3A_1567 : vector<16xf32>
          %swap3A_1569 = arith.index_cast %add3A_1507 : i32 to index
          %swap3A_1570 = arith.constant 80 : index
          %swap3A_1571 = tpu.vector_load %arg12[%swap3A_1569, %swap3A_1570] {strides = array<i32>} : memref<80x128xf32, #tpu.memory_space<vmem>>, vector<1x16xf32>,
          %swap3A_1572 = vector.shape_cast %swap3A_1571 : vector<1x16xf32> to vector<16xf32>
          %swap3A_1573 = vector.shape_cast %mul3A_1568 : vector<16xf32> to vector<1x16xf32>
          tpu.vector_store %arg12[%swap3A_1569, %swap3A_1570], %swap3A_1573 {strides = array<i32>} : memref<80x128xf32, #tpu.memory_space<vmem>>, vector<1x16xf32>,
          %get3A_1574 = arith.index_cast %add3A_1507 : i32 to index
          %get3A_1575 = arith.constant 96 : index
          %get3A_1576 = tpu.vector_load %arg12[%get3A_1574, %get3A_1575] {strides = array<i32>} : memref<80x128xf32, #tpu.memory_space<vmem>>, vector<1x16xf32>,
          %get3A_1577 = vector.shape_cast %get3A_1576 : vector<1x16xf32> to vector<16xf32>
          %mul3A_1578 = vector.broadcast %squeeze3A_1503 : f32 to vector<16xf32>
          %mul3A_1579 = arith.mulf %get3A_1577, %mul3A_1578 : vector<16xf32>
          %swap3A_1580 = arith.index_cast %add3A_1507 : i32 to index
          %swap3A_1581 = arith.constant 96 : index
          %swap3A_1582 = tpu.vector_load %arg12[%swap3A_1580, %swap3A_1581] {strides = array<i32>} : memref<80x128xf32, #tpu.memory_space<vmem>>, vector<1x16xf32>,
          %swap3A_1583 = vector.shape_cast %swap3A_1582 : vector<1x16xf32> to vector<16xf32>
          %swap3A_1584 = vector.shape_cast %mul3A_1579 : vector<16xf32> to vector<1x16xf32>
          tpu.vector_store %arg12[%swap3A_1580, %swap3A_1581], %swap3A_1584 {strides = array<i32>} : memref<80x128xf32, #tpu.memory_space<vmem>>, vector<1x16xf32>,
          %get3A_1585 = arith.index_cast %add3A_1507 : i32 to index
          %get3A_1586 = arith.constant 112 : index
          %get3A_1587 = tpu.vector_load %arg12[%get3A_1585, %get3A_1586] {strides = array<i32>} : memref<80x128xf32, #tpu.memory_space<vmem>>, vector<1x16xf32>,
          %get3A_1588 = vector.shape_cast %get3A_1587 : vector<1x16xf32> to vector<16xf32>
          %mul3A_1589 = vector.broadcast %squeeze3A_1503 : f32 to vector<16xf32>
          %mul3A_1590 = arith.mulf %get3A_1588, %mul3A_1589 : vector<16xf32>
          %swap3A_1591 = arith.index_cast %add3A_1507 : i32 to index
          %swap3A_1592 = arith.constant 112 : index
          %swap3A_1593 = tpu.vector_load %arg12[%swap3A_1591, %swap3A_1592] {strides = array<i32>} : memref<80x128xf32, #tpu.memory_space<vmem>>, vector<1x16xf32>,
          %swap3A_1594 = vector.shape_cast %swap3A_1593 : vector<1x16xf32> to vector<16xf32>
          %swap3A_1595 = vector.shape_cast %mul3A_1590 : vector<16xf32> to vector<1x16xf32>
          tpu.vector_store %arg12[%swap3A_1591, %swap3A_1592], %swap3A_1595 {strides = array<i32>} : memref<80x128xf32, #tpu.memory_space<vmem>>, vector<1x16xf32>,
          %slice3A_1596 = vector.extract_strided_slice %get3A_188 {offsets = [15], sizes = [1], strides = [1]} : vector<16xf32> to vector<1xf32>
          %squeeze3A_1597 = vector.extract %slice3A_1596[0] : f32 from vector<1xf32>
          %mul3A_1598 = arith.constant 16 : i32
          %mul3A_1599 = arith.muli %scan3A_180, %mul3A_1598 : i32
          %add3A_1600 = arith.constant 15 : i32
          %add3A_1601 = arith.addi %mul3A_1599, %add3A_1600 : i32
          %get3A_1602 = arith.index_cast %add3A_1601 : i32 to index
          %get3A_1603 = arith.constant 0 : index
          %get3A_1604 = tpu.vector_load %arg12[%get3A_1602, %get3A_1603] {strides = array<i32>} : memref<80x128xf32, #tpu.memory_space<vmem>>, vector<1x16xf32>,
          %get3A_1605 = vector.shape_cast %get3A_1604 : vector<1x16xf32> to vector<16xf32>
          %mul3A_1606 = vector.broadcast %squeeze3A_1597 : f32 to vector<16xf32>
          %mul3A_1607 = arith.mulf %get3A_1605, %mul3A_1606 : vector<16xf32>
          %swap3A_1608 = arith.index_cast %add3A_1601 : i32 to index
          %swap3A_1609 = arith.constant 0 : index
          %swap3A_1610 = tpu.vector_load %arg12[%swap3A_1608, %swap3A_1609] {strides = array<i32>} : memref<80x128xf32, #tpu.memory_space<vmem>>, vector<1x16xf32>,
          %swap3A_1611 = vector.shape_cast %swap3A_1610 : vector<1x16xf32> to vector<16xf32>
          %swap3A_1612 = vector.shape_cast %mul3A_1607 : vector<16xf32> to vector<1x16xf32>
          tpu.vector_store %arg12[%swap3A_1608, %swap3A_1609], %swap3A_1612 {strides = array<i32>} : memref<80x128xf32, #tpu.memory_space<vmem>>, vector<1x16xf32>,
          %get3A_1613 = arith.index_cast %add3A_1601 : i32 to index
          %get3A_1614 = arith.constant 16 : index
          %get3A_1615 = tpu.vector_load %arg12[%get3A_1613, %get3A_1614] {strides = array<i32>} : memref<80x128xf32, #tpu.memory_space<vmem>>, vector<1x16xf32>,
          %get3A_1616 = vector.shape_cast %get3A_1615 : vector<1x16xf32> to vector<16xf32>
          %mul3A_1617 = vector.broadcast %squeeze3A_1597 : f32 to vector<16xf32>
          %mul3A_1618 = arith.mulf %get3A_1616, %mul3A_1617 : vector<16xf32>
          %swap3A_1619 = arith.index_cast %add3A_1601 : i32 to index
          %swap3A_1620 = arith.constant 16 : index
          %swap3A_1621 = tpu.vector_load %arg12[%swap3A_1619, %swap3A_1620] {strides = array<i32>} : memref<80x128xf32, #tpu.memory_space<vmem>>, vector<1x16xf32>,
          %swap3A_1622 = vector.shape_cast %swap3A_1621 : vector<1x16xf32> to vector<16xf32>
          %swap3A_1623 = vector.shape_cast %mul3A_1618 : vector<16xf32> to vector<1x16xf32>
          tpu.vector_store %arg12[%swap3A_1619, %swap3A_1620], %swap3A_1623 {strides = array<i32>} : memref<80x128xf32, #tpu.memory_space<vmem>>, vector<1x16xf32>,
          %get3A_1624 = arith.index_cast %add3A_1601 : i32 to index
          %get3A_1625 = arith.constant 32 : index
          %get3A_1626 = tpu.vector_load %arg12[%get3A_1624, %get3A_1625] {strides = array<i32>} : memref<80x128xf32, #tpu.memory_space<vmem>>, vector<1x16xf32>,
          %get3A_1627 = vector.shape_cast %get3A_1626 : vector<1x16xf32> to vector<16xf32>
          %mul3A_1628 = vector.broadcast %squeeze3A_1597 : f32 to vector<16xf32>
          %mul3A_1629 = arith.mulf %get3A_1627, %mul3A_1628 : vector<16xf32>
          %swap3A_1630 = arith.index_cast %add3A_1601 : i32 to index
          %swap3A_1631 = arith.constant 32 : index
          %swap3A_1632 = tpu.vector_load %arg12[%swap3A_1630, %swap3A_1631] {strides = array<i32>} : memref<80x128xf32, #tpu.memory_space<vmem>>, vector<1x16xf32>,
          %swap3A_1633 = vector.shape_cast %swap3A_1632 : vector<1x16xf32> to vector<16xf32>
          %swap3A_1634 = vector.shape_cast %mul3A_1629 : vector<16xf32> to vector<1x16xf32>
          tpu.vector_store %arg12[%swap3A_1630, %swap3A_1631], %swap3A_1634 {strides = array<i32>} : memref<80x128xf32, #tpu.memory_space<vmem>>, vector<1x16xf32>,
          %get3A_1635 = arith.index_cast %add3A_1601 : i32 to index
          %get3A_1636 = arith.constant 48 : index
          %get3A_1637 = tpu.vector_load %arg12[%get3A_1635, %get3A_1636] {strides = array<i32>} : memref<80x128xf32, #tpu.memory_space<vmem>>, vector<1x16xf32>,
          %get3A_1638 = vector.shape_cast %get3A_1637 : vector<1x16xf32> to vector<16xf32>
          %mul3A_1639 = vector.broadcast %squeeze3A_1597 : f32 to vector<16xf32>
          %mul3A_1640 = arith.mulf %get3A_1638, %mul3A_1639 : vector<16xf32>
          %swap3A_1641 = arith.index_cast %add3A_1601 : i32 to index
          %swap3A_1642 = arith.constant 48 : index
          %swap3A_1643 = tpu.vector_load %arg12[%swap3A_1641, %swap3A_1642] {strides = array<i32>} : memref<80x128xf32, #tpu.memory_space<vmem>>, vector<1x16xf32>,
          %swap3A_1644 = vector.shape_cast %swap3A_1643 : vector<1x16xf32> to vector<16xf32>
          %swap3A_1645 = vector.shape_cast %mul3A_1640 : vector<16xf32> to vector<1x16xf32>
          tpu.vector_store %arg12[%swap3A_1641, %swap3A_1642], %swap3A_1645 {strides = array<i32>} : memref<80x128xf32, #tpu.memory_space<vmem>>, vector<1x16xf32>,
          %get3A_1646 = arith.index_cast %add3A_1601 : i32 to index
          %get3A_1647 = arith.constant 64 : index
          %get3A_1648 = tpu.vector_load %arg12[%get3A_1646, %get3A_1647] {strides = array<i32>} : memref<80x128xf32, #tpu.memory_space<vmem>>, vector<1x16xf32>,
          %get3A_1649 = vector.shape_cast %get3A_1648 : vector<1x16xf32> to vector<16xf32>
          %mul3A_1650 = vector.broadcast %squeeze3A_1597 : f32 to vector<16xf32>
          %mul3A_1651 = arith.mulf %get3A_1649, %mul3A_1650 : vector<16xf32>
          %swap3A_1652 = arith.index_cast %add3A_1601 : i32 to index
          %swap3A_1653 = arith.constant 64 : index
          %swap3A_1654 = tpu.vector_load %arg12[%swap3A_1652, %swap3A_1653] {strides = array<i32>} : memref<80x128xf32, #tpu.memory_space<vmem>>, vector<1x16xf32>,
          %swap3A_1655 = vector.shape_cast %swap3A_1654 : vector<1x16xf32> to vector<16xf32>
          %swap3A_1656 = vector.shape_cast %mul3A_1651 : vector<16xf32> to vector<1x16xf32>
          tpu.vector_store %arg12[%swap3A_1652, %swap3A_1653], %swap3A_1656 {strides = array<i32>} : memref<80x128xf32, #tpu.memory_space<vmem>>, vector<1x16xf32>,
          %get3A_1657 = arith.index_cast %add3A_1601 : i32 to index
          %get3A_1658 = arith.constant 80 : index
          %get3A_1659 = tpu.vector_load %arg12[%get3A_1657, %get3A_1658] {strides = array<i32>} : memref<80x128xf32, #tpu.memory_space<vmem>>, vector<1x16xf32>,
          %get3A_1660 = vector.shape_cast %get3A_1659 : vector<1x16xf32> to vector<16xf32>
          %mul3A_1661 = vector.broadcast %squeeze3A_1597 : f32 to vector<16xf32>
          %mul3A_1662 = arith.mulf %get3A_1660, %mul3A_1661 : vector<16xf32>
          %swap3A_1663 = arith.index_cast %add3A_1601 : i32 to index
          %swap3A_1664 = arith.constant 80 : index
          %swap3A_1665 = tpu.vector_load %arg12[%swap3A_1663, %swap3A_1664] {strides = array<i32>} : memref<80x128xf32, #tpu.memory_space<vmem>>, vector<1x16xf32>,
          %swap3A_1666 = vector.shape_cast %swap3A_1665 : vector<1x16xf32> to vector<16xf32>
          %swap3A_1667 = vector.shape_cast %mul3A_1662 : vector<16xf32> to vector<1x16xf32>
          tpu.vector_store %arg12[%swap3A_1663, %swap3A_1664], %swap3A_1667 {strides = array<i32>} : memref<80x128xf32, #tpu.memory_space<vmem>>, vector<1x16xf32>,
          %get3A_1668 = arith.index_cast %add3A_1601 : i32 to index
          %get3A_1669 = arith.constant 96 : index
          %get3A_1670 = tpu.vector_load %arg12[%get3A_1668, %get3A_1669] {strides = array<i32>} : memref<80x128xf32, #tpu.memory_space<vmem>>, vector<1x16xf32>,
          %get3A_1671 = vector.shape_cast %get3A_1670 : vector<1x16xf32> to vector<16xf32>
          %mul3A_1672 = vector.broadcast %squeeze3A_1597 : f32 to vector<16xf32>
          %mul3A_1673 = arith.mulf %get3A_1671, %mul3A_1672 : vector<16xf32>
          %swap3A_1674 = arith.index_cast %add3A_1601 : i32 to index
          %swap3A_1675 = arith.constant 96 : index
          %swap3A_1676 = tpu.vector_load %arg12[%swap3A_1674, %swap3A_1675] {strides = array<i32>} : memref<80x128xf32, #tpu.memory_space<vmem>>, vector<1x16xf32>,
          %swap3A_1677 = vector.shape_cast %swap3A_1676 : vector<1x16xf32> to vector<16xf32>
          %swap3A_1678 = vector.shape_cast %mul3A_1673 : vector<16xf32> to vector<1x16xf32>
          tpu.vector_store %arg12[%swap3A_1674, %swap3A_1675], %swap3A_1678 {strides = array<i32>} : memref<80x128xf32, #tpu.memory_space<vmem>>, vector<1x16xf32>,
          %get3A_1679 = arith.index_cast %add3A_1601 : i32 to index
          %get3A_1680 = arith.constant 112 : index
          %get3A_1681 = tpu.vector_load %arg12[%get3A_1679, %get3A_1680] {strides = array<i32>} : memref<80x128xf32, #tpu.memory_space<vmem>>, vector<1x16xf32>,
          %get3A_1682 = vector.shape_cast %get3A_1681 : vector<1x16xf32> to vector<16xf32>
          %mul3A_1683 = vector.broadcast %squeeze3A_1597 : f32 to vector<16xf32>
          %mul3A_1684 = arith.mulf %get3A_1682, %mul3A_1683 : vector<16xf32>
          %swap3A_1685 = arith.index_cast %add3A_1601 : i32 to index
          %swap3A_1686 = arith.constant 112 : index
          %swap3A_1687 = tpu.vector_load %arg12[%swap3A_1685, %swap3A_1686] {strides = array<i32>} : memref<80x128xf32, #tpu.memory_space<vmem>>, vector<1x16xf32>,
          %swap3A_1688 = vector.shape_cast %swap3A_1687 : vector<1x16xf32> to vector<16xf32>
          %swap3A_1689 = vector.shape_cast %mul3A_1684 : vector<16xf32> to vector<1x16xf32>
          tpu.vector_store %arg12[%swap3A_1685, %swap3A_1686], %swap3A_1689 {strides = array<i32>} : memref<80x128xf32, #tpu.memory_space<vmem>>, vector<1x16xf32>,
          %scan3A_1690 = arith.constant 0 : i32
          scf.yield %scan3A_1690 : i32
        }
        %scan3A_148 = arith.constant 5 : i32
        %mul3A_149 = arith.constant 80 : i32
        %mul3A_150 = arith.muli %mul3A_136, %mul3A_149 : i32
        "tpu.region"() ({
          %run_scoped3A = tpu.sem_alloc : memref<!tpu.dma_semaphore, #tpu.memory_space<semaphore_mem>>
          %dma_start3A_180 = tpu.memref_slice %arg10[%mul3A_150] : memref<2560xi32, #tpu.memory_space<vmem>> -> memref<80xi32, #tpu.memory_space<vmem>>
          %dma_start3A_181 = arith.constant 0 : i32
          %dma_start3A_182 = arith.constant 0 : i32
          %dma_start3A_183 = tpu.memref_slice %arg18[%dma_start3A_181, %dma_start3A_182] : memref<10240x128xf32, #tpu.memory_space<vmem_shared>> -> memref<10240x128xf32, #tpu.memory_space<vmem_shared>>
          tpu.enqueue_indirect_dma source(%arg12 : memref<80x128xf32, #tpu.memory_space<vmem>>) target(%dma_start3A_183 : memref<10240x128xf32, #tpu.memory_space<vmem_shared>>) offsets(%dma_start3A_180 : memref<80xi32, #tpu.memory_space<vmem>>) semaphore(%run_scoped3A : memref<!tpu.dma_semaphore, #tpu.memory_space<semaphore_mem>>) {add = true}
          %dma_wait3A_184 = tpu.memref_slice %arg10[%mul3A_150] : memref<2560xi32, #tpu.memory_space<vmem>> -> memref<80xi32, #tpu.memory_space<vmem>>
          %dma_wait3A_185 = arith.constant 0 : i32
          %dma_wait3A_186 = arith.constant 0 : i32
          %dma_wait3A_187 = tpu.memref_slice %arg18[%dma_wait3A_185, %dma_wait3A_186] : memref<10240x128xf32, #tpu.memory_space<vmem_shared>> -> memref<10240x128xf32, #tpu.memory_space<vmem_shared>>
          tpu.wait_indirect_dma semaphore(%run_scoped3A : memref<!tpu.dma_semaphore, #tpu.memory_space<semaphore_mem>>) src(%arg12 : memref<80x128xf32, #tpu.memory_space<vmem>>) dst(%dma_wait3A_187 : memref<10240x128xf32, #tpu.memory_space<vmem_shared>>)
          tpu.yield
        }) : () -> ()
        %lt3A = arith.constant 15 : i32
        %lt3A_151 = arith.cmpi slt, %scan3A_133, %lt3A : i32
        %convert_element_type3A = arith.extui %lt3A_151 : i1 to i32
        %cond3A = arith.constant 0 : i32
        %cond3A_152 = arith.cmpi ne, %convert_element_type3A, %cond3A : i32
        scf.if %cond3A_152 {
          %add3A_180 = arith.constant 2 : i32
          %add3A_181 = arith.addi %mul3A_136, %add3A_180 : i32
          %mul3A_182 = arith.constant 80 : i32
          %mul3A_183 = arith.muli %add3A_181, %mul3A_182 : i32
          %dma_start3A_184 = tpu.memref_slice %arg9[%mul3A_183] : memref<2560xi32, #tpu.memory_space<vmem>> -> memref<80xi32, #tpu.memory_space<vmem>>
          %dma_start3A_185 = arith.constant 0 : i32
          %dma_start3A_186 = arith.constant 0 : i32
          %dma_start3A_187 = tpu.memref_slice %arg5[%dma_start3A_185, %dma_start3A_186] : memref<10000x128xf32, #tpu.memory_space<hbm>> -> memref<10000x128xf32, #tpu.memory_space<hbm>>
          tpu.enqueue_indirect_dma source(%dma_start3A_187 : memref<10000x128xf32, #tpu.memory_space<hbm>>) target(%arg12 : memref<80x128xf32, #tpu.memory_space<vmem>>) offsets(%dma_start3A_184 : memref<80xi32, #tpu.memory_space<vmem>>) semaphore(%arg14 : memref<!tpu.dma_semaphore, #tpu.memory_space<semaphore_mem>>)
        } else {
        }
        %add3A_153 = arith.constant 1 : i32
        %add3A_154 = arith.addi %mul3A_136, %add3A_153 : i32
        %mul3A_155 = arith.constant 80 : i32
        %mul3A_156 = arith.muli %add3A_154, %mul3A_155 : i32
        %dma_wait3A_157 = tpu.memref_slice %arg9[%mul3A_156] : memref<2560xi32, #tpu.memory_space<vmem>> -> memref<80xi32, #tpu.memory_space<vmem>>
        %dma_wait3A_158 = arith.constant 0 : i32
        %dma_wait3A_159 = arith.constant 0 : i32
        %dma_wait3A_160 = tpu.memref_slice %arg5[%dma_wait3A_158, %dma_wait3A_159] : memref<10000x128xf32, #tpu.memory_space<hbm>> -> memref<10000x128xf32, #tpu.memory_space<hbm>>
        tpu.wait_indirect_dma semaphore(%arg15 : memref<!tpu.dma_semaphore, #tpu.memory_space<semaphore_mem>>) src(%dma_wait3A_160 : memref<10000x128xf32, #tpu.memory_space<hbm>>) dst(%arg13 : memref<80x128xf32, #tpu.memory_space<vmem>>)
        %add3A_161 = arith.constant 1 : i32
        %add3A_162 = arith.addi %mul3A_136, %add3A_161 : i32
        %scan3A_163 = arith.constant 0 : i32
        %scan3A_164 = arith.constant 0 : i32
        %scan3A_165 = arith.constant 5 : i32
        %scan3A_166 = arith.addi %scan3A_164, %scan3A_165 : i32
        %scan3A_167 = arith.constant 1 : i32
        %scan3A_168 = scf.for %scan3A_180 = %scan3A_164 to %scan3A_166 step %scan3A_167 iter_args(%scan3A_181 = %scan3A_163) -> (i32)  : i32 {
          %mul3A_182 = arith.constant 80 : i32
          %mul3A_183 = arith.muli %add3A_162, %mul3A_182 : i32
          %mul3A_184 = arith.constant 16 : i32
          %mul3A_185 = arith.muli %scan3A_180, %mul3A_184 : i32
          %add3A_186 = arith.addi %mul3A_183, %mul3A_185 : i32
          %get3A = arith.index_cast %add3A_186 : i32 to index
          %get3A_187 = tpu.vector_load %arg11[%get3A] {strides = array<i32>} : memref<2560xf32, #tpu.memory_space<vmem>>, vector<16xf32>,
          %get3A_188 = vector.shape_cast %get3A_187 : vector<16xf32> to vector<16xf32>
          %slice3A = vector.extract_strided_slice %get3A_188 {offsets = [0], sizes = [1], strides = [1]} : vector<16xf32> to vector<1xf32>
          %squeeze3A = vector.extract %slice3A[0] : f32 from vector<1xf32>
          %mul3A_189 = arith.constant 16 : i32
          %mul3A_190 = arith.muli %scan3A_180, %mul3A_189 : i32
          %add3A_191 = arith.constant 0 : i32
          %add3A_192 = arith.addi %mul3A_190, %add3A_191 : i32
          %get3A_193 = arith.index_cast %add3A_192 : i32 to index
          %get3A_194 = arith.constant 0 : index
          %get3A_195 = tpu.vector_load %arg13[%get3A_193, %get3A_194] {strides = array<i32>} : memref<80x128xf32, #tpu.memory_space<vmem>>, vector<1x16xf32>,
          %get3A_196 = vector.shape_cast %get3A_195 : vector<1x16xf32> to vector<16xf32>
          %mul3A_197 = vector.broadcast %squeeze3A : f32 to vector<16xf32>
          %mul3A_198 = arith.mulf %get3A_196, %mul3A_197 : vector<16xf32>
          %swap3A = arith.index_cast %add3A_192 : i32 to index
          %swap3A_199 = arith.constant 0 : index
          %swap3A_200 = tpu.vector_load %arg13[%swap3A, %swap3A_199] {strides = array<i32>} : memref<80x128xf32, #tpu.memory_space<vmem>>, vector<1x16xf32>,
          %swap3A_201 = vector.shape_cast %swap3A_200 : vector<1x16xf32> to vector<16xf32>
          %swap3A_202 = vector.shape_cast %mul3A_198 : vector<16xf32> to vector<1x16xf32>
          tpu.vector_store %arg13[%swap3A, %swap3A_199], %swap3A_202 {strides = array<i32>} : memref<80x128xf32, #tpu.memory_space<vmem>>, vector<1x16xf32>,
          %get3A_203 = arith.index_cast %add3A_192 : i32 to index
          %get3A_204 = arith.constant 16 : index
          %get3A_205 = tpu.vector_load %arg13[%get3A_203, %get3A_204] {strides = array<i32>} : memref<80x128xf32, #tpu.memory_space<vmem>>, vector<1x16xf32>,
          %get3A_206 = vector.shape_cast %get3A_205 : vector<1x16xf32> to vector<16xf32>
          %mul3A_207 = vector.broadcast %squeeze3A : f32 to vector<16xf32>
          %mul3A_208 = arith.mulf %get3A_206, %mul3A_207 : vector<16xf32>
          %swap3A_209 = arith.index_cast %add3A_192 : i32 to index
          %swap3A_210 = arith.constant 16 : index
          %swap3A_211 = tpu.vector_load %arg13[%swap3A_209, %swap3A_210] {strides = array<i32>} : memref<80x128xf32, #tpu.memory_space<vmem>>, vector<1x16xf32>,
          %swap3A_212 = vector.shape_cast %swap3A_211 : vector<1x16xf32> to vector<16xf32>
          %swap3A_213 = vector.shape_cast %mul3A_208 : vector<16xf32> to vector<1x16xf32>
          tpu.vector_store %arg13[%swap3A_209, %swap3A_210], %swap3A_213 {strides = array<i32>} : memref<80x128xf32, #tpu.memory_space<vmem>>, vector<1x16xf32>,
          %get3A_214 = arith.index_cast %add3A_192 : i32 to index
          %get3A_215 = arith.constant 32 : index
          %get3A_216 = tpu.vector_load %arg13[%get3A_214, %get3A_215] {strides = array<i32>} : memref<80x128xf32, #tpu.memory_space<vmem>>, vector<1x16xf32>,
          %get3A_217 = vector.shape_cast %get3A_216 : vector<1x16xf32> to vector<16xf32>
          %mul3A_218 = vector.broadcast %squeeze3A : f32 to vector<16xf32>
          %mul3A_219 = arith.mulf %get3A_217, %mul3A_218 : vector<16xf32>
          %swap3A_220 = arith.index_cast %add3A_192 : i32 to index
          %swap3A_221 = arith.constant 32 : index
          %swap3A_222 = tpu.vector_load %arg13[%swap3A_220, %swap3A_221] {strides = array<i32>} : memref<80x128xf32, #tpu.memory_space<vmem>>, vector<1x16xf32>,
          %swap3A_223 = vector.shape_cast %swap3A_222 : vector<1x16xf32> to vector<16xf32>
          %swap3A_224 = vector.shape_cast %mul3A_219 : vector<16xf32> to vector<1x16xf32>
          tpu.vector_store %arg13[%swap3A_220, %swap3A_221], %swap3A_224 {strides = array<i32>} : memref<80x128xf32, #tpu.memory_space<vmem>>, vector<1x16xf32>,
          %get3A_225 = arith.index_cast %add3A_192 : i32 to index
          %get3A_226 = arith.constant 48 : index
          %get3A_227 = tpu.vector_load %arg13[%get3A_225, %get3A_226] {strides = array<i32>} : memref<80x128xf32, #tpu.memory_space<vmem>>, vector<1x16xf32>,
          %get3A_228 = vector.shape_cast %get3A_227 : vector<1x16xf32> to vector<16xf32>
          %mul3A_229 = vector.broadcast %squeeze3A : f32 to vector<16xf32>
          %mul3A_230 = arith.mulf %get3A_228, %mul3A_229 : vector<16xf32>
          %swap3A_231 = arith.index_cast %add3A_192 : i32 to index
          %swap3A_232 = arith.constant 48 : index
          %swap3A_233 = tpu.vector_load %arg13[%swap3A_231, %swap3A_232] {strides = array<i32>} : memref<80x128xf32, #tpu.memory_space<vmem>>, vector<1x16xf32>,
          %swap3A_234 = vector.shape_cast %swap3A_233 : vector<1x16xf32> to vector<16xf32>
          %swap3A_235 = vector.shape_cast %mul3A_230 : vector<16xf32> to vector<1x16xf32>
          tpu.vector_store %arg13[%swap3A_231, %swap3A_232], %swap3A_235 {strides = array<i32>} : memref<80x128xf32, #tpu.memory_space<vmem>>, vector<1x16xf32>,
          %get3A_236 = arith.index_cast %add3A_192 : i32 to index
          %get3A_237 = arith.constant 64 : index
          %get3A_238 = tpu.vector_load %arg13[%get3A_236, %get3A_237] {strides = array<i32>} : memref<80x128xf32, #tpu.memory_space<vmem>>, vector<1x16xf32>,
          %get3A_239 = vector.shape_cast %get3A_238 : vector<1x16xf32> to vector<16xf32>
          %mul3A_240 = vector.broadcast %squeeze3A : f32 to vector<16xf32>
          %mul3A_241 = arith.mulf %get3A_239, %mul3A_240 : vector<16xf32>
          %swap3A_242 = arith.index_cast %add3A_192 : i32 to index
          %swap3A_243 = arith.constant 64 : index
          %swap3A_244 = tpu.vector_load %arg13[%swap3A_242, %swap3A_243] {strides = array<i32>} : memref<80x128xf32, #tpu.memory_space<vmem>>, vector<1x16xf32>,
          %swap3A_245 = vector.shape_cast %swap3A_244 : vector<1x16xf32> to vector<16xf32>
          %swap3A_246 = vector.shape_cast %mul3A_241 : vector<16xf32> to vector<1x16xf32>
          tpu.vector_store %arg13[%swap3A_242, %swap3A_243], %swap3A_246 {strides = array<i32>} : memref<80x128xf32, #tpu.memory_space<vmem>>, vector<1x16xf32>,
          %get3A_247 = arith.index_cast %add3A_192 : i32 to index
          %get3A_248 = arith.constant 80 : index
          %get3A_249 = tpu.vector_load %arg13[%get3A_247, %get3A_248] {strides = array<i32>} : memref<80x128xf32, #tpu.memory_space<vmem>>, vector<1x16xf32>,
          %get3A_250 = vector.shape_cast %get3A_249 : vector<1x16xf32> to vector<16xf32>
          %mul3A_251 = vector.broadcast %squeeze3A : f32 to vector<16xf32>
          %mul3A_252 = arith.mulf %get3A_250, %mul3A_251 : vector<16xf32>
          %swap3A_253 = arith.index_cast %add3A_192 : i32 to index
          %swap3A_254 = arith.constant 80 : index
          %swap3A_255 = tpu.vector_load %arg13[%swap3A_253, %swap3A_254] {strides = array<i32>} : memref<80x128xf32, #tpu.memory_space<vmem>>, vector<1x16xf32>,
          %swap3A_256 = vector.shape_cast %swap3A_255 : vector<1x16xf32> to vector<16xf32>
          %swap3A_257 = vector.shape_cast %mul3A_252 : vector<16xf32> to vector<1x16xf32>
          tpu.vector_store %arg13[%swap3A_253, %swap3A_254], %swap3A_257 {strides = array<i32>} : memref<80x128xf32, #tpu.memory_space<vmem>>, vector<1x16xf32>,
          %get3A_258 = arith.index_cast %add3A_192 : i32 to index
          %get3A_259 = arith.constant 96 : index
          %get3A_260 = tpu.vector_load %arg13[%get3A_258, %get3A_259] {strides = array<i32>} : memref<80x128xf32, #tpu.memory_space<vmem>>, vector<1x16xf32>,
          %get3A_261 = vector.shape_cast %get3A_260 : vector<1x16xf32> to vector<16xf32>
          %mul3A_262 = vector.broadcast %squeeze3A : f32 to vector<16xf32>
          %mul3A_263 = arith.mulf %get3A_261, %mul3A_262 : vector<16xf32>
          %swap3A_264 = arith.index_cast %add3A_192 : i32 to index
          %swap3A_265 = arith.constant 96 : index
          %swap3A_266 = tpu.vector_load %arg13[%swap3A_264, %swap3A_265] {strides = array<i32>} : memref<80x128xf32, #tpu.memory_space<vmem>>, vector<1x16xf32>,
          %swap3A_267 = vector.shape_cast %swap3A_266 : vector<1x16xf32> to vector<16xf32>
          %swap3A_268 = vector.shape_cast %mul3A_263 : vector<16xf32> to vector<1x16xf32>
          tpu.vector_store %arg13[%swap3A_264, %swap3A_265], %swap3A_268 {strides = array<i32>} : memref<80x128xf32, #tpu.memory_space<vmem>>, vector<1x16xf32>,
          %get3A_269 = arith.index_cast %add3A_192 : i32 to index
          %get3A_270 = arith.constant 112 : index
          %get3A_271 = tpu.vector_load %arg13[%get3A_269, %get3A_270] {strides = array<i32>} : memref<80x128xf32, #tpu.memory_space<vmem>>, vector<1x16xf32>,
          %get3A_272 = vector.shape_cast %get3A_271 : vector<1x16xf32> to vector<16xf32>
          %mul3A_273 = vector.broadcast %squeeze3A : f32 to vector<16xf32>
          %mul3A_274 = arith.mulf %get3A_272, %mul3A_273 : vector<16xf32>
          %swap3A_275 = arith.index_cast %add3A_192 : i32 to index
          %swap3A_276 = arith.constant 112 : index
          %swap3A_277 = tpu.vector_load %arg13[%swap3A_275, %swap3A_276] {strides = array<i32>} : memref<80x128xf32, #tpu.memory_space<vmem>>, vector<1x16xf32>,
          %swap3A_278 = vector.shape_cast %swap3A_277 : vector<1x16xf32> to vector<16xf32>
          %swap3A_279 = vector.shape_cast %mul3A_274 : vector<16xf32> to vector<1x16xf32>
          tpu.vector_store %arg13[%swap3A_275, %swap3A_276], %swap3A_279 {strides = array<i32>} : memref<80x128xf32, #tpu.memory_space<vmem>>, vector<1x16xf32>,
          %slice3A_280 = vector.extract_strided_slice %get3A_188 {offsets = [1], sizes = [1], strides = [1]} : vector<16xf32> to vector<1xf32>
          %squeeze3A_281 = vector.extract %slice3A_280[0] : f32 from vector<1xf32>
          %mul3A_282 = arith.constant 16 : i32
          %mul3A_283 = arith.muli %scan3A_180, %mul3A_282 : i32
          %add3A_284 = arith.constant 1 : i32
          %add3A_285 = arith.addi %mul3A_283, %add3A_284 : i32
          %get3A_286 = arith.index_cast %add3A_285 : i32 to index
          %get3A_287 = arith.constant 0 : index
          %get3A_288 = tpu.vector_load %arg13[%get3A_286, %get3A_287] {strides = array<i32>} : memref<80x128xf32, #tpu.memory_space<vmem>>, vector<1x16xf32>,
          %get3A_289 = vector.shape_cast %get3A_288 : vector<1x16xf32> to vector<16xf32>
          %mul3A_290 = vector.broadcast %squeeze3A_281 : f32 to vector<16xf32>
          %mul3A_291 = arith.mulf %get3A_289, %mul3A_290 : vector<16xf32>
          %swap3A_292 = arith.index_cast %add3A_285 : i32 to index
          %swap3A_293 = arith.constant 0 : index
          %swap3A_294 = tpu.vector_load %arg13[%swap3A_292, %swap3A_293] {strides = array<i32>} : memref<80x128xf32, #tpu.memory_space<vmem>>, vector<1x16xf32>,
          %swap3A_295 = vector.shape_cast %swap3A_294 : vector<1x16xf32> to vector<16xf32>
          %swap3A_296 = vector.shape_cast %mul3A_291 : vector<16xf32> to vector<1x16xf32>
          tpu.vector_store %arg13[%swap3A_292, %swap3A_293], %swap3A_296 {strides = array<i32>} : memref<80x128xf32, #tpu.memory_space<vmem>>, vector<1x16xf32>,
          %get3A_297 = arith.index_cast %add3A_285 : i32 to index
          %get3A_298 = arith.constant 16 : index
          %get3A_299 = tpu.vector_load %arg13[%get3A_297, %get3A_298] {strides = array<i32>} : memref<80x128xf32, #tpu.memory_space<vmem>>, vector<1x16xf32>,
          %get3A_300 = vector.shape_cast %get3A_299 : vector<1x16xf32> to vector<16xf32>
          %mul3A_301 = vector.broadcast %squeeze3A_281 : f32 to vector<16xf32>
          %mul3A_302 = arith.mulf %get3A_300, %mul3A_301 : vector<16xf32>
          %swap3A_303 = arith.index_cast %add3A_285 : i32 to index
          %swap3A_304 = arith.constant 16 : index
          %swap3A_305 = tpu.vector_load %arg13[%swap3A_303, %swap3A_304] {strides = array<i32>} : memref<80x128xf32, #tpu.memory_space<vmem>>, vector<1x16xf32>,
          %swap3A_306 = vector.shape_cast %swap3A_305 : vector<1x16xf32> to vector<16xf32>
          %swap3A_307 = vector.shape_cast %mul3A_302 : vector<16xf32> to vector<1x16xf32>
          tpu.vector_store %arg13[%swap3A_303, %swap3A_304], %swap3A_307 {strides = array<i32>} : memref<80x128xf32, #tpu.memory_space<vmem>>, vector<1x16xf32>,
          %get3A_308 = arith.index_cast %add3A_285 : i32 to index
          %get3A_309 = arith.constant 32 : index
          %get3A_310 = tpu.vector_load %arg13[%get3A_308, %get3A_309] {strides = array<i32>} : memref<80x128xf32, #tpu.memory_space<vmem>>, vector<1x16xf32>,
          %get3A_311 = vector.shape_cast %get3A_310 : vector<1x16xf32> to vector<16xf32>
          %mul3A_312 = vector.broadcast %squeeze3A_281 : f32 to vector<16xf32>
          %mul3A_313 = arith.mulf %get3A_311, %mul3A_312 : vector<16xf32>
          %swap3A_314 = arith.index_cast %add3A_285 : i32 to index
          %swap3A_315 = arith.constant 32 : index
          %swap3A_316 = tpu.vector_load %arg13[%swap3A_314, %swap3A_315] {strides = array<i32>} : memref<80x128xf32, #tpu.memory_space<vmem>>, vector<1x16xf32>,
          %swap3A_317 = vector.shape_cast %swap3A_316 : vector<1x16xf32> to vector<16xf32>
          %swap3A_318 = vector.shape_cast %mul3A_313 : vector<16xf32> to vector<1x16xf32>
          tpu.vector_store %arg13[%swap3A_314, %swap3A_315], %swap3A_318 {strides = array<i32>} : memref<80x128xf32, #tpu.memory_space<vmem>>, vector<1x16xf32>,
          %get3A_319 = arith.index_cast %add3A_285 : i32 to index
          %get3A_320 = arith.constant 48 : index
          %get3A_321 = tpu.vector_load %arg13[%get3A_319, %get3A_320] {strides = array<i32>} : memref<80x128xf32, #tpu.memory_space<vmem>>, vector<1x16xf32>,
          %get3A_322 = vector.shape_cast %get3A_321 : vector<1x16xf32> to vector<16xf32>
          %mul3A_323 = vector.broadcast %squeeze3A_281 : f32 to vector<16xf32>
          %mul3A_324 = arith.mulf %get3A_322, %mul3A_323 : vector<16xf32>
          %swap3A_325 = arith.index_cast %add3A_285 : i32 to index
          %swap3A_326 = arith.constant 48 : index
          %swap3A_327 = tpu.vector_load %arg13[%swap3A_325, %swap3A_326] {strides = array<i32>} : memref<80x128xf32, #tpu.memory_space<vmem>>, vector<1x16xf32>,
          %swap3A_328 = vector.shape_cast %swap3A_327 : vector<1x16xf32> to vector<16xf32>
          %swap3A_329 = vector.shape_cast %mul3A_324 : vector<16xf32> to vector<1x16xf32>
          tpu.vector_store %arg13[%swap3A_325, %swap3A_326], %swap3A_329 {strides = array<i32>} : memref<80x128xf32, #tpu.memory_space<vmem>>, vector<1x16xf32>,
          %get3A_330 = arith.index_cast %add3A_285 : i32 to index
          %get3A_331 = arith.constant 64 : index
          %get3A_332 = tpu.vector_load %arg13[%get3A_330, %get3A_331] {strides = array<i32>} : memref<80x128xf32, #tpu.memory_space<vmem>>, vector<1x16xf32>,
          %get3A_333 = vector.shape_cast %get3A_332 : vector<1x16xf32> to vector<16xf32>
          %mul3A_334 = vector.broadcast %squeeze3A_281 : f32 to vector<16xf32>
          %mul3A_335 = arith.mulf %get3A_333, %mul3A_334 : vector<16xf32>
          %swap3A_336 = arith.index_cast %add3A_285 : i32 to index
          %swap3A_337 = arith.constant 64 : index
          %swap3A_338 = tpu.vector_load %arg13[%swap3A_336, %swap3A_337] {strides = array<i32>} : memref<80x128xf32, #tpu.memory_space<vmem>>, vector<1x16xf32>,
          %swap3A_339 = vector.shape_cast %swap3A_338 : vector<1x16xf32> to vector<16xf32>
          %swap3A_340 = vector.shape_cast %mul3A_335 : vector<16xf32> to vector<1x16xf32>
          tpu.vector_store %arg13[%swap3A_336, %swap3A_337], %swap3A_340 {strides = array<i32>} : memref<80x128xf32, #tpu.memory_space<vmem>>, vector<1x16xf32>,
          %get3A_341 = arith.index_cast %add3A_285 : i32 to index
          %get3A_342 = arith.constant 80 : index
          %get3A_343 = tpu.vector_load %arg13[%get3A_341, %get3A_342] {strides = array<i32>} : memref<80x128xf32, #tpu.memory_space<vmem>>, vector<1x16xf32>,
          %get3A_344 = vector.shape_cast %get3A_343 : vector<1x16xf32> to vector<16xf32>
          %mul3A_345 = vector.broadcast %squeeze3A_281 : f32 to vector<16xf32>
          %mul3A_346 = arith.mulf %get3A_344, %mul3A_345 : vector<16xf32>
          %swap3A_347 = arith.index_cast %add3A_285 : i32 to index
          %swap3A_348 = arith.constant 80 : index
          %swap3A_349 = tpu.vector_load %arg13[%swap3A_347, %swap3A_348] {strides = array<i32>} : memref<80x128xf32, #tpu.memory_space<vmem>>, vector<1x16xf32>,
          %swap3A_350 = vector.shape_cast %swap3A_349 : vector<1x16xf32> to vector<16xf32>
          %swap3A_351 = vector.shape_cast %mul3A_346 : vector<16xf32> to vector<1x16xf32>
          tpu.vector_store %arg13[%swap3A_347, %swap3A_348], %swap3A_351 {strides = array<i32>} : memref<80x128xf32, #tpu.memory_space<vmem>>, vector<1x16xf32>,
          %get3A_352 = arith.index_cast %add3A_285 : i32 to index
          %get3A_353 = arith.constant 96 : index
          %get3A_354 = tpu.vector_load %arg13[%get3A_352, %get3A_353] {strides = array<i32>} : memref<80x128xf32, #tpu.memory_space<vmem>>, vector<1x16xf32>,
          %get3A_355 = vector.shape_cast %get3A_354 : vector<1x16xf32> to vector<16xf32>
          %mul3A_356 = vector.broadcast %squeeze3A_281 : f32 to vector<16xf32>
          %mul3A_357 = arith.mulf %get3A_355, %mul3A_356 : vector<16xf32>
          %swap3A_358 = arith.index_cast %add3A_285 : i32 to index
          %swap3A_359 = arith.constant 96 : index
          %swap3A_360 = tpu.vector_load %arg13[%swap3A_358, %swap3A_359] {strides = array<i32>} : memref<80x128xf32, #tpu.memory_space<vmem>>, vector<1x16xf32>,
          %swap3A_361 = vector.shape_cast %swap3A_360 : vector<1x16xf32> to vector<16xf32>
          %swap3A_362 = vector.shape_cast %mul3A_357 : vector<16xf32> to vector<1x16xf32>
          tpu.vector_store %arg13[%swap3A_358, %swap3A_359], %swap3A_362 {strides = array<i32>} : memref<80x128xf32, #tpu.memory_space<vmem>>, vector<1x16xf32>,
          %get3A_363 = arith.index_cast %add3A_285 : i32 to index
          %get3A_364 = arith.constant 112 : index
          %get3A_365 = tpu.vector_load %arg13[%get3A_363, %get3A_364] {strides = array<i32>} : memref<80x128xf32, #tpu.memory_space<vmem>>, vector<1x16xf32>,
          %get3A_366 = vector.shape_cast %get3A_365 : vector<1x16xf32> to vector<16xf32>
          %mul3A_367 = vector.broadcast %squeeze3A_281 : f32 to vector<16xf32>
          %mul3A_368 = arith.mulf %get3A_366, %mul3A_367 : vector<16xf32>
          %swap3A_369 = arith.index_cast %add3A_285 : i32 to index
          %swap3A_370 = arith.constant 112 : index
          %swap3A_371 = tpu.vector_load %arg13[%swap3A_369, %swap3A_370] {strides = array<i32>} : memref<80x128xf32, #tpu.memory_space<vmem>>, vector<1x16xf32>,
          %swap3A_372 = vector.shape_cast %swap3A_371 : vector<1x16xf32> to vector<16xf32>
          %swap3A_373 = vector.shape_cast %mul3A_368 : vector<16xf32> to vector<1x16xf32>
          tpu.vector_store %arg13[%swap3A_369, %swap3A_370], %swap3A_373 {strides = array<i32>} : memref<80x128xf32, #tpu.memory_space<vmem>>, vector<1x16xf32>,
          %slice3A_374 = vector.extract_strided_slice %get3A_188 {offsets = [2], sizes = [1], strides = [1]} : vector<16xf32> to vector<1xf32>
          %squeeze3A_375 = vector.extract %slice3A_374[0] : f32 from vector<1xf32>
          %mul3A_376 = arith.constant 16 : i32
          %mul3A_377 = arith.muli %scan3A_180, %mul3A_376 : i32
          %add3A_378 = arith.constant 2 : i32
          %add3A_379 = arith.addi %mul3A_377, %add3A_378 : i32
          %get3A_380 = arith.index_cast %add3A_379 : i32 to index
          %get3A_381 = arith.constant 0 : index
          %get3A_382 = tpu.vector_load %arg13[%get3A_380, %get3A_381] {strides = array<i32>} : memref<80x128xf32, #tpu.memory_space<vmem>>, vector<1x16xf32>,
          %get3A_383 = vector.shape_cast %get3A_382 : vector<1x16xf32> to vector<16xf32>
          %mul3A_384 = vector.broadcast %squeeze3A_375 : f32 to vector<16xf32>
          %mul3A_385 = arith.mulf %get3A_383, %mul3A_384 : vector<16xf32>
          %swap3A_386 = arith.index_cast %add3A_379 : i32 to index
          %swap3A_387 = arith.constant 0 : index
          %swap3A_388 = tpu.vector_load %arg13[%swap3A_386, %swap3A_387] {strides = array<i32>} : memref<80x128xf32, #tpu.memory_space<vmem>>, vector<1x16xf32>,
          %swap3A_389 = vector.shape_cast %swap3A_388 : vector<1x16xf32> to vector<16xf32>
          %swap3A_390 = vector.shape_cast %mul3A_385 : vector<16xf32> to vector<1x16xf32>
          tpu.vector_store %arg13[%swap3A_386, %swap3A_387], %swap3A_390 {strides = array<i32>} : memref<80x128xf32, #tpu.memory_space<vmem>>, vector<1x16xf32>,
          %get3A_391 = arith.index_cast %add3A_379 : i32 to index
          %get3A_392 = arith.constant 16 : index
          %get3A_393 = tpu.vector_load %arg13[%get3A_391, %get3A_392] {strides = array<i32>} : memref<80x128xf32, #tpu.memory_space<vmem>>, vector<1x16xf32>,
          %get3A_394 = vector.shape_cast %get3A_393 : vector<1x16xf32> to vector<16xf32>
          %mul3A_395 = vector.broadcast %squeeze3A_375 : f32 to vector<16xf32>
          %mul3A_396 = arith.mulf %get3A_394, %mul3A_395 : vector<16xf32>
          %swap3A_397 = arith.index_cast %add3A_379 : i32 to index
          %swap3A_398 = arith.constant 16 : index
          %swap3A_399 = tpu.vector_load %arg13[%swap3A_397, %swap3A_398] {strides = array<i32>} : memref<80x128xf32, #tpu.memory_space<vmem>>, vector<1x16xf32>,
          %swap3A_400 = vector.shape_cast %swap3A_399 : vector<1x16xf32> to vector<16xf32>
          %swap3A_401 = vector.shape_cast %mul3A_396 : vector<16xf32> to vector<1x16xf32>
          tpu.vector_store %arg13[%swap3A_397, %swap3A_398], %swap3A_401 {strides = array<i32>} : memref<80x128xf32, #tpu.memory_space<vmem>>, vector<1x16xf32>,
          %get3A_402 = arith.index_cast %add3A_379 : i32 to index
          %get3A_403 = arith.constant 32 : index
          %get3A_404 = tpu.vector_load %arg13[%get3A_402, %get3A_403] {strides = array<i32>} : memref<80x128xf32, #tpu.memory_space<vmem>>, vector<1x16xf32>,
          %get3A_405 = vector.shape_cast %get3A_404 : vector<1x16xf32> to vector<16xf32>
          %mul3A_406 = vector.broadcast %squeeze3A_375 : f32 to vector<16xf32>
          %mul3A_407 = arith.mulf %get3A_405, %mul3A_406 : vector<16xf32>
          %swap3A_408 = arith.index_cast %add3A_379 : i32 to index
          %swap3A_409 = arith.constant 32 : index
          %swap3A_410 = tpu.vector_load %arg13[%swap3A_408, %swap3A_409] {strides = array<i32>} : memref<80x128xf32, #tpu.memory_space<vmem>>, vector<1x16xf32>,
          %swap3A_411 = vector.shape_cast %swap3A_410 : vector<1x16xf32> to vector<16xf32>
          %swap3A_412 = vector.shape_cast %mul3A_407 : vector<16xf32> to vector<1x16xf32>
          tpu.vector_store %arg13[%swap3A_408, %swap3A_409], %swap3A_412 {strides = array<i32>} : memref<80x128xf32, #tpu.memory_space<vmem>>, vector<1x16xf32>,
          %get3A_413 = arith.index_cast %add3A_379 : i32 to index
          %get3A_414 = arith.constant 48 : index
          %get3A_415 = tpu.vector_load %arg13[%get3A_413, %get3A_414] {strides = array<i32>} : memref<80x128xf32, #tpu.memory_space<vmem>>, vector<1x16xf32>,
          %get3A_416 = vector.shape_cast %get3A_415 : vector<1x16xf32> to vector<16xf32>
          %mul3A_417 = vector.broadcast %squeeze3A_375 : f32 to vector<16xf32>
          %mul3A_418 = arith.mulf %get3A_416, %mul3A_417 : vector<16xf32>
          %swap3A_419 = arith.index_cast %add3A_379 : i32 to index
          %swap3A_420 = arith.constant 48 : index
          %swap3A_421 = tpu.vector_load %arg13[%swap3A_419, %swap3A_420] {strides = array<i32>} : memref<80x128xf32, #tpu.memory_space<vmem>>, vector<1x16xf32>,
          %swap3A_422 = vector.shape_cast %swap3A_421 : vector<1x16xf32> to vector<16xf32>
          %swap3A_423 = vector.shape_cast %mul3A_418 : vector<16xf32> to vector<1x16xf32>
          tpu.vector_store %arg13[%swap3A_419, %swap3A_420], %swap3A_423 {strides = array<i32>} : memref<80x128xf32, #tpu.memory_space<vmem>>, vector<1x16xf32>,
          %get3A_424 = arith.index_cast %add3A_379 : i32 to index
          %get3A_425 = arith.constant 64 : index
          %get3A_426 = tpu.vector_load %arg13[%get3A_424, %get3A_425] {strides = array<i32>} : memref<80x128xf32, #tpu.memory_space<vmem>>, vector<1x16xf32>,
          %get3A_427 = vector.shape_cast %get3A_426 : vector<1x16xf32> to vector<16xf32>
          %mul3A_428 = vector.broadcast %squeeze3A_375 : f32 to vector<16xf32>
          %mul3A_429 = arith.mulf %get3A_427, %mul3A_428 : vector<16xf32>
          %swap3A_430 = arith.index_cast %add3A_379 : i32 to index
          %swap3A_431 = arith.constant 64 : index
          %swap3A_432 = tpu.vector_load %arg13[%swap3A_430, %swap3A_431] {strides = array<i32>} : memref<80x128xf32, #tpu.memory_space<vmem>>, vector<1x16xf32>,
          %swap3A_433 = vector.shape_cast %swap3A_432 : vector<1x16xf32> to vector<16xf32>
          %swap3A_434 = vector.shape_cast %mul3A_429 : vector<16xf32> to vector<1x16xf32>
          tpu.vector_store %arg13[%swap3A_430, %swap3A_431], %swap3A_434 {strides = array<i32>} : memref<80x128xf32, #tpu.memory_space<vmem>>, vector<1x16xf32>,
          %get3A_435 = arith.index_cast %add3A_379 : i32 to index
          %get3A_436 = arith.constant 80 : index
          %get3A_437 = tpu.vector_load %arg13[%get3A_435, %get3A_436] {strides = array<i32>} : memref<80x128xf32, #tpu.memory_space<vmem>>, vector<1x16xf32>,
          %get3A_438 = vector.shape_cast %get3A_437 : vector<1x16xf32> to vector<16xf32>
          %mul3A_439 = vector.broadcast %squeeze3A_375 : f32 to vector<16xf32>
          %mul3A_440 = arith.mulf %get3A_438, %mul3A_439 : vector<16xf32>
          %swap3A_441 = arith.index_cast %add3A_379 : i32 to index
          %swap3A_442 = arith.constant 80 : index
          %swap3A_443 = tpu.vector_load %arg13[%swap3A_441, %swap3A_442] {strides = array<i32>} : memref<80x128xf32, #tpu.memory_space<vmem>>, vector<1x16xf32>,
          %swap3A_444 = vector.shape_cast %swap3A_443 : vector<1x16xf32> to vector<16xf32>
          %swap3A_445 = vector.shape_cast %mul3A_440 : vector<16xf32> to vector<1x16xf32>
          tpu.vector_store %arg13[%swap3A_441, %swap3A_442], %swap3A_445 {strides = array<i32>} : memref<80x128xf32, #tpu.memory_space<vmem>>, vector<1x16xf32>,
          %get3A_446 = arith.index_cast %add3A_379 : i32 to index
          %get3A_447 = arith.constant 96 : index
          %get3A_448 = tpu.vector_load %arg13[%get3A_446, %get3A_447] {strides = array<i32>} : memref<80x128xf32, #tpu.memory_space<vmem>>, vector<1x16xf32>,
          %get3A_449 = vector.shape_cast %get3A_448 : vector<1x16xf32> to vector<16xf32>
          %mul3A_450 = vector.broadcast %squeeze3A_375 : f32 to vector<16xf32>
          %mul3A_451 = arith.mulf %get3A_449, %mul3A_450 : vector<16xf32>
          %swap3A_452 = arith.index_cast %add3A_379 : i32 to index
          %swap3A_453 = arith.constant 96 : index
          %swap3A_454 = tpu.vector_load %arg13[%swap3A_452, %swap3A_453] {strides = array<i32>} : memref<80x128xf32, #tpu.memory_space<vmem>>, vector<1x16xf32>,
          %swap3A_455 = vector.shape_cast %swap3A_454 : vector<1x16xf32> to vector<16xf32>
          %swap3A_456 = vector.shape_cast %mul3A_451 : vector<16xf32> to vector<1x16xf32>
          tpu.vector_store %arg13[%swap3A_452, %swap3A_453], %swap3A_456 {strides = array<i32>} : memref<80x128xf32, #tpu.memory_space<vmem>>, vector<1x16xf32>,
          %get3A_457 = arith.index_cast %add3A_379 : i32 to index
          %get3A_458 = arith.constant 112 : index
          %get3A_459 = tpu.vector_load %arg13[%get3A_457, %get3A_458] {strides = array<i32>} : memref<80x128xf32, #tpu.memory_space<vmem>>, vector<1x16xf32>,
          %get3A_460 = vector.shape_cast %get3A_459 : vector<1x16xf32> to vector<16xf32>
          %mul3A_461 = vector.broadcast %squeeze3A_375 : f32 to vector<16xf32>
          %mul3A_462 = arith.mulf %get3A_460, %mul3A_461 : vector<16xf32>
          %swap3A_463 = arith.index_cast %add3A_379 : i32 to index
          %swap3A_464 = arith.constant 112 : index
          %swap3A_465 = tpu.vector_load %arg13[%swap3A_463, %swap3A_464] {strides = array<i32>} : memref<80x128xf32, #tpu.memory_space<vmem>>, vector<1x16xf32>,
          %swap3A_466 = vector.shape_cast %swap3A_465 : vector<1x16xf32> to vector<16xf32>
          %swap3A_467 = vector.shape_cast %mul3A_462 : vector<16xf32> to vector<1x16xf32>
          tpu.vector_store %arg13[%swap3A_463, %swap3A_464], %swap3A_467 {strides = array<i32>} : memref<80x128xf32, #tpu.memory_space<vmem>>, vector<1x16xf32>,
          %slice3A_468 = vector.extract_strided_slice %get3A_188 {offsets = [3], sizes = [1], strides = [1]} : vector<16xf32> to vector<1xf32>
          %squeeze3A_469 = vector.extract %slice3A_468[0] : f32 from vector<1xf32>
          %mul3A_470 = arith.constant 16 : i32
          %mul3A_471 = arith.muli %scan3A_180, %mul3A_470 : i32
          %add3A_472 = arith.constant 3 : i32
          %add3A_473 = arith.addi %mul3A_471, %add3A_472 : i32
          %get3A_474 = arith.index_cast %add3A_473 : i32 to index
          %get3A_475 = arith.constant 0 : index
          %get3A_476 = tpu.vector_load %arg13[%get3A_474, %get3A_475] {strides = array<i32>} : memref<80x128xf32, #tpu.memory_space<vmem>>, vector<1x16xf32>,
          %get3A_477 = vector.shape_cast %get3A_476 : vector<1x16xf32> to vector<16xf32>
          %mul3A_478 = vector.broadcast %squeeze3A_469 : f32 to vector<16xf32>
          %mul3A_479 = arith.mulf %get3A_477, %mul3A_478 : vector<16xf32>
          %swap3A_480 = arith.index_cast %add3A_473 : i32 to index
          %swap3A_481 = arith.constant 0 : index
          %swap3A_482 = tpu.vector_load %arg13[%swap3A_480, %swap3A_481] {strides = array<i32>} : memref<80x128xf32, #tpu.memory_space<vmem>>, vector<1x16xf32>,
          %swap3A_483 = vector.shape_cast %swap3A_482 : vector<1x16xf32> to vector<16xf32>
          %swap3A_484 = vector.shape_cast %mul3A_479 : vector<16xf32> to vector<1x16xf32>
          tpu.vector_store %arg13[%swap3A_480, %swap3A_481], %swap3A_484 {strides = array<i32>} : memref<80x128xf32, #tpu.memory_space<vmem>>, vector<1x16xf32>,
          %get3A_485 = arith.index_cast %add3A_473 : i32 to index
          %get3A_486 = arith.constant 16 : index
          %get3A_487 = tpu.vector_load %arg13[%get3A_485, %get3A_486] {strides = array<i32>} : memref<80x128xf32, #tpu.memory_space<vmem>>, vector<1x16xf32>,
          %get3A_488 = vector.shape_cast %get3A_487 : vector<1x16xf32> to vector<16xf32>
          %mul3A_489 = vector.broadcast %squeeze3A_469 : f32 to vector<16xf32>
          %mul3A_490 = arith.mulf %get3A_488, %mul3A_489 : vector<16xf32>
          %swap3A_491 = arith.index_cast %add3A_473 : i32 to index
          %swap3A_492 = arith.constant 16 : index
          %swap3A_493 = tpu.vector_load %arg13[%swap3A_491, %swap3A_492] {strides = array<i32>} : memref<80x128xf32, #tpu.memory_space<vmem>>, vector<1x16xf32>,
          %swap3A_494 = vector.shape_cast %swap3A_493 : vector<1x16xf32> to vector<16xf32>
          %swap3A_495 = vector.shape_cast %mul3A_490 : vector<16xf32> to vector<1x16xf32>
          tpu.vector_store %arg13[%swap3A_491, %swap3A_492], %swap3A_495 {strides = array<i32>} : memref<80x128xf32, #tpu.memory_space<vmem>>, vector<1x16xf32>,
          %get3A_496 = arith.index_cast %add3A_473 : i32 to index
          %get3A_497 = arith.constant 32 : index
          %get3A_498 = tpu.vector_load %arg13[%get3A_496, %get3A_497] {strides = array<i32>} : memref<80x128xf32, #tpu.memory_space<vmem>>, vector<1x16xf32>,
          %get3A_499 = vector.shape_cast %get3A_498 : vector<1x16xf32> to vector<16xf32>
          %mul3A_500 = vector.broadcast %squeeze3A_469 : f32 to vector<16xf32>
          %mul3A_501 = arith.mulf %get3A_499, %mul3A_500 : vector<16xf32>
          %swap3A_502 = arith.index_cast %add3A_473 : i32 to index
          %swap3A_503 = arith.constant 32 : index
          %swap3A_504 = tpu.vector_load %arg13[%swap3A_502, %swap3A_503] {strides = array<i32>} : memref<80x128xf32, #tpu.memory_space<vmem>>, vector<1x16xf32>,
          %swap3A_505 = vector.shape_cast %swap3A_504 : vector<1x16xf32> to vector<16xf32>
          %swap3A_506 = vector.shape_cast %mul3A_501 : vector<16xf32> to vector<1x16xf32>
          tpu.vector_store %arg13[%swap3A_502, %swap3A_503], %swap3A_506 {strides = array<i32>} : memref<80x128xf32, #tpu.memory_space<vmem>>, vector<1x16xf32>,
          %get3A_507 = arith.index_cast %add3A_473 : i32 to index
          %get3A_508 = arith.constant 48 : index
          %get3A_509 = tpu.vector_load %arg13[%get3A_507, %get3A_508] {strides = array<i32>} : memref<80x128xf32, #tpu.memory_space<vmem>>, vector<1x16xf32>,
          %get3A_510 = vector.shape_cast %get3A_509 : vector<1x16xf32> to vector<16xf32>
          %mul3A_511 = vector.broadcast %squeeze3A_469 : f32 to vector<16xf32>
          %mul3A_512 = arith.mulf %get3A_510, %mul3A_511 : vector<16xf32>
          %swap3A_513 = arith.index_cast %add3A_473 : i32 to index
          %swap3A_514 = arith.constant 48 : index
          %swap3A_515 = tpu.vector_load %arg13[%swap3A_513, %swap3A_514] {strides = array<i32>} : memref<80x128xf32, #tpu.memory_space<vmem>>, vector<1x16xf32>,
          %swap3A_516 = vector.shape_cast %swap3A_515 : vector<1x16xf32> to vector<16xf32>
          %swap3A_517 = vector.shape_cast %mul3A_512 : vector<16xf32> to vector<1x16xf32>
          tpu.vector_store %arg13[%swap3A_513, %swap3A_514], %swap3A_517 {strides = array<i32>} : memref<80x128xf32, #tpu.memory_space<vmem>>, vector<1x16xf32>,
          %get3A_518 = arith.index_cast %add3A_473 : i32 to index
          %get3A_519 = arith.constant 64 : index
          %get3A_520 = tpu.vector_load %arg13[%get3A_518, %get3A_519] {strides = array<i32>} : memref<80x128xf32, #tpu.memory_space<vmem>>, vector<1x16xf32>,
          %get3A_521 = vector.shape_cast %get3A_520 : vector<1x16xf32> to vector<16xf32>
          %mul3A_522 = vector.broadcast %squeeze3A_469 : f32 to vector<16xf32>
          %mul3A_523 = arith.mulf %get3A_521, %mul3A_522 : vector<16xf32>
          %swap3A_524 = arith.index_cast %add3A_473 : i32 to index
          %swap3A_525 = arith.constant 64 : index
          %swap3A_526 = tpu.vector_load %arg13[%swap3A_524, %swap3A_525] {strides = array<i32>} : memref<80x128xf32, #tpu.memory_space<vmem>>, vector<1x16xf32>,
          %swap3A_527 = vector.shape_cast %swap3A_526 : vector<1x16xf32> to vector<16xf32>
          %swap3A_528 = vector.shape_cast %mul3A_523 : vector<16xf32> to vector<1x16xf32>
          tpu.vector_store %arg13[%swap3A_524, %swap3A_525], %swap3A_528 {strides = array<i32>} : memref<80x128xf32, #tpu.memory_space<vmem>>, vector<1x16xf32>,
          %get3A_529 = arith.index_cast %add3A_473 : i32 to index
          %get3A_530 = arith.constant 80 : index
          %get3A_531 = tpu.vector_load %arg13[%get3A_529, %get3A_530] {strides = array<i32>} : memref<80x128xf32, #tpu.memory_space<vmem>>, vector<1x16xf32>,
          %get3A_532 = vector.shape_cast %get3A_531 : vector<1x16xf32> to vector<16xf32>
          %mul3A_533 = vector.broadcast %squeeze3A_469 : f32 to vector<16xf32>
          %mul3A_534 = arith.mulf %get3A_532, %mul3A_533 : vector<16xf32>
          %swap3A_535 = arith.index_cast %add3A_473 : i32 to index
          %swap3A_536 = arith.constant 80 : index
          %swap3A_537 = tpu.vector_load %arg13[%swap3A_535, %swap3A_536] {strides = array<i32>} : memref<80x128xf32, #tpu.memory_space<vmem>>, vector<1x16xf32>,
          %swap3A_538 = vector.shape_cast %swap3A_537 : vector<1x16xf32> to vector<16xf32>
          %swap3A_539 = vector.shape_cast %mul3A_534 : vector<16xf32> to vector<1x16xf32>
          tpu.vector_store %arg13[%swap3A_535, %swap3A_536], %swap3A_539 {strides = array<i32>} : memref<80x128xf32, #tpu.memory_space<vmem>>, vector<1x16xf32>,
          %get3A_540 = arith.index_cast %add3A_473 : i32 to index
          %get3A_541 = arith.constant 96 : index
          %get3A_542 = tpu.vector_load %arg13[%get3A_540, %get3A_541] {strides = array<i32>} : memref<80x128xf32, #tpu.memory_space<vmem>>, vector<1x16xf32>,
          %get3A_543 = vector.shape_cast %get3A_542 : vector<1x16xf32> to vector<16xf32>
          %mul3A_544 = vector.broadcast %squeeze3A_469 : f32 to vector<16xf32>
          %mul3A_545 = arith.mulf %get3A_543, %mul3A_544 : vector<16xf32>
          %swap3A_546 = arith.index_cast %add3A_473 : i32 to index
          %swap3A_547 = arith.constant 96 : index
          %swap3A_548 = tpu.vector_load %arg13[%swap3A_546, %swap3A_547] {strides = array<i32>} : memref<80x128xf32, #tpu.memory_space<vmem>>, vector<1x16xf32>,
          %swap3A_549 = vector.shape_cast %swap3A_548 : vector<1x16xf32> to vector<16xf32>
          %swap3A_550 = vector.shape_cast %mul3A_545 : vector<16xf32> to vector<1x16xf32>
          tpu.vector_store %arg13[%swap3A_546, %swap3A_547], %swap3A_550 {strides = array<i32>} : memref<80x128xf32, #tpu.memory_space<vmem>>, vector<1x16xf32>,
          %get3A_551 = arith.index_cast %add3A_473 : i32 to index
          %get3A_552 = arith.constant 112 : index
          %get3A_553 = tpu.vector_load %arg13[%get3A_551, %get3A_552] {strides = array<i32>} : memref<80x128xf32, #tpu.memory_space<vmem>>, vector<1x16xf32>,
          %get3A_554 = vector.shape_cast %get3A_553 : vector<1x16xf32> to vector<16xf32>
          %mul3A_555 = vector.broadcast %squeeze3A_469 : f32 to vector<16xf32>
          %mul3A_556 = arith.mulf %get3A_554, %mul3A_555 : vector<16xf32>
          %swap3A_557 = arith.index_cast %add3A_473 : i32 to index
          %swap3A_558 = arith.constant 112 : index
          %swap3A_559 = tpu.vector_load %arg13[%swap3A_557, %swap3A_558] {strides = array<i32>} : memref<80x128xf32, #tpu.memory_space<vmem>>, vector<1x16xf32>,
          %swap3A_560 = vector.shape_cast %swap3A_559 : vector<1x16xf32> to vector<16xf32>
          %swap3A_561 = vector.shape_cast %mul3A_556 : vector<16xf32> to vector<1x16xf32>
          tpu.vector_store %arg13[%swap3A_557, %swap3A_558], %swap3A_561 {strides = array<i32>} : memref<80x128xf32, #tpu.memory_space<vmem>>, vector<1x16xf32>,
          %slice3A_562 = vector.extract_strided_slice %get3A_188 {offsets = [4], sizes = [1], strides = [1]} : vector<16xf32> to vector<1xf32>
          %squeeze3A_563 = vector.extract %slice3A_562[0] : f32 from vector<1xf32>
          %mul3A_564 = arith.constant 16 : i32
          %mul3A_565 = arith.muli %scan3A_180, %mul3A_564 : i32
          %add3A_566 = arith.constant 4 : i32
          %add3A_567 = arith.addi %mul3A_565, %add3A_566 : i32
          %get3A_568 = arith.index_cast %add3A_567 : i32 to index
          %get3A_569 = arith.constant 0 : index
          %get3A_570 = tpu.vector_load %arg13[%get3A_568, %get3A_569] {strides = array<i32>} : memref<80x128xf32, #tpu.memory_space<vmem>>, vector<1x16xf32>,
          %get3A_571 = vector.shape_cast %get3A_570 : vector<1x16xf32> to vector<16xf32>
          %mul3A_572 = vector.broadcast %squeeze3A_563 : f32 to vector<16xf32>
          %mul3A_573 = arith.mulf %get3A_571, %mul3A_572 : vector<16xf32>
          %swap3A_574 = arith.index_cast %add3A_567 : i32 to index
          %swap3A_575 = arith.constant 0 : index
          %swap3A_576 = tpu.vector_load %arg13[%swap3A_574, %swap3A_575] {strides = array<i32>} : memref<80x128xf32, #tpu.memory_space<vmem>>, vector<1x16xf32>,
          %swap3A_577 = vector.shape_cast %swap3A_576 : vector<1x16xf32> to vector<16xf32>
          %swap3A_578 = vector.shape_cast %mul3A_573 : vector<16xf32> to vector<1x16xf32>
          tpu.vector_store %arg13[%swap3A_574, %swap3A_575], %swap3A_578 {strides = array<i32>} : memref<80x128xf32, #tpu.memory_space<vmem>>, vector<1x16xf32>,
          %get3A_579 = arith.index_cast %add3A_567 : i32 to index
          %get3A_580 = arith.constant 16 : index
          %get3A_581 = tpu.vector_load %arg13[%get3A_579, %get3A_580] {strides = array<i32>} : memref<80x128xf32, #tpu.memory_space<vmem>>, vector<1x16xf32>,
          %get3A_582 = vector.shape_cast %get3A_581 : vector<1x16xf32> to vector<16xf32>
          %mul3A_583 = vector.broadcast %squeeze3A_563 : f32 to vector<16xf32>
          %mul3A_584 = arith.mulf %get3A_582, %mul3A_583 : vector<16xf32>
          %swap3A_585 = arith.index_cast %add3A_567 : i32 to index
          %swap3A_586 = arith.constant 16 : index
          %swap3A_587 = tpu.vector_load %arg13[%swap3A_585, %swap3A_586] {strides = array<i32>} : memref<80x128xf32, #tpu.memory_space<vmem>>, vector<1x16xf32>,
          %swap3A_588 = vector.shape_cast %swap3A_587 : vector<1x16xf32> to vector<16xf32>
          %swap3A_589 = vector.shape_cast %mul3A_584 : vector<16xf32> to vector<1x16xf32>
          tpu.vector_store %arg13[%swap3A_585, %swap3A_586], %swap3A_589 {strides = array<i32>} : memref<80x128xf32, #tpu.memory_space<vmem>>, vector<1x16xf32>,
          %get3A_590 = arith.index_cast %add3A_567 : i32 to index
          %get3A_591 = arith.constant 32 : index
          %get3A_592 = tpu.vector_load %arg13[%get3A_590, %get3A_591] {strides = array<i32>} : memref<80x128xf32, #tpu.memory_space<vmem>>, vector<1x16xf32>,
          %get3A_593 = vector.shape_cast %get3A_592 : vector<1x16xf32> to vector<16xf32>
          %mul3A_594 = vector.broadcast %squeeze3A_563 : f32 to vector<16xf32>
          %mul3A_595 = arith.mulf %get3A_593, %mul3A_594 : vector<16xf32>
          %swap3A_596 = arith.index_cast %add3A_567 : i32 to index
          %swap3A_597 = arith.constant 32 : index
          %swap3A_598 = tpu.vector_load %arg13[%swap3A_596, %swap3A_597] {strides = array<i32>} : memref<80x128xf32, #tpu.memory_space<vmem>>, vector<1x16xf32>,
          %swap3A_599 = vector.shape_cast %swap3A_598 : vector<1x16xf32> to vector<16xf32>
          %swap3A_600 = vector.shape_cast %mul3A_595 : vector<16xf32> to vector<1x16xf32>
          tpu.vector_store %arg13[%swap3A_596, %swap3A_597], %swap3A_600 {strides = array<i32>} : memref<80x128xf32, #tpu.memory_space<vmem>>, vector<1x16xf32>,
          %get3A_601 = arith.index_cast %add3A_567 : i32 to index
          %get3A_602 = arith.constant 48 : index
          %get3A_603 = tpu.vector_load %arg13[%get3A_601, %get3A_602] {strides = array<i32>} : memref<80x128xf32, #tpu.memory_space<vmem>>, vector<1x16xf32>,
          %get3A_604 = vector.shape_cast %get3A_603 : vector<1x16xf32> to vector<16xf32>
          %mul3A_605 = vector.broadcast %squeeze3A_563 : f32 to vector<16xf32>
          %mul3A_606 = arith.mulf %get3A_604, %mul3A_605 : vector<16xf32>
          %swap3A_607 = arith.index_cast %add3A_567 : i32 to index
          %swap3A_608 = arith.constant 48 : index
          %swap3A_609 = tpu.vector_load %arg13[%swap3A_607, %swap3A_608] {strides = array<i32>} : memref<80x128xf32, #tpu.memory_space<vmem>>, vector<1x16xf32>,
          %swap3A_610 = vector.shape_cast %swap3A_609 : vector<1x16xf32> to vector<16xf32>
          %swap3A_611 = vector.shape_cast %mul3A_606 : vector<16xf32> to vector<1x16xf32>
          tpu.vector_store %arg13[%swap3A_607, %swap3A_608], %swap3A_611 {strides = array<i32>} : memref<80x128xf32, #tpu.memory_space<vmem>>, vector<1x16xf32>,
          %get3A_612 = arith.index_cast %add3A_567 : i32 to index
          %get3A_613 = arith.constant 64 : index
          %get3A_614 = tpu.vector_load %arg13[%get3A_612, %get3A_613] {strides = array<i32>} : memref<80x128xf32, #tpu.memory_space<vmem>>, vector<1x16xf32>,
          %get3A_615 = vector.shape_cast %get3A_614 : vector<1x16xf32> to vector<16xf32>
          %mul3A_616 = vector.broadcast %squeeze3A_563 : f32 to vector<16xf32>
          %mul3A_617 = arith.mulf %get3A_615, %mul3A_616 : vector<16xf32>
          %swap3A_618 = arith.index_cast %add3A_567 : i32 to index
          %swap3A_619 = arith.constant 64 : index
          %swap3A_620 = tpu.vector_load %arg13[%swap3A_618, %swap3A_619] {strides = array<i32>} : memref<80x128xf32, #tpu.memory_space<vmem>>, vector<1x16xf32>,
          %swap3A_621 = vector.shape_cast %swap3A_620 : vector<1x16xf32> to vector<16xf32>
          %swap3A_622 = vector.shape_cast %mul3A_617 : vector<16xf32> to vector<1x16xf32>
          tpu.vector_store %arg13[%swap3A_618, %swap3A_619], %swap3A_622 {strides = array<i32>} : memref<80x128xf32, #tpu.memory_space<vmem>>, vector<1x16xf32>,
          %get3A_623 = arith.index_cast %add3A_567 : i32 to index
          %get3A_624 = arith.constant 80 : index
          %get3A_625 = tpu.vector_load %arg13[%get3A_623, %get3A_624] {strides = array<i32>} : memref<80x128xf32, #tpu.memory_space<vmem>>, vector<1x16xf32>,
          %get3A_626 = vector.shape_cast %get3A_625 : vector<1x16xf32> to vector<16xf32>
          %mul3A_627 = vector.broadcast %squeeze3A_563 : f32 to vector<16xf32>
          %mul3A_628 = arith.mulf %get3A_626, %mul3A_627 : vector<16xf32>
          %swap3A_629 = arith.index_cast %add3A_567 : i32 to index
          %swap3A_630 = arith.constant 80 : index
          %swap3A_631 = tpu.vector_load %arg13[%swap3A_629, %swap3A_630] {strides = array<i32>} : memref<80x128xf32, #tpu.memory_space<vmem>>, vector<1x16xf32>,
          %swap3A_632 = vector.shape_cast %swap3A_631 : vector<1x16xf32> to vector<16xf32>
          %swap3A_633 = vector.shape_cast %mul3A_628 : vector<16xf32> to vector<1x16xf32>
          tpu.vector_store %arg13[%swap3A_629, %swap3A_630], %swap3A_633 {strides = array<i32>} : memref<80x128xf32, #tpu.memory_space<vmem>>, vector<1x16xf32>,
          %get3A_634 = arith.index_cast %add3A_567 : i32 to index
          %get3A_635 = arith.constant 96 : index
          %get3A_636 = tpu.vector_load %arg13[%get3A_634, %get3A_635] {strides = array<i32>} : memref<80x128xf32, #tpu.memory_space<vmem>>, vector<1x16xf32>,
          %get3A_637 = vector.shape_cast %get3A_636 : vector<1x16xf32> to vector<16xf32>
          %mul3A_638 = vector.broadcast %squeeze3A_563 : f32 to vector<16xf32>
          %mul3A_639 = arith.mulf %get3A_637, %mul3A_638 : vector<16xf32>
          %swap3A_640 = arith.index_cast %add3A_567 : i32 to index
          %swap3A_641 = arith.constant 96 : index
          %swap3A_642 = tpu.vector_load %arg13[%swap3A_640, %swap3A_641] {strides = array<i32>} : memref<80x128xf32, #tpu.memory_space<vmem>>, vector<1x16xf32>,
          %swap3A_643 = vector.shape_cast %swap3A_642 : vector<1x16xf32> to vector<16xf32>
          %swap3A_644 = vector.shape_cast %mul3A_639 : vector<16xf32> to vector<1x16xf32>
          tpu.vector_store %arg13[%swap3A_640, %swap3A_641], %swap3A_644 {strides = array<i32>} : memref<80x128xf32, #tpu.memory_space<vmem>>, vector<1x16xf32>,
          %get3A_645 = arith.index_cast %add3A_567 : i32 to index
          %get3A_646 = arith.constant 112 : index
          %get3A_647 = tpu.vector_load %arg13[%get3A_645, %get3A_646] {strides = array<i32>} : memref<80x128xf32, #tpu.memory_space<vmem>>, vector<1x16xf32>,
          %get3A_648 = vector.shape_cast %get3A_647 : vector<1x16xf32> to vector<16xf32>
          %mul3A_649 = vector.broadcast %squeeze3A_563 : f32 to vector<16xf32>
          %mul3A_650 = arith.mulf %get3A_648, %mul3A_649 : vector<16xf32>
          %swap3A_651 = arith.index_cast %add3A_567 : i32 to index
          %swap3A_652 = arith.constant 112 : index
          %swap3A_653 = tpu.vector_load %arg13[%swap3A_651, %swap3A_652] {strides = array<i32>} : memref<80x128xf32, #tpu.memory_space<vmem>>, vector<1x16xf32>,
          %swap3A_654 = vector.shape_cast %swap3A_653 : vector<1x16xf32> to vector<16xf32>
          %swap3A_655 = vector.shape_cast %mul3A_650 : vector<16xf32> to vector<1x16xf32>
          tpu.vector_store %arg13[%swap3A_651, %swap3A_652], %swap3A_655 {strides = array<i32>} : memref<80x128xf32, #tpu.memory_space<vmem>>, vector<1x16xf32>,
          %slice3A_656 = vector.extract_strided_slice %get3A_188 {offsets = [5], sizes = [1], strides = [1]} : vector<16xf32> to vector<1xf32>
          %squeeze3A_657 = vector.extract %slice3A_656[0] : f32 from vector<1xf32>
          %mul3A_658 = arith.constant 16 : i32
          %mul3A_659 = arith.muli %scan3A_180, %mul3A_658 : i32
          %add3A_660 = arith.constant 5 : i32
          %add3A_661 = arith.addi %mul3A_659, %add3A_660 : i32
          %get3A_662 = arith.index_cast %add3A_661 : i32 to index
          %get3A_663 = arith.constant 0 : index
          %get3A_664 = tpu.vector_load %arg13[%get3A_662, %get3A_663] {strides = array<i32>} : memref<80x128xf32, #tpu.memory_space<vmem>>, vector<1x16xf32>,
          %get3A_665 = vector.shape_cast %get3A_664 : vector<1x16xf32> to vector<16xf32>
          %mul3A_666 = vector.broadcast %squeeze3A_657 : f32 to vector<16xf32>
          %mul3A_667 = arith.mulf %get3A_665, %mul3A_666 : vector<16xf32>
          %swap3A_668 = arith.index_cast %add3A_661 : i32 to index
          %swap3A_669 = arith.constant 0 : index
          %swap3A_670 = tpu.vector_load %arg13[%swap3A_668, %swap3A_669] {strides = array<i32>} : memref<80x128xf32, #tpu.memory_space<vmem>>, vector<1x16xf32>,
          %swap3A_671 = vector.shape_cast %swap3A_670 : vector<1x16xf32> to vector<16xf32>
          %swap3A_672 = vector.shape_cast %mul3A_667 : vector<16xf32> to vector<1x16xf32>
          tpu.vector_store %arg13[%swap3A_668, %swap3A_669], %swap3A_672 {strides = array<i32>} : memref<80x128xf32, #tpu.memory_space<vmem>>, vector<1x16xf32>,
          %get3A_673 = arith.index_cast %add3A_661 : i32 to index
          %get3A_674 = arith.constant 16 : index
          %get3A_675 = tpu.vector_load %arg13[%get3A_673, %get3A_674] {strides = array<i32>} : memref<80x128xf32, #tpu.memory_space<vmem>>, vector<1x16xf32>,
          %get3A_676 = vector.shape_cast %get3A_675 : vector<1x16xf32> to vector<16xf32>
          %mul3A_677 = vector.broadcast %squeeze3A_657 : f32 to vector<16xf32>
          %mul3A_678 = arith.mulf %get3A_676, %mul3A_677 : vector<16xf32>
          %swap3A_679 = arith.index_cast %add3A_661 : i32 to index
          %swap3A_680 = arith.constant 16 : index
          %swap3A_681 = tpu.vector_load %arg13[%swap3A_679, %swap3A_680] {strides = array<i32>} : memref<80x128xf32, #tpu.memory_space<vmem>>, vector<1x16xf32>,
          %swap3A_682 = vector.shape_cast %swap3A_681 : vector<1x16xf32> to vector<16xf32>
          %swap3A_683 = vector.shape_cast %mul3A_678 : vector<16xf32> to vector<1x16xf32>
          tpu.vector_store %arg13[%swap3A_679, %swap3A_680], %swap3A_683 {strides = array<i32>} : memref<80x128xf32, #tpu.memory_space<vmem>>, vector<1x16xf32>,
          %get3A_684 = arith.index_cast %add3A_661 : i32 to index
          %get3A_685 = arith.constant 32 : index
          %get3A_686 = tpu.vector_load %arg13[%get3A_684, %get3A_685] {strides = array<i32>} : memref<80x128xf32, #tpu.memory_space<vmem>>, vector<1x16xf32>,
          %get3A_687 = vector.shape_cast %get3A_686 : vector<1x16xf32> to vector<16xf32>
          %mul3A_688 = vector.broadcast %squeeze3A_657 : f32 to vector<16xf32>
          %mul3A_689 = arith.mulf %get3A_687, %mul3A_688 : vector<16xf32>
          %swap3A_690 = arith.index_cast %add3A_661 : i32 to index
          %swap3A_691 = arith.constant 32 : index
          %swap3A_692 = tpu.vector_load %arg13[%swap3A_690, %swap3A_691] {strides = array<i32>} : memref<80x128xf32, #tpu.memory_space<vmem>>, vector<1x16xf32>,
          %swap3A_693 = vector.shape_cast %swap3A_692 : vector<1x16xf32> to vector<16xf32>
          %swap3A_694 = vector.shape_cast %mul3A_689 : vector<16xf32> to vector<1x16xf32>
          tpu.vector_store %arg13[%swap3A_690, %swap3A_691], %swap3A_694 {strides = array<i32>} : memref<80x128xf32, #tpu.memory_space<vmem>>, vector<1x16xf32>,
          %get3A_695 = arith.index_cast %add3A_661 : i32 to index
          %get3A_696 = arith.constant 48 : index
          %get3A_697 = tpu.vector_load %arg13[%get3A_695, %get3A_696] {strides = array<i32>} : memref<80x128xf32, #tpu.memory_space<vmem>>, vector<1x16xf32>,
          %get3A_698 = vector.shape_cast %get3A_697 : vector<1x16xf32> to vector<16xf32>
          %mul3A_699 = vector.broadcast %squeeze3A_657 : f32 to vector<16xf32>
          %mul3A_700 = arith.mulf %get3A_698, %mul3A_699 : vector<16xf32>
          %swap3A_701 = arith.index_cast %add3A_661 : i32 to index
          %swap3A_702 = arith.constant 48 : index
          %swap3A_703 = tpu.vector_load %arg13[%swap3A_701, %swap3A_702] {strides = array<i32>} : memref<80x128xf32, #tpu.memory_space<vmem>>, vector<1x16xf32>,
          %swap3A_704 = vector.shape_cast %swap3A_703 : vector<1x16xf32> to vector<16xf32>
          %swap3A_705 = vector.shape_cast %mul3A_700 : vector<16xf32> to vector<1x16xf32>
          tpu.vector_store %arg13[%swap3A_701, %swap3A_702], %swap3A_705 {strides = array<i32>} : memref<80x128xf32, #tpu.memory_space<vmem>>, vector<1x16xf32>,
          %get3A_706 = arith.index_cast %add3A_661 : i32 to index
          %get3A_707 = arith.constant 64 : index
          %get3A_708 = tpu.vector_load %arg13[%get3A_706, %get3A_707] {strides = array<i32>} : memref<80x128xf32, #tpu.memory_space<vmem>>, vector<1x16xf32>,
          %get3A_709 = vector.shape_cast %get3A_708 : vector<1x16xf32> to vector<16xf32>
          %mul3A_710 = vector.broadcast %squeeze3A_657 : f32 to vector<16xf32>
          %mul3A_711 = arith.mulf %get3A_709, %mul3A_710 : vector<16xf32>
          %swap3A_712 = arith.index_cast %add3A_661 : i32 to index
          %swap3A_713 = arith.constant 64 : index
          %swap3A_714 = tpu.vector_load %arg13[%swap3A_712, %swap3A_713] {strides = array<i32>} : memref<80x128xf32, #tpu.memory_space<vmem>>, vector<1x16xf32>,
          %swap3A_715 = vector.shape_cast %swap3A_714 : vector<1x16xf32> to vector<16xf32>
          %swap3A_716 = vector.shape_cast %mul3A_711 : vector<16xf32> to vector<1x16xf32>
          tpu.vector_store %arg13[%swap3A_712, %swap3A_713], %swap3A_716 {strides = array<i32>} : memref<80x128xf32, #tpu.memory_space<vmem>>, vector<1x16xf32>,
          %get3A_717 = arith.index_cast %add3A_661 : i32 to index
          %get3A_718 = arith.constant 80 : index
          %get3A_719 = tpu.vector_load %arg13[%get3A_717, %get3A_718] {strides = array<i32>} : memref<80x128xf32, #tpu.memory_space<vmem>>, vector<1x16xf32>,
          %get3A_720 = vector.shape_cast %get3A_719 : vector<1x16xf32> to vector<16xf32>
          %mul3A_721 = vector.broadcast %squeeze3A_657 : f32 to vector<16xf32>
          %mul3A_722 = arith.mulf %get3A_720, %mul3A_721 : vector<16xf32>
          %swap3A_723 = arith.index_cast %add3A_661 : i32 to index
          %swap3A_724 = arith.constant 80 : index
          %swap3A_725 = tpu.vector_load %arg13[%swap3A_723, %swap3A_724] {strides = array<i32>} : memref<80x128xf32, #tpu.memory_space<vmem>>, vector<1x16xf32>,
          %swap3A_726 = vector.shape_cast %swap3A_725 : vector<1x16xf32> to vector<16xf32>
          %swap3A_727 = vector.shape_cast %mul3A_722 : vector<16xf32> to vector<1x16xf32>
          tpu.vector_store %arg13[%swap3A_723, %swap3A_724], %swap3A_727 {strides = array<i32>} : memref<80x128xf32, #tpu.memory_space<vmem>>, vector<1x16xf32>,
          %get3A_728 = arith.index_cast %add3A_661 : i32 to index
          %get3A_729 = arith.constant 96 : index
          %get3A_730 = tpu.vector_load %arg13[%get3A_728, %get3A_729] {strides = array<i32>} : memref<80x128xf32, #tpu.memory_space<vmem>>, vector<1x16xf32>,
          %get3A_731 = vector.shape_cast %get3A_730 : vector<1x16xf32> to vector<16xf32>
          %mul3A_732 = vector.broadcast %squeeze3A_657 : f32 to vector<16xf32>
          %mul3A_733 = arith.mulf %get3A_731, %mul3A_732 : vector<16xf32>
          %swap3A_734 = arith.index_cast %add3A_661 : i32 to index
          %swap3A_735 = arith.constant 96 : index
          %swap3A_736 = tpu.vector_load %arg13[%swap3A_734, %swap3A_735] {strides = array<i32>} : memref<80x128xf32, #tpu.memory_space<vmem>>, vector<1x16xf32>,
          %swap3A_737 = vector.shape_cast %swap3A_736 : vector<1x16xf32> to vector<16xf32>
          %swap3A_738 = vector.shape_cast %mul3A_733 : vector<16xf32> to vector<1x16xf32>
          tpu.vector_store %arg13[%swap3A_734, %swap3A_735], %swap3A_738 {strides = array<i32>} : memref<80x128xf32, #tpu.memory_space<vmem>>, vector<1x16xf32>,
          %get3A_739 = arith.index_cast %add3A_661 : i32 to index
          %get3A_740 = arith.constant 112 : index
          %get3A_741 = tpu.vector_load %arg13[%get3A_739, %get3A_740] {strides = array<i32>} : memref<80x128xf32, #tpu.memory_space<vmem>>, vector<1x16xf32>,
          %get3A_742 = vector.shape_cast %get3A_741 : vector<1x16xf32> to vector<16xf32>
          %mul3A_743 = vector.broadcast %squeeze3A_657 : f32 to vector<16xf32>
          %mul3A_744 = arith.mulf %get3A_742, %mul3A_743 : vector<16xf32>
          %swap3A_745 = arith.index_cast %add3A_661 : i32 to index
          %swap3A_746 = arith.constant 112 : index
          %swap3A_747 = tpu.vector_load %arg13[%swap3A_745, %swap3A_746] {strides = array<i32>} : memref<80x128xf32, #tpu.memory_space<vmem>>, vector<1x16xf32>,
          %swap3A_748 = vector.shape_cast %swap3A_747 : vector<1x16xf32> to vector<16xf32>
          %swap3A_749 = vector.shape_cast %mul3A_744 : vector<16xf32> to vector<1x16xf32>
          tpu.vector_store %arg13[%swap3A_745, %swap3A_746], %swap3A_749 {strides = array<i32>} : memref<80x128xf32, #tpu.memory_space<vmem>>, vector<1x16xf32>,
          %slice3A_750 = vector.extract_strided_slice %get3A_188 {offsets = [6], sizes = [1], strides = [1]} : vector<16xf32> to vector<1xf32>
          %squeeze3A_751 = vector.extract %slice3A_750[0] : f32 from vector<1xf32>
          %mul3A_752 = arith.constant 16 : i32
          %mul3A_753 = arith.muli %scan3A_180, %mul3A_752 : i32
          %add3A_754 = arith.constant 6 : i32
          %add3A_755 = arith.addi %mul3A_753, %add3A_754 : i32
          %get3A_756 = arith.index_cast %add3A_755 : i32 to index
          %get3A_757 = arith.constant 0 : index
          %get3A_758 = tpu.vector_load %arg13[%get3A_756, %get3A_757] {strides = array<i32>} : memref<80x128xf32, #tpu.memory_space<vmem>>, vector<1x16xf32>,
          %get3A_759 = vector.shape_cast %get3A_758 : vector<1x16xf32> to vector<16xf32>
          %mul3A_760 = vector.broadcast %squeeze3A_751 : f32 to vector<16xf32>
          %mul3A_761 = arith.mulf %get3A_759, %mul3A_760 : vector<16xf32>
          %swap3A_762 = arith.index_cast %add3A_755 : i32 to index
          %swap3A_763 = arith.constant 0 : index
          %swap3A_764 = tpu.vector_load %arg13[%swap3A_762, %swap3A_763] {strides = array<i32>} : memref<80x128xf32, #tpu.memory_space<vmem>>, vector<1x16xf32>,
          %swap3A_765 = vector.shape_cast %swap3A_764 : vector<1x16xf32> to vector<16xf32>
          %swap3A_766 = vector.shape_cast %mul3A_761 : vector<16xf32> to vector<1x16xf32>
          tpu.vector_store %arg13[%swap3A_762, %swap3A_763], %swap3A_766 {strides = array<i32>} : memref<80x128xf32, #tpu.memory_space<vmem>>, vector<1x16xf32>,
          %get3A_767 = arith.index_cast %add3A_755 : i32 to index
          %get3A_768 = arith.constant 16 : index
          %get3A_769 = tpu.vector_load %arg13[%get3A_767, %get3A_768] {strides = array<i32>} : memref<80x128xf32, #tpu.memory_space<vmem>>, vector<1x16xf32>,
          %get3A_770 = vector.shape_cast %get3A_769 : vector<1x16xf32> to vector<16xf32>
          %mul3A_771 = vector.broadcast %squeeze3A_751 : f32 to vector<16xf32>
          %mul3A_772 = arith.mulf %get3A_770, %mul3A_771 : vector<16xf32>
          %swap3A_773 = arith.index_cast %add3A_755 : i32 to index
          %swap3A_774 = arith.constant 16 : index
          %swap3A_775 = tpu.vector_load %arg13[%swap3A_773, %swap3A_774] {strides = array<i32>} : memref<80x128xf32, #tpu.memory_space<vmem>>, vector<1x16xf32>,
          %swap3A_776 = vector.shape_cast %swap3A_775 : vector<1x16xf32> to vector<16xf32>
          %swap3A_777 = vector.shape_cast %mul3A_772 : vector<16xf32> to vector<1x16xf32>
          tpu.vector_store %arg13[%swap3A_773, %swap3A_774], %swap3A_777 {strides = array<i32>} : memref<80x128xf32, #tpu.memory_space<vmem>>, vector<1x16xf32>,
          %get3A_778 = arith.index_cast %add3A_755 : i32 to index
          %get3A_779 = arith.constant 32 : index
          %get3A_780 = tpu.vector_load %arg13[%get3A_778, %get3A_779] {strides = array<i32>} : memref<80x128xf32, #tpu.memory_space<vmem>>, vector<1x16xf32>,
          %get3A_781 = vector.shape_cast %get3A_780 : vector<1x16xf32> to vector<16xf32>
          %mul3A_782 = vector.broadcast %squeeze3A_751 : f32 to vector<16xf32>
          %mul3A_783 = arith.mulf %get3A_781, %mul3A_782 : vector<16xf32>
          %swap3A_784 = arith.index_cast %add3A_755 : i32 to index
          %swap3A_785 = arith.constant 32 : index
          %swap3A_786 = tpu.vector_load %arg13[%swap3A_784, %swap3A_785] {strides = array<i32>} : memref<80x128xf32, #tpu.memory_space<vmem>>, vector<1x16xf32>,
          %swap3A_787 = vector.shape_cast %swap3A_786 : vector<1x16xf32> to vector<16xf32>
          %swap3A_788 = vector.shape_cast %mul3A_783 : vector<16xf32> to vector<1x16xf32>
          tpu.vector_store %arg13[%swap3A_784, %swap3A_785], %swap3A_788 {strides = array<i32>} : memref<80x128xf32, #tpu.memory_space<vmem>>, vector<1x16xf32>,
          %get3A_789 = arith.index_cast %add3A_755 : i32 to index
          %get3A_790 = arith.constant 48 : index
          %get3A_791 = tpu.vector_load %arg13[%get3A_789, %get3A_790] {strides = array<i32>} : memref<80x128xf32, #tpu.memory_space<vmem>>, vector<1x16xf32>,
          %get3A_792 = vector.shape_cast %get3A_791 : vector<1x16xf32> to vector<16xf32>
          %mul3A_793 = vector.broadcast %squeeze3A_751 : f32 to vector<16xf32>
          %mul3A_794 = arith.mulf %get3A_792, %mul3A_793 : vector<16xf32>
          %swap3A_795 = arith.index_cast %add3A_755 : i32 to index
          %swap3A_796 = arith.constant 48 : index
          %swap3A_797 = tpu.vector_load %arg13[%swap3A_795, %swap3A_796] {strides = array<i32>} : memref<80x128xf32, #tpu.memory_space<vmem>>, vector<1x16xf32>,
          %swap3A_798 = vector.shape_cast %swap3A_797 : vector<1x16xf32> to vector<16xf32>
          %swap3A_799 = vector.shape_cast %mul3A_794 : vector<16xf32> to vector<1x16xf32>
          tpu.vector_store %arg13[%swap3A_795, %swap3A_796], %swap3A_799 {strides = array<i32>} : memref<80x128xf32, #tpu.memory_space<vmem>>, vector<1x16xf32>,
          %get3A_800 = arith.index_cast %add3A_755 : i32 to index
          %get3A_801 = arith.constant 64 : index
          %get3A_802 = tpu.vector_load %arg13[%get3A_800, %get3A_801] {strides = array<i32>} : memref<80x128xf32, #tpu.memory_space<vmem>>, vector<1x16xf32>,
          %get3A_803 = vector.shape_cast %get3A_802 : vector<1x16xf32> to vector<16xf32>
          %mul3A_804 = vector.broadcast %squeeze3A_751 : f32 to vector<16xf32>
          %mul3A_805 = arith.mulf %get3A_803, %mul3A_804 : vector<16xf32>
          %swap3A_806 = arith.index_cast %add3A_755 : i32 to index
          %swap3A_807 = arith.constant 64 : index
          %swap3A_808 = tpu.vector_load %arg13[%swap3A_806, %swap3A_807] {strides = array<i32>} : memref<80x128xf32, #tpu.memory_space<vmem>>, vector<1x16xf32>,
          %swap3A_809 = vector.shape_cast %swap3A_808 : vector<1x16xf32> to vector<16xf32>
          %swap3A_810 = vector.shape_cast %mul3A_805 : vector<16xf32> to vector<1x16xf32>
          tpu.vector_store %arg13[%swap3A_806, %swap3A_807], %swap3A_810 {strides = array<i32>} : memref<80x128xf32, #tpu.memory_space<vmem>>, vector<1x16xf32>,
          %get3A_811 = arith.index_cast %add3A_755 : i32 to index
          %get3A_812 = arith.constant 80 : index
          %get3A_813 = tpu.vector_load %arg13[%get3A_811, %get3A_812] {strides = array<i32>} : memref<80x128xf32, #tpu.memory_space<vmem>>, vector<1x16xf32>,
          %get3A_814 = vector.shape_cast %get3A_813 : vector<1x16xf32> to vector<16xf32>
          %mul3A_815 = vector.broadcast %squeeze3A_751 : f32 to vector<16xf32>
          %mul3A_816 = arith.mulf %get3A_814, %mul3A_815 : vector<16xf32>
          %swap3A_817 = arith.index_cast %add3A_755 : i32 to index
          %swap3A_818 = arith.constant 80 : index
          %swap3A_819 = tpu.vector_load %arg13[%swap3A_817, %swap3A_818] {strides = array<i32>} : memref<80x128xf32, #tpu.memory_space<vmem>>, vector<1x16xf32>,
          %swap3A_820 = vector.shape_cast %swap3A_819 : vector<1x16xf32> to vector<16xf32>
          %swap3A_821 = vector.shape_cast %mul3A_816 : vector<16xf32> to vector<1x16xf32>
          tpu.vector_store %arg13[%swap3A_817, %swap3A_818], %swap3A_821 {strides = array<i32>} : memref<80x128xf32, #tpu.memory_space<vmem>>, vector<1x16xf32>,
          %get3A_822 = arith.index_cast %add3A_755 : i32 to index
          %get3A_823 = arith.constant 96 : index
          %get3A_824 = tpu.vector_load %arg13[%get3A_822, %get3A_823] {strides = array<i32>} : memref<80x128xf32, #tpu.memory_space<vmem>>, vector<1x16xf32>,
          %get3A_825 = vector.shape_cast %get3A_824 : vector<1x16xf32> to vector<16xf32>
          %mul3A_826 = vector.broadcast %squeeze3A_751 : f32 to vector<16xf32>
          %mul3A_827 = arith.mulf %get3A_825, %mul3A_826 : vector<16xf32>
          %swap3A_828 = arith.index_cast %add3A_755 : i32 to index
          %swap3A_829 = arith.constant 96 : index
          %swap3A_830 = tpu.vector_load %arg13[%swap3A_828, %swap3A_829] {strides = array<i32>} : memref<80x128xf32, #tpu.memory_space<vmem>>, vector<1x16xf32>,
          %swap3A_831 = vector.shape_cast %swap3A_830 : vector<1x16xf32> to vector<16xf32>
          %swap3A_832 = vector.shape_cast %mul3A_827 : vector<16xf32> to vector<1x16xf32>
          tpu.vector_store %arg13[%swap3A_828, %swap3A_829], %swap3A_832 {strides = array<i32>} : memref<80x128xf32, #tpu.memory_space<vmem>>, vector<1x16xf32>,
          %get3A_833 = arith.index_cast %add3A_755 : i32 to index
          %get3A_834 = arith.constant 112 : index
          %get3A_835 = tpu.vector_load %arg13[%get3A_833, %get3A_834] {strides = array<i32>} : memref<80x128xf32, #tpu.memory_space<vmem>>, vector<1x16xf32>,
          %get3A_836 = vector.shape_cast %get3A_835 : vector<1x16xf32> to vector<16xf32>
          %mul3A_837 = vector.broadcast %squeeze3A_751 : f32 to vector<16xf32>
          %mul3A_838 = arith.mulf %get3A_836, %mul3A_837 : vector<16xf32>
          %swap3A_839 = arith.index_cast %add3A_755 : i32 to index
          %swap3A_840 = arith.constant 112 : index
          %swap3A_841 = tpu.vector_load %arg13[%swap3A_839, %swap3A_840] {strides = array<i32>} : memref<80x128xf32, #tpu.memory_space<vmem>>, vector<1x16xf32>,
          %swap3A_842 = vector.shape_cast %swap3A_841 : vector<1x16xf32> to vector<16xf32>
          %swap3A_843 = vector.shape_cast %mul3A_838 : vector<16xf32> to vector<1x16xf32>
          tpu.vector_store %arg13[%swap3A_839, %swap3A_840], %swap3A_843 {strides = array<i32>} : memref<80x128xf32, #tpu.memory_space<vmem>>, vector<1x16xf32>,
          %slice3A_844 = vector.extract_strided_slice %get3A_188 {offsets = [7], sizes = [1], strides = [1]} : vector<16xf32> to vector<1xf32>
          %squeeze3A_845 = vector.extract %slice3A_844[0] : f32 from vector<1xf32>
          %mul3A_846 = arith.constant 16 : i32
          %mul3A_847 = arith.muli %scan3A_180, %mul3A_846 : i32
          %add3A_848 = arith.constant 7 : i32
          %add3A_849 = arith.addi %mul3A_847, %add3A_848 : i32
          %get3A_850 = arith.index_cast %add3A_849 : i32 to index
          %get3A_851 = arith.constant 0 : index
          %get3A_852 = tpu.vector_load %arg13[%get3A_850, %get3A_851] {strides = array<i32>} : memref<80x128xf32, #tpu.memory_space<vmem>>, vector<1x16xf32>,
          %get3A_853 = vector.shape_cast %get3A_852 : vector<1x16xf32> to vector<16xf32>
          %mul3A_854 = vector.broadcast %squeeze3A_845 : f32 to vector<16xf32>
          %mul3A_855 = arith.mulf %get3A_853, %mul3A_854 : vector<16xf32>
          %swap3A_856 = arith.index_cast %add3A_849 : i32 to index
          %swap3A_857 = arith.constant 0 : index
          %swap3A_858 = tpu.vector_load %arg13[%swap3A_856, %swap3A_857] {strides = array<i32>} : memref<80x128xf32, #tpu.memory_space<vmem>>, vector<1x16xf32>,
          %swap3A_859 = vector.shape_cast %swap3A_858 : vector<1x16xf32> to vector<16xf32>
          %swap3A_860 = vector.shape_cast %mul3A_855 : vector<16xf32> to vector<1x16xf32>
          tpu.vector_store %arg13[%swap3A_856, %swap3A_857], %swap3A_860 {strides = array<i32>} : memref<80x128xf32, #tpu.memory_space<vmem>>, vector<1x16xf32>,
          %get3A_861 = arith.index_cast %add3A_849 : i32 to index
          %get3A_862 = arith.constant 16 : index
          %get3A_863 = tpu.vector_load %arg13[%get3A_861, %get3A_862] {strides = array<i32>} : memref<80x128xf32, #tpu.memory_space<vmem>>, vector<1x16xf32>,
          %get3A_864 = vector.shape_cast %get3A_863 : vector<1x16xf32> to vector<16xf32>
          %mul3A_865 = vector.broadcast %squeeze3A_845 : f32 to vector<16xf32>
          %mul3A_866 = arith.mulf %get3A_864, %mul3A_865 : vector<16xf32>
          %swap3A_867 = arith.index_cast %add3A_849 : i32 to index
          %swap3A_868 = arith.constant 16 : index
          %swap3A_869 = tpu.vector_load %arg13[%swap3A_867, %swap3A_868] {strides = array<i32>} : memref<80x128xf32, #tpu.memory_space<vmem>>, vector<1x16xf32>,
          %swap3A_870 = vector.shape_cast %swap3A_869 : vector<1x16xf32> to vector<16xf32>
          %swap3A_871 = vector.shape_cast %mul3A_866 : vector<16xf32> to vector<1x16xf32>
          tpu.vector_store %arg13[%swap3A_867, %swap3A_868], %swap3A_871 {strides = array<i32>} : memref<80x128xf32, #tpu.memory_space<vmem>>, vector<1x16xf32>,
          %get3A_872 = arith.index_cast %add3A_849 : i32 to index
          %get3A_873 = arith.constant 32 : index
          %get3A_874 = tpu.vector_load %arg13[%get3A_872, %get3A_873] {strides = array<i32>} : memref<80x128xf32, #tpu.memory_space<vmem>>, vector<1x16xf32>,
          %get3A_875 = vector.shape_cast %get3A_874 : vector<1x16xf32> to vector<16xf32>
          %mul3A_876 = vector.broadcast %squeeze3A_845 : f32 to vector<16xf32>
          %mul3A_877 = arith.mulf %get3A_875, %mul3A_876 : vector<16xf32>
          %swap3A_878 = arith.index_cast %add3A_849 : i32 to index
          %swap3A_879 = arith.constant 32 : index
          %swap3A_880 = tpu.vector_load %arg13[%swap3A_878, %swap3A_879] {strides = array<i32>} : memref<80x128xf32, #tpu.memory_space<vmem>>, vector<1x16xf32>,
          %swap3A_881 = vector.shape_cast %swap3A_880 : vector<1x16xf32> to vector<16xf32>
          %swap3A_882 = vector.shape_cast %mul3A_877 : vector<16xf32> to vector<1x16xf32>
          tpu.vector_store %arg13[%swap3A_878, %swap3A_879], %swap3A_882 {strides = array<i32>} : memref<80x128xf32, #tpu.memory_space<vmem>>, vector<1x16xf32>,
          %get3A_883 = arith.index_cast %add3A_849 : i32 to index
          %get3A_884 = arith.constant 48 : index
          %get3A_885 = tpu.vector_load %arg13[%get3A_883, %get3A_884] {strides = array<i32>} : memref<80x128xf32, #tpu.memory_space<vmem>>, vector<1x16xf32>,
          %get3A_886 = vector.shape_cast %get3A_885 : vector<1x16xf32> to vector<16xf32>
          %mul3A_887 = vector.broadcast %squeeze3A_845 : f32 to vector<16xf32>
          %mul3A_888 = arith.mulf %get3A_886, %mul3A_887 : vector<16xf32>
          %swap3A_889 = arith.index_cast %add3A_849 : i32 to index
          %swap3A_890 = arith.constant 48 : index
          %swap3A_891 = tpu.vector_load %arg13[%swap3A_889, %swap3A_890] {strides = array<i32>} : memref<80x128xf32, #tpu.memory_space<vmem>>, vector<1x16xf32>,
          %swap3A_892 = vector.shape_cast %swap3A_891 : vector<1x16xf32> to vector<16xf32>
          %swap3A_893 = vector.shape_cast %mul3A_888 : vector<16xf32> to vector<1x16xf32>
          tpu.vector_store %arg13[%swap3A_889, %swap3A_890], %swap3A_893 {strides = array<i32>} : memref<80x128xf32, #tpu.memory_space<vmem>>, vector<1x16xf32>,
          %get3A_894 = arith.index_cast %add3A_849 : i32 to index
          %get3A_895 = arith.constant 64 : index
          %get3A_896 = tpu.vector_load %arg13[%get3A_894, %get3A_895] {strides = array<i32>} : memref<80x128xf32, #tpu.memory_space<vmem>>, vector<1x16xf32>,
          %get3A_897 = vector.shape_cast %get3A_896 : vector<1x16xf32> to vector<16xf32>
          %mul3A_898 = vector.broadcast %squeeze3A_845 : f32 to vector<16xf32>
          %mul3A_899 = arith.mulf %get3A_897, %mul3A_898 : vector<16xf32>
          %swap3A_900 = arith.index_cast %add3A_849 : i32 to index
          %swap3A_901 = arith.constant 64 : index
          %swap3A_902 = tpu.vector_load %arg13[%swap3A_900, %swap3A_901] {strides = array<i32>} : memref<80x128xf32, #tpu.memory_space<vmem>>, vector<1x16xf32>,
          %swap3A_903 = vector.shape_cast %swap3A_902 : vector<1x16xf32> to vector<16xf32>
          %swap3A_904 = vector.shape_cast %mul3A_899 : vector<16xf32> to vector<1x16xf32>
          tpu.vector_store %arg13[%swap3A_900, %swap3A_901], %swap3A_904 {strides = array<i32>} : memref<80x128xf32, #tpu.memory_space<vmem>>, vector<1x16xf32>,
          %get3A_905 = arith.index_cast %add3A_849 : i32 to index
          %get3A_906 = arith.constant 80 : index
          %get3A_907 = tpu.vector_load %arg13[%get3A_905, %get3A_906] {strides = array<i32>} : memref<80x128xf32, #tpu.memory_space<vmem>>, vector<1x16xf32>,
          %get3A_908 = vector.shape_cast %get3A_907 : vector<1x16xf32> to vector<16xf32>
          %mul3A_909 = vector.broadcast %squeeze3A_845 : f32 to vector<16xf32>
          %mul3A_910 = arith.mulf %get3A_908, %mul3A_909 : vector<16xf32>
          %swap3A_911 = arith.index_cast %add3A_849 : i32 to index
          %swap3A_912 = arith.constant 80 : index
          %swap3A_913 = tpu.vector_load %arg13[%swap3A_911, %swap3A_912] {strides = array<i32>} : memref<80x128xf32, #tpu.memory_space<vmem>>, vector<1x16xf32>,
          %swap3A_914 = vector.shape_cast %swap3A_913 : vector<1x16xf32> to vector<16xf32>
          %swap3A_915 = vector.shape_cast %mul3A_910 : vector<16xf32> to vector<1x16xf32>
          tpu.vector_store %arg13[%swap3A_911, %swap3A_912], %swap3A_915 {strides = array<i32>} : memref<80x128xf32, #tpu.memory_space<vmem>>, vector<1x16xf32>,
          %get3A_916 = arith.index_cast %add3A_849 : i32 to index
          %get3A_917 = arith.constant 96 : index
          %get3A_918 = tpu.vector_load %arg13[%get3A_916, %get3A_917] {strides = array<i32>} : memref<80x128xf32, #tpu.memory_space<vmem>>, vector<1x16xf32>,
          %get3A_919 = vector.shape_cast %get3A_918 : vector<1x16xf32> to vector<16xf32>
          %mul3A_920 = vector.broadcast %squeeze3A_845 : f32 to vector<16xf32>
          %mul3A_921 = arith.mulf %get3A_919, %mul3A_920 : vector<16xf32>
          %swap3A_922 = arith.index_cast %add3A_849 : i32 to index
          %swap3A_923 = arith.constant 96 : index
          %swap3A_924 = tpu.vector_load %arg13[%swap3A_922, %swap3A_923] {strides = array<i32>} : memref<80x128xf32, #tpu.memory_space<vmem>>, vector<1x16xf32>,
          %swap3A_925 = vector.shape_cast %swap3A_924 : vector<1x16xf32> to vector<16xf32>
          %swap3A_926 = vector.shape_cast %mul3A_921 : vector<16xf32> to vector<1x16xf32>
          tpu.vector_store %arg13[%swap3A_922, %swap3A_923], %swap3A_926 {strides = array<i32>} : memref<80x128xf32, #tpu.memory_space<vmem>>, vector<1x16xf32>,
          %get3A_927 = arith.index_cast %add3A_849 : i32 to index
          %get3A_928 = arith.constant 112 : index
          %get3A_929 = tpu.vector_load %arg13[%get3A_927, %get3A_928] {strides = array<i32>} : memref<80x128xf32, #tpu.memory_space<vmem>>, vector<1x16xf32>,
          %get3A_930 = vector.shape_cast %get3A_929 : vector<1x16xf32> to vector<16xf32>
          %mul3A_931 = vector.broadcast %squeeze3A_845 : f32 to vector<16xf32>
          %mul3A_932 = arith.mulf %get3A_930, %mul3A_931 : vector<16xf32>
          %swap3A_933 = arith.index_cast %add3A_849 : i32 to index
          %swap3A_934 = arith.constant 112 : index
          %swap3A_935 = tpu.vector_load %arg13[%swap3A_933, %swap3A_934] {strides = array<i32>} : memref<80x128xf32, #tpu.memory_space<vmem>>, vector<1x16xf32>,
          %swap3A_936 = vector.shape_cast %swap3A_935 : vector<1x16xf32> to vector<16xf32>
          %swap3A_937 = vector.shape_cast %mul3A_932 : vector<16xf32> to vector<1x16xf32>
          tpu.vector_store %arg13[%swap3A_933, %swap3A_934], %swap3A_937 {strides = array<i32>} : memref<80x128xf32, #tpu.memory_space<vmem>>, vector<1x16xf32>,
          %slice3A_938 = vector.extract_strided_slice %get3A_188 {offsets = [8], sizes = [1], strides = [1]} : vector<16xf32> to vector<1xf32>
          %squeeze3A_939 = vector.extract %slice3A_938[0] : f32 from vector<1xf32>
          %mul3A_940 = arith.constant 16 : i32
          %mul3A_941 = arith.muli %scan3A_180, %mul3A_940 : i32
          %add3A_942 = arith.constant 8 : i32
          %add3A_943 = arith.addi %mul3A_941, %add3A_942 : i32
          %get3A_944 = arith.index_cast %add3A_943 : i32 to index
          %get3A_945 = arith.constant 0 : index
          %get3A_946 = tpu.vector_load %arg13[%get3A_944, %get3A_945] {strides = array<i32>} : memref<80x128xf32, #tpu.memory_space<vmem>>, vector<1x16xf32>,
          %get3A_947 = vector.shape_cast %get3A_946 : vector<1x16xf32> to vector<16xf32>
          %mul3A_948 = vector.broadcast %squeeze3A_939 : f32 to vector<16xf32>
          %mul3A_949 = arith.mulf %get3A_947, %mul3A_948 : vector<16xf32>
          %swap3A_950 = arith.index_cast %add3A_943 : i32 to index
          %swap3A_951 = arith.constant 0 : index
          %swap3A_952 = tpu.vector_load %arg13[%swap3A_950, %swap3A_951] {strides = array<i32>} : memref<80x128xf32, #tpu.memory_space<vmem>>, vector<1x16xf32>,
          %swap3A_953 = vector.shape_cast %swap3A_952 : vector<1x16xf32> to vector<16xf32>
          %swap3A_954 = vector.shape_cast %mul3A_949 : vector<16xf32> to vector<1x16xf32>
          tpu.vector_store %arg13[%swap3A_950, %swap3A_951], %swap3A_954 {strides = array<i32>} : memref<80x128xf32, #tpu.memory_space<vmem>>, vector<1x16xf32>,
          %get3A_955 = arith.index_cast %add3A_943 : i32 to index
          %get3A_956 = arith.constant 16 : index
          %get3A_957 = tpu.vector_load %arg13[%get3A_955, %get3A_956] {strides = array<i32>} : memref<80x128xf32, #tpu.memory_space<vmem>>, vector<1x16xf32>,
          %get3A_958 = vector.shape_cast %get3A_957 : vector<1x16xf32> to vector<16xf32>
          %mul3A_959 = vector.broadcast %squeeze3A_939 : f32 to vector<16xf32>
          %mul3A_960 = arith.mulf %get3A_958, %mul3A_959 : vector<16xf32>
          %swap3A_961 = arith.index_cast %add3A_943 : i32 to index
          %swap3A_962 = arith.constant 16 : index
          %swap3A_963 = tpu.vector_load %arg13[%swap3A_961, %swap3A_962] {strides = array<i32>} : memref<80x128xf32, #tpu.memory_space<vmem>>, vector<1x16xf32>,
          %swap3A_964 = vector.shape_cast %swap3A_963 : vector<1x16xf32> to vector<16xf32>
          %swap3A_965 = vector.shape_cast %mul3A_960 : vector<16xf32> to vector<1x16xf32>
          tpu.vector_store %arg13[%swap3A_961, %swap3A_962], %swap3A_965 {strides = array<i32>} : memref<80x128xf32, #tpu.memory_space<vmem>>, vector<1x16xf32>,
          %get3A_966 = arith.index_cast %add3A_943 : i32 to index
          %get3A_967 = arith.constant 32 : index
          %get3A_968 = tpu.vector_load %arg13[%get3A_966, %get3A_967] {strides = array<i32>} : memref<80x128xf32, #tpu.memory_space<vmem>>, vector<1x16xf32>,
          %get3A_969 = vector.shape_cast %get3A_968 : vector<1x16xf32> to vector<16xf32>
          %mul3A_970 = vector.broadcast %squeeze3A_939 : f32 to vector<16xf32>
          %mul3A_971 = arith.mulf %get3A_969, %mul3A_970 : vector<16xf32>
          %swap3A_972 = arith.index_cast %add3A_943 : i32 to index
          %swap3A_973 = arith.constant 32 : index
          %swap3A_974 = tpu.vector_load %arg13[%swap3A_972, %swap3A_973] {strides = array<i32>} : memref<80x128xf32, #tpu.memory_space<vmem>>, vector<1x16xf32>,
          %swap3A_975 = vector.shape_cast %swap3A_974 : vector<1x16xf32> to vector<16xf32>
          %swap3A_976 = vector.shape_cast %mul3A_971 : vector<16xf32> to vector<1x16xf32>
          tpu.vector_store %arg13[%swap3A_972, %swap3A_973], %swap3A_976 {strides = array<i32>} : memref<80x128xf32, #tpu.memory_space<vmem>>, vector<1x16xf32>,
          %get3A_977 = arith.index_cast %add3A_943 : i32 to index
          %get3A_978 = arith.constant 48 : index
          %get3A_979 = tpu.vector_load %arg13[%get3A_977, %get3A_978] {strides = array<i32>} : memref<80x128xf32, #tpu.memory_space<vmem>>, vector<1x16xf32>,
          %get3A_980 = vector.shape_cast %get3A_979 : vector<1x16xf32> to vector<16xf32>
          %mul3A_981 = vector.broadcast %squeeze3A_939 : f32 to vector<16xf32>
          %mul3A_982 = arith.mulf %get3A_980, %mul3A_981 : vector<16xf32>
          %swap3A_983 = arith.index_cast %add3A_943 : i32 to index
          %swap3A_984 = arith.constant 48 : index
          %swap3A_985 = tpu.vector_load %arg13[%swap3A_983, %swap3A_984] {strides = array<i32>} : memref<80x128xf32, #tpu.memory_space<vmem>>, vector<1x16xf32>,
          %swap3A_986 = vector.shape_cast %swap3A_985 : vector<1x16xf32> to vector<16xf32>
          %swap3A_987 = vector.shape_cast %mul3A_982 : vector<16xf32> to vector<1x16xf32>
          tpu.vector_store %arg13[%swap3A_983, %swap3A_984], %swap3A_987 {strides = array<i32>} : memref<80x128xf32, #tpu.memory_space<vmem>>, vector<1x16xf32>,
          %get3A_988 = arith.index_cast %add3A_943 : i32 to index
          %get3A_989 = arith.constant 64 : index
          %get3A_990 = tpu.vector_load %arg13[%get3A_988, %get3A_989] {strides = array<i32>} : memref<80x128xf32, #tpu.memory_space<vmem>>, vector<1x16xf32>,
          %get3A_991 = vector.shape_cast %get3A_990 : vector<1x16xf32> to vector<16xf32>
          %mul3A_992 = vector.broadcast %squeeze3A_939 : f32 to vector<16xf32>
          %mul3A_993 = arith.mulf %get3A_991, %mul3A_992 : vector<16xf32>
          %swap3A_994 = arith.index_cast %add3A_943 : i32 to index
          %swap3A_995 = arith.constant 64 : index
          %swap3A_996 = tpu.vector_load %arg13[%swap3A_994, %swap3A_995] {strides = array<i32>} : memref<80x128xf32, #tpu.memory_space<vmem>>, vector<1x16xf32>,
          %swap3A_997 = vector.shape_cast %swap3A_996 : vector<1x16xf32> to vector<16xf32>
          %swap3A_998 = vector.shape_cast %mul3A_993 : vector<16xf32> to vector<1x16xf32>
          tpu.vector_store %arg13[%swap3A_994, %swap3A_995], %swap3A_998 {strides = array<i32>} : memref<80x128xf32, #tpu.memory_space<vmem>>, vector<1x16xf32>,
          %get3A_999 = arith.index_cast %add3A_943 : i32 to index
          %get3A_1000 = arith.constant 80 : index
          %get3A_1001 = tpu.vector_load %arg13[%get3A_999, %get3A_1000] {strides = array<i32>} : memref<80x128xf32, #tpu.memory_space<vmem>>, vector<1x16xf32>,
          %get3A_1002 = vector.shape_cast %get3A_1001 : vector<1x16xf32> to vector<16xf32>
          %mul3A_1003 = vector.broadcast %squeeze3A_939 : f32 to vector<16xf32>
          %mul3A_1004 = arith.mulf %get3A_1002, %mul3A_1003 : vector<16xf32>
          %swap3A_1005 = arith.index_cast %add3A_943 : i32 to index
          %swap3A_1006 = arith.constant 80 : index
          %swap3A_1007 = tpu.vector_load %arg13[%swap3A_1005, %swap3A_1006] {strides = array<i32>} : memref<80x128xf32, #tpu.memory_space<vmem>>, vector<1x16xf32>,
          %swap3A_1008 = vector.shape_cast %swap3A_1007 : vector<1x16xf32> to vector<16xf32>
          %swap3A_1009 = vector.shape_cast %mul3A_1004 : vector<16xf32> to vector<1x16xf32>
          tpu.vector_store %arg13[%swap3A_1005, %swap3A_1006], %swap3A_1009 {strides = array<i32>} : memref<80x128xf32, #tpu.memory_space<vmem>>, vector<1x16xf32>,
          %get3A_1010 = arith.index_cast %add3A_943 : i32 to index
          %get3A_1011 = arith.constant 96 : index
          %get3A_1012 = tpu.vector_load %arg13[%get3A_1010, %get3A_1011] {strides = array<i32>} : memref<80x128xf32, #tpu.memory_space<vmem>>, vector<1x16xf32>,
          %get3A_1013 = vector.shape_cast %get3A_1012 : vector<1x16xf32> to vector<16xf32>
          %mul3A_1014 = vector.broadcast %squeeze3A_939 : f32 to vector<16xf32>
          %mul3A_1015 = arith.mulf %get3A_1013, %mul3A_1014 : vector<16xf32>
          %swap3A_1016 = arith.index_cast %add3A_943 : i32 to index
          %swap3A_1017 = arith.constant 96 : index
          %swap3A_1018 = tpu.vector_load %arg13[%swap3A_1016, %swap3A_1017] {strides = array<i32>} : memref<80x128xf32, #tpu.memory_space<vmem>>, vector<1x16xf32>,
          %swap3A_1019 = vector.shape_cast %swap3A_1018 : vector<1x16xf32> to vector<16xf32>
          %swap3A_1020 = vector.shape_cast %mul3A_1015 : vector<16xf32> to vector<1x16xf32>
          tpu.vector_store %arg13[%swap3A_1016, %swap3A_1017], %swap3A_1020 {strides = array<i32>} : memref<80x128xf32, #tpu.memory_space<vmem>>, vector<1x16xf32>,
          %get3A_1021 = arith.index_cast %add3A_943 : i32 to index
          %get3A_1022 = arith.constant 112 : index
          %get3A_1023 = tpu.vector_load %arg13[%get3A_1021, %get3A_1022] {strides = array<i32>} : memref<80x128xf32, #tpu.memory_space<vmem>>, vector<1x16xf32>,
          %get3A_1024 = vector.shape_cast %get3A_1023 : vector<1x16xf32> to vector<16xf32>
          %mul3A_1025 = vector.broadcast %squeeze3A_939 : f32 to vector<16xf32>
          %mul3A_1026 = arith.mulf %get3A_1024, %mul3A_1025 : vector<16xf32>
          %swap3A_1027 = arith.index_cast %add3A_943 : i32 to index
          %swap3A_1028 = arith.constant 112 : index
          %swap3A_1029 = tpu.vector_load %arg13[%swap3A_1027, %swap3A_1028] {strides = array<i32>} : memref<80x128xf32, #tpu.memory_space<vmem>>, vector<1x16xf32>,
          %swap3A_1030 = vector.shape_cast %swap3A_1029 : vector<1x16xf32> to vector<16xf32>
          %swap3A_1031 = vector.shape_cast %mul3A_1026 : vector<16xf32> to vector<1x16xf32>
          tpu.vector_store %arg13[%swap3A_1027, %swap3A_1028], %swap3A_1031 {strides = array<i32>} : memref<80x128xf32, #tpu.memory_space<vmem>>, vector<1x16xf32>,
          %slice3A_1032 = vector.extract_strided_slice %get3A_188 {offsets = [9], sizes = [1], strides = [1]} : vector<16xf32> to vector<1xf32>
          %squeeze3A_1033 = vector.extract %slice3A_1032[0] : f32 from vector<1xf32>
          %mul3A_1034 = arith.constant 16 : i32
          %mul3A_1035 = arith.muli %scan3A_180, %mul3A_1034 : i32
          %add3A_1036 = arith.constant 9 : i32
          %add3A_1037 = arith.addi %mul3A_1035, %add3A_1036 : i32
          %get3A_1038 = arith.index_cast %add3A_1037 : i32 to index
          %get3A_1039 = arith.constant 0 : index
          %get3A_1040 = tpu.vector_load %arg13[%get3A_1038, %get3A_1039] {strides = array<i32>} : memref<80x128xf32, #tpu.memory_space<vmem>>, vector<1x16xf32>,
          %get3A_1041 = vector.shape_cast %get3A_1040 : vector<1x16xf32> to vector<16xf32>
          %mul3A_1042 = vector.broadcast %squeeze3A_1033 : f32 to vector<16xf32>
          %mul3A_1043 = arith.mulf %get3A_1041, %mul3A_1042 : vector<16xf32>
          %swap3A_1044 = arith.index_cast %add3A_1037 : i32 to index
          %swap3A_1045 = arith.constant 0 : index
          %swap3A_1046 = tpu.vector_load %arg13[%swap3A_1044, %swap3A_1045] {strides = array<i32>} : memref<80x128xf32, #tpu.memory_space<vmem>>, vector<1x16xf32>,
          %swap3A_1047 = vector.shape_cast %swap3A_1046 : vector<1x16xf32> to vector<16xf32>
          %swap3A_1048 = vector.shape_cast %mul3A_1043 : vector<16xf32> to vector<1x16xf32>
          tpu.vector_store %arg13[%swap3A_1044, %swap3A_1045], %swap3A_1048 {strides = array<i32>} : memref<80x128xf32, #tpu.memory_space<vmem>>, vector<1x16xf32>,
          %get3A_1049 = arith.index_cast %add3A_1037 : i32 to index
          %get3A_1050 = arith.constant 16 : index
          %get3A_1051 = tpu.vector_load %arg13[%get3A_1049, %get3A_1050] {strides = array<i32>} : memref<80x128xf32, #tpu.memory_space<vmem>>, vector<1x16xf32>,
          %get3A_1052 = vector.shape_cast %get3A_1051 : vector<1x16xf32> to vector<16xf32>
          %mul3A_1053 = vector.broadcast %squeeze3A_1033 : f32 to vector<16xf32>
          %mul3A_1054 = arith.mulf %get3A_1052, %mul3A_1053 : vector<16xf32>
          %swap3A_1055 = arith.index_cast %add3A_1037 : i32 to index
          %swap3A_1056 = arith.constant 16 : index
          %swap3A_1057 = tpu.vector_load %arg13[%swap3A_1055, %swap3A_1056] {strides = array<i32>} : memref<80x128xf32, #tpu.memory_space<vmem>>, vector<1x16xf32>,
          %swap3A_1058 = vector.shape_cast %swap3A_1057 : vector<1x16xf32> to vector<16xf32>
          %swap3A_1059 = vector.shape_cast %mul3A_1054 : vector<16xf32> to vector<1x16xf32>
          tpu.vector_store %arg13[%swap3A_1055, %swap3A_1056], %swap3A_1059 {strides = array<i32>} : memref<80x128xf32, #tpu.memory_space<vmem>>, vector<1x16xf32>,
          %get3A_1060 = arith.index_cast %add3A_1037 : i32 to index
          %get3A_1061 = arith.constant 32 : index
          %get3A_1062 = tpu.vector_load %arg13[%get3A_1060, %get3A_1061] {strides = array<i32>} : memref<80x128xf32, #tpu.memory_space<vmem>>, vector<1x16xf32>,
          %get3A_1063 = vector.shape_cast %get3A_1062 : vector<1x16xf32> to vector<16xf32>
          %mul3A_1064 = vector.broadcast %squeeze3A_1033 : f32 to vector<16xf32>
          %mul3A_1065 = arith.mulf %get3A_1063, %mul3A_1064 : vector<16xf32>
          %swap3A_1066 = arith.index_cast %add3A_1037 : i32 to index
          %swap3A_1067 = arith.constant 32 : index
          %swap3A_1068 = tpu.vector_load %arg13[%swap3A_1066, %swap3A_1067] {strides = array<i32>} : memref<80x128xf32, #tpu.memory_space<vmem>>, vector<1x16xf32>,
          %swap3A_1069 = vector.shape_cast %swap3A_1068 : vector<1x16xf32> to vector<16xf32>
          %swap3A_1070 = vector.shape_cast %mul3A_1065 : vector<16xf32> to vector<1x16xf32>
          tpu.vector_store %arg13[%swap3A_1066, %swap3A_1067], %swap3A_1070 {strides = array<i32>} : memref<80x128xf32, #tpu.memory_space<vmem>>, vector<1x16xf32>,
          %get3A_1071 = arith.index_cast %add3A_1037 : i32 to index
          %get3A_1072 = arith.constant 48 : index
          %get3A_1073 = tpu.vector_load %arg13[%get3A_1071, %get3A_1072] {strides = array<i32>} : memref<80x128xf32, #tpu.memory_space<vmem>>, vector<1x16xf32>,
          %get3A_1074 = vector.shape_cast %get3A_1073 : vector<1x16xf32> to vector<16xf32>
          %mul3A_1075 = vector.broadcast %squeeze3A_1033 : f32 to vector<16xf32>
          %mul3A_1076 = arith.mulf %get3A_1074, %mul3A_1075 : vector<16xf32>
          %swap3A_1077 = arith.index_cast %add3A_1037 : i32 to index
          %swap3A_1078 = arith.constant 48 : index
          %swap3A_1079 = tpu.vector_load %arg13[%swap3A_1077, %swap3A_1078] {strides = array<i32>} : memref<80x128xf32, #tpu.memory_space<vmem>>, vector<1x16xf32>,
          %swap3A_1080 = vector.shape_cast %swap3A_1079 : vector<1x16xf32> to vector<16xf32>
          %swap3A_1081 = vector.shape_cast %mul3A_1076 : vector<16xf32> to vector<1x16xf32>
          tpu.vector_store %arg13[%swap3A_1077, %swap3A_1078], %swap3A_1081 {strides = array<i32>} : memref<80x128xf32, #tpu.memory_space<vmem>>, vector<1x16xf32>,
          %get3A_1082 = arith.index_cast %add3A_1037 : i32 to index
          %get3A_1083 = arith.constant 64 : index
          %get3A_1084 = tpu.vector_load %arg13[%get3A_1082, %get3A_1083] {strides = array<i32>} : memref<80x128xf32, #tpu.memory_space<vmem>>, vector<1x16xf32>,
          %get3A_1085 = vector.shape_cast %get3A_1084 : vector<1x16xf32> to vector<16xf32>
          %mul3A_1086 = vector.broadcast %squeeze3A_1033 : f32 to vector<16xf32>
          %mul3A_1087 = arith.mulf %get3A_1085, %mul3A_1086 : vector<16xf32>
          %swap3A_1088 = arith.index_cast %add3A_1037 : i32 to index
          %swap3A_1089 = arith.constant 64 : index
          %swap3A_1090 = tpu.vector_load %arg13[%swap3A_1088, %swap3A_1089] {strides = array<i32>} : memref<80x128xf32, #tpu.memory_space<vmem>>, vector<1x16xf32>,
          %swap3A_1091 = vector.shape_cast %swap3A_1090 : vector<1x16xf32> to vector<16xf32>
          %swap3A_1092 = vector.shape_cast %mul3A_1087 : vector<16xf32> to vector<1x16xf32>
          tpu.vector_store %arg13[%swap3A_1088, %swap3A_1089], %swap3A_1092 {strides = array<i32>} : memref<80x128xf32, #tpu.memory_space<vmem>>, vector<1x16xf32>,
          %get3A_1093 = arith.index_cast %add3A_1037 : i32 to index
          %get3A_1094 = arith.constant 80 : index
          %get3A_1095 = tpu.vector_load %arg13[%get3A_1093, %get3A_1094] {strides = array<i32>} : memref<80x128xf32, #tpu.memory_space<vmem>>, vector<1x16xf32>,
          %get3A_1096 = vector.shape_cast %get3A_1095 : vector<1x16xf32> to vector<16xf32>
          %mul3A_1097 = vector.broadcast %squeeze3A_1033 : f32 to vector<16xf32>
          %mul3A_1098 = arith.mulf %get3A_1096, %mul3A_1097 : vector<16xf32>
          %swap3A_1099 = arith.index_cast %add3A_1037 : i32 to index
          %swap3A_1100 = arith.constant 80 : index
          %swap3A_1101 = tpu.vector_load %arg13[%swap3A_1099, %swap3A_1100] {strides = array<i32>} : memref<80x128xf32, #tpu.memory_space<vmem>>, vector<1x16xf32>,
          %swap3A_1102 = vector.shape_cast %swap3A_1101 : vector<1x16xf32> to vector<16xf32>
          %swap3A_1103 = vector.shape_cast %mul3A_1098 : vector<16xf32> to vector<1x16xf32>
          tpu.vector_store %arg13[%swap3A_1099, %swap3A_1100], %swap3A_1103 {strides = array<i32>} : memref<80x128xf32, #tpu.memory_space<vmem>>, vector<1x16xf32>,
          %get3A_1104 = arith.index_cast %add3A_1037 : i32 to index
          %get3A_1105 = arith.constant 96 : index
          %get3A_1106 = tpu.vector_load %arg13[%get3A_1104, %get3A_1105] {strides = array<i32>} : memref<80x128xf32, #tpu.memory_space<vmem>>, vector<1x16xf32>,
          %get3A_1107 = vector.shape_cast %get3A_1106 : vector<1x16xf32> to vector<16xf32>
          %mul3A_1108 = vector.broadcast %squeeze3A_1033 : f32 to vector<16xf32>
          %mul3A_1109 = arith.mulf %get3A_1107, %mul3A_1108 : vector<16xf32>
          %swap3A_1110 = arith.index_cast %add3A_1037 : i32 to index
          %swap3A_1111 = arith.constant 96 : index
          %swap3A_1112 = tpu.vector_load %arg13[%swap3A_1110, %swap3A_1111] {strides = array<i32>} : memref<80x128xf32, #tpu.memory_space<vmem>>, vector<1x16xf32>,
          %swap3A_1113 = vector.shape_cast %swap3A_1112 : vector<1x16xf32> to vector<16xf32>
          %swap3A_1114 = vector.shape_cast %mul3A_1109 : vector<16xf32> to vector<1x16xf32>
          tpu.vector_store %arg13[%swap3A_1110, %swap3A_1111], %swap3A_1114 {strides = array<i32>} : memref<80x128xf32, #tpu.memory_space<vmem>>, vector<1x16xf32>,
          %get3A_1115 = arith.index_cast %add3A_1037 : i32 to index
          %get3A_1116 = arith.constant 112 : index
          %get3A_1117 = tpu.vector_load %arg13[%get3A_1115, %get3A_1116] {strides = array<i32>} : memref<80x128xf32, #tpu.memory_space<vmem>>, vector<1x16xf32>,
          %get3A_1118 = vector.shape_cast %get3A_1117 : vector<1x16xf32> to vector<16xf32>
          %mul3A_1119 = vector.broadcast %squeeze3A_1033 : f32 to vector<16xf32>
          %mul3A_1120 = arith.mulf %get3A_1118, %mul3A_1119 : vector<16xf32>
          %swap3A_1121 = arith.index_cast %add3A_1037 : i32 to index
          %swap3A_1122 = arith.constant 112 : index
          %swap3A_1123 = tpu.vector_load %arg13[%swap3A_1121, %swap3A_1122] {strides = array<i32>} : memref<80x128xf32, #tpu.memory_space<vmem>>, vector<1x16xf32>,
          %swap3A_1124 = vector.shape_cast %swap3A_1123 : vector<1x16xf32> to vector<16xf32>
          %swap3A_1125 = vector.shape_cast %mul3A_1120 : vector<16xf32> to vector<1x16xf32>
          tpu.vector_store %arg13[%swap3A_1121, %swap3A_1122], %swap3A_1125 {strides = array<i32>} : memref<80x128xf32, #tpu.memory_space<vmem>>, vector<1x16xf32>,
          %slice3A_1126 = vector.extract_strided_slice %get3A_188 {offsets = [10], sizes = [1], strides = [1]} : vector<16xf32> to vector<1xf32>
          %squeeze3A_1127 = vector.extract %slice3A_1126[0] : f32 from vector<1xf32>
          %mul3A_1128 = arith.constant 16 : i32
          %mul3A_1129 = arith.muli %scan3A_180, %mul3A_1128 : i32
          %add3A_1130 = arith.constant 10 : i32
          %add3A_1131 = arith.addi %mul3A_1129, %add3A_1130 : i32
          %get3A_1132 = arith.index_cast %add3A_1131 : i32 to index
          %get3A_1133 = arith.constant 0 : index
          %get3A_1134 = tpu.vector_load %arg13[%get3A_1132, %get3A_1133] {strides = array<i32>} : memref<80x128xf32, #tpu.memory_space<vmem>>, vector<1x16xf32>,
          %get3A_1135 = vector.shape_cast %get3A_1134 : vector<1x16xf32> to vector<16xf32>
          %mul3A_1136 = vector.broadcast %squeeze3A_1127 : f32 to vector<16xf32>
          %mul3A_1137 = arith.mulf %get3A_1135, %mul3A_1136 : vector<16xf32>
          %swap3A_1138 = arith.index_cast %add3A_1131 : i32 to index
          %swap3A_1139 = arith.constant 0 : index
          %swap3A_1140 = tpu.vector_load %arg13[%swap3A_1138, %swap3A_1139] {strides = array<i32>} : memref<80x128xf32, #tpu.memory_space<vmem>>, vector<1x16xf32>,
          %swap3A_1141 = vector.shape_cast %swap3A_1140 : vector<1x16xf32> to vector<16xf32>
          %swap3A_1142 = vector.shape_cast %mul3A_1137 : vector<16xf32> to vector<1x16xf32>
          tpu.vector_store %arg13[%swap3A_1138, %swap3A_1139], %swap3A_1142 {strides = array<i32>} : memref<80x128xf32, #tpu.memory_space<vmem>>, vector<1x16xf32>,
          %get3A_1143 = arith.index_cast %add3A_1131 : i32 to index
          %get3A_1144 = arith.constant 16 : index
          %get3A_1145 = tpu.vector_load %arg13[%get3A_1143, %get3A_1144] {strides = array<i32>} : memref<80x128xf32, #tpu.memory_space<vmem>>, vector<1x16xf32>,
          %get3A_1146 = vector.shape_cast %get3A_1145 : vector<1x16xf32> to vector<16xf32>
          %mul3A_1147 = vector.broadcast %squeeze3A_1127 : f32 to vector<16xf32>
          %mul3A_1148 = arith.mulf %get3A_1146, %mul3A_1147 : vector<16xf32>
          %swap3A_1149 = arith.index_cast %add3A_1131 : i32 to index
          %swap3A_1150 = arith.constant 16 : index
          %swap3A_1151 = tpu.vector_load %arg13[%swap3A_1149, %swap3A_1150] {strides = array<i32>} : memref<80x128xf32, #tpu.memory_space<vmem>>, vector<1x16xf32>,
          %swap3A_1152 = vector.shape_cast %swap3A_1151 : vector<1x16xf32> to vector<16xf32>
          %swap3A_1153 = vector.shape_cast %mul3A_1148 : vector<16xf32> to vector<1x16xf32>
          tpu.vector_store %arg13[%swap3A_1149, %swap3A_1150], %swap3A_1153 {strides = array<i32>} : memref<80x128xf32, #tpu.memory_space<vmem>>, vector<1x16xf32>,
          %get3A_1154 = arith.index_cast %add3A_1131 : i32 to index
          %get3A_1155 = arith.constant 32 : index
          %get3A_1156 = tpu.vector_load %arg13[%get3A_1154, %get3A_1155] {strides = array<i32>} : memref<80x128xf32, #tpu.memory_space<vmem>>, vector<1x16xf32>,
          %get3A_1157 = vector.shape_cast %get3A_1156 : vector<1x16xf32> to vector<16xf32>
          %mul3A_1158 = vector.broadcast %squeeze3A_1127 : f32 to vector<16xf32>
          %mul3A_1159 = arith.mulf %get3A_1157, %mul3A_1158 : vector<16xf32>
          %swap3A_1160 = arith.index_cast %add3A_1131 : i32 to index
          %swap3A_1161 = arith.constant 32 : index
          %swap3A_1162 = tpu.vector_load %arg13[%swap3A_1160, %swap3A_1161] {strides = array<i32>} : memref<80x128xf32, #tpu.memory_space<vmem>>, vector<1x16xf32>,
          %swap3A_1163 = vector.shape_cast %swap3A_1162 : vector<1x16xf32> to vector<16xf32>
          %swap3A_1164 = vector.shape_cast %mul3A_1159 : vector<16xf32> to vector<1x16xf32>
          tpu.vector_store %arg13[%swap3A_1160, %swap3A_1161], %swap3A_1164 {strides = array<i32>} : memref<80x128xf32, #tpu.memory_space<vmem>>, vector<1x16xf32>,
          %get3A_1165 = arith.index_cast %add3A_1131 : i32 to index
          %get3A_1166 = arith.constant 48 : index
          %get3A_1167 = tpu.vector_load %arg13[%get3A_1165, %get3A_1166] {strides = array<i32>} : memref<80x128xf32, #tpu.memory_space<vmem>>, vector<1x16xf32>,
          %get3A_1168 = vector.shape_cast %get3A_1167 : vector<1x16xf32> to vector<16xf32>
          %mul3A_1169 = vector.broadcast %squeeze3A_1127 : f32 to vector<16xf32>
          %mul3A_1170 = arith.mulf %get3A_1168, %mul3A_1169 : vector<16xf32>
          %swap3A_1171 = arith.index_cast %add3A_1131 : i32 to index
          %swap3A_1172 = arith.constant 48 : index
          %swap3A_1173 = tpu.vector_load %arg13[%swap3A_1171, %swap3A_1172] {strides = array<i32>} : memref<80x128xf32, #tpu.memory_space<vmem>>, vector<1x16xf32>,
          %swap3A_1174 = vector.shape_cast %swap3A_1173 : vector<1x16xf32> to vector<16xf32>
          %swap3A_1175 = vector.shape_cast %mul3A_1170 : vector<16xf32> to vector<1x16xf32>
          tpu.vector_store %arg13[%swap3A_1171, %swap3A_1172], %swap3A_1175 {strides = array<i32>} : memref<80x128xf32, #tpu.memory_space<vmem>>, vector<1x16xf32>,
          %get3A_1176 = arith.index_cast %add3A_1131 : i32 to index
          %get3A_1177 = arith.constant 64 : index
          %get3A_1178 = tpu.vector_load %arg13[%get3A_1176, %get3A_1177] {strides = array<i32>} : memref<80x128xf32, #tpu.memory_space<vmem>>, vector<1x16xf32>,
          %get3A_1179 = vector.shape_cast %get3A_1178 : vector<1x16xf32> to vector<16xf32>
          %mul3A_1180 = vector.broadcast %squeeze3A_1127 : f32 to vector<16xf32>
          %mul3A_1181 = arith.mulf %get3A_1179, %mul3A_1180 : vector<16xf32>
          %swap3A_1182 = arith.index_cast %add3A_1131 : i32 to index
          %swap3A_1183 = arith.constant 64 : index
          %swap3A_1184 = tpu.vector_load %arg13[%swap3A_1182, %swap3A_1183] {strides = array<i32>} : memref<80x128xf32, #tpu.memory_space<vmem>>, vector<1x16xf32>,
          %swap3A_1185 = vector.shape_cast %swap3A_1184 : vector<1x16xf32> to vector<16xf32>
          %swap3A_1186 = vector.shape_cast %mul3A_1181 : vector<16xf32> to vector<1x16xf32>
          tpu.vector_store %arg13[%swap3A_1182, %swap3A_1183], %swap3A_1186 {strides = array<i32>} : memref<80x128xf32, #tpu.memory_space<vmem>>, vector<1x16xf32>,
          %get3A_1187 = arith.index_cast %add3A_1131 : i32 to index
          %get3A_1188 = arith.constant 80 : index
          %get3A_1189 = tpu.vector_load %arg13[%get3A_1187, %get3A_1188] {strides = array<i32>} : memref<80x128xf32, #tpu.memory_space<vmem>>, vector<1x16xf32>,
          %get3A_1190 = vector.shape_cast %get3A_1189 : vector<1x16xf32> to vector<16xf32>
          %mul3A_1191 = vector.broadcast %squeeze3A_1127 : f32 to vector<16xf32>
          %mul3A_1192 = arith.mulf %get3A_1190, %mul3A_1191 : vector<16xf32>
          %swap3A_1193 = arith.index_cast %add3A_1131 : i32 to index
          %swap3A_1194 = arith.constant 80 : index
          %swap3A_1195 = tpu.vector_load %arg13[%swap3A_1193, %swap3A_1194] {strides = array<i32>} : memref<80x128xf32, #tpu.memory_space<vmem>>, vector<1x16xf32>,
          %swap3A_1196 = vector.shape_cast %swap3A_1195 : vector<1x16xf32> to vector<16xf32>
          %swap3A_1197 = vector.shape_cast %mul3A_1192 : vector<16xf32> to vector<1x16xf32>
          tpu.vector_store %arg13[%swap3A_1193, %swap3A_1194], %swap3A_1197 {strides = array<i32>} : memref<80x128xf32, #tpu.memory_space<vmem>>, vector<1x16xf32>,
          %get3A_1198 = arith.index_cast %add3A_1131 : i32 to index
          %get3A_1199 = arith.constant 96 : index
          %get3A_1200 = tpu.vector_load %arg13[%get3A_1198, %get3A_1199] {strides = array<i32>} : memref<80x128xf32, #tpu.memory_space<vmem>>, vector<1x16xf32>,
          %get3A_1201 = vector.shape_cast %get3A_1200 : vector<1x16xf32> to vector<16xf32>
          %mul3A_1202 = vector.broadcast %squeeze3A_1127 : f32 to vector<16xf32>
          %mul3A_1203 = arith.mulf %get3A_1201, %mul3A_1202 : vector<16xf32>
          %swap3A_1204 = arith.index_cast %add3A_1131 : i32 to index
          %swap3A_1205 = arith.constant 96 : index
          %swap3A_1206 = tpu.vector_load %arg13[%swap3A_1204, %swap3A_1205] {strides = array<i32>} : memref<80x128xf32, #tpu.memory_space<vmem>>, vector<1x16xf32>,
          %swap3A_1207 = vector.shape_cast %swap3A_1206 : vector<1x16xf32> to vector<16xf32>
          %swap3A_1208 = vector.shape_cast %mul3A_1203 : vector<16xf32> to vector<1x16xf32>
          tpu.vector_store %arg13[%swap3A_1204, %swap3A_1205], %swap3A_1208 {strides = array<i32>} : memref<80x128xf32, #tpu.memory_space<vmem>>, vector<1x16xf32>,
          %get3A_1209 = arith.index_cast %add3A_1131 : i32 to index
          %get3A_1210 = arith.constant 112 : index
          %get3A_1211 = tpu.vector_load %arg13[%get3A_1209, %get3A_1210] {strides = array<i32>} : memref<80x128xf32, #tpu.memory_space<vmem>>, vector<1x16xf32>,
          %get3A_1212 = vector.shape_cast %get3A_1211 : vector<1x16xf32> to vector<16xf32>
          %mul3A_1213 = vector.broadcast %squeeze3A_1127 : f32 to vector<16xf32>
          %mul3A_1214 = arith.mulf %get3A_1212, %mul3A_1213 : vector<16xf32>
          %swap3A_1215 = arith.index_cast %add3A_1131 : i32 to index
          %swap3A_1216 = arith.constant 112 : index
          %swap3A_1217 = tpu.vector_load %arg13[%swap3A_1215, %swap3A_1216] {strides = array<i32>} : memref<80x128xf32, #tpu.memory_space<vmem>>, vector<1x16xf32>,
          %swap3A_1218 = vector.shape_cast %swap3A_1217 : vector<1x16xf32> to vector<16xf32>
          %swap3A_1219 = vector.shape_cast %mul3A_1214 : vector<16xf32> to vector<1x16xf32>
          tpu.vector_store %arg13[%swap3A_1215, %swap3A_1216], %swap3A_1219 {strides = array<i32>} : memref<80x128xf32, #tpu.memory_space<vmem>>, vector<1x16xf32>,
          %slice3A_1220 = vector.extract_strided_slice %get3A_188 {offsets = [11], sizes = [1], strides = [1]} : vector<16xf32> to vector<1xf32>
          %squeeze3A_1221 = vector.extract %slice3A_1220[0] : f32 from vector<1xf32>
          %mul3A_1222 = arith.constant 16 : i32
          %mul3A_1223 = arith.muli %scan3A_180, %mul3A_1222 : i32
          %add3A_1224 = arith.constant 11 : i32
          %add3A_1225 = arith.addi %mul3A_1223, %add3A_1224 : i32
          %get3A_1226 = arith.index_cast %add3A_1225 : i32 to index
          %get3A_1227 = arith.constant 0 : index
          %get3A_1228 = tpu.vector_load %arg13[%get3A_1226, %get3A_1227] {strides = array<i32>} : memref<80x128xf32, #tpu.memory_space<vmem>>, vector<1x16xf32>,
          %get3A_1229 = vector.shape_cast %get3A_1228 : vector<1x16xf32> to vector<16xf32>
          %mul3A_1230 = vector.broadcast %squeeze3A_1221 : f32 to vector<16xf32>
          %mul3A_1231 = arith.mulf %get3A_1229, %mul3A_1230 : vector<16xf32>
          %swap3A_1232 = arith.index_cast %add3A_1225 : i32 to index
          %swap3A_1233 = arith.constant 0 : index
          %swap3A_1234 = tpu.vector_load %arg13[%swap3A_1232, %swap3A_1233] {strides = array<i32>} : memref<80x128xf32, #tpu.memory_space<vmem>>, vector<1x16xf32>,
          %swap3A_1235 = vector.shape_cast %swap3A_1234 : vector<1x16xf32> to vector<16xf32>
          %swap3A_1236 = vector.shape_cast %mul3A_1231 : vector<16xf32> to vector<1x16xf32>
          tpu.vector_store %arg13[%swap3A_1232, %swap3A_1233], %swap3A_1236 {strides = array<i32>} : memref<80x128xf32, #tpu.memory_space<vmem>>, vector<1x16xf32>,
          %get3A_1237 = arith.index_cast %add3A_1225 : i32 to index
          %get3A_1238 = arith.constant 16 : index
          %get3A_1239 = tpu.vector_load %arg13[%get3A_1237, %get3A_1238] {strides = array<i32>} : memref<80x128xf32, #tpu.memory_space<vmem>>, vector<1x16xf32>,
          %get3A_1240 = vector.shape_cast %get3A_1239 : vector<1x16xf32> to vector<16xf32>
          %mul3A_1241 = vector.broadcast %squeeze3A_1221 : f32 to vector<16xf32>
          %mul3A_1242 = arith.mulf %get3A_1240, %mul3A_1241 : vector<16xf32>
          %swap3A_1243 = arith.index_cast %add3A_1225 : i32 to index
          %swap3A_1244 = arith.constant 16 : index
          %swap3A_1245 = tpu.vector_load %arg13[%swap3A_1243, %swap3A_1244] {strides = array<i32>} : memref<80x128xf32, #tpu.memory_space<vmem>>, vector<1x16xf32>,
          %swap3A_1246 = vector.shape_cast %swap3A_1245 : vector<1x16xf32> to vector<16xf32>
          %swap3A_1247 = vector.shape_cast %mul3A_1242 : vector<16xf32> to vector<1x16xf32>
          tpu.vector_store %arg13[%swap3A_1243, %swap3A_1244], %swap3A_1247 {strides = array<i32>} : memref<80x128xf32, #tpu.memory_space<vmem>>, vector<1x16xf32>,
          %get3A_1248 = arith.index_cast %add3A_1225 : i32 to index
          %get3A_1249 = arith.constant 32 : index
          %get3A_1250 = tpu.vector_load %arg13[%get3A_1248, %get3A_1249] {strides = array<i32>} : memref<80x128xf32, #tpu.memory_space<vmem>>, vector<1x16xf32>,
          %get3A_1251 = vector.shape_cast %get3A_1250 : vector<1x16xf32> to vector<16xf32>
          %mul3A_1252 = vector.broadcast %squeeze3A_1221 : f32 to vector<16xf32>
          %mul3A_1253 = arith.mulf %get3A_1251, %mul3A_1252 : vector<16xf32>
          %swap3A_1254 = arith.index_cast %add3A_1225 : i32 to index
          %swap3A_1255 = arith.constant 32 : index
          %swap3A_1256 = tpu.vector_load %arg13[%swap3A_1254, %swap3A_1255] {strides = array<i32>} : memref<80x128xf32, #tpu.memory_space<vmem>>, vector<1x16xf32>,
          %swap3A_1257 = vector.shape_cast %swap3A_1256 : vector<1x16xf32> to vector<16xf32>
          %swap3A_1258 = vector.shape_cast %mul3A_1253 : vector<16xf32> to vector<1x16xf32>
          tpu.vector_store %arg13[%swap3A_1254, %swap3A_1255], %swap3A_1258 {strides = array<i32>} : memref<80x128xf32, #tpu.memory_space<vmem>>, vector<1x16xf32>,
          %get3A_1259 = arith.index_cast %add3A_1225 : i32 to index
          %get3A_1260 = arith.constant 48 : index
          %get3A_1261 = tpu.vector_load %arg13[%get3A_1259, %get3A_1260] {strides = array<i32>} : memref<80x128xf32, #tpu.memory_space<vmem>>, vector<1x16xf32>,
          %get3A_1262 = vector.shape_cast %get3A_1261 : vector<1x16xf32> to vector<16xf32>
          %mul3A_1263 = vector.broadcast %squeeze3A_1221 : f32 to vector<16xf32>
          %mul3A_1264 = arith.mulf %get3A_1262, %mul3A_1263 : vector<16xf32>
          %swap3A_1265 = arith.index_cast %add3A_1225 : i32 to index
          %swap3A_1266 = arith.constant 48 : index
          %swap3A_1267 = tpu.vector_load %arg13[%swap3A_1265, %swap3A_1266] {strides = array<i32>} : memref<80x128xf32, #tpu.memory_space<vmem>>, vector<1x16xf32>,
          %swap3A_1268 = vector.shape_cast %swap3A_1267 : vector<1x16xf32> to vector<16xf32>
          %swap3A_1269 = vector.shape_cast %mul3A_1264 : vector<16xf32> to vector<1x16xf32>
          tpu.vector_store %arg13[%swap3A_1265, %swap3A_1266], %swap3A_1269 {strides = array<i32>} : memref<80x128xf32, #tpu.memory_space<vmem>>, vector<1x16xf32>,
          %get3A_1270 = arith.index_cast %add3A_1225 : i32 to index
          %get3A_1271 = arith.constant 64 : index
          %get3A_1272 = tpu.vector_load %arg13[%get3A_1270, %get3A_1271] {strides = array<i32>} : memref<80x128xf32, #tpu.memory_space<vmem>>, vector<1x16xf32>,
          %get3A_1273 = vector.shape_cast %get3A_1272 : vector<1x16xf32> to vector<16xf32>
          %mul3A_1274 = vector.broadcast %squeeze3A_1221 : f32 to vector<16xf32>
          %mul3A_1275 = arith.mulf %get3A_1273, %mul3A_1274 : vector<16xf32>
          %swap3A_1276 = arith.index_cast %add3A_1225 : i32 to index
          %swap3A_1277 = arith.constant 64 : index
          %swap3A_1278 = tpu.vector_load %arg13[%swap3A_1276, %swap3A_1277] {strides = array<i32>} : memref<80x128xf32, #tpu.memory_space<vmem>>, vector<1x16xf32>,
          %swap3A_1279 = vector.shape_cast %swap3A_1278 : vector<1x16xf32> to vector<16xf32>
          %swap3A_1280 = vector.shape_cast %mul3A_1275 : vector<16xf32> to vector<1x16xf32>
          tpu.vector_store %arg13[%swap3A_1276, %swap3A_1277], %swap3A_1280 {strides = array<i32>} : memref<80x128xf32, #tpu.memory_space<vmem>>, vector<1x16xf32>,
          %get3A_1281 = arith.index_cast %add3A_1225 : i32 to index
          %get3A_1282 = arith.constant 80 : index
          %get3A_1283 = tpu.vector_load %arg13[%get3A_1281, %get3A_1282] {strides = array<i32>} : memref<80x128xf32, #tpu.memory_space<vmem>>, vector<1x16xf32>,
          %get3A_1284 = vector.shape_cast %get3A_1283 : vector<1x16xf32> to vector<16xf32>
          %mul3A_1285 = vector.broadcast %squeeze3A_1221 : f32 to vector<16xf32>
          %mul3A_1286 = arith.mulf %get3A_1284, %mul3A_1285 : vector<16xf32>
          %swap3A_1287 = arith.index_cast %add3A_1225 : i32 to index
          %swap3A_1288 = arith.constant 80 : index
          %swap3A_1289 = tpu.vector_load %arg13[%swap3A_1287, %swap3A_1288] {strides = array<i32>} : memref<80x128xf32, #tpu.memory_space<vmem>>, vector<1x16xf32>,
          %swap3A_1290 = vector.shape_cast %swap3A_1289 : vector<1x16xf32> to vector<16xf32>
          %swap3A_1291 = vector.shape_cast %mul3A_1286 : vector<16xf32> to vector<1x16xf32>
          tpu.vector_store %arg13[%swap3A_1287, %swap3A_1288], %swap3A_1291 {strides = array<i32>} : memref<80x128xf32, #tpu.memory_space<vmem>>, vector<1x16xf32>,
          %get3A_1292 = arith.index_cast %add3A_1225 : i32 to index
          %get3A_1293 = arith.constant 96 : index
          %get3A_1294 = tpu.vector_load %arg13[%get3A_1292, %get3A_1293] {strides = array<i32>} : memref<80x128xf32, #tpu.memory_space<vmem>>, vector<1x16xf32>,
          %get3A_1295 = vector.shape_cast %get3A_1294 : vector<1x16xf32> to vector<16xf32>
          %mul3A_1296 = vector.broadcast %squeeze3A_1221 : f32 to vector<16xf32>
          %mul3A_1297 = arith.mulf %get3A_1295, %mul3A_1296 : vector<16xf32>
          %swap3A_1298 = arith.index_cast %add3A_1225 : i32 to index
          %swap3A_1299 = arith.constant 96 : index
          %swap3A_1300 = tpu.vector_load %arg13[%swap3A_1298, %swap3A_1299] {strides = array<i32>} : memref<80x128xf32, #tpu.memory_space<vmem>>, vector<1x16xf32>,
          %swap3A_1301 = vector.shape_cast %swap3A_1300 : vector<1x16xf32> to vector<16xf32>
          %swap3A_1302 = vector.shape_cast %mul3A_1297 : vector<16xf32> to vector<1x16xf32>
          tpu.vector_store %arg13[%swap3A_1298, %swap3A_1299], %swap3A_1302 {strides = array<i32>} : memref<80x128xf32, #tpu.memory_space<vmem>>, vector<1x16xf32>,
          %get3A_1303 = arith.index_cast %add3A_1225 : i32 to index
          %get3A_1304 = arith.constant 112 : index
          %get3A_1305 = tpu.vector_load %arg13[%get3A_1303, %get3A_1304] {strides = array<i32>} : memref<80x128xf32, #tpu.memory_space<vmem>>, vector<1x16xf32>,
          %get3A_1306 = vector.shape_cast %get3A_1305 : vector<1x16xf32> to vector<16xf32>
          %mul3A_1307 = vector.broadcast %squeeze3A_1221 : f32 to vector<16xf32>
          %mul3A_1308 = arith.mulf %get3A_1306, %mul3A_1307 : vector<16xf32>
          %swap3A_1309 = arith.index_cast %add3A_1225 : i32 to index
          %swap3A_1310 = arith.constant 112 : index
          %swap3A_1311 = tpu.vector_load %arg13[%swap3A_1309, %swap3A_1310] {strides = array<i32>} : memref<80x128xf32, #tpu.memory_space<vmem>>, vector<1x16xf32>,
          %swap3A_1312 = vector.shape_cast %swap3A_1311 : vector<1x16xf32> to vector<16xf32>
          %swap3A_1313 = vector.shape_cast %mul3A_1308 : vector<16xf32> to vector<1x16xf32>
          tpu.vector_store %arg13[%swap3A_1309, %swap3A_1310], %swap3A_1313 {strides = array<i32>} : memref<80x128xf32, #tpu.memory_space<vmem>>, vector<1x16xf32>,
          %slice3A_1314 = vector.extract_strided_slice %get3A_188 {offsets = [12], sizes = [1], strides = [1]} : vector<16xf32> to vector<1xf32>
          %squeeze3A_1315 = vector.extract %slice3A_1314[0] : f32 from vector<1xf32>
          %mul3A_1316 = arith.constant 16 : i32
          %mul3A_1317 = arith.muli %scan3A_180, %mul3A_1316 : i32
          %add3A_1318 = arith.constant 12 : i32
          %add3A_1319 = arith.addi %mul3A_1317, %add3A_1318 : i32
          %get3A_1320 = arith.index_cast %add3A_1319 : i32 to index
          %get3A_1321 = arith.constant 0 : index
          %get3A_1322 = tpu.vector_load %arg13[%get3A_1320, %get3A_1321] {strides = array<i32>} : memref<80x128xf32, #tpu.memory_space<vmem>>, vector<1x16xf32>,
          %get3A_1323 = vector.shape_cast %get3A_1322 : vector<1x16xf32> to vector<16xf32>
          %mul3A_1324 = vector.broadcast %squeeze3A_1315 : f32 to vector<16xf32>
          %mul3A_1325 = arith.mulf %get3A_1323, %mul3A_1324 : vector<16xf32>
          %swap3A_1326 = arith.index_cast %add3A_1319 : i32 to index
          %swap3A_1327 = arith.constant 0 : index
          %swap3A_1328 = tpu.vector_load %arg13[%swap3A_1326, %swap3A_1327] {strides = array<i32>} : memref<80x128xf32, #tpu.memory_space<vmem>>, vector<1x16xf32>,
          %swap3A_1329 = vector.shape_cast %swap3A_1328 : vector<1x16xf32> to vector<16xf32>
          %swap3A_1330 = vector.shape_cast %mul3A_1325 : vector<16xf32> to vector<1x16xf32>
          tpu.vector_store %arg13[%swap3A_1326, %swap3A_1327], %swap3A_1330 {strides = array<i32>} : memref<80x128xf32, #tpu.memory_space<vmem>>, vector<1x16xf32>,
          %get3A_1331 = arith.index_cast %add3A_1319 : i32 to index
          %get3A_1332 = arith.constant 16 : index
          %get3A_1333 = tpu.vector_load %arg13[%get3A_1331, %get3A_1332] {strides = array<i32>} : memref<80x128xf32, #tpu.memory_space<vmem>>, vector<1x16xf32>,
          %get3A_1334 = vector.shape_cast %get3A_1333 : vector<1x16xf32> to vector<16xf32>
          %mul3A_1335 = vector.broadcast %squeeze3A_1315 : f32 to vector<16xf32>
          %mul3A_1336 = arith.mulf %get3A_1334, %mul3A_1335 : vector<16xf32>
          %swap3A_1337 = arith.index_cast %add3A_1319 : i32 to index
          %swap3A_1338 = arith.constant 16 : index
          %swap3A_1339 = tpu.vector_load %arg13[%swap3A_1337, %swap3A_1338] {strides = array<i32>} : memref<80x128xf32, #tpu.memory_space<vmem>>, vector<1x16xf32>,
          %swap3A_1340 = vector.shape_cast %swap3A_1339 : vector<1x16xf32> to vector<16xf32>
          %swap3A_1341 = vector.shape_cast %mul3A_1336 : vector<16xf32> to vector<1x16xf32>
          tpu.vector_store %arg13[%swap3A_1337, %swap3A_1338], %swap3A_1341 {strides = array<i32>} : memref<80x128xf32, #tpu.memory_space<vmem>>, vector<1x16xf32>,
          %get3A_1342 = arith.index_cast %add3A_1319 : i32 to index
          %get3A_1343 = arith.constant 32 : index
          %get3A_1344 = tpu.vector_load %arg13[%get3A_1342, %get3A_1343] {strides = array<i32>} : memref<80x128xf32, #tpu.memory_space<vmem>>, vector<1x16xf32>,
          %get3A_1345 = vector.shape_cast %get3A_1344 : vector<1x16xf32> to vector<16xf32>
          %mul3A_1346 = vector.broadcast %squeeze3A_1315 : f32 to vector<16xf32>
          %mul3A_1347 = arith.mulf %get3A_1345, %mul3A_1346 : vector<16xf32>
          %swap3A_1348 = arith.index_cast %add3A_1319 : i32 to index
          %swap3A_1349 = arith.constant 32 : index
          %swap3A_1350 = tpu.vector_load %arg13[%swap3A_1348, %swap3A_1349] {strides = array<i32>} : memref<80x128xf32, #tpu.memory_space<vmem>>, vector<1x16xf32>,
          %swap3A_1351 = vector.shape_cast %swap3A_1350 : vector<1x16xf32> to vector<16xf32>
          %swap3A_1352 = vector.shape_cast %mul3A_1347 : vector<16xf32> to vector<1x16xf32>
          tpu.vector_store %arg13[%swap3A_1348, %swap3A_1349], %swap3A_1352 {strides = array<i32>} : memref<80x128xf32, #tpu.memory_space<vmem>>, vector<1x16xf32>,
          %get3A_1353 = arith.index_cast %add3A_1319 : i32 to index
          %get3A_1354 = arith.constant 48 : index
          %get3A_1355 = tpu.vector_load %arg13[%get3A_1353, %get3A_1354] {strides = array<i32>} : memref<80x128xf32, #tpu.memory_space<vmem>>, vector<1x16xf32>,
          %get3A_1356 = vector.shape_cast %get3A_1355 : vector<1x16xf32> to vector<16xf32>
          %mul3A_1357 = vector.broadcast %squeeze3A_1315 : f32 to vector<16xf32>
          %mul3A_1358 = arith.mulf %get3A_1356, %mul3A_1357 : vector<16xf32>
          %swap3A_1359 = arith.index_cast %add3A_1319 : i32 to index
          %swap3A_1360 = arith.constant 48 : index
          %swap3A_1361 = tpu.vector_load %arg13[%swap3A_1359, %swap3A_1360] {strides = array<i32>} : memref<80x128xf32, #tpu.memory_space<vmem>>, vector<1x16xf32>,
          %swap3A_1362 = vector.shape_cast %swap3A_1361 : vector<1x16xf32> to vector<16xf32>
          %swap3A_1363 = vector.shape_cast %mul3A_1358 : vector<16xf32> to vector<1x16xf32>
          tpu.vector_store %arg13[%swap3A_1359, %swap3A_1360], %swap3A_1363 {strides = array<i32>} : memref<80x128xf32, #tpu.memory_space<vmem>>, vector<1x16xf32>,
          %get3A_1364 = arith.index_cast %add3A_1319 : i32 to index
          %get3A_1365 = arith.constant 64 : index
          %get3A_1366 = tpu.vector_load %arg13[%get3A_1364, %get3A_1365] {strides = array<i32>} : memref<80x128xf32, #tpu.memory_space<vmem>>, vector<1x16xf32>,
          %get3A_1367 = vector.shape_cast %get3A_1366 : vector<1x16xf32> to vector<16xf32>
          %mul3A_1368 = vector.broadcast %squeeze3A_1315 : f32 to vector<16xf32>
          %mul3A_1369 = arith.mulf %get3A_1367, %mul3A_1368 : vector<16xf32>
          %swap3A_1370 = arith.index_cast %add3A_1319 : i32 to index
          %swap3A_1371 = arith.constant 64 : index
          %swap3A_1372 = tpu.vector_load %arg13[%swap3A_1370, %swap3A_1371] {strides = array<i32>} : memref<80x128xf32, #tpu.memory_space<vmem>>, vector<1x16xf32>,
          %swap3A_1373 = vector.shape_cast %swap3A_1372 : vector<1x16xf32> to vector<16xf32>
          %swap3A_1374 = vector.shape_cast %mul3A_1369 : vector<16xf32> to vector<1x16xf32>
          tpu.vector_store %arg13[%swap3A_1370, %swap3A_1371], %swap3A_1374 {strides = array<i32>} : memref<80x128xf32, #tpu.memory_space<vmem>>, vector<1x16xf32>,
          %get3A_1375 = arith.index_cast %add3A_1319 : i32 to index
          %get3A_1376 = arith.constant 80 : index
          %get3A_1377 = tpu.vector_load %arg13[%get3A_1375, %get3A_1376] {strides = array<i32>} : memref<80x128xf32, #tpu.memory_space<vmem>>, vector<1x16xf32>,
          %get3A_1378 = vector.shape_cast %get3A_1377 : vector<1x16xf32> to vector<16xf32>
          %mul3A_1379 = vector.broadcast %squeeze3A_1315 : f32 to vector<16xf32>
          %mul3A_1380 = arith.mulf %get3A_1378, %mul3A_1379 : vector<16xf32>
          %swap3A_1381 = arith.index_cast %add3A_1319 : i32 to index
          %swap3A_1382 = arith.constant 80 : index
          %swap3A_1383 = tpu.vector_load %arg13[%swap3A_1381, %swap3A_1382] {strides = array<i32>} : memref<80x128xf32, #tpu.memory_space<vmem>>, vector<1x16xf32>,
          %swap3A_1384 = vector.shape_cast %swap3A_1383 : vector<1x16xf32> to vector<16xf32>
          %swap3A_1385 = vector.shape_cast %mul3A_1380 : vector<16xf32> to vector<1x16xf32>
          tpu.vector_store %arg13[%swap3A_1381, %swap3A_1382], %swap3A_1385 {strides = array<i32>} : memref<80x128xf32, #tpu.memory_space<vmem>>, vector<1x16xf32>,
          %get3A_1386 = arith.index_cast %add3A_1319 : i32 to index
          %get3A_1387 = arith.constant 96 : index
          %get3A_1388 = tpu.vector_load %arg13[%get3A_1386, %get3A_1387] {strides = array<i32>} : memref<80x128xf32, #tpu.memory_space<vmem>>, vector<1x16xf32>,
          %get3A_1389 = vector.shape_cast %get3A_1388 : vector<1x16xf32> to vector<16xf32>
          %mul3A_1390 = vector.broadcast %squeeze3A_1315 : f32 to vector<16xf32>
          %mul3A_1391 = arith.mulf %get3A_1389, %mul3A_1390 : vector<16xf32>
          %swap3A_1392 = arith.index_cast %add3A_1319 : i32 to index
          %swap3A_1393 = arith.constant 96 : index
          %swap3A_1394 = tpu.vector_load %arg13[%swap3A_1392, %swap3A_1393] {strides = array<i32>} : memref<80x128xf32, #tpu.memory_space<vmem>>, vector<1x16xf32>,
          %swap3A_1395 = vector.shape_cast %swap3A_1394 : vector<1x16xf32> to vector<16xf32>
          %swap3A_1396 = vector.shape_cast %mul3A_1391 : vector<16xf32> to vector<1x16xf32>
          tpu.vector_store %arg13[%swap3A_1392, %swap3A_1393], %swap3A_1396 {strides = array<i32>} : memref<80x128xf32, #tpu.memory_space<vmem>>, vector<1x16xf32>,
          %get3A_1397 = arith.index_cast %add3A_1319 : i32 to index
          %get3A_1398 = arith.constant 112 : index
          %get3A_1399 = tpu.vector_load %arg13[%get3A_1397, %get3A_1398] {strides = array<i32>} : memref<80x128xf32, #tpu.memory_space<vmem>>, vector<1x16xf32>,
          %get3A_1400 = vector.shape_cast %get3A_1399 : vector<1x16xf32> to vector<16xf32>
          %mul3A_1401 = vector.broadcast %squeeze3A_1315 : f32 to vector<16xf32>
          %mul3A_1402 = arith.mulf %get3A_1400, %mul3A_1401 : vector<16xf32>
          %swap3A_1403 = arith.index_cast %add3A_1319 : i32 to index
          %swap3A_1404 = arith.constant 112 : index
          %swap3A_1405 = tpu.vector_load %arg13[%swap3A_1403, %swap3A_1404] {strides = array<i32>} : memref<80x128xf32, #tpu.memory_space<vmem>>, vector<1x16xf32>,
          %swap3A_1406 = vector.shape_cast %swap3A_1405 : vector<1x16xf32> to vector<16xf32>
          %swap3A_1407 = vector.shape_cast %mul3A_1402 : vector<16xf32> to vector<1x16xf32>
          tpu.vector_store %arg13[%swap3A_1403, %swap3A_1404], %swap3A_1407 {strides = array<i32>} : memref<80x128xf32, #tpu.memory_space<vmem>>, vector<1x16xf32>,
          %slice3A_1408 = vector.extract_strided_slice %get3A_188 {offsets = [13], sizes = [1], strides = [1]} : vector<16xf32> to vector<1xf32>
          %squeeze3A_1409 = vector.extract %slice3A_1408[0] : f32 from vector<1xf32>
          %mul3A_1410 = arith.constant 16 : i32
          %mul3A_1411 = arith.muli %scan3A_180, %mul3A_1410 : i32
          %add3A_1412 = arith.constant 13 : i32
          %add3A_1413 = arith.addi %mul3A_1411, %add3A_1412 : i32
          %get3A_1414 = arith.index_cast %add3A_1413 : i32 to index
          %get3A_1415 = arith.constant 0 : index
          %get3A_1416 = tpu.vector_load %arg13[%get3A_1414, %get3A_1415] {strides = array<i32>} : memref<80x128xf32, #tpu.memory_space<vmem>>, vector<1x16xf32>,
          %get3A_1417 = vector.shape_cast %get3A_1416 : vector<1x16xf32> to vector<16xf32>
          %mul3A_1418 = vector.broadcast %squeeze3A_1409 : f32 to vector<16xf32>
          %mul3A_1419 = arith.mulf %get3A_1417, %mul3A_1418 : vector<16xf32>
          %swap3A_1420 = arith.index_cast %add3A_1413 : i32 to index
          %swap3A_1421 = arith.constant 0 : index
          %swap3A_1422 = tpu.vector_load %arg13[%swap3A_1420, %swap3A_1421] {strides = array<i32>} : memref<80x128xf32, #tpu.memory_space<vmem>>, vector<1x16xf32>,
          %swap3A_1423 = vector.shape_cast %swap3A_1422 : vector<1x16xf32> to vector<16xf32>
          %swap3A_1424 = vector.shape_cast %mul3A_1419 : vector<16xf32> to vector<1x16xf32>
          tpu.vector_store %arg13[%swap3A_1420, %swap3A_1421], %swap3A_1424 {strides = array<i32>} : memref<80x128xf32, #tpu.memory_space<vmem>>, vector<1x16xf32>,
          %get3A_1425 = arith.index_cast %add3A_1413 : i32 to index
          %get3A_1426 = arith.constant 16 : index
          %get3A_1427 = tpu.vector_load %arg13[%get3A_1425, %get3A_1426] {strides = array<i32>} : memref<80x128xf32, #tpu.memory_space<vmem>>, vector<1x16xf32>,
          %get3A_1428 = vector.shape_cast %get3A_1427 : vector<1x16xf32> to vector<16xf32>
          %mul3A_1429 = vector.broadcast %squeeze3A_1409 : f32 to vector<16xf32>
          %mul3A_1430 = arith.mulf %get3A_1428, %mul3A_1429 : vector<16xf32>
          %swap3A_1431 = arith.index_cast %add3A_1413 : i32 to index
          %swap3A_1432 = arith.constant 16 : index
          %swap3A_1433 = tpu.vector_load %arg13[%swap3A_1431, %swap3A_1432] {strides = array<i32>} : memref<80x128xf32, #tpu.memory_space<vmem>>, vector<1x16xf32>,
          %swap3A_1434 = vector.shape_cast %swap3A_1433 : vector<1x16xf32> to vector<16xf32>
          %swap3A_1435 = vector.shape_cast %mul3A_1430 : vector<16xf32> to vector<1x16xf32>
          tpu.vector_store %arg13[%swap3A_1431, %swap3A_1432], %swap3A_1435 {strides = array<i32>} : memref<80x128xf32, #tpu.memory_space<vmem>>, vector<1x16xf32>,
          %get3A_1436 = arith.index_cast %add3A_1413 : i32 to index
          %get3A_1437 = arith.constant 32 : index
          %get3A_1438 = tpu.vector_load %arg13[%get3A_1436, %get3A_1437] {strides = array<i32>} : memref<80x128xf32, #tpu.memory_space<vmem>>, vector<1x16xf32>,
          %get3A_1439 = vector.shape_cast %get3A_1438 : vector<1x16xf32> to vector<16xf32>
          %mul3A_1440 = vector.broadcast %squeeze3A_1409 : f32 to vector<16xf32>
          %mul3A_1441 = arith.mulf %get3A_1439, %mul3A_1440 : vector<16xf32>
          %swap3A_1442 = arith.index_cast %add3A_1413 : i32 to index
          %swap3A_1443 = arith.constant 32 : index
          %swap3A_1444 = tpu.vector_load %arg13[%swap3A_1442, %swap3A_1443] {strides = array<i32>} : memref<80x128xf32, #tpu.memory_space<vmem>>, vector<1x16xf32>,
          %swap3A_1445 = vector.shape_cast %swap3A_1444 : vector<1x16xf32> to vector<16xf32>
          %swap3A_1446 = vector.shape_cast %mul3A_1441 : vector<16xf32> to vector<1x16xf32>
          tpu.vector_store %arg13[%swap3A_1442, %swap3A_1443], %swap3A_1446 {strides = array<i32>} : memref<80x128xf32, #tpu.memory_space<vmem>>, vector<1x16xf32>,
          %get3A_1447 = arith.index_cast %add3A_1413 : i32 to index
          %get3A_1448 = arith.constant 48 : index
          %get3A_1449 = tpu.vector_load %arg13[%get3A_1447, %get3A_1448] {strides = array<i32>} : memref<80x128xf32, #tpu.memory_space<vmem>>, vector<1x16xf32>,
          %get3A_1450 = vector.shape_cast %get3A_1449 : vector<1x16xf32> to vector<16xf32>
          %mul3A_1451 = vector.broadcast %squeeze3A_1409 : f32 to vector<16xf32>
          %mul3A_1452 = arith.mulf %get3A_1450, %mul3A_1451 : vector<16xf32>
          %swap3A_1453 = arith.index_cast %add3A_1413 : i32 to index
          %swap3A_1454 = arith.constant 48 : index
          %swap3A_1455 = tpu.vector_load %arg13[%swap3A_1453, %swap3A_1454] {strides = array<i32>} : memref<80x128xf32, #tpu.memory_space<vmem>>, vector<1x16xf32>,
          %swap3A_1456 = vector.shape_cast %swap3A_1455 : vector<1x16xf32> to vector<16xf32>
          %swap3A_1457 = vector.shape_cast %mul3A_1452 : vector<16xf32> to vector<1x16xf32>
          tpu.vector_store %arg13[%swap3A_1453, %swap3A_1454], %swap3A_1457 {strides = array<i32>} : memref<80x128xf32, #tpu.memory_space<vmem>>, vector<1x16xf32>,
          %get3A_1458 = arith.index_cast %add3A_1413 : i32 to index
          %get3A_1459 = arith.constant 64 : index
          %get3A_1460 = tpu.vector_load %arg13[%get3A_1458, %get3A_1459] {strides = array<i32>} : memref<80x128xf32, #tpu.memory_space<vmem>>, vector<1x16xf32>,
          %get3A_1461 = vector.shape_cast %get3A_1460 : vector<1x16xf32> to vector<16xf32>
          %mul3A_1462 = vector.broadcast %squeeze3A_1409 : f32 to vector<16xf32>
          %mul3A_1463 = arith.mulf %get3A_1461, %mul3A_1462 : vector<16xf32>
          %swap3A_1464 = arith.index_cast %add3A_1413 : i32 to index
          %swap3A_1465 = arith.constant 64 : index
          %swap3A_1466 = tpu.vector_load %arg13[%swap3A_1464, %swap3A_1465] {strides = array<i32>} : memref<80x128xf32, #tpu.memory_space<vmem>>, vector<1x16xf32>,
          %swap3A_1467 = vector.shape_cast %swap3A_1466 : vector<1x16xf32> to vector<16xf32>
          %swap3A_1468 = vector.shape_cast %mul3A_1463 : vector<16xf32> to vector<1x16xf32>
          tpu.vector_store %arg13[%swap3A_1464, %swap3A_1465], %swap3A_1468 {strides = array<i32>} : memref<80x128xf32, #tpu.memory_space<vmem>>, vector<1x16xf32>,
          %get3A_1469 = arith.index_cast %add3A_1413 : i32 to index
          %get3A_1470 = arith.constant 80 : index
          %get3A_1471 = tpu.vector_load %arg13[%get3A_1469, %get3A_1470] {strides = array<i32>} : memref<80x128xf32, #tpu.memory_space<vmem>>, vector<1x16xf32>,
          %get3A_1472 = vector.shape_cast %get3A_1471 : vector<1x16xf32> to vector<16xf32>
          %mul3A_1473 = vector.broadcast %squeeze3A_1409 : f32 to vector<16xf32>
          %mul3A_1474 = arith.mulf %get3A_1472, %mul3A_1473 : vector<16xf32>
          %swap3A_1475 = arith.index_cast %add3A_1413 : i32 to index
          %swap3A_1476 = arith.constant 80 : index
          %swap3A_1477 = tpu.vector_load %arg13[%swap3A_1475, %swap3A_1476] {strides = array<i32>} : memref<80x128xf32, #tpu.memory_space<vmem>>, vector<1x16xf32>,
          %swap3A_1478 = vector.shape_cast %swap3A_1477 : vector<1x16xf32> to vector<16xf32>
          %swap3A_1479 = vector.shape_cast %mul3A_1474 : vector<16xf32> to vector<1x16xf32>
          tpu.vector_store %arg13[%swap3A_1475, %swap3A_1476], %swap3A_1479 {strides = array<i32>} : memref<80x128xf32, #tpu.memory_space<vmem>>, vector<1x16xf32>,
          %get3A_1480 = arith.index_cast %add3A_1413 : i32 to index
          %get3A_1481 = arith.constant 96 : index
          %get3A_1482 = tpu.vector_load %arg13[%get3A_1480, %get3A_1481] {strides = array<i32>} : memref<80x128xf32, #tpu.memory_space<vmem>>, vector<1x16xf32>,
          %get3A_1483 = vector.shape_cast %get3A_1482 : vector<1x16xf32> to vector<16xf32>
          %mul3A_1484 = vector.broadcast %squeeze3A_1409 : f32 to vector<16xf32>
          %mul3A_1485 = arith.mulf %get3A_1483, %mul3A_1484 : vector<16xf32>
          %swap3A_1486 = arith.index_cast %add3A_1413 : i32 to index
          %swap3A_1487 = arith.constant 96 : index
          %swap3A_1488 = tpu.vector_load %arg13[%swap3A_1486, %swap3A_1487] {strides = array<i32>} : memref<80x128xf32, #tpu.memory_space<vmem>>, vector<1x16xf32>,
          %swap3A_1489 = vector.shape_cast %swap3A_1488 : vector<1x16xf32> to vector<16xf32>
          %swap3A_1490 = vector.shape_cast %mul3A_1485 : vector<16xf32> to vector<1x16xf32>
          tpu.vector_store %arg13[%swap3A_1486, %swap3A_1487], %swap3A_1490 {strides = array<i32>} : memref<80x128xf32, #tpu.memory_space<vmem>>, vector<1x16xf32>,
          %get3A_1491 = arith.index_cast %add3A_1413 : i32 to index
          %get3A_1492 = arith.constant 112 : index
          %get3A_1493 = tpu.vector_load %arg13[%get3A_1491, %get3A_1492] {strides = array<i32>} : memref<80x128xf32, #tpu.memory_space<vmem>>, vector<1x16xf32>,
          %get3A_1494 = vector.shape_cast %get3A_1493 : vector<1x16xf32> to vector<16xf32>
          %mul3A_1495 = vector.broadcast %squeeze3A_1409 : f32 to vector<16xf32>
          %mul3A_1496 = arith.mulf %get3A_1494, %mul3A_1495 : vector<16xf32>
          %swap3A_1497 = arith.index_cast %add3A_1413 : i32 to index
          %swap3A_1498 = arith.constant 112 : index
          %swap3A_1499 = tpu.vector_load %arg13[%swap3A_1497, %swap3A_1498] {strides = array<i32>} : memref<80x128xf32, #tpu.memory_space<vmem>>, vector<1x16xf32>,
          %swap3A_1500 = vector.shape_cast %swap3A_1499 : vector<1x16xf32> to vector<16xf32>
          %swap3A_1501 = vector.shape_cast %mul3A_1496 : vector<16xf32> to vector<1x16xf32>
          tpu.vector_store %arg13[%swap3A_1497, %swap3A_1498], %swap3A_1501 {strides = array<i32>} : memref<80x128xf32, #tpu.memory_space<vmem>>, vector<1x16xf32>,
          %slice3A_1502 = vector.extract_strided_slice %get3A_188 {offsets = [14], sizes = [1], strides = [1]} : vector<16xf32> to vector<1xf32>
          %squeeze3A_1503 = vector.extract %slice3A_1502[0] : f32 from vector<1xf32>
          %mul3A_1504 = arith.constant 16 : i32
          %mul3A_1505 = arith.muli %scan3A_180, %mul3A_1504 : i32
          %add3A_1506 = arith.constant 14 : i32
          %add3A_1507 = arith.addi %mul3A_1505, %add3A_1506 : i32
          %get3A_1508 = arith.index_cast %add3A_1507 : i32 to index
          %get3A_1509 = arith.constant 0 : index
          %get3A_1510 = tpu.vector_load %arg13[%get3A_1508, %get3A_1509] {strides = array<i32>} : memref<80x128xf32, #tpu.memory_space<vmem>>, vector<1x16xf32>,
          %get3A_1511 = vector.shape_cast %get3A_1510 : vector<1x16xf32> to vector<16xf32>
          %mul3A_1512 = vector.broadcast %squeeze3A_1503 : f32 to vector<16xf32>
          %mul3A_1513 = arith.mulf %get3A_1511, %mul3A_1512 : vector<16xf32>
          %swap3A_1514 = arith.index_cast %add3A_1507 : i32 to index
          %swap3A_1515 = arith.constant 0 : index
          %swap3A_1516 = tpu.vector_load %arg13[%swap3A_1514, %swap3A_1515] {strides = array<i32>} : memref<80x128xf32, #tpu.memory_space<vmem>>, vector<1x16xf32>,
          %swap3A_1517 = vector.shape_cast %swap3A_1516 : vector<1x16xf32> to vector<16xf32>
          %swap3A_1518 = vector.shape_cast %mul3A_1513 : vector<16xf32> to vector<1x16xf32>
          tpu.vector_store %arg13[%swap3A_1514, %swap3A_1515], %swap3A_1518 {strides = array<i32>} : memref<80x128xf32, #tpu.memory_space<vmem>>, vector<1x16xf32>,
          %get3A_1519 = arith.index_cast %add3A_1507 : i32 to index
          %get3A_1520 = arith.constant 16 : index
          %get3A_1521 = tpu.vector_load %arg13[%get3A_1519, %get3A_1520] {strides = array<i32>} : memref<80x128xf32, #tpu.memory_space<vmem>>, vector<1x16xf32>,
          %get3A_1522 = vector.shape_cast %get3A_1521 : vector<1x16xf32> to vector<16xf32>
          %mul3A_1523 = vector.broadcast %squeeze3A_1503 : f32 to vector<16xf32>
          %mul3A_1524 = arith.mulf %get3A_1522, %mul3A_1523 : vector<16xf32>
          %swap3A_1525 = arith.index_cast %add3A_1507 : i32 to index
          %swap3A_1526 = arith.constant 16 : index
          %swap3A_1527 = tpu.vector_load %arg13[%swap3A_1525, %swap3A_1526] {strides = array<i32>} : memref<80x128xf32, #tpu.memory_space<vmem>>, vector<1x16xf32>,
          %swap3A_1528 = vector.shape_cast %swap3A_1527 : vector<1x16xf32> to vector<16xf32>
          %swap3A_1529 = vector.shape_cast %mul3A_1524 : vector<16xf32> to vector<1x16xf32>
          tpu.vector_store %arg13[%swap3A_1525, %swap3A_1526], %swap3A_1529 {strides = array<i32>} : memref<80x128xf32, #tpu.memory_space<vmem>>, vector<1x16xf32>,
          %get3A_1530 = arith.index_cast %add3A_1507 : i32 to index
          %get3A_1531 = arith.constant 32 : index
          %get3A_1532 = tpu.vector_load %arg13[%get3A_1530, %get3A_1531] {strides = array<i32>} : memref<80x128xf32, #tpu.memory_space<vmem>>, vector<1x16xf32>,
          %get3A_1533 = vector.shape_cast %get3A_1532 : vector<1x16xf32> to vector<16xf32>
          %mul3A_1534 = vector.broadcast %squeeze3A_1503 : f32 to vector<16xf32>
          %mul3A_1535 = arith.mulf %get3A_1533, %mul3A_1534 : vector<16xf32>
          %swap3A_1536 = arith.index_cast %add3A_1507 : i32 to index
          %swap3A_1537 = arith.constant 32 : index
          %swap3A_1538 = tpu.vector_load %arg13[%swap3A_1536, %swap3A_1537] {strides = array<i32>} : memref<80x128xf32, #tpu.memory_space<vmem>>, vector<1x16xf32>,
          %swap3A_1539 = vector.shape_cast %swap3A_1538 : vector<1x16xf32> to vector<16xf32>
          %swap3A_1540 = vector.shape_cast %mul3A_1535 : vector<16xf32> to vector<1x16xf32>
          tpu.vector_store %arg13[%swap3A_1536, %swap3A_1537], %swap3A_1540 {strides = array<i32>} : memref<80x128xf32, #tpu.memory_space<vmem>>, vector<1x16xf32>,
          %get3A_1541 = arith.index_cast %add3A_1507 : i32 to index
          %get3A_1542 = arith.constant 48 : index
          %get3A_1543 = tpu.vector_load %arg13[%get3A_1541, %get3A_1542] {strides = array<i32>} : memref<80x128xf32, #tpu.memory_space<vmem>>, vector<1x16xf32>,
          %get3A_1544 = vector.shape_cast %get3A_1543 : vector<1x16xf32> to vector<16xf32>
          %mul3A_1545 = vector.broadcast %squeeze3A_1503 : f32 to vector<16xf32>
          %mul3A_1546 = arith.mulf %get3A_1544, %mul3A_1545 : vector<16xf32>
          %swap3A_1547 = arith.index_cast %add3A_1507 : i32 to index
          %swap3A_1548 = arith.constant 48 : index
          %swap3A_1549 = tpu.vector_load %arg13[%swap3A_1547, %swap3A_1548] {strides = array<i32>} : memref<80x128xf32, #tpu.memory_space<vmem>>, vector<1x16xf32>,
          %swap3A_1550 = vector.shape_cast %swap3A_1549 : vector<1x16xf32> to vector<16xf32>
          %swap3A_1551 = vector.shape_cast %mul3A_1546 : vector<16xf32> to vector<1x16xf32>
          tpu.vector_store %arg13[%swap3A_1547, %swap3A_1548], %swap3A_1551 {strides = array<i32>} : memref<80x128xf32, #tpu.memory_space<vmem>>, vector<1x16xf32>,
          %get3A_1552 = arith.index_cast %add3A_1507 : i32 to index
          %get3A_1553 = arith.constant 64 : index
          %get3A_1554 = tpu.vector_load %arg13[%get3A_1552, %get3A_1553] {strides = array<i32>} : memref<80x128xf32, #tpu.memory_space<vmem>>, vector<1x16xf32>,
          %get3A_1555 = vector.shape_cast %get3A_1554 : vector<1x16xf32> to vector<16xf32>
          %mul3A_1556 = vector.broadcast %squeeze3A_1503 : f32 to vector<16xf32>
          %mul3A_1557 = arith.mulf %get3A_1555, %mul3A_1556 : vector<16xf32>
          %swap3A_1558 = arith.index_cast %add3A_1507 : i32 to index
          %swap3A_1559 = arith.constant 64 : index
          %swap3A_1560 = tpu.vector_load %arg13[%swap3A_1558, %swap3A_1559] {strides = array<i32>} : memref<80x128xf32, #tpu.memory_space<vmem>>, vector<1x16xf32>,
          %swap3A_1561 = vector.shape_cast %swap3A_1560 : vector<1x16xf32> to vector<16xf32>
          %swap3A_1562 = vector.shape_cast %mul3A_1557 : vector<16xf32> to vector<1x16xf32>
          tpu.vector_store %arg13[%swap3A_1558, %swap3A_1559], %swap3A_1562 {strides = array<i32>} : memref<80x128xf32, #tpu.memory_space<vmem>>, vector<1x16xf32>,
          %get3A_1563 = arith.index_cast %add3A_1507 : i32 to index
          %get3A_1564 = arith.constant 80 : index
          %get3A_1565 = tpu.vector_load %arg13[%get3A_1563, %get3A_1564] {strides = array<i32>} : memref<80x128xf32, #tpu.memory_space<vmem>>, vector<1x16xf32>,
          %get3A_1566 = vector.shape_cast %get3A_1565 : vector<1x16xf32> to vector<16xf32>
          %mul3A_1567 = vector.broadcast %squeeze3A_1503 : f32 to vector<16xf32>
          %mul3A_1568 = arith.mulf %get3A_1566, %mul3A_1567 : vector<16xf32>
          %swap3A_1569 = arith.index_cast %add3A_1507 : i32 to index
          %swap3A_1570 = arith.constant 80 : index
          %swap3A_1571 = tpu.vector_load %arg13[%swap3A_1569, %swap3A_1570] {strides = array<i32>} : memref<80x128xf32, #tpu.memory_space<vmem>>, vector<1x16xf32>,
          %swap3A_1572 = vector.shape_cast %swap3A_1571 : vector<1x16xf32> to vector<16xf32>
          %swap3A_1573 = vector.shape_cast %mul3A_1568 : vector<16xf32> to vector<1x16xf32>
          tpu.vector_store %arg13[%swap3A_1569, %swap3A_1570], %swap3A_1573 {strides = array<i32>} : memref<80x128xf32, #tpu.memory_space<vmem>>, vector<1x16xf32>,
          %get3A_1574 = arith.index_cast %add3A_1507 : i32 to index
          %get3A_1575 = arith.constant 96 : index
          %get3A_1576 = tpu.vector_load %arg13[%get3A_1574, %get3A_1575] {strides = array<i32>} : memref<80x128xf32, #tpu.memory_space<vmem>>, vector<1x16xf32>,
          %get3A_1577 = vector.shape_cast %get3A_1576 : vector<1x16xf32> to vector<16xf32>
          %mul3A_1578 = vector.broadcast %squeeze3A_1503 : f32 to vector<16xf32>
          %mul3A_1579 = arith.mulf %get3A_1577, %mul3A_1578 : vector<16xf32>
          %swap3A_1580 = arith.index_cast %add3A_1507 : i32 to index
          %swap3A_1581 = arith.constant 96 : index
          %swap3A_1582 = tpu.vector_load %arg13[%swap3A_1580, %swap3A_1581] {strides = array<i32>} : memref<80x128xf32, #tpu.memory_space<vmem>>, vector<1x16xf32>,
          %swap3A_1583 = vector.shape_cast %swap3A_1582 : vector<1x16xf32> to vector<16xf32>
          %swap3A_1584 = vector.shape_cast %mul3A_1579 : vector<16xf32> to vector<1x16xf32>
          tpu.vector_store %arg13[%swap3A_1580, %swap3A_1581], %swap3A_1584 {strides = array<i32>} : memref<80x128xf32, #tpu.memory_space<vmem>>, vector<1x16xf32>,
          %get3A_1585 = arith.index_cast %add3A_1507 : i32 to index
          %get3A_1586 = arith.constant 112 : index
          %get3A_1587 = tpu.vector_load %arg13[%get3A_1585, %get3A_1586] {strides = array<i32>} : memref<80x128xf32, #tpu.memory_space<vmem>>, vector<1x16xf32>,
          %get3A_1588 = vector.shape_cast %get3A_1587 : vector<1x16xf32> to vector<16xf32>
          %mul3A_1589 = vector.broadcast %squeeze3A_1503 : f32 to vector<16xf32>
          %mul3A_1590 = arith.mulf %get3A_1588, %mul3A_1589 : vector<16xf32>
          %swap3A_1591 = arith.index_cast %add3A_1507 : i32 to index
          %swap3A_1592 = arith.constant 112 : index
          %swap3A_1593 = tpu.vector_load %arg13[%swap3A_1591, %swap3A_1592] {strides = array<i32>} : memref<80x128xf32, #tpu.memory_space<vmem>>, vector<1x16xf32>,
          %swap3A_1594 = vector.shape_cast %swap3A_1593 : vector<1x16xf32> to vector<16xf32>
          %swap3A_1595 = vector.shape_cast %mul3A_1590 : vector<16xf32> to vector<1x16xf32>
          tpu.vector_store %arg13[%swap3A_1591, %swap3A_1592], %swap3A_1595 {strides = array<i32>} : memref<80x128xf32, #tpu.memory_space<vmem>>, vector<1x16xf32>,
          %slice3A_1596 = vector.extract_strided_slice %get3A_188 {offsets = [15], sizes = [1], strides = [1]} : vector<16xf32> to vector<1xf32>
          %squeeze3A_1597 = vector.extract %slice3A_1596[0] : f32 from vector<1xf32>
          %mul3A_1598 = arith.constant 16 : i32
          %mul3A_1599 = arith.muli %scan3A_180, %mul3A_1598 : i32
          %add3A_1600 = arith.constant 15 : i32
          %add3A_1601 = arith.addi %mul3A_1599, %add3A_1600 : i32
          %get3A_1602 = arith.index_cast %add3A_1601 : i32 to index
          %get3A_1603 = arith.constant 0 : index
          %get3A_1604 = tpu.vector_load %arg13[%get3A_1602, %get3A_1603] {strides = array<i32>} : memref<80x128xf32, #tpu.memory_space<vmem>>, vector<1x16xf32>,
          %get3A_1605 = vector.shape_cast %get3A_1604 : vector<1x16xf32> to vector<16xf32>
          %mul3A_1606 = vector.broadcast %squeeze3A_1597 : f32 to vector<16xf32>
          %mul3A_1607 = arith.mulf %get3A_1605, %mul3A_1606 : vector<16xf32>
          %swap3A_1608 = arith.index_cast %add3A_1601 : i32 to index
          %swap3A_1609 = arith.constant 0 : index
          %swap3A_1610 = tpu.vector_load %arg13[%swap3A_1608, %swap3A_1609] {strides = array<i32>} : memref<80x128xf32, #tpu.memory_space<vmem>>, vector<1x16xf32>,
          %swap3A_1611 = vector.shape_cast %swap3A_1610 : vector<1x16xf32> to vector<16xf32>
          %swap3A_1612 = vector.shape_cast %mul3A_1607 : vector<16xf32> to vector<1x16xf32>
          tpu.vector_store %arg13[%swap3A_1608, %swap3A_1609], %swap3A_1612 {strides = array<i32>} : memref<80x128xf32, #tpu.memory_space<vmem>>, vector<1x16xf32>,
          %get3A_1613 = arith.index_cast %add3A_1601 : i32 to index
          %get3A_1614 = arith.constant 16 : index
          %get3A_1615 = tpu.vector_load %arg13[%get3A_1613, %get3A_1614] {strides = array<i32>} : memref<80x128xf32, #tpu.memory_space<vmem>>, vector<1x16xf32>,
          %get3A_1616 = vector.shape_cast %get3A_1615 : vector<1x16xf32> to vector<16xf32>
          %mul3A_1617 = vector.broadcast %squeeze3A_1597 : f32 to vector<16xf32>
          %mul3A_1618 = arith.mulf %get3A_1616, %mul3A_1617 : vector<16xf32>
          %swap3A_1619 = arith.index_cast %add3A_1601 : i32 to index
          %swap3A_1620 = arith.constant 16 : index
          %swap3A_1621 = tpu.vector_load %arg13[%swap3A_1619, %swap3A_1620] {strides = array<i32>} : memref<80x128xf32, #tpu.memory_space<vmem>>, vector<1x16xf32>,
          %swap3A_1622 = vector.shape_cast %swap3A_1621 : vector<1x16xf32> to vector<16xf32>
          %swap3A_1623 = vector.shape_cast %mul3A_1618 : vector<16xf32> to vector<1x16xf32>
          tpu.vector_store %arg13[%swap3A_1619, %swap3A_1620], %swap3A_1623 {strides = array<i32>} : memref<80x128xf32, #tpu.memory_space<vmem>>, vector<1x16xf32>,
          %get3A_1624 = arith.index_cast %add3A_1601 : i32 to index
          %get3A_1625 = arith.constant 32 : index
          %get3A_1626 = tpu.vector_load %arg13[%get3A_1624, %get3A_1625] {strides = array<i32>} : memref<80x128xf32, #tpu.memory_space<vmem>>, vector<1x16xf32>,
          %get3A_1627 = vector.shape_cast %get3A_1626 : vector<1x16xf32> to vector<16xf32>
          %mul3A_1628 = vector.broadcast %squeeze3A_1597 : f32 to vector<16xf32>
          %mul3A_1629 = arith.mulf %get3A_1627, %mul3A_1628 : vector<16xf32>
          %swap3A_1630 = arith.index_cast %add3A_1601 : i32 to index
          %swap3A_1631 = arith.constant 32 : index
          %swap3A_1632 = tpu.vector_load %arg13[%swap3A_1630, %swap3A_1631] {strides = array<i32>} : memref<80x128xf32, #tpu.memory_space<vmem>>, vector<1x16xf32>,
          %swap3A_1633 = vector.shape_cast %swap3A_1632 : vector<1x16xf32> to vector<16xf32>
          %swap3A_1634 = vector.shape_cast %mul3A_1629 : vector<16xf32> to vector<1x16xf32>
          tpu.vector_store %arg13[%swap3A_1630, %swap3A_1631], %swap3A_1634 {strides = array<i32>} : memref<80x128xf32, #tpu.memory_space<vmem>>, vector<1x16xf32>,
          %get3A_1635 = arith.index_cast %add3A_1601 : i32 to index
          %get3A_1636 = arith.constant 48 : index
          %get3A_1637 = tpu.vector_load %arg13[%get3A_1635, %get3A_1636] {strides = array<i32>} : memref<80x128xf32, #tpu.memory_space<vmem>>, vector<1x16xf32>,
          %get3A_1638 = vector.shape_cast %get3A_1637 : vector<1x16xf32> to vector<16xf32>
          %mul3A_1639 = vector.broadcast %squeeze3A_1597 : f32 to vector<16xf32>
          %mul3A_1640 = arith.mulf %get3A_1638, %mul3A_1639 : vector<16xf32>
          %swap3A_1641 = arith.index_cast %add3A_1601 : i32 to index
          %swap3A_1642 = arith.constant 48 : index
          %swap3A_1643 = tpu.vector_load %arg13[%swap3A_1641, %swap3A_1642] {strides = array<i32>} : memref<80x128xf32, #tpu.memory_space<vmem>>, vector<1x16xf32>,
          %swap3A_1644 = vector.shape_cast %swap3A_1643 : vector<1x16xf32> to vector<16xf32>
          %swap3A_1645 = vector.shape_cast %mul3A_1640 : vector<16xf32> to vector<1x16xf32>
          tpu.vector_store %arg13[%swap3A_1641, %swap3A_1642], %swap3A_1645 {strides = array<i32>} : memref<80x128xf32, #tpu.memory_space<vmem>>, vector<1x16xf32>,
          %get3A_1646 = arith.index_cast %add3A_1601 : i32 to index
          %get3A_1647 = arith.constant 64 : index
          %get3A_1648 = tpu.vector_load %arg13[%get3A_1646, %get3A_1647] {strides = array<i32>} : memref<80x128xf32, #tpu.memory_space<vmem>>, vector<1x16xf32>,
          %get3A_1649 = vector.shape_cast %get3A_1648 : vector<1x16xf32> to vector<16xf32>
          %mul3A_1650 = vector.broadcast %squeeze3A_1597 : f32 to vector<16xf32>
          %mul3A_1651 = arith.mulf %get3A_1649, %mul3A_1650 : vector<16xf32>
          %swap3A_1652 = arith.index_cast %add3A_1601 : i32 to index
          %swap3A_1653 = arith.constant 64 : index
          %swap3A_1654 = tpu.vector_load %arg13[%swap3A_1652, %swap3A_1653] {strides = array<i32>} : memref<80x128xf32, #tpu.memory_space<vmem>>, vector<1x16xf32>,
          %swap3A_1655 = vector.shape_cast %swap3A_1654 : vector<1x16xf32> to vector<16xf32>
          %swap3A_1656 = vector.shape_cast %mul3A_1651 : vector<16xf32> to vector<1x16xf32>
          tpu.vector_store %arg13[%swap3A_1652, %swap3A_1653], %swap3A_1656 {strides = array<i32>} : memref<80x128xf32, #tpu.memory_space<vmem>>, vector<1x16xf32>,
          %get3A_1657 = arith.index_cast %add3A_1601 : i32 to index
          %get3A_1658 = arith.constant 80 : index
          %get3A_1659 = tpu.vector_load %arg13[%get3A_1657, %get3A_1658] {strides = array<i32>} : memref<80x128xf32, #tpu.memory_space<vmem>>, vector<1x16xf32>,
          %get3A_1660 = vector.shape_cast %get3A_1659 : vector<1x16xf32> to vector<16xf32>
          %mul3A_1661 = vector.broadcast %squeeze3A_1597 : f32 to vector<16xf32>
          %mul3A_1662 = arith.mulf %get3A_1660, %mul3A_1661 : vector<16xf32>
          %swap3A_1663 = arith.index_cast %add3A_1601 : i32 to index
          %swap3A_1664 = arith.constant 80 : index
          %swap3A_1665 = tpu.vector_load %arg13[%swap3A_1663, %swap3A_1664] {strides = array<i32>} : memref<80x128xf32, #tpu.memory_space<vmem>>, vector<1x16xf32>,
          %swap3A_1666 = vector.shape_cast %swap3A_1665 : vector<1x16xf32> to vector<16xf32>
          %swap3A_1667 = vector.shape_cast %mul3A_1662 : vector<16xf32> to vector<1x16xf32>
          tpu.vector_store %arg13[%swap3A_1663, %swap3A_1664], %swap3A_1667 {strides = array<i32>} : memref<80x128xf32, #tpu.memory_space<vmem>>, vector<1x16xf32>,
          %get3A_1668 = arith.index_cast %add3A_1601 : i32 to index
          %get3A_1669 = arith.constant 96 : index
          %get3A_1670 = tpu.vector_load %arg13[%get3A_1668, %get3A_1669] {strides = array<i32>} : memref<80x128xf32, #tpu.memory_space<vmem>>, vector<1x16xf32>,
          %get3A_1671 = vector.shape_cast %get3A_1670 : vector<1x16xf32> to vector<16xf32>
          %mul3A_1672 = vector.broadcast %squeeze3A_1597 : f32 to vector<16xf32>
          %mul3A_1673 = arith.mulf %get3A_1671, %mul3A_1672 : vector<16xf32>
          %swap3A_1674 = arith.index_cast %add3A_1601 : i32 to index
          %swap3A_1675 = arith.constant 96 : index
          %swap3A_1676 = tpu.vector_load %arg13[%swap3A_1674, %swap3A_1675] {strides = array<i32>} : memref<80x128xf32, #tpu.memory_space<vmem>>, vector<1x16xf32>,
          %swap3A_1677 = vector.shape_cast %swap3A_1676 : vector<1x16xf32> to vector<16xf32>
          %swap3A_1678 = vector.shape_cast %mul3A_1673 : vector<16xf32> to vector<1x16xf32>
          tpu.vector_store %arg13[%swap3A_1674, %swap3A_1675], %swap3A_1678 {strides = array<i32>} : memref<80x128xf32, #tpu.memory_space<vmem>>, vector<1x16xf32>,
          %get3A_1679 = arith.index_cast %add3A_1601 : i32 to index
          %get3A_1680 = arith.constant 112 : index
          %get3A_1681 = tpu.vector_load %arg13[%get3A_1679, %get3A_1680] {strides = array<i32>} : memref<80x128xf32, #tpu.memory_space<vmem>>, vector<1x16xf32>,
          %get3A_1682 = vector.shape_cast %get3A_1681 : vector<1x16xf32> to vector<16xf32>
          %mul3A_1683 = vector.broadcast %squeeze3A_1597 : f32 to vector<16xf32>
          %mul3A_1684 = arith.mulf %get3A_1682, %mul3A_1683 : vector<16xf32>
          %swap3A_1685 = arith.index_cast %add3A_1601 : i32 to index
          %swap3A_1686 = arith.constant 112 : index
          %swap3A_1687 = tpu.vector_load %arg13[%swap3A_1685, %swap3A_1686] {strides = array<i32>} : memref<80x128xf32, #tpu.memory_space<vmem>>, vector<1x16xf32>,
          %swap3A_1688 = vector.shape_cast %swap3A_1687 : vector<1x16xf32> to vector<16xf32>
          %swap3A_1689 = vector.shape_cast %mul3A_1684 : vector<16xf32> to vector<1x16xf32>
          tpu.vector_store %arg13[%swap3A_1685, %swap3A_1686], %swap3A_1689 {strides = array<i32>} : memref<80x128xf32, #tpu.memory_space<vmem>>, vector<1x16xf32>,
          %scan3A_1690 = arith.constant 0 : i32
          scf.yield %scan3A_1690 : i32
        }
        %scan3A_169 = arith.constant 5 : i32
        %add3A_170 = arith.constant 1 : i32
        %add3A_171 = arith.addi %mul3A_136, %add3A_170 : i32
        %mul3A_172 = arith.constant 80 : i32
        %mul3A_173 = arith.muli %add3A_171, %mul3A_172 : i32
        "tpu.region"() ({
          %run_scoped3A = tpu.sem_alloc : memref<!tpu.dma_semaphore, #tpu.memory_space<semaphore_mem>>
          %dma_start3A_180 = tpu.memref_slice %arg10[%mul3A_173] : memref<2560xi32, #tpu.memory_space<vmem>> -> memref<80xi32, #tpu.memory_space<vmem>>
          %dma_start3A_181 = arith.constant 0 : i32
          %dma_start3A_182 = arith.constant 0 : i32
          %dma_start3A_183 = tpu.memref_slice %arg18[%dma_start3A_181, %dma_start3A_182] : memref<10240x128xf32, #tpu.memory_space<vmem_shared>> -> memref<10240x128xf32, #tpu.memory_space<vmem_shared>>
          tpu.enqueue_indirect_dma source(%arg13 : memref<80x128xf32, #tpu.memory_space<vmem>>) target(%dma_start3A_183 : memref<10240x128xf32, #tpu.memory_space<vmem_shared>>) offsets(%dma_start3A_180 : memref<80xi32, #tpu.memory_space<vmem>>) semaphore(%run_scoped3A : memref<!tpu.dma_semaphore, #tpu.memory_space<semaphore_mem>>) {add = true}
          %dma_wait3A_184 = tpu.memref_slice %arg10[%mul3A_173] : memref<2560xi32, #tpu.memory_space<vmem>> -> memref<80xi32, #tpu.memory_space<vmem>>
          %dma_wait3A_185 = arith.constant 0 : i32
          %dma_wait3A_186 = arith.constant 0 : i32
          %dma_wait3A_187 = tpu.memref_slice %arg18[%dma_wait3A_185, %dma_wait3A_186] : memref<10240x128xf32, #tpu.memory_space<vmem_shared>> -> memref<10240x128xf32, #tpu.memory_space<vmem_shared>>
          tpu.wait_indirect_dma semaphore(%run_scoped3A : memref<!tpu.dma_semaphore, #tpu.memory_space<semaphore_mem>>) src(%arg13 : memref<80x128xf32, #tpu.memory_space<vmem>>) dst(%dma_wait3A_187 : memref<10240x128xf32, #tpu.memory_space<vmem_shared>>)
          tpu.yield
        }) : () -> ()
        %lt3A_174 = arith.constant 15 : i32
        %lt3A_175 = arith.cmpi slt, %scan3A_133, %lt3A_174 : i32
        %convert_element_type3A_176 = arith.extui %lt3A_175 : i1 to i32
        %cond3A_177 = arith.constant 0 : i32
        %cond3A_178 = arith.cmpi ne, %convert_element_type3A_176, %cond3A_177 : i32
        scf.if %cond3A_178 {
          %add3A_180 = arith.constant 3 : i32
          %add3A_181 = arith.addi %mul3A_136, %add3A_180 : i32
          %mul3A_182 = arith.constant 80 : i32
          %mul3A_183 = arith.muli %add3A_181, %mul3A_182 : i32
          %dma_start3A_184 = tpu.memref_slice %arg9[%mul3A_183] : memref<2560xi32, #tpu.memory_space<vmem>> -> memref<80xi32, #tpu.memory_space<vmem>>
          %dma_start3A_185 = arith.constant 0 : i32
          %dma_start3A_186 = arith.constant 0 : i32
          %dma_start3A_187 = tpu.memref_slice %arg5[%dma_start3A_185, %dma_start3A_186] : memref<10000x128xf32, #tpu.memory_space<hbm>> -> memref<10000x128xf32, #tpu.memory_space<hbm>>
          tpu.enqueue_indirect_dma source(%dma_start3A_187 : memref<10000x128xf32, #tpu.memory_space<hbm>>) target(%arg13 : memref<80x128xf32, #tpu.memory_space<vmem>>) offsets(%dma_start3A_184 : memref<80xi32, #tpu.memory_space<vmem>>) semaphore(%arg15 : memref<!tpu.dma_semaphore, #tpu.memory_space<semaphore_mem>>)
        } else {
        }
        %scan3A_179 = arith.constant 0 : i32
        scf.yield %scan3A_179 : i32
      }
      %scan3A_131 = arith.constant 16 : i32
      %scan3A_132 = arith.constant 0 : i32
      scf.yield %scan3A_132 : i32
    }
    %scan3A_45 = arith.constant 4 : i32
    %barrier3A_46 = arith.constant 0 : index
    tpu.barrier barrier_id(%barrier3A_46)
    %mul3A_47 = arith.constant 640 : i32
    %mul3A_48 = arith.muli %arg1, %mul3A_47 : i32
    %mul3A_49 = arith.constant 640 : i32
    %mul3A_50 = arith.muli %arg1, %mul3A_49 : i32
    "tpu.region"() ({
      %run_scoped3A = tpu.sem_alloc : memref<!tpu.dma_semaphore, #tpu.memory_space<semaphore_mem>>
      %dma_start3A = arith.constant 0 : i32
      %dma_start3A_107 = tpu.memref_slice %arg7[%arg0, %mul3A_50, %dma_start3A] : memref<2x10240x128xf32, #tpu.memory_space<hbm>> -> memref<1x640x128xf32, #tpu.memory_space<hbm>>
      %dma_start3A_108 = tpu.memref_squeeze %dma_start3A_107 : memref<1x640x128xf32, #tpu.memory_space<hbm>> -> memref<640x128xf32, #tpu.memory_space<hbm>>
      %dma_start3A_109 = arith.constant 0 : i32
      %dma_start3A_110 = tpu.memref_slice %arg18[%mul3A_48, %dma_start3A_109] : memref<10240x128xf32, #tpu.memory_space<vmem_shared>> -> memref<640x128xf32, #tpu.memory_space<vmem_shared>>
      tpu.enqueue_dma source(%dma_start3A_110 : memref<640x128xf32, #tpu.memory_space<vmem_shared>>) target(%dma_start3A_108 : memref<640x128xf32, #tpu.memory_space<hbm>>) target_semaphore(%run_scoped3A : memref<!tpu.dma_semaphore, #tpu.memory_space<semaphore_mem>>)
      %dma_wait3A = arith.constant 0 : i32
      %dma_wait3A_111 = tpu.memref_slice %arg7[%arg0, %mul3A_50, %dma_wait3A] : memref<2x10240x128xf32, #tpu.memory_space<hbm>> -> memref<1x640x128xf32, #tpu.memory_space<hbm>>
      %dma_wait3A_112 = tpu.memref_squeeze %dma_wait3A_111 : memref<1x640x128xf32, #tpu.memory_space<hbm>> -> memref<640x128xf32, #tpu.memory_space<hbm>>
      %dma_wait3A_113 = arith.constant 0 : i32
      %dma_wait3A_114 = tpu.memref_slice %arg18[%mul3A_48, %dma_wait3A_113] : memref<10240x128xf32, #tpu.memory_space<vmem_shared>> -> memref<640x128xf32, #tpu.memory_space<vmem_shared>>
      tpu.wait_dma2 semaphore(%run_scoped3A : memref<!tpu.dma_semaphore, #tpu.memory_space<semaphore_mem>>) src(%dma_wait3A_114 : memref<640x128xf32, #tpu.memory_space<vmem_shared>>) dst(%dma_wait3A_112 : memref<640x128xf32, #tpu.memory_space<hbm>>)
      tpu.yield
    }) : () -> ()
    %barrier3A_51 = arith.constant 0 : index
    tpu.barrier barrier_id(%barrier3A_51)
    %mul3A_52 = arith.constant 16 : i32
    %mul3A_53 = arith.muli %arg0, %mul3A_52 : i32
    %add3A_54 = arith.addi %mul3A_53, %arg1 : i32
    %scan3A_55 = arith.constant 0 : i32
    %scan3A_56 = arith.constant 0 : i32
    %scan3A_57 = arith.constant 80 : i32
    %scan3A_58 = arith.addi %scan3A_56, %scan3A_57 : i32
    %scan3A_59 = arith.constant 1 : i32
    %scan3A_60 = scf.for %scan3A_107 = %scan3A_56 to %scan3A_58 step %scan3A_59 iter_args(%scan3A_108 = %scan3A_55) -> (i32)  : i32 {
      %broadcast_in_dim3A = arith.constant 0.000000e+00 : f32
      %broadcast_in_dim3A_109 = vector.broadcast %broadcast_in_dim3A : f32 to vector<16xf32>
      %swap3A = arith.index_cast %scan3A_107 : i32 to index
      %swap3A_110 = arith.constant 0 : index
      %swap3A_111 = tpu.vector_load %arg12[%swap3A, %swap3A_110] {strides = array<i32>} : memref<80x128xf32, #tpu.memory_space<vmem>>, vector<1x16xf32>,
      %swap3A_112 = vector.shape_cast %swap3A_111 : vector<1x16xf32> to vector<16xf32>
      %swap3A_113 = vector.shape_cast %broadcast_in_dim3A_109 : vector<16xf32> to vector<1x16xf32>
      tpu.vector_store %arg12[%swap3A, %swap3A_110], %swap3A_113 {strides = array<i32>} : memref<80x128xf32, #tpu.memory_space<vmem>>, vector<1x16xf32>,
      %broadcast_in_dim3A_114 = arith.constant 0.000000e+00 : f32
      %broadcast_in_dim3A_115 = vector.broadcast %broadcast_in_dim3A_114 : f32 to vector<16xf32>
      %swap3A_116 = arith.index_cast %scan3A_107 : i32 to index
      %swap3A_117 = arith.constant 16 : index
      %swap3A_118 = tpu.vector_load %arg12[%swap3A_116, %swap3A_117] {strides = array<i32>} : memref<80x128xf32, #tpu.memory_space<vmem>>, vector<1x16xf32>,
      %swap3A_119 = vector.shape_cast %swap3A_118 : vector<1x16xf32> to vector<16xf32>
      %swap3A_120 = vector.shape_cast %broadcast_in_dim3A_115 : vector<16xf32> to vector<1x16xf32>
      tpu.vector_store %arg12[%swap3A_116, %swap3A_117], %swap3A_120 {strides = array<i32>} : memref<80x128xf32, #tpu.memory_space<vmem>>, vector<1x16xf32>,
      %broadcast_in_dim3A_121 = arith.constant 0.000000e+00 : f32
      %broadcast_in_dim3A_122 = vector.broadcast %broadcast_in_dim3A_121 : f32 to vector<16xf32>
      %swap3A_123 = arith.index_cast %scan3A_107 : i32 to index
      %swap3A_124 = arith.constant 32 : index
      %swap3A_125 = tpu.vector_load %arg12[%swap3A_123, %swap3A_124] {strides = array<i32>} : memref<80x128xf32, #tpu.memory_space<vmem>>, vector<1x16xf32>,
      %swap3A_126 = vector.shape_cast %swap3A_125 : vector<1x16xf32> to vector<16xf32>
      %swap3A_127 = vector.shape_cast %broadcast_in_dim3A_122 : vector<16xf32> to vector<1x16xf32>
      tpu.vector_store %arg12[%swap3A_123, %swap3A_124], %swap3A_127 {strides = array<i32>} : memref<80x128xf32, #tpu.memory_space<vmem>>, vector<1x16xf32>,
      %broadcast_in_dim3A_128 = arith.constant 0.000000e+00 : f32
      %broadcast_in_dim3A_129 = vector.broadcast %broadcast_in_dim3A_128 : f32 to vector<16xf32>
      %swap3A_130 = arith.index_cast %scan3A_107 : i32 to index
      %swap3A_131 = arith.constant 48 : index
      %swap3A_132 = tpu.vector_load %arg12[%swap3A_130, %swap3A_131] {strides = array<i32>} : memref<80x128xf32, #tpu.memory_space<vmem>>, vector<1x16xf32>,
      %swap3A_133 = vector.shape_cast %swap3A_132 : vector<1x16xf32> to vector<16xf32>
      %swap3A_134 = vector.shape_cast %broadcast_in_dim3A_129 : vector<16xf32> to vector<1x16xf32>
      tpu.vector_store %arg12[%swap3A_130, %swap3A_131], %swap3A_134 {strides = array<i32>} : memref<80x128xf32, #tpu.memory_space<vmem>>, vector<1x16xf32>,
      %broadcast_in_dim3A_135 = arith.constant 0.000000e+00 : f32
      %broadcast_in_dim3A_136 = vector.broadcast %broadcast_in_dim3A_135 : f32 to vector<16xf32>
      %swap3A_137 = arith.index_cast %scan3A_107 : i32 to index
      %swap3A_138 = arith.constant 64 : index
      %swap3A_139 = tpu.vector_load %arg12[%swap3A_137, %swap3A_138] {strides = array<i32>} : memref<80x128xf32, #tpu.memory_space<vmem>>, vector<1x16xf32>,
      %swap3A_140 = vector.shape_cast %swap3A_139 : vector<1x16xf32> to vector<16xf32>
      %swap3A_141 = vector.shape_cast %broadcast_in_dim3A_136 : vector<16xf32> to vector<1x16xf32>
      tpu.vector_store %arg12[%swap3A_137, %swap3A_138], %swap3A_141 {strides = array<i32>} : memref<80x128xf32, #tpu.memory_space<vmem>>, vector<1x16xf32>,
      %broadcast_in_dim3A_142 = arith.constant 0.000000e+00 : f32
      %broadcast_in_dim3A_143 = vector.broadcast %broadcast_in_dim3A_142 : f32 to vector<16xf32>
      %swap3A_144 = arith.index_cast %scan3A_107 : i32 to index
      %swap3A_145 = arith.constant 80 : index
      %swap3A_146 = tpu.vector_load %arg12[%swap3A_144, %swap3A_145] {strides = array<i32>} : memref<80x128xf32, #tpu.memory_space<vmem>>, vector<1x16xf32>,
      %swap3A_147 = vector.shape_cast %swap3A_146 : vector<1x16xf32> to vector<16xf32>
      %swap3A_148 = vector.shape_cast %broadcast_in_dim3A_143 : vector<16xf32> to vector<1x16xf32>
      tpu.vector_store %arg12[%swap3A_144, %swap3A_145], %swap3A_148 {strides = array<i32>} : memref<80x128xf32, #tpu.memory_space<vmem>>, vector<1x16xf32>,
      %broadcast_in_dim3A_149 = arith.constant 0.000000e+00 : f32
      %broadcast_in_dim3A_150 = vector.broadcast %broadcast_in_dim3A_149 : f32 to vector<16xf32>
      %swap3A_151 = arith.index_cast %scan3A_107 : i32 to index
      %swap3A_152 = arith.constant 96 : index
      %swap3A_153 = tpu.vector_load %arg12[%swap3A_151, %swap3A_152] {strides = array<i32>} : memref<80x128xf32, #tpu.memory_space<vmem>>, vector<1x16xf32>,
      %swap3A_154 = vector.shape_cast %swap3A_153 : vector<1x16xf32> to vector<16xf32>
      %swap3A_155 = vector.shape_cast %broadcast_in_dim3A_150 : vector<16xf32> to vector<1x16xf32>
      tpu.vector_store %arg12[%swap3A_151, %swap3A_152], %swap3A_155 {strides = array<i32>} : memref<80x128xf32, #tpu.memory_space<vmem>>, vector<1x16xf32>,
      %broadcast_in_dim3A_156 = arith.constant 0.000000e+00 : f32
      %broadcast_in_dim3A_157 = vector.broadcast %broadcast_in_dim3A_156 : f32 to vector<16xf32>
      %swap3A_158 = arith.index_cast %scan3A_107 : i32 to index
      %swap3A_159 = arith.constant 112 : index
      %swap3A_160 = tpu.vector_load %arg12[%swap3A_158, %swap3A_159] {strides = array<i32>} : memref<80x128xf32, #tpu.memory_space<vmem>>, vector<1x16xf32>,
      %swap3A_161 = vector.shape_cast %swap3A_160 : vector<1x16xf32> to vector<16xf32>
      %swap3A_162 = vector.shape_cast %broadcast_in_dim3A_157 : vector<16xf32> to vector<1x16xf32>
      tpu.vector_store %arg12[%swap3A_158, %swap3A_159], %swap3A_162 {strides = array<i32>} : memref<80x128xf32, #tpu.memory_space<vmem>>, vector<1x16xf32>,
      %scan3A_163 = arith.constant 0 : i32
      scf.yield %scan3A_163 : i32
    }
    %scan3A_61 = arith.constant 80 : i32
    %mul3A_62 = arith.constant 640 : i32
    %mul3A_63 = arith.muli %arg1, %mul3A_62 : i32
    %add3A_64 = arith.constant 0 : i32
    %add3A_65 = arith.addi %mul3A_63, %add3A_64 : i32
    "tpu.region"() ({
      %run_scoped3A = tpu.sem_alloc : memref<!tpu.dma_semaphore, #tpu.memory_space<semaphore_mem>>
      %dma_start3A = arith.constant 0 : i32
      %dma_start3A_107 = tpu.memref_slice %arg18[%add3A_65, %dma_start3A] : memref<10240x128xf32, #tpu.memory_space<vmem_shared>> -> memref<80x128xf32, #tpu.memory_space<vmem_shared>>
      %dma_start3A_108 = arith.constant 0 : i32
      %dma_start3A_109 = tpu.memref_slice %arg18[%add3A_65, %dma_start3A_108] : memref<10240x128xf32, #tpu.memory_space<vmem_shared>> -> memref<80x128xf32, #tpu.memory_space<vmem_shared>>
      tpu.enqueue_dma source(%arg12 : memref<80x128xf32, #tpu.memory_space<vmem>>) target(%dma_start3A_109 : memref<80x128xf32, #tpu.memory_space<vmem_shared>>) target_semaphore(%run_scoped3A : memref<!tpu.dma_semaphore, #tpu.memory_space<semaphore_mem>>)
      %dma_wait3A = arith.constant 0 : i32
      %dma_wait3A_110 = tpu.memref_slice %arg18[%add3A_65, %dma_wait3A] : memref<10240x128xf32, #tpu.memory_space<vmem_shared>> -> memref<80x128xf32, #tpu.memory_space<vmem_shared>>
      %dma_wait3A_111 = arith.constant 0 : i32
      %dma_wait3A_112 = tpu.memref_slice %arg18[%add3A_65, %dma_wait3A_111] : memref<10240x128xf32, #tpu.memory_space<vmem_shared>> -> memref<80x128xf32, #tpu.memory_space<vmem_shared>>
      tpu.wait_dma2 semaphore(%run_scoped3A : memref<!tpu.dma_semaphore, #tpu.memory_space<semaphore_mem>>) src(%arg12 : memref<80x128xf32, #tpu.memory_space<vmem>>) dst(%dma_wait3A_112 : memref<80x128xf32, #tpu.memory_space<vmem_shared>>)
      tpu.yield
    }) : () -> ()
    %mul3A_66 = arith.constant 640 : i32
    %mul3A_67 = arith.muli %arg1, %mul3A_66 : i32
    %add3A_68 = arith.constant 80 : i32
    %add3A_69 = arith.addi %mul3A_67, %add3A_68 : i32
    "tpu.region"() ({
      %run_scoped3A = tpu.sem_alloc : memref<!tpu.dma_semaphore, #tpu.memory_space<semaphore_mem>>
      %dma_start3A = arith.constant 0 : i32
      %dma_start3A_107 = tpu.memref_slice %arg18[%add3A_69, %dma_start3A] : memref<10240x128xf32, #tpu.memory_space<vmem_shared>> -> memref<80x128xf32, #tpu.memory_space<vmem_shared>>
      %dma_start3A_108 = arith.constant 0 : i32
      %dma_start3A_109 = tpu.memref_slice %arg18[%add3A_69, %dma_start3A_108] : memref<10240x128xf32, #tpu.memory_space<vmem_shared>> -> memref<80x128xf32, #tpu.memory_space<vmem_shared>>
      tpu.enqueue_dma source(%arg12 : memref<80x128xf32, #tpu.memory_space<vmem>>) target(%dma_start3A_109 : memref<80x128xf32, #tpu.memory_space<vmem_shared>>) target_semaphore(%run_scoped3A : memref<!tpu.dma_semaphore, #tpu.memory_space<semaphore_mem>>)
      %dma_wait3A = arith.constant 0 : i32
      %dma_wait3A_110 = tpu.memref_slice %arg18[%add3A_69, %dma_wait3A] : memref<10240x128xf32, #tpu.memory_space<vmem_shared>> -> memref<80x128xf32, #tpu.memory_space<vmem_shared>>
      %dma_wait3A_111 = arith.constant 0 : i32
      %dma_wait3A_112 = tpu.memref_slice %arg18[%add3A_69, %dma_wait3A_111] : memref<10240x128xf32, #tpu.memory_space<vmem_shared>> -> memref<80x128xf32, #tpu.memory_space<vmem_shared>>
      tpu.wait_dma2 semaphore(%run_scoped3A : memref<!tpu.dma_semaphore, #tpu.memory_space<semaphore_mem>>) src(%arg12 : memref<80x128xf32, #tpu.memory_space<vmem>>) dst(%dma_wait3A_112 : memref<80x128xf32, #tpu.memory_space<vmem_shared>>)
      tpu.yield
    }) : () -> ()
    %mul3A_70 = arith.constant 640 : i32
    %mul3A_71 = arith.muli %arg1, %mul3A_70 : i32
    %add3A_72 = arith.constant 160 : i32
    %add3A_73 = arith.addi %mul3A_71, %add3A_72 : i32
    "tpu.region"() ({
      %run_scoped3A = tpu.sem_alloc : memref<!tpu.dma_semaphore, #tpu.memory_space<semaphore_mem>>
      %dma_start3A = arith.constant 0 : i32
      %dma_start3A_107 = tpu.memref_slice %arg18[%add3A_73, %dma_start3A] : memref<10240x128xf32, #tpu.memory_space<vmem_shared>> -> memref<80x128xf32, #tpu.memory_space<vmem_shared>>
      %dma_start3A_108 = arith.constant 0 : i32
      %dma_start3A_109 = tpu.memref_slice %arg18[%add3A_73, %dma_start3A_108] : memref<10240x128xf32, #tpu.memory_space<vmem_shared>> -> memref<80x128xf32, #tpu.memory_space<vmem_shared>>
      tpu.enqueue_dma source(%arg12 : memref<80x128xf32, #tpu.memory_space<vmem>>) target(%dma_start3A_109 : memref<80x128xf32, #tpu.memory_space<vmem_shared>>) target_semaphore(%run_scoped3A : memref<!tpu.dma_semaphore, #tpu.memory_space<semaphore_mem>>)
      %dma_wait3A = arith.constant 0 : i32
      %dma_wait3A_110 = tpu.memref_slice %arg18[%add3A_73, %dma_wait3A] : memref<10240x128xf32, #tpu.memory_space<vmem_shared>> -> memref<80x128xf32, #tpu.memory_space<vmem_shared>>
      %dma_wait3A_111 = arith.constant 0 : i32
      %dma_wait3A_112 = tpu.memref_slice %arg18[%add3A_73, %dma_wait3A_111] : memref<10240x128xf32, #tpu.memory_space<vmem_shared>> -> memref<80x128xf32, #tpu.memory_space<vmem_shared>>
      tpu.wait_dma2 semaphore(%run_scoped3A : memref<!tpu.dma_semaphore, #tpu.memory_space<semaphore_mem>>) src(%arg12 : memref<80x128xf32, #tpu.memory_space<vmem>>) dst(%dma_wait3A_112 : memref<80x128xf32, #tpu.memory_space<vmem_shared>>)
      tpu.yield
    }) : () -> ()
    %mul3A_74 = arith.constant 640 : i32
    %mul3A_75 = arith.muli %arg1, %mul3A_74 : i32
    %add3A_76 = arith.constant 240 : i32
    %add3A_77 = arith.addi %mul3A_75, %add3A_76 : i32
    "tpu.region"() ({
      %run_scoped3A = tpu.sem_alloc : memref<!tpu.dma_semaphore, #tpu.memory_space<semaphore_mem>>
      %dma_start3A = arith.constant 0 : i32
      %dma_start3A_107 = tpu.memref_slice %arg18[%add3A_77, %dma_start3A] : memref<10240x128xf32, #tpu.memory_space<vmem_shared>> -> memref<80x128xf32, #tpu.memory_space<vmem_shared>>
      %dma_start3A_108 = arith.constant 0 : i32
      %dma_start3A_109 = tpu.memref_slice %arg18[%add3A_77, %dma_start3A_108] : memref<10240x128xf32, #tpu.memory_space<vmem_shared>> -> memref<80x128xf32, #tpu.memory_space<vmem_shared>>
      tpu.enqueue_dma source(%arg12 : memref<80x128xf32, #tpu.memory_space<vmem>>) target(%dma_start3A_109 : memref<80x128xf32, #tpu.memory_space<vmem_shared>>) target_semaphore(%run_scoped3A : memref<!tpu.dma_semaphore, #tpu.memory_space<semaphore_mem>>)
      %dma_wait3A = arith.constant 0 : i32
      %dma_wait3A_110 = tpu.memref_slice %arg18[%add3A_77, %dma_wait3A] : memref<10240x128xf32, #tpu.memory_space<vmem_shared>> -> memref<80x128xf32, #tpu.memory_space<vmem_shared>>
      %dma_wait3A_111 = arith.constant 0 : i32
      %dma_wait3A_112 = tpu.memref_slice %arg18[%add3A_77, %dma_wait3A_111] : memref<10240x128xf32, #tpu.memory_space<vmem_shared>> -> memref<80x128xf32, #tpu.memory_space<vmem_shared>>
      tpu.wait_dma2 semaphore(%run_scoped3A : memref<!tpu.dma_semaphore, #tpu.memory_space<semaphore_mem>>) src(%arg12 : memref<80x128xf32, #tpu.memory_space<vmem>>) dst(%dma_wait3A_112 : memref<80x128xf32, #tpu.memory_space<vmem_shared>>)
      tpu.yield
    }) : () -> ()
    %mul3A_78 = arith.constant 640 : i32
    %mul3A_79 = arith.muli %arg1, %mul3A_78 : i32
    %add3A_80 = arith.constant 320 : i32
    %add3A_81 = arith.addi %mul3A_79, %add3A_80 : i32
    "tpu.region"() ({
      %run_scoped3A = tpu.sem_alloc : memref<!tpu.dma_semaphore, #tpu.memory_space<semaphore_mem>>
      %dma_start3A = arith.constant 0 : i32
      %dma_start3A_107 = tpu.memref_slice %arg18[%add3A_81, %dma_start3A] : memref<10240x128xf32, #tpu.memory_space<vmem_shared>> -> memref<80x128xf32, #tpu.memory_space<vmem_shared>>
      %dma_start3A_108 = arith.constant 0 : i32
      %dma_start3A_109 = tpu.memref_slice %arg18[%add3A_81, %dma_start3A_108] : memref<10240x128xf32, #tpu.memory_space<vmem_shared>> -> memref<80x128xf32, #tpu.memory_space<vmem_shared>>
      tpu.enqueue_dma source(%arg12 : memref<80x128xf32, #tpu.memory_space<vmem>>) target(%dma_start3A_109 : memref<80x128xf32, #tpu.memory_space<vmem_shared>>) target_semaphore(%run_scoped3A : memref<!tpu.dma_semaphore, #tpu.memory_space<semaphore_mem>>)
      %dma_wait3A = arith.constant 0 : i32
      %dma_wait3A_110 = tpu.memref_slice %arg18[%add3A_81, %dma_wait3A] : memref<10240x128xf32, #tpu.memory_space<vmem_shared>> -> memref<80x128xf32, #tpu.memory_space<vmem_shared>>
      %dma_wait3A_111 = arith.constant 0 : i32
      %dma_wait3A_112 = tpu.memref_slice %arg18[%add3A_81, %dma_wait3A_111] : memref<10240x128xf32, #tpu.memory_space<vmem_shared>> -> memref<80x128xf32, #tpu.memory_space<vmem_shared>>
      tpu.wait_dma2 semaphore(%run_scoped3A : memref<!tpu.dma_semaphore, #tpu.memory_space<semaphore_mem>>) src(%arg12 : memref<80x128xf32, #tpu.memory_space<vmem>>) dst(%dma_wait3A_112 : memref<80x128xf32, #tpu.memory_space<vmem_shared>>)
      tpu.yield
    }) : () -> ()
    %mul3A_82 = arith.constant 640 : i32
    %mul3A_83 = arith.muli %arg1, %mul3A_82 : i32
    %add3A_84 = arith.constant 400 : i32
    %add3A_85 = arith.addi %mul3A_83, %add3A_84 : i32
    "tpu.region"() ({
      %run_scoped3A = tpu.sem_alloc : memref<!tpu.dma_semaphore, #tpu.memory_space<semaphore_mem>>
      %dma_start3A = arith.constant 0 : i32
      %dma_start3A_107 = tpu.memref_slice %arg18[%add3A_85, %dma_start3A] : memref<10240x128xf32, #tpu.memory_space<vmem_shared>> -> memref<80x128xf32, #tpu.memory_space<vmem_shared>>
      %dma_start3A_108 = arith.constant 0 : i32
      %dma_start3A_109 = tpu.memref_slice %arg18[%add3A_85, %dma_start3A_108] : memref<10240x128xf32, #tpu.memory_space<vmem_shared>> -> memref<80x128xf32, #tpu.memory_space<vmem_shared>>
      tpu.enqueue_dma source(%arg12 : memref<80x128xf32, #tpu.memory_space<vmem>>) target(%dma_start3A_109 : memref<80x128xf32, #tpu.memory_space<vmem_shared>>) target_semaphore(%run_scoped3A : memref<!tpu.dma_semaphore, #tpu.memory_space<semaphore_mem>>)
      %dma_wait3A = arith.constant 0 : i32
      %dma_wait3A_110 = tpu.memref_slice %arg18[%add3A_85, %dma_wait3A] : memref<10240x128xf32, #tpu.memory_space<vmem_shared>> -> memref<80x128xf32, #tpu.memory_space<vmem_shared>>
      %dma_wait3A_111 = arith.constant 0 : i32
      %dma_wait3A_112 = tpu.memref_slice %arg18[%add3A_85, %dma_wait3A_111] : memref<10240x128xf32, #tpu.memory_space<vmem_shared>> -> memref<80x128xf32, #tpu.memory_space<vmem_shared>>
      tpu.wait_dma2 semaphore(%run_scoped3A : memref<!tpu.dma_semaphore, #tpu.memory_space<semaphore_mem>>) src(%arg12 : memref<80x128xf32, #tpu.memory_space<vmem>>) dst(%dma_wait3A_112 : memref<80x128xf32, #tpu.memory_space<vmem_shared>>)
      tpu.yield
    }) : () -> ()
    %mul3A_86 = arith.constant 640 : i32
    %mul3A_87 = arith.muli %arg1, %mul3A_86 : i32
    %add3A_88 = arith.constant 480 : i32
    %add3A_89 = arith.addi %mul3A_87, %add3A_88 : i32
    "tpu.region"() ({
      %run_scoped3A = tpu.sem_alloc : memref<!tpu.dma_semaphore, #tpu.memory_space<semaphore_mem>>
      %dma_start3A = arith.constant 0 : i32
      %dma_start3A_107 = tpu.memref_slice %arg18[%add3A_89, %dma_start3A] : memref<10240x128xf32, #tpu.memory_space<vmem_shared>> -> memref<80x128xf32, #tpu.memory_space<vmem_shared>>
      %dma_start3A_108 = arith.constant 0 : i32
      %dma_start3A_109 = tpu.memref_slice %arg18[%add3A_89, %dma_start3A_108] : memref<10240x128xf32, #tpu.memory_space<vmem_shared>> -> memref<80x128xf32, #tpu.memory_space<vmem_shared>>
      tpu.enqueue_dma source(%arg12 : memref<80x128xf32, #tpu.memory_space<vmem>>) target(%dma_start3A_109 : memref<80x128xf32, #tpu.memory_space<vmem_shared>>) target_semaphore(%run_scoped3A : memref<!tpu.dma_semaphore, #tpu.memory_space<semaphore_mem>>)
      %dma_wait3A = arith.constant 0 : i32
      %dma_wait3A_110 = tpu.memref_slice %arg18[%add3A_89, %dma_wait3A] : memref<10240x128xf32, #tpu.memory_space<vmem_shared>> -> memref<80x128xf32, #tpu.memory_space<vmem_shared>>
      %dma_wait3A_111 = arith.constant 0 : i32
      %dma_wait3A_112 = tpu.memref_slice %arg18[%add3A_89, %dma_wait3A_111] : memref<10240x128xf32, #tpu.memory_space<vmem_shared>> -> memref<80x128xf32, #tpu.memory_space<vmem_shared>>
      tpu.wait_dma2 semaphore(%run_scoped3A : memref<!tpu.dma_semaphore, #tpu.memory_space<semaphore_mem>>) src(%arg12 : memref<80x128xf32, #tpu.memory_space<vmem>>) dst(%dma_wait3A_112 : memref<80x128xf32, #tpu.memory_space<vmem_shared>>)
      tpu.yield
    }) : () -> ()
    %mul3A_90 = arith.constant 640 : i32
    %mul3A_91 = arith.muli %arg1, %mul3A_90 : i32
    %add3A_92 = arith.constant 560 : i32
    %add3A_93 = arith.addi %mul3A_91, %add3A_92 : i32
    "tpu.region"() ({
      %run_scoped3A = tpu.sem_alloc : memref<!tpu.dma_semaphore, #tpu.memory_space<semaphore_mem>>
      %dma_start3A = arith.constant 0 : i32
      %dma_start3A_107 = tpu.memref_slice %arg18[%add3A_93, %dma_start3A] : memref<10240x128xf32, #tpu.memory_space<vmem_shared>> -> memref<80x128xf32, #tpu.memory_space<vmem_shared>>
      %dma_start3A_108 = arith.constant 0 : i32
      %dma_start3A_109 = tpu.memref_slice %arg18[%add3A_93, %dma_start3A_108] : memref<10240x128xf32, #tpu.memory_space<vmem_shared>> -> memref<80x128xf32, #tpu.memory_space<vmem_shared>>
      tpu.enqueue_dma source(%arg12 : memref<80x128xf32, #tpu.memory_space<vmem>>) target(%dma_start3A_109 : memref<80x128xf32, #tpu.memory_space<vmem_shared>>) target_semaphore(%run_scoped3A : memref<!tpu.dma_semaphore, #tpu.memory_space<semaphore_mem>>)
      %dma_wait3A = arith.constant 0 : i32
      %dma_wait3A_110 = tpu.memref_slice %arg18[%add3A_93, %dma_wait3A] : memref<10240x128xf32, #tpu.memory_space<vmem_shared>> -> memref<80x128xf32, #tpu.memory_space<vmem_shared>>
      %dma_wait3A_111 = arith.constant 0 : i32
      %dma_wait3A_112 = tpu.memref_slice %arg18[%add3A_93, %dma_wait3A_111] : memref<10240x128xf32, #tpu.memory_space<vmem_shared>> -> memref<80x128xf32, #tpu.memory_space<vmem_shared>>
      tpu.wait_dma2 semaphore(%run_scoped3A : memref<!tpu.dma_semaphore, #tpu.memory_space<semaphore_mem>>) src(%arg12 : memref<80x128xf32, #tpu.memory_space<vmem>>) dst(%dma_wait3A_112 : memref<80x128xf32, #tpu.memory_space<vmem_shared>>)
      tpu.yield
    }) : () -> ()
    %barrier3A_94 = arith.constant 0 : index
    tpu.barrier barrier_id(%barrier3A_94)
    %scan3A_95 = arith.constant 0 : i32
    %scan3A_96 = arith.constant 0 : i32
    %scan3A_97 = arith.constant 4 : i32
    %scan3A_98 = arith.addi %scan3A_96, %scan3A_97 : i32
    %scan3A_99 = arith.constant 1 : i32
    %scan3A_100 = scf.for %scan3A_107 = %scan3A_96 to %scan3A_98 step %scan3A_99 iter_args(%scan3A_108 = %scan3A_95) -> (i32)  : i32 {
      %mul3A_109 = arith.constant 10240 : i32
      %mul3A_110 = arith.muli %add3A_54, %mul3A_109 : i32
      %mul3A_111 = arith.constant 32 : i32
      %mul3A_112 = arith.muli %scan3A_107, %mul3A_111 : i32
      %mul3A_113 = arith.constant 80 : i32
      %mul3A_114 = arith.muli %mul3A_112, %mul3A_113 : i32
      %add3A_115 = arith.addi %mul3A_110, %mul3A_114 : i32
      "tpu.region"() ({
        %run_scoped3A = tpu.sem_alloc : memref<!tpu.dma_semaphore, #tpu.memory_space<semaphore_mem>>
        %dma_start3A_146 = tpu.memref_slice %arg3[%add3A_115] : memref<327680xi32, #tpu.memory_space<hbm>> -> memref<2560xi32, #tpu.memory_space<hbm>>
        %dma_start3A_147 = tpu.memref_slice %arg3[%add3A_115] : memref<327680xi32, #tpu.memory_space<hbm>> -> memref<2560xi32, #tpu.memory_space<hbm>>
        tpu.enqueue_dma source(%dma_start3A_147 : memref<2560xi32, #tpu.memory_space<hbm>>) target(%arg10 : memref<2560xi32, #tpu.memory_space<vmem>>) target_semaphore(%run_scoped3A : memref<!tpu.dma_semaphore, #tpu.memory_space<semaphore_mem>>)
        %dma_wait3A = tpu.memref_slice %arg3[%add3A_115] : memref<327680xi32, #tpu.memory_space<hbm>> -> memref<2560xi32, #tpu.memory_space<hbm>>
        %dma_wait3A_148 = tpu.memref_slice %arg3[%add3A_115] : memref<327680xi32, #tpu.memory_space<hbm>> -> memref<2560xi32, #tpu.memory_space<hbm>>
        tpu.wait_dma2 semaphore(%run_scoped3A : memref<!tpu.dma_semaphore, #tpu.memory_space<semaphore_mem>>) src(%dma_wait3A_148 : memref<2560xi32, #tpu.memory_space<hbm>>) dst(%arg10 : memref<2560xi32, #tpu.memory_space<vmem>>)
        tpu.yield
      }) : () -> ()
      %mul3A_116 = arith.constant 128 : i32
      %mul3A_117 = arith.muli %add3A_54, %mul3A_116 : i32
      %mul3A_118 = arith.constant 32 : i32
      %mul3A_119 = arith.muli %scan3A_107, %mul3A_118 : i32
      %add3A_120 = arith.addi %mul3A_117, %mul3A_119 : i32
      %dma_start3A = arith.constant 0 : i32
      %dma_start3A_121 = arith.constant 0 : i32
      %dma_start3A_122 = tpu.memref_slice %arg6[%add3A_120, %dma_start3A, %dma_start3A_121] : memref<4096x80x128xf32, #tpu.memory_space<hbm>> -> memref<1x80x128xf32, #tpu.memory_space<hbm>>
      %dma_start3A_123 = tpu.memref_squeeze %dma_start3A_122 : memref<1x80x128xf32, #tpu.memory_space<hbm>> -> memref<80x128xf32, #tpu.memory_space<hbm>>
      %dma_start3A_124 = arith.constant 0 : i32
      %dma_start3A_125 = arith.constant 0 : i32
      %dma_start3A_126 = tpu.memref_slice %arg6[%add3A_120, %dma_start3A_124, %dma_start3A_125] : memref<4096x80x128xf32, #tpu.memory_space<hbm>> -> memref<1x80x128xf32, #tpu.memory_space<hbm>>
      %dma_start3A_127 = tpu.memref_squeeze %dma_start3A_126 : memref<1x80x128xf32, #tpu.memory_space<hbm>> -> memref<80x128xf32, #tpu.memory_space<hbm>>
      tpu.enqueue_dma source(%dma_start3A_127 : memref<80x128xf32, #tpu.memory_space<hbm>>) target(%arg12 : memref<80x128xf32, #tpu.memory_space<vmem>>) target_semaphore(%arg14 : memref<!tpu.dma_semaphore, #tpu.memory_space<semaphore_mem>>)
      %add3A_128 = arith.constant 1 : i32
      %add3A_129 = arith.addi %add3A_120, %add3A_128 : i32
      %dma_start3A_130 = arith.constant 0 : i32
      %dma_start3A_131 = arith.constant 0 : i32
      %dma_start3A_132 = tpu.memref_slice %arg6[%add3A_129, %dma_start3A_130, %dma_start3A_131] : memref<4096x80x128xf32, #tpu.memory_space<hbm>> -> memref<1x80x128xf32, #tpu.memory_space<hbm>>
      %dma_start3A_133 = tpu.memref_squeeze %dma_start3A_132 : memref<1x80x128xf32, #tpu.memory_space<hbm>> -> memref<80x128xf32, #tpu.memory_space<hbm>>
      %dma_start3A_134 = arith.constant 0 : i32
      %dma_start3A_135 = arith.constant 0 : i32
      %dma_start3A_136 = tpu.memref_slice %arg6[%add3A_129, %dma_start3A_134, %dma_start3A_135] : memref<4096x80x128xf32, #tpu.memory_space<hbm>> -> memref<1x80x128xf32, #tpu.memory_space<hbm>>
      %dma_start3A_137 = tpu.memref_squeeze %dma_start3A_136 : memref<1x80x128xf32, #tpu.memory_space<hbm>> -> memref<80x128xf32, #tpu.memory_space<hbm>>
      tpu.enqueue_dma source(%dma_start3A_137 : memref<80x128xf32, #tpu.memory_space<hbm>>) target(%arg13 : memref<80x128xf32, #tpu.memory_space<vmem>>) target_semaphore(%arg15 : memref<!tpu.dma_semaphore, #tpu.memory_space<semaphore_mem>>)
      %scan3A_138 = arith.constant 0 : i32
      %scan3A_139 = arith.constant 0 : i32
      %scan3A_140 = arith.constant 16 : i32
      %scan3A_141 = arith.addi %scan3A_139, %scan3A_140 : i32
      %scan3A_142 = arith.constant 1 : i32
      %scan3A_143 = scf.for %scan3A_146 = %scan3A_139 to %scan3A_141 step %scan3A_142 iter_args(%scan3A_147 = %scan3A_138) -> (i32)  : i32 {
        %mul3A_148 = arith.constant 2 : i32
        %mul3A_149 = arith.muli %mul3A_148, %scan3A_146 : i32
        %add3A_150 = arith.addi %add3A_120, %mul3A_149 : i32
        %dma_wait3A = arith.constant 0 : i32
        %dma_wait3A_151 = arith.constant 0 : i32
        %dma_wait3A_152 = tpu.memref_slice %arg6[%add3A_150, %dma_wait3A, %dma_wait3A_151] : memref<4096x80x128xf32, #tpu.memory_space<hbm>> -> memref<1x80x128xf32, #tpu.memory_space<hbm>>
        %dma_wait3A_153 = tpu.memref_squeeze %dma_wait3A_152 : memref<1x80x128xf32, #tpu.memory_space<hbm>> -> memref<80x128xf32, #tpu.memory_space<hbm>>
        %dma_wait3A_154 = arith.constant 0 : i32
        %dma_wait3A_155 = arith.constant 0 : i32
        %dma_wait3A_156 = tpu.memref_slice %arg6[%add3A_150, %dma_wait3A_154, %dma_wait3A_155] : memref<4096x80x128xf32, #tpu.memory_space<hbm>> -> memref<1x80x128xf32, #tpu.memory_space<hbm>>
        %dma_wait3A_157 = tpu.memref_squeeze %dma_wait3A_156 : memref<1x80x128xf32, #tpu.memory_space<hbm>> -> memref<80x128xf32, #tpu.memory_space<hbm>>
        tpu.wait_dma2 semaphore(%arg14 : memref<!tpu.dma_semaphore, #tpu.memory_space<semaphore_mem>>) src(%dma_wait3A_157 : memref<80x128xf32, #tpu.memory_space<hbm>>) dst(%arg12 : memref<80x128xf32, #tpu.memory_space<vmem>>)
        %mul3A_158 = arith.constant 80 : i32
        %mul3A_159 = arith.muli %mul3A_149, %mul3A_158 : i32
        "tpu.region"() ({
          %run_scoped3A = tpu.sem_alloc : memref<!tpu.dma_semaphore, #tpu.memory_space<semaphore_mem>>
          %dma_start3A_183 = tpu.memref_slice %arg10[%mul3A_159] : memref<2560xi32, #tpu.memory_space<vmem>> -> memref<80xi32, #tpu.memory_space<vmem>>
          %dma_start3A_184 = arith.constant 0 : i32
          %dma_start3A_185 = arith.constant 0 : i32
          %dma_start3A_186 = tpu.memref_slice %arg18[%dma_start3A_184, %dma_start3A_185] : memref<10240x128xf32, #tpu.memory_space<vmem_shared>> -> memref<10240x128xf32, #tpu.memory_space<vmem_shared>>
          tpu.enqueue_indirect_dma source(%arg12 : memref<80x128xf32, #tpu.memory_space<vmem>>) target(%dma_start3A_186 : memref<10240x128xf32, #tpu.memory_space<vmem_shared>>) offsets(%dma_start3A_183 : memref<80xi32, #tpu.memory_space<vmem>>) semaphore(%run_scoped3A : memref<!tpu.dma_semaphore, #tpu.memory_space<semaphore_mem>>) {add = true}
          %dma_wait3A_187 = tpu.memref_slice %arg10[%mul3A_159] : memref<2560xi32, #tpu.memory_space<vmem>> -> memref<80xi32, #tpu.memory_space<vmem>>
          %dma_wait3A_188 = arith.constant 0 : i32
          %dma_wait3A_189 = arith.constant 0 : i32
          %dma_wait3A_190 = tpu.memref_slice %arg18[%dma_wait3A_188, %dma_wait3A_189] : memref<10240x128xf32, #tpu.memory_space<vmem_shared>> -> memref<10240x128xf32, #tpu.memory_space<vmem_shared>>
          tpu.wait_indirect_dma semaphore(%run_scoped3A : memref<!tpu.dma_semaphore, #tpu.memory_space<semaphore_mem>>) src(%arg12 : memref<80x128xf32, #tpu.memory_space<vmem>>) dst(%dma_wait3A_190 : memref<10240x128xf32, #tpu.memory_space<vmem_shared>>)
          tpu.yield
        }) : () -> ()
        %lt3A = arith.constant 15 : i32
        %lt3A_160 = arith.cmpi slt, %scan3A_146, %lt3A : i32
        %convert_element_type3A = arith.extui %lt3A_160 : i1 to i32
        %cond3A = arith.constant 0 : i32
        %cond3A_161 = arith.cmpi ne, %convert_element_type3A, %cond3A : i32
        scf.if %cond3A_161 {
          %add3A_183 = arith.addi %add3A_120, %mul3A_149 : i32
          %add3A_184 = arith.constant 2 : i32
          %add3A_185 = arith.addi %add3A_183, %add3A_184 : i32
          %dma_start3A_186 = arith.constant 0 : i32
          %dma_start3A_187 = arith.constant 0 : i32
          %dma_start3A_188 = tpu.memref_slice %arg6[%add3A_185, %dma_start3A_186, %dma_start3A_187] : memref<4096x80x128xf32, #tpu.memory_space<hbm>> -> memref<1x80x128xf32, #tpu.memory_space<hbm>>
          %dma_start3A_189 = tpu.memref_squeeze %dma_start3A_188 : memref<1x80x128xf32, #tpu.memory_space<hbm>> -> memref<80x128xf32, #tpu.memory_space<hbm>>
          %dma_start3A_190 = arith.constant 0 : i32
          %dma_start3A_191 = arith.constant 0 : i32
          %dma_start3A_192 = tpu.memref_slice %arg6[%add3A_185, %dma_start3A_190, %dma_start3A_191] : memref<4096x80x128xf32, #tpu.memory_space<hbm>> -> memref<1x80x128xf32, #tpu.memory_space<hbm>>
          %dma_start3A_193 = tpu.memref_squeeze %dma_start3A_192 : memref<1x80x128xf32, #tpu.memory_space<hbm>> -> memref<80x128xf32, #tpu.memory_space<hbm>>
          tpu.enqueue_dma source(%dma_start3A_193 : memref<80x128xf32, #tpu.memory_space<hbm>>) target(%arg12 : memref<80x128xf32, #tpu.memory_space<vmem>>) target_semaphore(%arg14 : memref<!tpu.dma_semaphore, #tpu.memory_space<semaphore_mem>>)
        } else {
        }
        %add3A_162 = arith.addi %add3A_120, %mul3A_149 : i32
        %add3A_163 = arith.constant 1 : i32
        %add3A_164 = arith.addi %add3A_162, %add3A_163 : i32
        %dma_wait3A_165 = arith.constant 0 : i32
        %dma_wait3A_166 = arith.constant 0 : i32
        %dma_wait3A_167 = tpu.memref_slice %arg6[%add3A_164, %dma_wait3A_165, %dma_wait3A_166] : memref<4096x80x128xf32, #tpu.memory_space<hbm>> -> memref<1x80x128xf32, #tpu.memory_space<hbm>>
        %dma_wait3A_168 = tpu.memref_squeeze %dma_wait3A_167 : memref<1x80x128xf32, #tpu.memory_space<hbm>> -> memref<80x128xf32, #tpu.memory_space<hbm>>
        %dma_wait3A_169 = arith.constant 0 : i32
        %dma_wait3A_170 = arith.constant 0 : i32
        %dma_wait3A_171 = tpu.memref_slice %arg6[%add3A_164, %dma_wait3A_169, %dma_wait3A_170] : memref<4096x80x128xf32, #tpu.memory_space<hbm>> -> memref<1x80x128xf32, #tpu.memory_space<hbm>>
        %dma_wait3A_172 = tpu.memref_squeeze %dma_wait3A_171 : memref<1x80x128xf32, #tpu.memory_space<hbm>> -> memref<80x128xf32, #tpu.memory_space<hbm>>
        tpu.wait_dma2 semaphore(%arg15 : memref<!tpu.dma_semaphore, #tpu.memory_space<semaphore_mem>>) src(%dma_wait3A_172 : memref<80x128xf32, #tpu.memory_space<hbm>>) dst(%arg13 : memref<80x128xf32, #tpu.memory_space<vmem>>)
        %add3A_173 = arith.constant 1 : i32
        %add3A_174 = arith.addi %mul3A_149, %add3A_173 : i32
        %mul3A_175 = arith.constant 80 : i32
        %mul3A_176 = arith.muli %add3A_174, %mul3A_175 : i32
        "tpu.region"() ({
          %run_scoped3A = tpu.sem_alloc : memref<!tpu.dma_semaphore, #tpu.memory_space<semaphore_mem>>
          %dma_start3A_183 = tpu.memref_slice %arg10[%mul3A_176] : memref<2560xi32, #tpu.memory_space<vmem>> -> memref<80xi32, #tpu.memory_space<vmem>>
          %dma_start3A_184 = arith.constant 0 : i32
          %dma_start3A_185 = arith.constant 0 : i32
          %dma_start3A_186 = tpu.memref_slice %arg18[%dma_start3A_184, %dma_start3A_185] : memref<10240x128xf32, #tpu.memory_space<vmem_shared>> -> memref<10240x128xf32, #tpu.memory_space<vmem_shared>>
          tpu.enqueue_indirect_dma source(%arg13 : memref<80x128xf32, #tpu.memory_space<vmem>>) target(%dma_start3A_186 : memref<10240x128xf32, #tpu.memory_space<vmem_shared>>) offsets(%dma_start3A_183 : memref<80xi32, #tpu.memory_space<vmem>>) semaphore(%run_scoped3A : memref<!tpu.dma_semaphore, #tpu.memory_space<semaphore_mem>>) {add = true}
          %dma_wait3A_187 = tpu.memref_slice %arg10[%mul3A_176] : memref<2560xi32, #tpu.memory_space<vmem>> -> memref<80xi32, #tpu.memory_space<vmem>>
          %dma_wait3A_188 = arith.constant 0 : i32
          %dma_wait3A_189 = arith.constant 0 : i32
          %dma_wait3A_190 = tpu.memref_slice %arg18[%dma_wait3A_188, %dma_wait3A_189] : memref<10240x128xf32, #tpu.memory_space<vmem_shared>> -> memref<10240x128xf32, #tpu.memory_space<vmem_shared>>
          tpu.wait_indirect_dma semaphore(%run_scoped3A : memref<!tpu.dma_semaphore, #tpu.memory_space<semaphore_mem>>) src(%arg13 : memref<80x128xf32, #tpu.memory_space<vmem>>) dst(%dma_wait3A_190 : memref<10240x128xf32, #tpu.memory_space<vmem_shared>>)
          tpu.yield
        }) : () -> ()
        %lt3A_177 = arith.constant 15 : i32
        %lt3A_178 = arith.cmpi slt, %scan3A_146, %lt3A_177 : i32
        %convert_element_type3A_179 = arith.extui %lt3A_178 : i1 to i32
        %cond3A_180 = arith.constant 0 : i32
        %cond3A_181 = arith.cmpi ne, %convert_element_type3A_179, %cond3A_180 : i32
        scf.if %cond3A_181 {
          %add3A_183 = arith.addi %add3A_120, %mul3A_149 : i32
          %add3A_184 = arith.constant 3 : i32
          %add3A_185 = arith.addi %add3A_183, %add3A_184 : i32
          %dma_start3A_186 = arith.constant 0 : i32
          %dma_start3A_187 = arith.constant 0 : i32
          %dma_start3A_188 = tpu.memref_slice %arg6[%add3A_185, %dma_start3A_186, %dma_start3A_187] : memref<4096x80x128xf32, #tpu.memory_space<hbm>> -> memref<1x80x128xf32, #tpu.memory_space<hbm>>
          %dma_start3A_189 = tpu.memref_squeeze %dma_start3A_188 : memref<1x80x128xf32, #tpu.memory_space<hbm>> -> memref<80x128xf32, #tpu.memory_space<hbm>>
          %dma_start3A_190 = arith.constant 0 : i32
          %dma_start3A_191 = arith.constant 0 : i32
          %dma_start3A_192 = tpu.memref_slice %arg6[%add3A_185, %dma_start3A_190, %dma_start3A_191] : memref<4096x80x128xf32, #tpu.memory_space<hbm>> -> memref<1x80x128xf32, #tpu.memory_space<hbm>>
          %dma_start3A_193 = tpu.memref_squeeze %dma_start3A_192 : memref<1x80x128xf32, #tpu.memory_space<hbm>> -> memref<80x128xf32, #tpu.memory_space<hbm>>
          tpu.enqueue_dma source(%dma_start3A_193 : memref<80x128xf32, #tpu.memory_space<hbm>>) target(%arg13 : memref<80x128xf32, #tpu.memory_space<vmem>>) target_semaphore(%arg15 : memref<!tpu.dma_semaphore, #tpu.memory_space<semaphore_mem>>)
        } else {
        }
        %scan3A_182 = arith.constant 0 : i32
        scf.yield %scan3A_182 : i32
      }
      %scan3A_144 = arith.constant 16 : i32
      %scan3A_145 = arith.constant 0 : i32
      scf.yield %scan3A_145 : i32
    }
    %scan3A_101 = arith.constant 4 : i32
    %barrier3A_102 = arith.constant 0 : index
    tpu.barrier barrier_id(%barrier3A_102)
    %mul3A_103 = arith.constant 640 : i32
    %mul3A_104 = arith.muli %arg1, %mul3A_103 : i32
    %mul3A_105 = arith.constant 640 : i32
    %mul3A_106 = arith.muli %arg1, %mul3A_105 : i32
    "tpu.region"() ({
      %run_scoped3A = tpu.sem_alloc : memref<!tpu.dma_semaphore, #tpu.memory_space<semaphore_mem>>
      %dma_start3A = arith.constant 0 : i32
      %dma_start3A_107 = tpu.memref_slice %arg8[%arg0, %mul3A_106, %dma_start3A] : memref<2x10240x128xf32, #tpu.memory_space<hbm>> -> memref<1x640x128xf32, #tpu.memory_space<hbm>>
      %dma_start3A_108 = tpu.memref_squeeze %dma_start3A_107 : memref<1x640x128xf32, #tpu.memory_space<hbm>> -> memref<640x128xf32, #tpu.memory_space<hbm>>
      %dma_start3A_109 = arith.constant 0 : i32
      %dma_start3A_110 = tpu.memref_slice %arg18[%mul3A_104, %dma_start3A_109] : memref<10240x128xf32, #tpu.memory_space<vmem_shared>> -> memref<640x128xf32, #tpu.memory_space<vmem_shared>>
      tpu.enqueue_dma source(%dma_start3A_110 : memref<640x128xf32, #tpu.memory_space<vmem_shared>>) target(%dma_start3A_108 : memref<640x128xf32, #tpu.memory_space<hbm>>) target_semaphore(%run_scoped3A : memref<!tpu.dma_semaphore, #tpu.memory_space<semaphore_mem>>)
      %dma_wait3A = arith.constant 0 : i32
      %dma_wait3A_111 = tpu.memref_slice %arg8[%arg0, %mul3A_106, %dma_wait3A] : memref<2x10240x128xf32, #tpu.memory_space<hbm>> -> memref<1x640x128xf32, #tpu.memory_space<hbm>>
      %dma_wait3A_112 = tpu.memref_squeeze %dma_wait3A_111 : memref<1x640x128xf32, #tpu.memory_space<hbm>> -> memref<640x128xf32, #tpu.memory_space<hbm>>
      %dma_wait3A_113 = arith.constant 0 : i32
      %dma_wait3A_114 = tpu.memref_slice %arg18[%mul3A_104, %dma_wait3A_113] : memref<10240x128xf32, #tpu.memory_space<vmem_shared>> -> memref<640x128xf32, #tpu.memory_space<vmem_shared>>
      tpu.wait_dma2 semaphore(%run_scoped3A : memref<!tpu.dma_semaphore, #tpu.memory_space<semaphore_mem>>) src(%dma_wait3A_114 : memref<640x128xf32, #tpu.memory_space<vmem_shared>>) dst(%dma_wait3A_112 : memref<640x128xf32, #tpu.memory_space<hbm>>)
      tpu.yield
    }) : () -> ()
    return
  }
}

#map = affine_map<(d0, d1) -> (0)>
#map1 = affine_map<(d0, d1) -> (0, 0)>
module attributes {stable_mosaic.version = 14 : i64} {
  func.func @_deg_sc_body(%arg0: i32, %arg1: i32, %arg2: memref<327680xi32, #tpu.memory_space<hbm>>, %arg3: memref<327680xf32, #tpu.memory_space<hbm>>, %arg4: memref<640xf32, #tpu.memory_space<hbm>>, %arg5: memref<2x10240xf32, #tpu.memory_space<hbm>>, %arg6: memref<10240xi32, #tpu.memory_space<vmem>>, %arg7: memref<10240xf32, #tpu.memory_space<vmem>>, %arg8: memref<10240xf32, #tpu.memory_space<vmem_shared>>) attributes {dimension_semantics = [#tpu.dimension_semantics<core_parallel>, #tpu.dimension_semantics<subcore_parallel>], iteration_bounds = array<i64: 2, 16>, scalar_prefetch = 0 : i64, scratch_operands = 3 : i64, tpu.core_type = #tpu.core_type<sc_vector_subcore>, window_params = [{transform_indices = #map}, {transform_indices = #map}, {transform_indices = #map}, {transform_indices = #map1}]} {
    %mul3A = arith.constant 16 : i32
    %mul3A_0 = arith.muli %arg0, %mul3A : i32
    %add3A = arith.addi %mul3A_0, %arg1 : i32
    %mul3A_1 = arith.constant 640 : i32
    %mul3A_2 = arith.muli %arg1, %mul3A_1 : i32
    "tpu.region"() ({
      %run_scoped3A = tpu.sem_alloc : memref<!tpu.dma_semaphore, #tpu.memory_space<semaphore_mem>>
      %dma_start3A = tpu.memref_slice %arg8[%mul3A_2] : memref<10240xf32, #tpu.memory_space<vmem_shared>> -> memref<640xf32, #tpu.memory_space<vmem_shared>>
      tpu.enqueue_dma source(%arg4 : memref<640xf32, #tpu.memory_space<hbm>>) target(%dma_start3A : memref<640xf32, #tpu.memory_space<vmem_shared>>) target_semaphore(%run_scoped3A : memref<!tpu.dma_semaphore, #tpu.memory_space<semaphore_mem>>)
      %dma_wait3A = tpu.memref_slice %arg8[%mul3A_2] : memref<10240xf32, #tpu.memory_space<vmem_shared>> -> memref<640xf32, #tpu.memory_space<vmem_shared>>
      tpu.wait_dma2 semaphore(%run_scoped3A : memref<!tpu.dma_semaphore, #tpu.memory_space<semaphore_mem>>) src(%arg4 : memref<640xf32, #tpu.memory_space<hbm>>) dst(%dma_wait3A : memref<640xf32, #tpu.memory_space<vmem_shared>>)
      tpu.yield
    }) : () -> ()
    %barrier3A = arith.constant 0 : index
    tpu.barrier barrier_id(%barrier3A)
    %mul3A_3 = arith.constant 10240 : i32
    %mul3A_4 = arith.muli %add3A, %mul3A_3 : i32
    "tpu.region"() ({
      %run_scoped3A = tpu.sem_alloc : memref<!tpu.dma_semaphore, #tpu.memory_space<semaphore_mem>>
      %dma_start3A = tpu.memref_slice %arg2[%mul3A_4] : memref<327680xi32, #tpu.memory_space<hbm>> -> memref<10240xi32, #tpu.memory_space<hbm>>
      %dma_start3A_18 = tpu.memref_slice %arg2[%mul3A_4] : memref<327680xi32, #tpu.memory_space<hbm>> -> memref<10240xi32, #tpu.memory_space<hbm>>
      tpu.enqueue_dma source(%dma_start3A_18 : memref<10240xi32, #tpu.memory_space<hbm>>) target(%arg6 : memref<10240xi32, #tpu.memory_space<vmem>>) target_semaphore(%run_scoped3A : memref<!tpu.dma_semaphore, #tpu.memory_space<semaphore_mem>>)
      %dma_wait3A = tpu.memref_slice %arg2[%mul3A_4] : memref<327680xi32, #tpu.memory_space<hbm>> -> memref<10240xi32, #tpu.memory_space<hbm>>
      %dma_wait3A_19 = tpu.memref_slice %arg2[%mul3A_4] : memref<327680xi32, #tpu.memory_space<hbm>> -> memref<10240xi32, #tpu.memory_space<hbm>>
      tpu.wait_dma2 semaphore(%run_scoped3A : memref<!tpu.dma_semaphore, #tpu.memory_space<semaphore_mem>>) src(%dma_wait3A_19 : memref<10240xi32, #tpu.memory_space<hbm>>) dst(%arg6 : memref<10240xi32, #tpu.memory_space<vmem>>)
      tpu.yield
    }) : () -> ()
    %mul3A_5 = arith.constant 10240 : i32
    %mul3A_6 = arith.muli %add3A, %mul3A_5 : i32
    "tpu.region"() ({
      %run_scoped3A = tpu.sem_alloc : memref<!tpu.dma_semaphore, #tpu.memory_space<semaphore_mem>>
      %dma_start3A = tpu.memref_slice %arg3[%mul3A_6] : memref<327680xf32, #tpu.memory_space<hbm>> -> memref<10240xf32, #tpu.memory_space<hbm>>
      %dma_start3A_18 = tpu.memref_slice %arg3[%mul3A_6] : memref<327680xf32, #tpu.memory_space<hbm>> -> memref<10240xf32, #tpu.memory_space<hbm>>
      tpu.enqueue_dma source(%dma_start3A_18 : memref<10240xf32, #tpu.memory_space<hbm>>) target(%arg7 : memref<10240xf32, #tpu.memory_space<vmem>>) target_semaphore(%run_scoped3A : memref<!tpu.dma_semaphore, #tpu.memory_space<semaphore_mem>>)
      %dma_wait3A = tpu.memref_slice %arg3[%mul3A_6] : memref<327680xf32, #tpu.memory_space<hbm>> -> memref<10240xf32, #tpu.memory_space<hbm>>
      %dma_wait3A_19 = tpu.memref_slice %arg3[%mul3A_6] : memref<327680xf32, #tpu.memory_space<hbm>> -> memref<10240xf32, #tpu.memory_space<hbm>>
      tpu.wait_dma2 semaphore(%run_scoped3A : memref<!tpu.dma_semaphore, #tpu.memory_space<semaphore_mem>>) src(%dma_wait3A_19 : memref<10240xf32, #tpu.memory_space<hbm>>) dst(%arg7 : memref<10240xf32, #tpu.memory_space<vmem>>)
      tpu.yield
    }) : () -> ()
    %scan3A = arith.constant 0 : i32
    %scan3A_7 = arith.constant 0 : i32
    %scan3A_8 = arith.constant 128 : i32
    %scan3A_9 = arith.addi %scan3A_7, %scan3A_8 : i32
    %scan3A_10 = arith.constant 1 : i32
    %scan3A_11 = scf.for %scan3A_18 = %scan3A_7 to %scan3A_9 step %scan3A_10 iter_args(%scan3A_19 = %scan3A) -> (i32)  : i32 {
      %mul3A_20 = arith.constant 80 : i32
      %mul3A_21 = arith.muli %scan3A_18, %mul3A_20 : i32
      "tpu.region"() ({
        %run_scoped3A = tpu.sem_alloc : memref<!tpu.dma_semaphore, #tpu.memory_space<semaphore_mem>>
        %dma_start3A = tpu.memref_slice %arg7[%mul3A_21] : memref<10240xf32, #tpu.memory_space<vmem>> -> memref<80xf32, #tpu.memory_space<vmem>>
        %dma_start3A_23 = tpu.memref_slice %arg6[%mul3A_21] : memref<10240xi32, #tpu.memory_space<vmem>> -> memref<80xi32, #tpu.memory_space<vmem>>
        %dma_start3A_24 = arith.constant 0 : i32
        %dma_start3A_25 = tpu.memref_slice %arg8[%dma_start3A_24] : memref<10240xf32, #tpu.memory_space<vmem_shared>> -> memref<10240xf32, #tpu.memory_space<vmem_shared>>
        tpu.enqueue_indirect_dma source(%dma_start3A : memref<80xf32, #tpu.memory_space<vmem>>) target(%dma_start3A_25 : memref<10240xf32, #tpu.memory_space<vmem_shared>>) offsets(%dma_start3A_23 : memref<80xi32, #tpu.memory_space<vmem>>) semaphore(%run_scoped3A : memref<!tpu.dma_semaphore, #tpu.memory_space<semaphore_mem>>) {add = true}
        %dma_wait3A = tpu.memref_slice %arg7[%mul3A_21] : memref<10240xf32, #tpu.memory_space<vmem>> -> memref<80xf32, #tpu.memory_space<vmem>>
        %dma_wait3A_26 = tpu.memref_slice %arg6[%mul3A_21] : memref<10240xi32, #tpu.memory_space<vmem>> -> memref<80xi32, #tpu.memory_space<vmem>>
        %dma_wait3A_27 = arith.constant 0 : i32
        %dma_wait3A_28 = tpu.memref_slice %arg8[%dma_wait3A_27] : memref<10240xf32, #tpu.memory_space<vmem_shared>> -> memref<10240xf32, #tpu.memory_space<vmem_shared>>
        tpu.wait_indirect_dma semaphore(%run_scoped3A : memref<!tpu.dma_semaphore, #tpu.memory_space<semaphore_mem>>) src(%dma_wait3A : memref<80xf32, #tpu.memory_space<vmem>>) dst(%dma_wait3A_28 : memref<10240xf32, #tpu.memory_space<vmem_shared>>)
        tpu.yield
      }) : () -> ()
      %scan3A_22 = arith.constant 0 : i32
      scf.yield %scan3A_22 : i32
    }
    %scan3A_12 = arith.constant 128 : i32
    %barrier3A_13 = arith.constant 0 : index
    tpu.barrier barrier_id(%barrier3A_13)
    %mul3A_14 = arith.constant 640 : i32
    %mul3A_15 = arith.muli %arg1, %mul3A_14 : i32
    %mul3A_16 = arith.constant 640 : i32
    %mul3A_17 = arith.muli %arg1, %mul3A_16 : i32
    "tpu.region"() ({
      %run_scoped3A = tpu.sem_alloc : memref<!tpu.dma_semaphore, #tpu.memory_space<semaphore_mem>>
      %dma_start3A = tpu.memref_slice %arg5[%arg0, %mul3A_17] : memref<2x10240xf32, #tpu.memory_space<hbm>> -> memref<1x640xf32, #tpu.memory_space<hbm>>
      %dma_start3A_18 = tpu.memref_squeeze %dma_start3A : memref<1x640xf32, #tpu.memory_space<hbm>> -> memref<640xf32, #tpu.memory_space<hbm>>
      %dma_start3A_19 = tpu.memref_slice %arg8[%mul3A_15] : memref<10240xf32, #tpu.memory_space<vmem_shared>> -> memref<640xf32, #tpu.memory_space<vmem_shared>>
      tpu.enqueue_dma source(%dma_start3A_19 : memref<640xf32, #tpu.memory_space<vmem_shared>>) target(%dma_start3A_18 : memref<640xf32, #tpu.memory_space<hbm>>) target_semaphore(%run_scoped3A : memref<!tpu.dma_semaphore, #tpu.memory_space<semaphore_mem>>)
      %dma_wait3A = tpu.memref_slice %arg5[%arg0, %mul3A_17] : memref<2x10240xf32, #tpu.memory_space<hbm>> -> memref<1x640xf32, #tpu.memory_space<hbm>>
      %dma_wait3A_20 = tpu.memref_squeeze %dma_wait3A : memref<1x640xf32, #tpu.memory_space<hbm>> -> memref<640xf32, #tpu.memory_space<hbm>>
      %dma_wait3A_21 = tpu.memref_slice %arg8[%mul3A_15] : memref<10240xf32, #tpu.memory_space<vmem_shared>> -> memref<640xf32, #tpu.memory_space<vmem_shared>>
      tpu.wait_dma2 semaphore(%run_scoped3A : memref<!tpu.dma_semaphore, #tpu.memory_space<semaphore_mem>>) src(%dma_wait3A_21 : memref<640xf32, #tpu.memory_space<vmem_shared>>) dst(%dma_wait3A_20 : memref<640xf32, #tpu.memory_space<hbm>>)
      tpu.yield
    }) : () -> ()
    return
  }
}

module attributes {stable_mosaic.version = 14 : i64} {
  func.func @_edge_feat_body(%arg0: i32, %arg1: memref<2560x16xf32, #tpu.memory_space<vmem>>, %arg2: memref<16x128xf32, #tpu.memory_space<vmem>>, %arg3: memref<128xf32, #tpu.memory_space<vmem>>, %arg4: memref<2560x128xf32, #tpu.memory_space<vmem>>, %arg5: memref<2560x1xf32, #tpu.memory_space<vmem>>) attributes {dimension_semantics = [#tpu.dimension_semantics<arbitrary>], iteration_bounds = array<i64: 128>, scalar_prefetch = 0 : i64, scratch_operands = 0 : i64, tpu.core_type = #tpu.core_type<tc>, window_params = [{transform_indices = @transform_0, window_bounds = array<i64: 2560, 16>}, {pipeline_mode = #tpu.pipeline_mode<synchronous>, transform_indices = @transform_1, window_bounds = array<i64: 16, 128>}, {pipeline_mode = #tpu.pipeline_mode<synchronous>, transform_indices = @transform_2, window_bounds = array<i64: 128>}, {transform_indices = @transform_3, window_bounds = array<i64: 2560, 128>}, {transform_indices = @transform_4, window_bounds = array<i64: 2560, 1>}]} {
    %get3A = arith.constant 0 : index
    %get3A_0 = arith.constant 0 : index
    %get3A_1 = vector.load %arg1[%get3A, %get3A_0] : memref<2560x16xf32, #tpu.memory_space<vmem>>, vector<2560x16xf32>
    %get3A_2 = arith.constant 0 : index
    %get3A_3 = arith.constant 0 : index
    %get3A_4 = vector.load %arg2[%get3A_2, %get3A_3] : memref<16x128xf32, #tpu.memory_space<vmem>>, vector<16x128xf32>
    %dot_general3A = arith.constant dense<0.000000e+00> : vector<2560x128xf32>
    %dot_general3A_5 = tpu.matmul %get3A_1, %get3A_4, %dot_general3A {dimension_numbers = #tpu.dot_dimension_numbers<[1], [0], [0], [1], [0, 0, 1, 1], [], []>, transpose_lhs_hint = false} : vector<2560x16xf32>, vector<16x128xf32>, vector<2560x128xf32> -> vector<2560x128xf32>
    %get3A_6 = arith.constant 0 : index
    %get3A_7 = vector.load %arg3[%get3A_6] : memref<128xf32, #tpu.memory_space<vmem>>, vector<128xf32>
    %broadcast_in_dim3A = vector.shape_cast %get3A_7 : vector<128xf32> to vector<1x128xf32>
    %add3A = vector.broadcast %broadcast_in_dim3A : vector<1x128xf32> to vector<2560x128xf32>
    %add3A_8 = arith.addf %dot_general3A_5, %add3A : vector<2560x128xf32>
    %max3A = arith.constant 0.000000e+00 : f32
    %max3A_9 = vector.broadcast %max3A : f32 to vector<2560x128xf32>
    %max3A_10 = arith.maximumf %add3A_8, %max3A_9 : vector<2560x128xf32>
    %swap3A = arith.constant 0 : index
    %swap3A_11 = arith.constant 0 : index
    %swap3A_12 = vector.load %arg4[%swap3A, %swap3A_11] : memref<2560x128xf32, #tpu.memory_space<vmem>>, vector<2560x128xf32>
    tpu.vector_store %arg4[%swap3A, %swap3A_11], %max3A_10 {strides = array<i32>} : memref<2560x128xf32, #tpu.memory_space<vmem>>, vector<2560x128xf32>,
    %lt3A = arith.constant 125 : i32
    %lt3A_13 = arith.cmpi slt, %arg0, %lt3A : i32
    %convert_element_type3A = arith.extui %lt3A_13 : i1 to i32
    %convert_element_type3A_14 = arith.sitofp %convert_element_type3A : i32 to f32
    %mul3A = arith.mulf %get3A_1, %get3A_1 : vector<2560x16xf32>
    %reduce_sum3A = arith.constant dense<0.000000e+00> : vector<2560xf32>
    %reduce_sum3A_15 = vector.multi_reduction <add>, %mul3A, %reduce_sum3A [1] : vector<2560x16xf32> to vector<2560xf32>
    %broadcast_in_dim3A_16 = vector.shape_cast %reduce_sum3A_15 : vector<2560xf32> to vector<2560x1xf32>
    %sqrt3A = math.sqrt %broadcast_in_dim3A_16 : vector<2560x1xf32>
    %mul3A_17 = vector.broadcast %convert_element_type3A_14 : f32 to vector<2560x1xf32>
    %mul3A_18 = arith.mulf %mul3A_17, %sqrt3A : vector<2560x1xf32>
    %swap3A_19 = arith.constant 0 : index
    %swap3A_20 = arith.constant 0 : index
    %swap3A_21 = vector.load %arg5[%swap3A_19, %swap3A_20] : memref<2560x1xf32, #tpu.memory_space<vmem>>, vector<2560x1xf32>
    tpu.vector_store %arg5[%swap3A_19, %swap3A_20], %mul3A_18 {strides = array<i32>} : memref<2560x1xf32, #tpu.memory_space<vmem>>, vector<2560x1xf32>,
    return
  }
  func.func @transform_0(%arg0: i32) -> (i32, i32) {
    %min3A = arith.constant 124 : i32
    %min3A_0 = arith.minsi %arg0, %min3A : i32
    %c0_i32 = arith.constant 0 : i32
    %c0_i32_1 = arith.constant 0 : i32
    return %min3A_0, %c0_i32 : i32, i32
  }
  func.func @transform_1(%arg0: i32) -> (i32, i32) {
    %c0_i32 = arith.constant 0 : i32
    %c0_i32_0 = arith.constant 0 : i32
    %c0_i32_1 = arith.constant 0 : i32
    return %c0_i32, %c0_i32_0 : i32, i32
  }
  func.func @transform_2(%arg0: i32) -> i32 {
    %c0_i32 = arith.constant 0 : i32
    %c0_i32_0 = arith.constant 0 : i32
    return %c0_i32 : i32
  }
  func.func @transform_3(%arg0: i32) -> (i32, i32) {
    %c0_i32 = arith.constant 0 : i32
    %c0_i32_0 = arith.constant 0 : i32
    return %arg0, %c0_i32 : i32, i32
  }
  func.func @transform_4(%arg0: i32) -> (i32, i32) {
    %c0_i32 = arith.constant 0 : i32
    %c0_i32_0 = arith.constant 0 : i32
    return %arg0, %c0_i32 : i32, i32
  }
}

module attributes {stable_mosaic.version = 14 : i64} {
  func.func @_ln_matmul_body(%arg0: memref<10000x128xf32, #tpu.memory_space<vmem>>, %arg1: memref<128x128xf32, #tpu.memory_space<vmem>>, %arg2: memref<128xf32, #tpu.memory_space<vmem>>, %arg3: memref<128xf32, #tpu.memory_space<vmem>>, %arg4: memref<10000x128xf32, #tpu.memory_space<vmem>>) attributes {dimension_semantics = [], scalar_prefetch = 0 : i64, scratch_operands = 0 : i64, tpu.core_type = #tpu.core_type<tc>} {
    %get3A = arith.constant 0 : index
    %get3A_0 = arith.constant 0 : index
    %get3A_1 = vector.load %arg0[%get3A, %get3A_0] : memref<10000x128xf32, #tpu.memory_space<vmem>>, vector<10000x128xf32>
    %reduce_sum3A = arith.constant dense<0.000000e+00> : vector<10000xf32>
    %reduce_sum3A_2 = vector.multi_reduction <add>, %get3A_1, %reduce_sum3A [1] : vector<10000x128xf32> to vector<10000xf32>
    %broadcast_in_dim3A = vector.shape_cast %reduce_sum3A_2 : vector<10000xf32> to vector<10000x1xf32>
    %div3A = arith.constant 1.280000e+02 : f32
    %div3A_3 = vector.broadcast %div3A : f32 to vector<10000x1xf32>
    %div3A_4 = arith.divf %broadcast_in_dim3A, %div3A_3 : vector<10000x1xf32>
    %sub3A = vector.broadcast %div3A_4 : vector<10000x1xf32> to vector<10000x128xf32>
    %sub3A_5 = arith.subf %get3A_1, %sub3A : vector<10000x128xf32>
    %integer_pow3A = arith.mulf %sub3A_5, %sub3A_5 : vector<10000x128xf32>
    %reduce_sum3A_6 = arith.constant dense<0.000000e+00> : vector<10000xf32>
    %reduce_sum3A_7 = vector.multi_reduction <add>, %integer_pow3A, %reduce_sum3A_6 [1] : vector<10000x128xf32> to vector<10000xf32>
    %broadcast_in_dim3A_8 = vector.shape_cast %reduce_sum3A_7 : vector<10000xf32> to vector<10000x1xf32>
    %div3A_9 = arith.constant 1.280000e+02 : f32
    %div3A_10 = vector.broadcast %div3A_9 : f32 to vector<10000x1xf32>
    %div3A_11 = arith.divf %broadcast_in_dim3A_8, %div3A_10 : vector<10000x1xf32>
    %sub3A_12 = vector.broadcast %div3A_4 : vector<10000x1xf32> to vector<10000x128xf32>
    %sub3A_13 = arith.subf %get3A_1, %sub3A_12 : vector<10000x128xf32>
    %add3A = arith.constant 9.99999974E-6 : f32
    %add3A_14 = vector.broadcast %add3A : f32 to vector<10000x1xf32>
    %add3A_15 = arith.addf %div3A_11, %add3A_14 : vector<10000x1xf32>
    %rsqrt3A = math.rsqrt %add3A_15 : vector<10000x1xf32>
    %mul3A = vector.broadcast %rsqrt3A : vector<10000x1xf32> to vector<10000x128xf32>
    %mul3A_16 = arith.mulf %sub3A_13, %mul3A : vector<10000x128xf32>
    %get3A_17 = arith.constant 0 : index
    %get3A_18 = vector.load %arg2[%get3A_17] : memref<128xf32, #tpu.memory_space<vmem>>, vector<128xf32>
    %broadcast_in_dim3A_19 = vector.shape_cast %get3A_18 : vector<128xf32> to vector<1x128xf32>
    %mul3A_20 = vector.broadcast %broadcast_in_dim3A_19 : vector<1x128xf32> to vector<10000x128xf32>
    %mul3A_21 = arith.mulf %mul3A_16, %mul3A_20 : vector<10000x128xf32>
    %get3A_22 = arith.constant 0 : index
    %get3A_23 = vector.load %arg3[%get3A_22] : memref<128xf32, #tpu.memory_space<vmem>>, vector<128xf32>
    %broadcast_in_dim3A_24 = vector.shape_cast %get3A_23 : vector<128xf32> to vector<1x128xf32>
    %add3A_25 = vector.broadcast %broadcast_in_dim3A_24 : vector<1x128xf32> to vector<10000x128xf32>
    %add3A_26 = arith.addf %mul3A_21, %add3A_25 : vector<10000x128xf32>
    %get3A_27 = arith.constant 0 : index
    %get3A_28 = arith.constant 0 : index
    %get3A_29 = vector.load %arg1[%get3A_27, %get3A_28] : memref<128x128xf32, #tpu.memory_space<vmem>>, vector<128x128xf32>
    %dot_general3A = arith.constant dense<0.000000e+00> : vector<10000x128xf32>
    %dot_general3A_30 = tpu.matmul %add3A_26, %get3A_29, %dot_general3A {dimension_numbers = #tpu.dot_dimension_numbers<[1], [0], [0], [1], [0, 0, 1, 1], [], []>, transpose_lhs_hint = false} : vector<10000x128xf32>, vector<128x128xf32>, vector<10000x128xf32> -> vector<10000x128xf32>
    %swap3A = arith.constant 0 : index
    %swap3A_31 = arith.constant 0 : index
    %swap3A_32 = vector.load %arg4[%swap3A, %swap3A_31] : memref<10000x128xf32, #tpu.memory_space<vmem>>, vector<10000x128xf32>
    tpu.vector_store %arg4[%swap3A, %swap3A_31], %dot_general3A_30 {strides = array<i32>} : memref<10000x128xf32, #tpu.memory_space<vmem>>, vector<10000x128xf32>,
    return
  }
}

module attributes {stable_mosaic.version = 14 : i64} {
  func.func @_scale_table_body(%arg0: i32, %arg1: memref<2048x128xf32, #tpu.memory_space<vmem>>, %arg2: memref<2x2048xf32, #tpu.memory_space<vmem>>, %arg3: memref<2048x128xf32, #tpu.memory_space<vmem>>) attributes {dimension_semantics = [#tpu.dimension_semantics<arbitrary>], iteration_bounds = array<i64: 5>, scalar_prefetch = 0 : i64, scratch_operands = 0 : i64, tpu.core_type = #tpu.core_type<tc>, window_params = [{transform_indices = @transform_0, window_bounds = array<i64: 2048, 128>}, {transform_indices = @transform_1, window_bounds = array<i64: 2, 2048>}, {transform_indices = @transform_2, window_bounds = array<i64: 2048, 128>}]} {
    %get3A = arith.constant 0 : index
    %get3A_0 = arith.constant 0 : index
    %get3A_1 = vector.load %arg2[%get3A, %get3A_0] : memref<2x2048xf32, #tpu.memory_space<vmem>>, vector<1x2048xf32>
    %get3A_2 = vector.shape_cast %get3A_1 : vector<1x2048xf32> to vector<2048xf32>
    %add3A = arith.constant 1.000000e+00 : f32
    %add3A_3 = vector.broadcast %add3A : f32 to vector<2048xf32>
    %add3A_4 = arith.addf %add3A_3, %get3A_2 : vector<2048xf32>
    %get3A_5 = arith.constant 1 : index
    %get3A_6 = arith.constant 0 : index
    %get3A_7 = vector.load %arg2[%get3A_5, %get3A_6] : memref<2x2048xf32, #tpu.memory_space<vmem>>, vector<1x2048xf32>
    %get3A_8 = vector.shape_cast %get3A_7 : vector<1x2048xf32> to vector<2048xf32>
    %add3A_9 = arith.addf %add3A_4, %get3A_8 : vector<2048xf32>
    %get3A_10 = arith.constant 0 : index
    %get3A_11 = arith.constant 0 : index
    %get3A_12 = vector.load %arg1[%get3A_10, %get3A_11] : memref<2048x128xf32, #tpu.memory_space<vmem>>, vector<2048x128xf32>
    %rsqrt3A = math.rsqrt %add3A_9 : vector<2048xf32>
    %broadcast_in_dim3A = vector.shape_cast %rsqrt3A : vector<2048xf32> to vector<2048x1xf32>
    %mul3A = vector.broadcast %broadcast_in_dim3A : vector<2048x1xf32> to vector<2048x128xf32>
    %mul3A_13 = arith.mulf %get3A_12, %mul3A : vector<2048x128xf32>
    %swap3A = arith.constant 0 : index
    %swap3A_14 = arith.constant 0 : index
    %swap3A_15 = vector.load %arg3[%swap3A, %swap3A_14] : memref<2048x128xf32, #tpu.memory_space<vmem>>, vector<2048x128xf32>
    tpu.vector_store %arg3[%swap3A, %swap3A_14], %mul3A_13 {strides = array<i32>} : memref<2048x128xf32, #tpu.memory_space<vmem>>, vector<2048x128xf32>,
    return
  }
  func.func @transform_0(%arg0: i32) -> (i32, i32) {
    %c0_i32 = arith.constant 0 : i32
    %c0_i32_0 = arith.constant 0 : i32
    return %arg0, %c0_i32 : i32, i32
  }
  func.func @transform_1(%arg0: i32) -> (i32, i32) {
    %c0_i32 = arith.constant 0 : i32
    %c0_i32_0 = arith.constant 0 : i32
    return %c0_i32, %arg0 : i32, i32
  }
  func.func @transform_2(%arg0: i32) -> (i32, i32) {
    %c0_i32 = arith.constant 0 : i32
    %c0_i32_0 = arith.constant 0 : i32
    return %arg0, %c0_i32 : i32, i32
  }
}

module attributes {stable_mosaic.version = 14 : i64} {
  func.func @_finish_body(%arg0: i32, %arg1: memref<2x2048x128xf32, #tpu.memory_space<vmem>>, %arg2: memref<2x2048x128xf32, #tpu.memory_space<vmem>>, %arg3: memref<2048x128xf32, #tpu.memory_space<vmem>>, %arg4: memref<2x2048xf32, #tpu.memory_space<vmem>>, %arg5: memref<256x128xf32, #tpu.memory_space<vmem>>, %arg6: memref<128xf32, #tpu.memory_space<vmem>>, %arg7: memref<128xf32, #tpu.memory_space<vmem>>, %arg8: memref<16x128xf32, #tpu.memory_space<vmem>>, %arg9: memref<128xf32, #tpu.memory_space<vmem>>, %arg10: memref<2048x128xf32, #tpu.memory_space<vmem>>) attributes {dimension_semantics = [#tpu.dimension_semantics<arbitrary>], iteration_bounds = array<i64: 5>, scalar_prefetch = 0 : i64, scratch_operands = 0 : i64, tpu.core_type = #tpu.core_type<tc>, window_params = [{transform_indices = @transform_0, window_bounds = array<i64: 2, 2048, 128>}, {transform_indices = @transform_1, window_bounds = array<i64: 2, 2048, 128>}, {transform_indices = @transform_2, window_bounds = array<i64: 2048, 128>}, {transform_indices = @transform_3, window_bounds = array<i64: 2, 2048>}, {pipeline_mode = #tpu.pipeline_mode<synchronous>, transform_indices = @transform_4, window_bounds = array<i64: 256, 128>}, {pipeline_mode = #tpu.pipeline_mode<synchronous>, transform_indices = @transform_5, window_bounds = array<i64: 128>}, {pipeline_mode = #tpu.pipeline_mode<synchronous>, transform_indices = @transform_6, window_bounds = array<i64: 128>}, {pipeline_mode = #tpu.pipeline_mode<synchronous>, transform_indices = @transform_7, window_bounds = array<i64: 16, 128>}, {pipeline_mode = #tpu.pipeline_mode<synchronous>, transform_indices = @transform_8, window_bounds = array<i64: 128>}, {transform_indices = @transform_9, window_bounds = array<i64: 2048, 128>}]} {
    %get3A = arith.constant 0 : index
    %get3A_0 = arith.constant 0 : index
    %get3A_1 = vector.load %arg4[%get3A, %get3A_0] : memref<2x2048xf32, #tpu.memory_space<vmem>>, vector<1x2048xf32>
    %get3A_2 = vector.shape_cast %get3A_1 : vector<1x2048xf32> to vector<2048xf32>
    %add3A = arith.constant 1.000000e+00 : f32
    %add3A_3 = vector.broadcast %add3A : f32 to vector<2048xf32>
    %add3A_4 = arith.addf %add3A_3, %get3A_2 : vector<2048xf32>
    %get3A_5 = arith.constant 1 : index
    %get3A_6 = arith.constant 0 : index
    %get3A_7 = vector.load %arg4[%get3A_5, %get3A_6] : memref<2x2048xf32, #tpu.memory_space<vmem>>, vector<1x2048xf32>
    %get3A_8 = vector.shape_cast %get3A_7 : vector<1x2048xf32> to vector<2048xf32>
    %add3A_9 = arith.addf %add3A_4, %get3A_8 : vector<2048xf32>
    %rsqrt3A = math.rsqrt %add3A_9 : vector<2048xf32>
    %get3A_10 = arith.constant 0 : index
    %get3A_11 = arith.constant 0 : index
    %get3A_12 = arith.constant 0 : index
    %get3A_13 = vector.load %arg1[%get3A_10, %get3A_11, %get3A_12] : memref<2x2048x128xf32, #tpu.memory_space<vmem>>, vector<1x2048x128xf32>
    %get3A_14 = vector.shape_cast %get3A_13 : vector<1x2048x128xf32> to vector<2048x128xf32>
    %get3A_15 = arith.constant 1 : index
    %get3A_16 = arith.constant 0 : index
    %get3A_17 = arith.constant 0 : index
    %get3A_18 = vector.load %arg1[%get3A_15, %get3A_16, %get3A_17] : memref<2x2048x128xf32, #tpu.memory_space<vmem>>, vector<1x2048x128xf32>
    %get3A_19 = vector.shape_cast %get3A_18 : vector<1x2048x128xf32> to vector<2048x128xf32>
    %add3A_20 = arith.addf %get3A_14, %get3A_19 : vector<2048x128xf32>
    %broadcast_in_dim3A = vector.shape_cast %rsqrt3A : vector<2048xf32> to vector<2048x1xf32>
    %mul3A = vector.broadcast %broadcast_in_dim3A : vector<2048x1xf32> to vector<2048x128xf32>
    %mul3A_21 = arith.mulf %mul3A, %add3A_20 : vector<2048x128xf32>
    %get3A_22 = arith.constant 0 : index
    %get3A_23 = arith.constant 0 : index
    %get3A_24 = vector.load %arg3[%get3A_22, %get3A_23] : memref<2048x128xf32, #tpu.memory_space<vmem>>, vector<2048x128xf32>
    %div3A = arith.constant 1.000000e+00 : f32
    %div3A_25 = vector.broadcast %div3A : f32 to vector<2048xf32>
    %div3A_26 = arith.divf %div3A_25, %add3A_9 : vector<2048xf32>
    %broadcast_in_dim3A_27 = vector.shape_cast %div3A_26 : vector<2048xf32> to vector<2048x1xf32>
    %mul3A_28 = vector.broadcast %broadcast_in_dim3A_27 : vector<2048x1xf32> to vector<2048x128xf32>
    %mul3A_29 = arith.mulf %get3A_24, %mul3A_28 : vector<2048x128xf32>
    %add3A_30 = arith.addf %mul3A_21, %mul3A_29 : vector<2048x128xf32>
    %get3A_31 = arith.constant 0 : index
    %get3A_32 = vector.load %arg7[%get3A_31] : memref<128xf32, #tpu.memory_space<vmem>>, vector<128xf32>
    %broadcast_in_dim3A_33 = vector.shape_cast %get3A_32 : vector<128xf32> to vector<1x128xf32>
    %add3A_34 = vector.broadcast %broadcast_in_dim3A_33 : vector<1x128xf32> to vector<2048x128xf32>
    %add3A_35 = arith.addf %add3A_30, %add3A_34 : vector<2048x128xf32>
    %get3A_36 = arith.constant 0 : index
    %get3A_37 = arith.constant 0 : index
    %get3A_38 = vector.load %arg8[%get3A_36, %get3A_37] : memref<16x128xf32, #tpu.memory_space<vmem>>, vector<16x128xf32>
    %reduce_sum3A = arith.constant dense<0.000000e+00> : vector<128xf32>
    %reduce_sum3A_39 = vector.multi_reduction <add>, %get3A_38, %reduce_sum3A [0] : vector<16x128xf32> to vector<128xf32>
    %get3A_40 = arith.constant 0 : index
    %get3A_41 = vector.load %arg9[%get3A_40] : memref<128xf32, #tpu.memory_space<vmem>>, vector<128xf32>
    %add3A_42 = arith.addf %reduce_sum3A_39, %get3A_41 : vector<128xf32>
    %max3A = arith.constant 0.000000e+00 : f32
    %max3A_43 = vector.broadcast %max3A : f32 to vector<128xf32>
    %max3A_44 = arith.maximumf %add3A_42, %max3A_43 : vector<128xf32>
    %get3A_45 = arith.constant 0 : index
    %get3A_46 = arith.constant 0 : index
    %get3A_47 = arith.constant 0 : index
    %get3A_48 = vector.load %arg2[%get3A_45, %get3A_46, %get3A_47] : memref<2x2048x128xf32, #tpu.memory_space<vmem>>, vector<1x2048x128xf32>
    %get3A_49 = vector.shape_cast %get3A_48 : vector<1x2048x128xf32> to vector<2048x128xf32>
    %get3A_50 = arith.constant 1 : index
    %get3A_51 = arith.constant 0 : index
    %get3A_52 = arith.constant 0 : index
    %get3A_53 = vector.load %arg2[%get3A_50, %get3A_51, %get3A_52] : memref<2x2048x128xf32, #tpu.memory_space<vmem>>, vector<1x2048x128xf32>
    %get3A_54 = vector.shape_cast %get3A_53 : vector<1x2048x128xf32> to vector<2048x128xf32>
    %add3A_55 = arith.addf %get3A_49, %get3A_54 : vector<2048x128xf32>
    %broadcast_in_dim3A_56 = vector.shape_cast %max3A_44 : vector<128xf32> to vector<1x128xf32>
    %add3A_57 = vector.broadcast %broadcast_in_dim3A_56 : vector<1x128xf32> to vector<2048x128xf32>
    %add3A_58 = arith.addf %add3A_55, %add3A_57 : vector<2048x128xf32>
    %get3A_59 = arith.constant 0 : index
    %get3A_60 = arith.constant 0 : index
    %get3A_61 = vector.load %arg5[%get3A_59, %get3A_60] : memref<256x128xf32, #tpu.memory_space<vmem>>, vector<128x128xf32>
    %dot_general3A = arith.constant dense<0.000000e+00> : vector<2048x128xf32>
    %dot_general3A_62 = tpu.matmul %add3A_35, %get3A_61, %dot_general3A {dimension_numbers = #tpu.dot_dimension_numbers<[1], [0], [0], [1], [0, 0, 1, 1], [], []>, transpose_lhs_hint = false} : vector<2048x128xf32>, vector<128x128xf32>, vector<2048x128xf32> -> vector<2048x128xf32>
    %get3A_63 = arith.constant 128 : index
    %get3A_64 = arith.constant 0 : index
    %get3A_65 = vector.load %arg5[%get3A_63, %get3A_64] : memref<256x128xf32, #tpu.memory_space<vmem>>, vector<128x128xf32>
    %dot_general3A_66 = arith.constant dense<0.000000e+00> : vector<2048x128xf32>
    %dot_general3A_67 = tpu.matmul %add3A_58, %get3A_65, %dot_general3A_66 {dimension_numbers = #tpu.dot_dimension_numbers<[1], [0], [0], [1], [0, 0, 1, 1], [], []>, transpose_lhs_hint = false} : vector<2048x128xf32>, vector<128x128xf32>, vector<2048x128xf32> -> vector<2048x128xf32>
    %add3A_68 = arith.addf %dot_general3A_62, %dot_general3A_67 : vector<2048x128xf32>
    %get3A_69 = arith.constant 0 : index
    %get3A_70 = vector.load %arg6[%get3A_69] : memref<128xf32, #tpu.memory_space<vmem>>, vector<128xf32>
    %broadcast_in_dim3A_71 = vector.shape_cast %get3A_70 : vector<128xf32> to vector<1x128xf32>
    %add3A_72 = vector.broadcast %broadcast_in_dim3A_71 : vector<1x128xf32> to vector<2048x128xf32>
    %add3A_73 = arith.addf %add3A_68, %add3A_72 : vector<2048x128xf32>
    %logistic3A = arith.negf %add3A_73 : vector<2048x128xf32>
    %logistic3A_74 = math.exp %logistic3A : vector<2048x128xf32>
    %logistic3A_75 = arith.constant 1.000000e+00 : f32
    %logistic3A_76 = vector.broadcast %logistic3A_75 : f32 to vector<2048x128xf32>
    %logistic3A_77 = arith.addf %logistic3A_76, %logistic3A_74 : vector<2048x128xf32>
    %logistic3A_78 = arith.divf %logistic3A_76, %logistic3A_77 : vector<2048x128xf32>
    %mul3A_79 = arith.mulf %logistic3A_78, %add3A_35 : vector<2048x128xf32>
    %sub3A = arith.constant 1.000000e+00 : f32
    %sub3A_80 = vector.broadcast %sub3A : f32 to vector<2048x128xf32>
    %sub3A_81 = arith.subf %sub3A_80, %logistic3A_78 : vector<2048x128xf32>
    %mul3A_82 = arith.mulf %sub3A_81, %add3A_58 : vector<2048x128xf32>
    %add3A_83 = arith.addf %mul3A_79, %mul3A_82 : vector<2048x128xf32>
    %max3A_84 = arith.constant 0.000000e+00 : f32
    %max3A_85 = vector.broadcast %max3A_84 : f32 to vector<2048x128xf32>
    %max3A_86 = arith.maximumf %add3A_83, %max3A_85 : vector<2048x128xf32>
    %swap3A = arith.constant 0 : index
    %swap3A_87 = arith.constant 0 : index
    %swap3A_88 = vector.load %arg10[%swap3A, %swap3A_87] : memref<2048x128xf32, #tpu.memory_space<vmem>>, vector<2048x128xf32>
    tpu.vector_store %arg10[%swap3A, %swap3A_87], %max3A_86 {strides = array<i32>} : memref<2048x128xf32, #tpu.memory_space<vmem>>, vector<2048x128xf32>,
    return
  }
  func.func @transform_0(%arg0: i32) -> (i32, i32, i32) {
    %c0_i32 = arith.constant 0 : i32
    %c0_i32_0 = arith.constant 0 : i32
    %c0_i32_1 = arith.constant 0 : i32
    return %c0_i32, %arg0, %c0_i32_0 : i32, i32, i32
  }
  func.func @transform_1(%arg0: i32) -> (i32, i32, i32) {
    %c0_i32 = arith.constant 0 : i32
    %c0_i32_0 = arith.constant 0 : i32
    %c0_i32_1 = arith.constant 0 : i32
    return %c0_i32, %arg0, %c0_i32_0 : i32, i32, i32
  }
  func.func @transform_2(%arg0: i32) -> (i32, i32) {
    %c0_i32 = arith.constant 0 : i32
    %c0_i32_0 = arith.constant 0 : i32
    return %arg0, %c0_i32 : i32, i32
  }
  func.func @transform_3(%arg0: i32) -> (i32, i32) {
    %c0_i32 = arith.constant 0 : i32
    %c0_i32_0 = arith.constant 0 : i32
    return %c0_i32, %arg0 : i32, i32
  }
  func.func @transform_4(%arg0: i32) -> (i32, i32) {
    %c0_i32 = arith.constant 0 : i32
    %c0_i32_0 = arith.constant 0 : i32
    %c0_i32_1 = arith.constant 0 : i32
    return %c0_i32, %c0_i32_0 : i32, i32
  }
  func.func @transform_5(%arg0: i32) -> i32 {
    %c0_i32 = arith.constant 0 : i32
    %c0_i32_0 = arith.constant 0 : i32
    return %c0_i32 : i32
  }
  func.func @transform_6(%arg0: i32) -> i32 {
    %c0_i32 = arith.constant 0 : i32
    %c0_i32_0 = arith.constant 0 : i32
    return %c0_i32 : i32
  }
  func.func @transform_7(%arg0: i32) -> (i32, i32) {
    %c0_i32 = arith.constant 0 : i32
    %c0_i32_0 = arith.constant 0 : i32
    %c0_i32_1 = arith.constant 0 : i32
    return %c0_i32, %c0_i32_0 : i32, i32
  }
  func.func @transform_8(%arg0: i32) -> i32 {
    %c0_i32 = arith.constant 0 : i32
    %c0_i32_0 = arith.constant 0 : i32
    return %c0_i32 : i32
  }
  func.func @transform_9(%arg0: i32) -> (i32, i32) {
    %c0_i32 = arith.constant 0 : i32
    %c0_i32_0 = arith.constant 0 : i32
    return %arg0, %c0_i32 : i32, i32
  }
}

</mosaic_0001>

<sc_bundles>
// kernel: kernel.11.cloned.1.call-start
scs
__scs_entry_jumppad:
0x0: {  	(pc) =	sbr.rel $0x88, $3  }
0x1: {  	(tag) =	ssettag $0x0;
	lr =	simm.s32 $0x1  }
0x2: {  	[smem:$0x3F96] =	sst lr;
	_ =	strace $0xD0000000  }
0x3: {  	_ = 	snop  }
0x4: {  	_ = 	snop  }
0x5: {  	_ = 	snop  }
0x6: {  	_ = 	snop  }
0x7: {  	_ = 	snop  }
__scs_overlays_trampoline_lowered:
0x8: {  	[smem:$0x3FA5] =	sst s0  }
0x9: {  	[smem:$0x3FA6] =	sst s1  }
0xa: {  	[smem:$0x3FA7] =	sst s2  }
0xb: {  	[smem:$0x3FA8] =	sst s3  }
0xc: {  	[smem:$0x3FA9] =	sst s4  }
0xd: {  	[smem:$0x3FAA] =	sst s5  }
0xe: {  	[smem:$0x3FAB] =	sst s6  }
0xf: {  	[smem:$0x3FAC] =	sst s7  }
0x10: {  	[smem:$0x3FAD] =	sst s8  }
0x11: {  	[smem:$0x3FAE] =	sst s9;
	s0 =	simm.s32 @!p0 $0x0  }
0x12: {  	s1 =	sld [smem:$0x3F94];
	s0 =	simm.s32 @p0 $0x1  }
0x13: {  	[smem:$0x3FAF] =	sst s0;
	s0 =	simm.s32 @!p1 $0x0  }
0x14: {  	s2 =	sld [smem:$0x3F93];
	s0 =	simm.s32 @p1 $0x1  }
0x15: {  	[smem:$0x3FB0] =	sst s0;
	s0 =	simm.s32 @!p2 $0x0  }
0x16: {  	s3 =	sld [smem:$0x3FDB];
	s0 =	simm.s32 @p2 $0x1  }
0x17: {  	s4 =	simm.s32 $0x1BF5;
	[smem:$0x3FB2] =	sst s0  }
0x18: {  	s0 =	sld [smem:$0x3F95];
	_ =	swait.ge [sflag:s4], $0x0  }
0x19: {  	s7 =	sld [smem:$0x3F96]  }
0x1a: {  	s8 =	sadd.s32 $0xFFFFE003, lr  }
0x1b: {  	s9 =	sadd.s32 $0xFFFFFEF7, lr;
	s5 =	simm.s32 $0xFFFFFFFF;
	p2 =	slt.u32 s8, $0xFFFFF086  }
0x1c: {  	p1 =	slt.u32 s9, $0xF7A;
	s5 =	simm.s32 @!p2 $0x0  }
0x1d: {  	s5 =	simm.s32 @p1 $0x1;
	p0 =	seq.s32 s7, s2  }
0x1e: {  	s7 =	smul.u32 @!p0 $0xF7A, s2;
	p2 =	seq.s32 @!p0 s5, $0x0  }
0x1f: {  	s9 =	smul.u32 $0xF7A, s1;
	s8 =	simm.s32 @!p0 $0x1BF5;
	p2 =	por !p2, p0  }
0x20: {  	[sflag:s8] =	ssyncset.s32 @!p0 $0xFFFFF086;
	s6 =	sadd.s32 @!p0 s3, s7;
	s7 =	simm.s32 @!p0 $0x108  }
0x21: {  	s3 =	sadd.s32 s3, s9;
	s6 =	sadd.s32 @!p0 $0x88, s6;
	s7 =	simm.s32 @p2 $0x1082  }
0x22: {  	[simem:s7], [sflag:s8] =	dma.local @!p0 [hbm:s6], $0xF7A  }
0x23: {  	s9 =	sor.u32 $0xD0000000, s2;
	s6 =	simm.s32 $0x108;
	_ =	swait.ge @!p0 [sflag:s8], $0x0  }
0x24: {  	s3 =	sadd.s32 $0x88, s3;
	s6 =	simm.s32 @!p1 $0x1082;
	[sflag:s4] =	ssyncset.s32 $0xFFFFF086  }
0x25: {  	[simem:s6], [sflag:s4] =	dma.local [hbm:s3], $0xF7A  }
0x26: {  	[smem:$0x3F96] =	sst s1;
	(tag) =	ssettag s2;
	_ =	strace s9  }
0x27: {  	s1 =	sld [smem:$0x3FA6]  }
0x28: {  	s2 =	sld [smem:$0x3FA7]  }
0x29: {  	s4 =	sld [smem:$0x3FA9]  }
0x2a: {  	p0 =	seq.s32 s5, $0x0;
	s5 =	sld [smem:$0x3FAA]  }
0x2b: {  	s6 =	sld [smem:$0x3FAB]  }
0x2c: {  	s7 =	sld [smem:$0x3FAC]  }
0x2d: {  	s3 =	simm.s32 $0x108;
	s8 =	sld [smem:$0x3FAD]  }
0x2e: {  	s3 =	simm.s32 @!p0 $0x1082;
	s9 =	sld [smem:$0x3FAE]  }
0x2f: {  	lr =	sadd.s32 s0, s3;
	s0 =	sld [smem:$0x3FA5]  }
0x30: {  	s3 =	sld [smem:$0x3FA8]  }
0x31: {  	[smem:$0x3FB1] =	sst s10  }
0x32: {  	s10 =	sld [smem:$0x3FAF];
	_ =	sdelay $0x3  }
0x33: {  	p0 =	seq.s32 s10, $0x1;
	s10 =	sld [smem:$0x3FB1];
	_ =	sdelay $0x3  }
0x34: {  	[smem:$0x3FB1] =	sst s10  }
0x35: {  	s10 =	sld [smem:$0x3FB0];
	_ =	sdelay $0x3  }
0x36: {  	p1 =	seq.s32 s10, $0x1;
	s10 =	sld [smem:$0x3FB1];
	_ =	sdelay $0x3  }
0x37: {  	[smem:$0x3FB1] =	sst s10  }
0x38: {  	s10 =	sld [smem:$0x3FB2]  }
0x39: {  	_ = 	snop;
	(pc) =	sbr.ind lr, $3  }
0x3a: {  	_ = 	snop  }
0x3b: {  	_ = 	snop  }
0x3c: {  	p2 =	seq.s32 s10, $0x1;
	s10 =	sld [smem:$0x3FB1]  }
0x3d: {  	_ =	shalt  }
0x3e: {  	_ =	shalt  }
0x3f: {  	_ =	shalt  }
0x40: {  	_ =	shalt  }
0x41: {  	_ =	shalt  }
0x42: {  	_ =	shalt  }
0x43: {  	_ =	shalt  }
0x44: {  	_ =	shalt  }
0x45: {  	_ =	shalt  }
0x46: {  	_ =	shalt  }
0x47: {  	_ =	shalt  }
0x48: {  	_ =	shalt  }
0x49: {  	_ =	shalt  }
0x4a: {  	_ =	shalt  }
0x4b: {  	_ =	shalt  }
0x4c: {  	_ =	shalt  }
0x4d: {  	_ =	shalt  }
0x4e: {  	_ =	shalt  }
0x4f: {  	_ =	shalt  }
0x50: {  	_ =	shalt  }
0x51: {  	_ =	shalt  }
0x52: {  	_ =	shalt  }
0x53: {  	_ =	shalt  }
0x54: {  	_ =	shalt  }
0x55: {  	_ =	shalt  }
0x56: {  	_ =	shalt  }
0x57: {  	_ =	shalt  }
0x58: {  	_ =	shalt  }
0x59: {  	_ =	shalt  }
0x5a: {  	_ =	shalt  }
0x5b: {  	_ =	shalt  }
0x5c: {  	_ =	shalt  }
0x5d: {  	_ =	shalt  }
0x5e: {  	_ =	shalt  }
0x5f: {  	_ =	shalt  }
0x60: {  	_ =	shalt  }
0x61: {  	_ =	shalt  }
0x62: {  	_ =	shalt  }
0x63: {  	_ =	shalt  }
0x64: {  	_ =	shalt  }
0x65: {  	_ =	shalt  }
0x66: {  	_ =	shalt  }
0x67: {  	_ =	shalt  }
0x68: {  	_ =	shalt  }
0x69: {  	_ =	shalt  }
0x6a: {  	_ =	shalt  }
0x6b: {  	_ =	shalt  }
0x6c: {  	_ =	shalt  }
0x6d: {  	_ =	shalt  }
0x6e: {  	_ =	shalt  }
0x6f: {  	_ =	shalt  }
0x70: {  	_ =	shalt  }
0x71: {  	_ =	shalt  }
0x72: {  	_ =	shalt  }
0x73: {  	_ =	shalt  }
0x74: {  	_ =	shalt  }
0x75: {  	_ =	shalt  }
0x76: {  	_ =	shalt  }
0x77: {  	_ =	shalt  }
0x78: {  	_ =	shalt  }
0x79: {  	_ =	shalt  }
0x7a: {  	_ =	shalt  }
0x7b: {  	_ =	shalt  }
0x7c: {  	_ =	shalt  }
0x7d: {  	_ =	shalt  }
0x7e: {  	_ =	shalt  }
0x7f: {  	_ =	shalt  }
0x80: {  	_ =	shalt  }
0x81: {  	_ =	shalt  }
0x82: {  	_ =	shalt  }
0x83: {  	_ =	shalt  }
0x84: {  	_ =	shalt  }
0x85: {  	_ =	shalt  }
0x86: {  	_ =	shalt  }
0x87: {  	_ =	shalt  }
.Lfunc_end0:
.L_simem_size_0:
called_computation.1_lowered:
.L_overlay_start_0:
0x88: {  	s2 =	sld [smem:$0x3FD9]  }
0x89: {  	s3 =	sld [smem:$0x3FFE];
	_ =	sdelay $0x1  }
0x8a: {  	s1 =	srdreg.scid  }
0x8b: {  	s0 =	sand.u32 $0x1, s1  }
0x8c: {  	s17 =	sshll.u32 s0, $0xA;
	s2 =	sadd.s32 s3, s2  }
0x8d: {  	s2 =	sadd.s32 s2, s17  }
0x8e: {  	[smem:$0x3FBD] =	sst s2  }
0x8f: {  	_ = 	snop  }
0x90: {  	s2 =	sld [smem:$0x3FD0];
	(tm) =	ssettm $0x1  }
0x91: {  	s18 =	sld [smem:$0x3FFB];
	_ =	sdelay $0x3  }
0x92: {  	_ =	strace s18  }
0x93: {  	s3 =	sld [smem:$0x3FFC];
	_ =	sdelay $0x3  }
0x94: {  	_ =	strace s3  }
0x95: {  	s3 =	sld [smem:$0x3FFD];
	_ =	sdelay $0x3  }
0x96: {  	_ =	strace s3  }
0x97: {  	_ =	strace $0x8FFFFFFF  }
0x98: {  	s19 =	sld [smem:$0x3FDB];
	_ =	sdelay $0x1  }
0x99: {  	s4 =	simm.s32 $_scs_section_size  }
0x9a: {  	s5 =	simm.s32 $_size__tile_overlayer_lowered;
	s6 =	simm.s32 $_tile_overlayer_lowered  }
0x9b: {  	s22 =	simm.s32 $0x1BFF;
	s21 =	sshll.u32 s6, $0x1;
	s3 =	sadd.s32 s4, s19  }
0x9c: {  	s7 =	simm.s32 $0x0;
	s20 =	sshll.u32 s5, $0x1;
	s5 =	sadd.s32 s21, s3  }
0x9d: {  	[timem:s7], [sflag:s22] =	dma.local [hbm:s5], s20  }
0x9e: {  	_ =	swait.ge [sflag:s22], s20  }
0x9f: {  	s4 =	ssub.s32 $0x0, s20;
	[sflag:s22] =	ssyncset.done $0x0  }
0xa0: {  	[sflag:s22] =	ssyncadd.s32 s4;
	_ =	sdelay $0x1  }
0xa1: {  	s23 =	simm.s32 $0x1B8B  }
0xa2: {  	_ =	swait.ge [sflag:s23], $0x1  }
0xa3: {  	[sflag:s23] =	ssyncset.done $0x0  }
0xa4: {  	s25 =	simm.s32 $0x1B8E;
	s24 =	sld [smem:$0x3FFE];
	[sflag:s23] =	ssyncadd.s32 $0xFFFFFFFF  }
0xa5: {  	s26 =	simm.s32 $execute0_lowered;
	[smem:$0x3FD2] =	sst s25  }
0xa6: {  	s5 =	sshll.u32 s26, $0x1;
	_ =	strace $0x80000049;
	[dreg:$0x1] =	wrdreg $0xFFFFFFFF  }
0xa7: {  	s28 =	simm.s32 $_size_execute0_lowered;
	s3 =	sadd.s32 s3, s5;
	[dreg:$0x0] =	wrdreg $0x0  }
0xa8: {  	s5 =	sshll.u32 s28, $0x1;
	[dreg:$0x2] =	wrdreg s3  }
0xa9: {  	[dreg:$0x3] =	wrdreg s5  }
0xaa: {  	[dreg:$0x4] =	wrdreg $0xC0  }
0xab: {  	_ =	task [dreg:s7], $0x5FFFF  }
0xac: {  	[dreg:$0x1] =	wrdreg $0xFFFFFFFF  }
0xad: {  	[dreg:$0x0] =	wrdreg $0x60  }
0xae: {  	[dreg:$0x2] =	wrdreg s24  }
0xaf: {  	[dreg:$0x3] =	wrdreg s2  }
0xb0: {  	[dreg:$0x4] =	wrdreg $0x6E000  }
0xb1: {  	[dreg:$0x5] =	wrdreg $0x9  }
0xb2: {  	_ =	task.clear_ibuf [dreg:s7], $0x6FFFF;
	_ =	strace $0x90000049  }
0xb3: {  	s29 =	simm.s32 $0x9;
	_ =	strace $0x8000004B  }
0xb4: {  	_ =	swait.ge [sflag:s29], $0x1  }
0xb5: {  	[sflag:s29] =	ssyncadd.s32 $0xFFFFFFFF  }
0xb6: {  	_ =	strace $0x9000004B  }
0xb7: {  	_ =	sfence  }
0xb8: {  	s30 =	sld [smem:$0x0];
	_ =	sdelay $0x2  }
0xb9: {  	s31 =	sshll.u32 s1, $0xD;
	s1 =	sshrl.u32 s1, $0x2  }
0xba: {  	s3 =	sand.u32 $0x4000, s31;
	s1 =	sadd.s32 s1, s30  }
0xbb: {  	s0 =	sor.u32 s3, s0;
	s1 =	sshll.u32 s1, $0x11  }
0xbc: {  	s0 =	sor.u32 s1, s0  }
0xbd: {  	s0 =	sadd.s32 $0x8F2B, s0  }
0xbe: {  	[sflag:s0] =	ssyncadd.remote.s32 $0x1  }
0xbf: {  	_ =	sfence.sel $0xFFFF  }
0xc0: {  	[dreg:$0x0] =	wrdreg $0xFFFFFFFF;
	(pc) =	sbr.abs _section_cstart, $3  }
0xc1: {  	[dreg:$0x1] =	wrdreg $0xFFFFFFFF  }
0xc2: {  	_ =	task.clear_ibuf [dreg:s7], $0x2FFFF;
	_ =	strace $0x9FFFFFFF  }
0xc3: {  	(tm) =	ssettm $0x7FFFFFFF  }
tec
execute0_lowered:
.L_overlay_start_1:
0x0: {  	(tag) =	ssettag $0x1  }
0x1: {  	s0 =	rddreg [dreg:$0x0]  }
0x2: {  	s1 =	rddreg [dreg:$0x1]  }
0x3: {  	s2 =	rddreg [dreg:$0x2];
	s3 =	srdreg.scid;
	s4 =	simm.s32 $0x0  }
0x4: {  	s14 =	stileid.u32;
	s28 =	simm.s32 $0xA00;
	s29 =	simm.s32 $0x1400  }
0x5: {  	s30 =	simm.s32 $0x50;
	s31 =	simm.s32 $0x4600;
	s8 =	smul.u32 $0x14000, s14  }
0x6: {  	s3 =	sand.u32 $0x1, s3;
	[smem:$0x7FF] =	sst s4;
	s10 =	smul.u32 $0x50000, s14  }
0x7: {  	s5 =	sadd.s32 $0xC400, s0;
	s6 =	sadd.s32 $0x16400, s0;
	s18 =	smul.u32 $0x140000, s14  }
0x8: {  	s7 =	smul.u32 $0x140000, s3;
	_ =	strace $0x8000004A;
	s25 =	ssub.s32 $0x2, s3  }
0x9: {  	s13 =	sshll.u32 s3, $0x4;
	s3 =	smul.u32 $0x1400000, s3;
	s12 =	sshrl.u32 s25, $0x1  }
0xa: {  	s10 =	sshrl.u32 s10, $0x2;
	s13 =	sor.u32 s14, s13;
	s8 =	sadd.s32 s8, s7  }
0xb: {  	s7 =	sadd.s32 $0x2400, s0;
	s12 =	ssub.s32 s25, s12;
	s16 =	sadd.s32 s10, s2  }
0xc: {  	s3 =	sadd.s32 s18, s3;
	s18 =	simm.s32 $0x1360;
	s26 =	sadd.s32 $0x2800, s16  }
0xd: {  	s9 =	sshrl.u32 s8, $0x3;
	s10 =	sadd.s32 $0x5000, s16;
	[dreg:$0x4] =	wrdreg s26  }
0xe: {  	s8 =	sadd.s32 $0x9E4400, s0;
	s15 =	sadd.s32 $0x7800, s16;
	[dreg:$0x5] =	wrdreg s10  }
0xf: {  	s17 =	sadd.s32 $0xA000, s16;
	s19 =	sadd.s32 $0xC800, s16;
	[dreg:$0x6] =	wrdreg s15  }
0x10: {  	s20 =	sadd.s32 $0xF000, s16;
	s21 =	sadd.s32 $0x11800, s16;
	[dreg:$0x7] =	wrdreg s17  }
0x11: {  	s23 =	sor.u32 $0x7800, s3;
	s3 =	sor.u32 $0x5000, s3;
	[dreg:$0x8] =	wrdreg s19  }
0x12: {  	s25 =	smax.u32 s12, $0x1;
	s11 =	sadd.s32 s9, s0;
	[dreg:$0x9] =	wrdreg s20  }
0x13: {  	[dreg:$0xa] =	wrdreg s21;
	s17 =	smul.u32 $0x2800, s13;
	s19 =	sshll.u32 s13, $0x7  }
0x14: {  	s20 =	sadd.s32 $0x9E4900, s0;
	s0 =	sshrl.u32 s23, $0x3;
	[dreg:$0xd] =	wrdreg s25  }
0x15: {  	s26 =	sshrl.u32 s3, $0x3;
	s25 =	simm.s32 $0x1E00;
	s22 =	sadd.s32 $0x20400, s11  }
0x16: {  	s3 =	simm.s32 $0x2;
	s24 =	sadd.s32 $0x70400, s11;
	[dreg:$0xb] =	wrdreg s22  }
0x17: {  	s21 =	simm.s32 $0x13B0;
	s0 =	sadd.s32 s0, s8;
	[dreg:$0xc] =	wrdreg s24  }
0x18: {  	s10 =	simm.s32 $0x0;
	[dreg:$0xe] =	wrdreg s0;
	s0 =	sadd.s32 s26, s8  }
0x19: {  	v0 =	vimm.f32 $0.0e+00;
	s26 =	simm.s32 $0x3;
	[dreg:$0xf] =	wrdreg s0;
	s0 =	simm.s32 $0x1  }
.LBB2_1:
0x1a: {  	[dreg:$0x10] =	wrdreg s10;
	s10 =	simm.s32 $0x0;
	s11 =	simm.s32 $0x200  }
.LBB2_2:
0x1b: {  	p0 =	sne.s32 s11, $0x9E00;
	[tilespmem:s10+$0x1E70] =	vst v0  }
0x1c: {  	[tilespmem:s10+$0x1E00] =	vst v0  }
0x1d: {  	[tilespmem:s10+$0x1E10] =	vst v0  }
.Ltmp0:
0x1e: {  	[tilespmem:s10+$0x1E20] =	vst v0;
	(pc) =	sbr.rel @p0 .LBB2_2-.Ltmp0, $4  }
0x1f: {  	[tilespmem:s10+$0x1E30] =	vst v0  }
0x20: {  	[tilespmem:s10+$0x1E40] =	vst v0  }
0x21: {  	[tilespmem:s10+$0x1E50] =	vst v0  }
0x22: {  	[tilespmem:s10+$0x1E60] =	vst v0;
	s10 =	sshra.s32 s11, $0x2;
	s11 =	sadd.s32 $0x200, s11  }
0x23: {  	[tilespmem:s10+$0x1E70] =	vst v0  }
0x24: {  	[tilespmem:s10+$0x1E00] =	vst v0  }
0x25: {  	[tilespmem:s10+$0x1E10] =	vst v0  }
0x26: {  	[tilespmem:s10+$0x1E20] =	vst v0  }
0x27: {  	[tilespmem:s10+$0x1E30] =	vst v0  }
0x28: {  	[tilespmem:s10+$0x1E40] =	vst v0  }
0x29: {  	[tilespmem:s10+$0x1E50] =	vst v0  }
0x2a: {  	[tilespmem:s10+$0x1E60] =	vst v0  }
0x2b: {  	[spmem:s16] =	stream.linear.scatter [tilespmem:s25], [sflag:$0x3], $0x2800, $0x38;
	[tilespmem:$0x1AE00] =	vst v63  }
0x2c: {  	_ =	swait.ge [sflag:s26], $0x2800  }
0x2d: {  	[sflag:s26] =	ssyncset.done $0x0  }
0x2e: {  	s9 =	rddreg [dreg:$0x4];
	[sflag:s26] =	ssyncadd.s32 $0xFFFFD800  }
0x2f: {  	[spmem:s9] =	stream.linear.scatter [tilespmem:s25], [sflag:$0x3], $0x2800, $0x38;
	[tilespmem:$0x1AE00] =	vst v63  }
0x30: {  	_ =	swait.ge [sflag:s26], $0x2800  }
0x31: {  	[sflag:s26] =	ssyncset.done $0x0  }
0x32: {  	s13 =	rddreg [dreg:$0x5];
	[sflag:s26] =	ssyncadd.s32 $0xFFFFD800  }
0x33: {  	[spmem:s13] =	stream.linear.scatter [tilespmem:s25], [sflag:$0x3], $0x2800, $0x38;
	[tilespmem:$0x1AE00] =	vst v63  }
0x34: {  	_ =	swait.ge [sflag:s26], $0x2800  }
0x35: {  	[sflag:s26] =	ssyncset.done $0x0  }
0x36: {  	s14 =	rddreg [dreg:$0x6];
	[sflag:s26] =	ssyncadd.s32 $0xFFFFD800  }
0x37: {  	[spmem:s14] =	stream.linear.scatter [tilespmem:s25], [sflag:$0x3], $0x2800, $0x38;
	[tilespmem:$0x1AE00] =	vst v63  }
0x38: {  	_ =	swait.ge [sflag:s26], $0x2800  }
0x39: {  	[sflag:s26] =	ssyncset.done $0x0  }
0x3a: {  	s15 =	rddreg [dreg:$0x7];
	[sflag:s26] =	ssyncadd.s32 $0xFFFFD800  }
0x3b: {  	[spmem:s15] =	stream.linear.scatter [tilespmem:s25], [sflag:$0x3], $0x2800, $0x38;
	[tilespmem:$0x1AE00] =	vst v63  }
0x3c: {  	_ =	swait.ge [sflag:s26], $0x2800  }
0x3d: {  	[sflag:s26] =	ssyncset.done $0x0  }
0x3e: {  	s22 =	rddreg [dreg:$0x8];
	[sflag:s26] =	ssyncadd.s32 $0xFFFFD800  }
0x3f: {  	[spmem:s22] =	stream.linear.scatter [tilespmem:s25], [sflag:$0x3], $0x2800, $0x38;
	[tilespmem:$0x1AE00] =	vst v63  }
0x40: {  	_ =	swait.ge [sflag:s26], $0x2800  }
0x41: {  	[sflag:s26] =	ssyncset.done $0x0  }
0x42: {  	s23 =	rddreg [dreg:$0x9];
	[sflag:s26] =	ssyncadd.s32 $0xFFFFD800  }
0x43: {  	[spmem:s23] =	stream.linear.scatter [tilespmem:s25], [sflag:$0x3], $0x2800, $0x38;
	[tilespmem:$0x1AE00] =	vst v63  }
0x44: {  	_ =	swait.ge [sflag:s26], $0x2800  }
0x45: {  	[sflag:s26] =	ssyncset.done $0x0  }
0x46: {  	s24 =	rddreg [dreg:$0xa];
	[sflag:s26] =	ssyncadd.s32 $0xFFFFD800  }
0x47: {  	[spmem:s24] =	stream.linear.scatter [tilespmem:s25], [sflag:$0x3], $0x2800, $0x38;
	[tilespmem:$0x1AE00] =	vst v63  }
.Ltmp1:
0x48: {  	_ =	swait.ge [sflag:s26], $0x2800;
	(pc) =	sbr.rel .LBB2_4-.Ltmp1, $4  }
0x49: {  	[sflag:s26] =	ssyncset.done $0x0  }
0x4a: {  	[sflag:s26] =	ssyncadd.s32 $0xFFFFD800  }
0x4b: {  	[bflag:$0x0] =	sbarrier.arrive $0xFFFF  }
0x4c: {  	s23 =	simm.s32 $0x0;
	s24 =	simm.s32 $0x0  }
.LBB2_11:
0x4d: {  	s24 =	sadd.s32 $0x1, s24  }
0x4e: {  	p0 =	sne.s32 s24, $0x4  }
.Ltmp2:
0x4f: {  	_ = 	snop;
	(pc) =	sbr.rel @!p0 .LBB2_12-.Ltmp2, $1  }
0x50: {  	_ =	sdelay $0x3  }
.LBB2_4:
0x51: {  	s10 =	smul.u32 $0xA00, s24;
	_ =	sdelay $0x1  }
0x52: {  	s10 =	sadd.s32 s17, s10  }
0x53: {  	s10 =	sshrl.u32 s10, $0x3  }
0x54: {  	s11 =	sadd.s32 s5, s10  }
0x55: {  	[tilespmem:s23], [sflag:$0x3] =	stream.linear.gather [hbm4b:s11+s23], $0xA00, $0x38;
	[tilespmem:$0x1AE00] =	vst v63  }
0x56: {  	_ =	swait.ge [sflag:s26], $0xA00  }
0x57: {  	[sflag:s26] =	ssyncset.done $0x0  }
0x58: {  	s22 =	sadd.s32 s6, s10;
	[sflag:s26] =	ssyncadd.s32 $0xFFFFF600  }
0x59: {  	[tilespmem:s28], [sflag:$0x3] =	stream.linear.gather [hbm4b:s22+s23], $0xA00, $0x38;
	[tilespmem:$0x1AE00] =	vst v63  }
0x5a: {  	_ =	swait.ge [sflag:s26], $0xA00  }
0x5b: {  	[sflag:s26] =	ssyncset.done $0x0  }
0x5c: {  	s10 =	sadd.s32 s7, s10;
	[sflag:s26] =	ssyncadd.s32 $0xFFFFF600  }
0x5d: {  	[tilespmem:s29], [sflag:$0x3] =	stream.linear.gather [hbm4b:s10+s23], $0xA00, $0x38;
	[tilespmem:$0x1AE00] =	vst v63  }
0x5e: {  	_ =	swait.ge [sflag:s26], $0xA00  }
0x5f: {  	[sflag:s26] =	ssyncset.done $0x0  }
0x60: {  	[sflag:s26] =	ssyncadd.s32 $0xFFFFF600  }
0x61: {  	[tilespmem:s25], [sflag:$0x1] =	stream.indirect.gather [hbm4b:s1+s30], $0x80, s23, s30, $0xb8;
	[tilespmem:$0x1AE00] =	vst v63  }
0x62: {  	s10 =	simm.s32 $0x0  }
0x63: {  	[tilespmem:s31], [sflag:$0x2] =	stream.indirect.gather [hbm4b:s1+s30], $0x80, s30, s30, $0xb8;
	[tilespmem:$0x1AE00] =	vst v63  }
.LBB2_5:
0x64: {  	s12 =	smul.u32 $0x280, s10;
	_ =	sdelay $0x1  }
0x65: {  	s11 =	sshra.s32 s12, $0x2  }
0x66: {  	s13 =	sadd.s32 $0x1400, s11  }
0x67: {  	v1 =	vmov s13;
	_ =	sdelay $0x1  }
0x68: {  	_ =	swait.ge [sflag:s0], $0x2800  }
0x69: {  	s22 =	simm.s32 $0x0;
	[sflag:s0] =	ssyncset.done $0x0  }
0x6a: {  	s14 =	simm.s32 $0x0;
	[sflag:s0] =	ssyncadd.s32 $0xFFFFD800;
	s13 =	sand.u32 $0x3FFFFFF0, s22  }
0x6b: {  	v2 =	vld.idx.msk [tilespmem:v1+s13+$0x0 ss:$0x1], $0xffff;
	s13 =	sand.u32 $0x3FFFF800, s14  }
0x6c: {  	v8 =	vld [tilespmem:s13+$0x1EC0]  }
0x6d: {  	v4 =	vld [tilespmem:s13+$0x1E20]  }
0x6e: {  	v5 =	vld [tilespmem:s13+$0x1E30]  }
0x6f: {  	v11 =	vld [tilespmem:s13+$0x1E60]  }
0x70: {  	v12 =	vld [tilespmem:s13+$0x1E70];
	v3 =	vbroadcast v2, $0x0  }
0x71: {  	v13 =	vld [tilespmem:s13+$0x1E80]  }
0x72: {  	v14 =	vld [tilespmem:s13+$0x1E90];
	v4 =	vmul.f32 v4, v3  }
0x73: {  	v15 =	vld [tilespmem:s13+$0x1EA0];
	v5 =	vmul.f32 v5, v3  }
0x74: {  	v10 =	vld [tilespmem:s13+$0x1EB0];
	v21 =	vbroadcast v2, $0x1;
	v20 =	vmul.f32 v11, v3;
	[tilespmem:s13+$0x1E20] =	vst v4  }
0x75: {  	v9 =	vld [tilespmem:s13+$0x1ED0];
	v12 =	vmul.f32 v12, v3;
	[tilespmem:s13+$0x1E30] =	vst v5  }
0x76: {  	v7 =	vld [tilespmem:s13+$0x2370];
	v13 =	vmul.f32 v13, v21;
	[tilespmem:s13+$0x1E60] =	vst v20  }
0x77: {  	v23 =	vld [tilespmem:s13+$0x1EF0];
	v14 =	vmul.f32 v14, v21;
	[tilespmem:s13+$0x1E70] =	vst v12  }
0x78: {  	v24 =	vld [tilespmem:s13+$0x1F00];
	v15 =	vmul.f32 v15, v21;
	[tilespmem:s13+$0x1E80] =	vst v13  }
0x79: {  	v25 =	vld [tilespmem:s13+$0x1F10];
	v10 =	vmul.f32 v10, v21;
	[tilespmem:s13+$0x1E90] =	vst v14  }
0x7a: {  	v22 =	vld [tilespmem:s13+$0x1EE0];
	v8 =	vmul.f32 v8, v21;
	[tilespmem:s13+$0x1EA0] =	vst v15  }
0x7b: {  	v26 =	vld [tilespmem:s13+$0x1F20];
	v16 =	vbroadcast v2, $0x2;
	v9 =	vmul.f32 v9, v21;
	[tilespmem:s13+$0x1EB0] =	vst v10  }
0x7c: {  	v27 =	vld [tilespmem:s13+$0x1F30];
	v11 =	vmul.f32 v23, v21;
	[tilespmem:s13+$0x1EC0] =	vst v8  }
0x7d: {  	v28 =	vld [tilespmem:s13+$0x1F40];
	v6 =	vbroadcast v2, $0xA;
	v30 =	vmul.f32 v24, v16;
	[tilespmem:s13+$0x1ED0] =	vst v9  }
0x7e: {  	v29 =	vld [tilespmem:s13+$0x1F50];
	v32 =	vmul.f32 v25, v16;
	[tilespmem:s13+$0x1EF0] =	vst v11  }
0x7f: {  	v31 =	vld [tilespmem:s13+$0x1F60];
	v4 =	vmul.f32 v7, v6;
	[tilespmem:s13+$0x1F00] =	vst v30  }
0x80: {  	v33 =	vld [tilespmem:s13+$0x1F70];
	v12 =	vmul.f32 v22, v21;
	[tilespmem:s13+$0x1F10] =	vst v32  }
0x81: {  	v34 =	vld [tilespmem:s13+$0x1F80];
	v10 =	vmul.f32 v26, v16;
	[tilespmem:s13+$0x2370] =	vst v4  }
0x82: {  	v35 =	vld [tilespmem:s13+$0x1F90];
	v8 =	vmul.f32 v27, v16;
	[tilespmem:s13+$0x1EE0] =	vst v12  }
0x83: {  	v36 =	vld [tilespmem:s13+$0x1FA0];
	v9 =	vmul.f32 v28, v16;
	[tilespmem:s13+$0x1F20] =	vst v10  }
0x84: {  	v37 =	vld [tilespmem:s13+$0x1FB0];
	v39 =	vbroadcast v2, $0x3;
	v11 =	vmul.f32 v31, v16;
	[tilespmem:s13+$0x1F30] =	vst v8  }
0x85: {  	v38 =	vld [tilespmem:s13+$0x1FC0];
	v13 =	vmul.f32 v33, v16;
	[tilespmem:s13+$0x1F40] =	vst v9  }
0x86: {  	v40 =	vld [tilespmem:s13+$0x1FD0];
	v14 =	vmul.f32 v34, v39;
	[tilespmem:s13+$0x1F60] =	vst v11  }
0x87: {  	v41 =	vld [tilespmem:s13+$0x1FE0];
	v12 =	vmul.f32 v29, v16;
	[tilespmem:s13+$0x1F70] =	vst v13  }
0x88: {  	v42 =	vld [tilespmem:s13+$0x1FF0];
	v10 =	vmul.f32 v35, v39;
	[tilespmem:s13+$0x1F80] =	vst v14  }
0x89: {  	v43 =	vld [tilespmem:s13+$0x2000];
	v8 =	vmul.f32 v36, v39;
	[tilespmem:s13+$0x1F50] =	vst v12  }
0x8a: {  	v44 =	vld [tilespmem:s13+$0x2010];
	v9 =	vmul.f32 v37, v39;
	[tilespmem:s13+$0x1F90] =	vst v10  }
0x8b: {  	v45 =	vld [tilespmem:s13+$0x2020];
	v11 =	vmul.f32 v40, v39;
	[tilespmem:s13+$0x1FA0] =	vst v8  }
0x8c: {  	v46 =	vld [tilespmem:s13+$0x2030];
	v13 =	vmul.f32 v41, v39;
	[tilespmem:s13+$0x1FB0] =	vst v9  }
0x8d: {  	v47 =	vld [tilespmem:s13+$0x2040];
	v48 =	vbroadcast v2, $0x4;
	v14 =	vmul.f32 v42, v39;
	[tilespmem:s13+$0x1FD0] =	vst v11  }
0x8e: {  	v49 =	vld [tilespmem:s13+$0x2050];
	v12 =	vmul.f32 v38, v39;
	[tilespmem:s13+$0x1FE0] =	vst v13  }
0x8f: {  	v50 =	vld [tilespmem:s13+$0x2060];
	v10 =	vmul.f32 v43, v48;
	[tilespmem:s13+$0x1FF0] =	vst v14  }
0x90: {  	v51 =	vld [tilespmem:s13+$0x2070];
	v8 =	vmul.f32 v44, v48;
	[tilespmem:s13+$0x1FC0] =	vst v12  }
0x91: {  	v52 =	vld [tilespmem:s13+$0x2080];
	v9 =	vmul.f32 v45, v48;
	[tilespmem:s13+$0x2000] =	vst v10  }
0x92: {  	v53 =	vld [tilespmem:s13+$0x2090];
	v11 =	vmul.f32 v47, v48;
	[tilespmem:s13+$0x2010] =	vst v8  }
0x93: {  	v54 =	vld [tilespmem:s13+$0x20A0];
	v13 =	vmul.f32 v49, v48;
	[tilespmem:s13+$0x2020] =	vst v9  }
0x94: {  	v55 =	vld [tilespmem:s13+$0x20B0];
	v14 =	vmul.f32 v50, v48;
	[tilespmem:s13+$0x2040] =	vst v11  }
0x95: {  	v56 =	vld [tilespmem:s13+$0x20C0];
	v57 =	vbroadcast v2, $0x5;
	v12 =	vmul.f32 v46, v48;
	[tilespmem:s13+$0x2050] =	vst v13  }
0x96: {  	v58 =	vld [tilespmem:s13+$0x20D0];
	v10 =	vmul.f32 v51, v48;
	[tilespmem:s13+$0x2060] =	vst v14  }
0x97: {  	v59 =	vld [tilespmem:s13+$0x20E0];
	v8 =	vmul.f32 v52, v57;
	[tilespmem:s13+$0x2030] =	vst v12  }
0x98: {  	v60 =	vld [tilespmem:s13+$0x20F0];
	v9 =	vmul.f32 v53, v57;
	[tilespmem:s13+$0x2070] =	vst v10  }
0x99: {  	v61 =	vld [tilespmem:s13+$0x2100];
	v11 =	vmul.f32 v55, v57;
	[tilespmem:s13+$0x2080] =	vst v8  }
0x9a: {  	v62 =	vld [tilespmem:s13+$0x2110];
	v13 =	vmul.f32 v56, v57;
	[tilespmem:s13+$0x2090] =	vst v9  }
0x9b: {  	v63 =	vld [tilespmem:s13+$0x2120];
	v14 =	vmul.f32 v58, v57;
	[tilespmem:s13+$0x20B0] =	vst v11  }
0x9c: {  	v20 =	vld [tilespmem:s13+$0x2130];
	v12 =	vmul.f32 v54, v57;
	[tilespmem:s13+$0x20C0] =	vst v13  }
0x9d: {  	v21 =	vld [tilespmem:s13+$0x2140];
	v22 =	vbroadcast v2, $0x6;
	v10 =	vmul.f32 v59, v57;
	[tilespmem:s13+$0x20D0] =	vst v14  }
0x9e: {  	v23 =	vld [tilespmem:s13+$0x2150];
	v8 =	vmul.f32 v60, v57;
	[tilespmem:s13+$0x20A0] =	vst v12  }
0x9f: {  	v24 =	vld [tilespmem:s13+$0x2160];
	v9 =	vmul.f32 v61, v22;
	[tilespmem:s13+$0x20E0] =	vst v10  }
0xa0: {  	v25 =	vld [tilespmem:s13+$0x2170];
	v11 =	vmul.f32 v63, v22;
	[tilespmem:s13+$0x20F0] =	vst v8  }
0xa1: {  	v5 =	vld [tilespmem:s13+$0x2380];
	v13 =	vmul.f32 v20, v22;
	[tilespmem:s13+$0x2100] =	vst v9  }
0xa2: {  	v27 =	vld [tilespmem:s13+$0x2190];
	v14 =	vmul.f32 v21, v22;
	[tilespmem:s13+$0x2120] =	vst v11  }
0xa3: {  	v28 =	vld [tilespmem:s13+$0x21A0];
	v12 =	vmul.f32 v62, v22;
	[tilespmem:s13+$0x2130] =	vst v13  }
0xa4: {  	v29 =	vld [tilespmem:s13+$0x21B0];
	v10 =	vmul.f32 v23, v22;
	[tilespmem:s13+$0x2140] =	vst v14  }
0xa5: {  	v31 =	vbroadcast v2, $0x7;
	v53 =	vld [tilespmem:s13+$0x2300];
	v8 =	vmul.f32 v24, v22;
	[tilespmem:s13+$0x2110] =	vst v12  }
0xa6: {  	v58 =	vld [tilespmem:s13+$0x2350];
	v9 =	vmul.f32 v25, v22;
	[tilespmem:s13+$0x2150] =	vst v10  }
0xa7: {  	v26 =	vld [tilespmem:s13+$0x2180];
	v11 =	vmul.f32 v27, v31;
	[tilespmem:s13+$0x2160] =	vst v8  }
0xa8: {  	v30 =	vld [tilespmem:s13+$0x21C0];
	v13 =	vmul.f32 v28, v31;
	[tilespmem:s13+$0x2170] =	vst v9  }
0xa9: {  	v32 =	vld [tilespmem:s13+$0x21D0];
	v14 =	vmul.f32 v29, v31;
	[tilespmem:s13+$0x2190] =	vst v11  }
0xaa: {  	v33 =	vld [tilespmem:s13+$0x21E0];
	v59 =	vmul.f32 v53, v6;
	[tilespmem:s13+$0x21A0] =	vst v13  }
0xab: {  	v35 =	vld [tilespmem:s13+$0x2200];
	v21 =	vmul.f32 v58, v6;
	[tilespmem:s13+$0x21B0] =	vst v14  }
0xac: {  	v36 =	vld [tilespmem:s13+$0x2210];
	v12 =	vmul.f32 v26, v31;
	[tilespmem:s13+$0x2300] =	vst v59  }
0xad: {  	v37 =	vld [tilespmem:s13+$0x2220];
	v10 =	vmul.f32 v30, v31;
	[tilespmem:s13+$0x2350] =	vst v21  }
0xae: {  	v7 =	vld [tilespmem:s13+$0x2390];
	v40 =	vbroadcast v2, $0x8;
	v8 =	vmul.f32 v32, v31;
	[tilespmem:s13+$0x2180] =	vst v12  }
0xaf: {  	v34 =	vld [tilespmem:s13+$0x21F0];
	v9 =	vmul.f32 v33, v31;
	[tilespmem:s13+$0x21C0] =	vst v10  }
0xb0: {  	v57 =	vld [tilespmem:s13+$0x2340];
	v11 =	vmul.f32 v35, v40;
	[tilespmem:s13+$0x21D0] =	vst v8  }
0xb1: {  	v61 =	vld [tilespmem:s13+$0x1E00];
	v24 =	vbroadcast v2, $0xB;
	v13 =	vmul.f32 v36, v40;
	[tilespmem:s13+$0x21E0] =	vst v9  }
0xb2: {  	v4 =	vld [tilespmem:s13+$0x25D0];
	v14 =	vmul.f32 v37, v40;
	[tilespmem:s13+$0x2200] =	vst v11  }
0xb3: {  	v38 =	vld [tilespmem:s13+$0x2230];
	v5 =	vmul.f32 v5, v24;
	[tilespmem:s13+$0x2210] =	vst v13  }
0xb4: {  	v39 =	vld [tilespmem:s13+$0x2240];
	v7 =	vmul.f32 v7, v24;
	[tilespmem:s13+$0x2220] =	vst v14  }
0xb5: {  	v41 =	vld [tilespmem:s13+$0x2250];
	v19 =	vmul.f32 v57, v6;
	[tilespmem:s13+$0x2380] =	vst v5  }
0xb6: {  	v43 =	vld [tilespmem:s13+$0x2270];
	v25 =	vmul.f32 v3, v61;
	[tilespmem:s13+$0x2390] =	vst v7  }
0xb7: {  	v44 =	vld [tilespmem:s13+$0x2280];
	v12 =	vmul.f32 v34, v31;
	[tilespmem:s13+$0x2340] =	vst v19  }
0xb8: {  	v45 =	vld [tilespmem:s13+$0x2290];
	v10 =	vmul.f32 v38, v40;
	[tilespmem:s13+$0x1E00] =	vst v25  }
0xb9: {  	v27 =	vld [tilespmem:s13+$0x23D0];
	v8 =	vmul.f32 v39, v40;
	[tilespmem:s13+$0x21F0] =	vst v12  }
0xba: {  	v49 =	vbroadcast v2, $0x9;
	v29 =	vld [tilespmem:s13+$0x23F0];
	v9 =	vmul.f32 v41, v40;
	[tilespmem:s13+$0x2230] =	vst v10  }
0xbb: {  	v42 =	vld [tilespmem:s13+$0x2260];
	v11 =	vmul.f32 v43, v40;
	[tilespmem:s13+$0x2240] =	vst v8  }
0xbc: {  	v46 =	vld [tilespmem:s13+$0x22A0];
	v13 =	vmul.f32 v44, v49;
	[tilespmem:s13+$0x2250] =	vst v9  }
0xbd: {  	v47 =	vld [tilespmem:s13+$0x22B0];
	v14 =	vmul.f32 v45, v49;
	[tilespmem:s13+$0x2270] =	vst v11  }
0xbe: {  	v48 =	vld [tilespmem:s13+$0x22C0];
	v32 =	vmul.f32 v27, v24;
	[tilespmem:s13+$0x2280] =	vst v13  }
0xbf: {  	v51 =	vld [tilespmem:s13+$0x22E0];
	v7 =	vmul.f32 v29, v24;
	[tilespmem:s13+$0x2290] =	vst v14  }
0xc0: {  	v52 =	vld [tilespmem:s13+$0x22F0];
	v12 =	vmul.f32 v42, v40;
	[tilespmem:s13+$0x23D0] =	vst v32  }
0xc1: {  	v10 =	vmul.f32 v46, v49;
	[tilespmem:s13+$0x23F0] =	vst v7  }
0xc2: {  	v28 =	vld [tilespmem:s13+$0x23E0];
	v8 =	vmul.f32 v47, v49;
	[tilespmem:s13+$0x2260] =	vst v12  }
0xc3: {  	v30 =	vld [tilespmem:s13+$0x2400];
	v9 =	vmul.f32 v48, v49;
	[tilespmem:s13+$0x22A0] =	vst v10  }
0xc4: {  	v50 =	vld [tilespmem:s13+$0x22D0];
	v5 =	vbroadcast v2, $0xF;
	v11 =	vmul.f32 v51, v49;
	[tilespmem:s13+$0x22B0] =	vst v8  }
0xc5: {  	v54 =	vld [tilespmem:s13+$0x2310];
	v13 =	vmul.f32 v52, v49;
	[tilespmem:s13+$0x22C0] =	vst v9  }
0xc6: {  	v55 =	vld [tilespmem:s13+$0x2320];
	v35 =	vbroadcast v2, $0xC;
	v4 =	vmul.f32 v4, v5;
	[tilespmem:s13+$0x22E0] =	vst v11  }
0xc7: {  	v56 =	vld [tilespmem:s13+$0x2330];
	v40 =	vmul.f32 v28, v24;
	[tilespmem:s13+$0x22F0] =	vst v13  }
0xc8: {  	v60 =	vld [tilespmem:s13+$0x2360];
	v16 =	vmul.f32 v30, v35;
	[tilespmem:s13+$0x25D0] =	vst v4  }
0xc9: {  	v62 =	vld [tilespmem:s13+$0x1E10];
	v12 =	vmul.f32 v50, v49;
	[tilespmem:s13+$0x23E0] =	vst v40  }
0xca: {  	v63 =	vld [tilespmem:s13+$0x1E40];
	v10 =	vmul.f32 v54, v6;
	[tilespmem:s13+$0x2400] =	vst v16  }
0xcb: {  	v20 =	vld [tilespmem:s13+$0x1E50];
	v8 =	vmul.f32 v55, v6;
	[tilespmem:s13+$0x22D0] =	vst v12  }
0xcc: {  	v33 =	vld [tilespmem:s13+$0x2430];
	v9 =	vmul.f32 v56, v6;
	[tilespmem:s13+$0x2310] =	vst v10  }
0xcd: {  	v61 =	vld [tilespmem:s13+$0x25F0];
	v6 =	vmul.f32 v60, v6;
	[tilespmem:s13+$0x2320] =	vst v8  }
0xce: {  	v38 =	vld [tilespmem:s13+$0x2470];
	v13 =	vmul.f32 v62, v3;
	[tilespmem:s13+$0x2330] =	vst v9  }
0xcf: {  	v22 =	vld [tilespmem:s13+$0x23A0];
	v4 =	vmul.f32 v63, v3;
	[tilespmem:s13+$0x2360] =	vst v6  }
0xd0: {  	v23 =	vld [tilespmem:s13+$0x23B0];
	v3 =	vmul.f32 v20, v3;
	[tilespmem:s13+$0x1E10] =	vst v13  }
0xd1: {  	v26 =	vld [tilespmem:s13+$0x23C0];
	v62 =	vmul.f32 v33, v35;
	[tilespmem:s13+$0x1E40] =	vst v4  }
0xd2: {  	v31 =	vld [tilespmem:s13+$0x2410];
	v63 =	vmul.f32 v61, v5;
	[tilespmem:s13+$0x1E50] =	vst v3  }
0xd3: {  	v34 =	vld [tilespmem:s13+$0x2440];
	v16 =	vmul.f32 v38, v35;
	[tilespmem:s13+$0x2430] =	vst v62  }
0xd4: {  	v41 =	vld [tilespmem:s13+$0x24A0];
	v8 =	vmul.f32 v22, v24;
	[tilespmem:s13+$0x25F0] =	vst v63  }
0xd5: {  	v46 =	vld [tilespmem:s13+$0x24E0];
	v9 =	vmul.f32 v23, v24;
	[tilespmem:s13+$0x2470] =	vst v16  }
0xd6: {  	v6 =	vmul.f32 v26, v24;
	v3 =	vld [tilespmem:s13+$0x2490];
	[tilespmem:s13+$0x23A0] =	vst v8  }
0xd7: {  	v36 =	vld [tilespmem:s13+$0x2450];
	v44 =	vbroadcast v2, $0xD;
	v10 =	vmul.f32 v31, v35;
	[tilespmem:s13+$0x23B0] =	vst v9  }
0xd8: {  	v37 =	vld [tilespmem:s13+$0x2460];
	v13 =	vmul.f32 v34, v35;
	[tilespmem:s13+$0x23C0] =	vst v6  }
0xd9: {  	v39 =	vld [tilespmem:s13+$0x2480];
	v12 =	vmul.f32 v41, v44;
	[tilespmem:s13+$0x2410] =	vst v10  }
0xda: {  	v42 =	vld [tilespmem:s13+$0x24B0];
	v51 =	vmul.f32 v46, v44;
	[tilespmem:s13+$0x2440] =	vst v13  }
0xdb: {  	v48 =	vld [tilespmem:s13+$0x2510];
	[tilespmem:s13+$0x24A0] =	vst v12;
	v3 =	vmul.f32 v3, v44  }
0xdc: {  	v49 =	vld [tilespmem:s13+$0x2520];
	v9 =	vmul.f32 v36, v35;
	[tilespmem:s13+$0x24E0] =	vst v51  }
0xdd: {  	v6 =	vmul.f32 v37, v35;
	[tilespmem:s13+$0x2490] =	vst v3;
	v3 =	vld [tilespmem:s13+$0x2500]  }
0xde: {  	v2 =	vbroadcast v2, $0xE;
	v50 =	vld [tilespmem:s13+$0x2530];
	v10 =	vmul.f32 v39, v44;
	[tilespmem:s13+$0x2450] =	vst v9  }
0xdf: {  	v45 =	vld [tilespmem:s13+$0x24D0];
	v13 =	vmul.f32 v42, v44;
	[tilespmem:s13+$0x2460] =	vst v6  }
0xe0: {  	v47 =	vld [tilespmem:s13+$0x24F0];
	v12 =	vmul.f32 v48, v2;
	[tilespmem:s13+$0x2480] =	vst v10  }
0xe1: {  	v43 =	vld [tilespmem:s13+$0x24C0];
	v11 =	vmul.f32 v49, v2;
	[tilespmem:s13+$0x24B0] =	vst v13  }
0xe2: {  	v55 =	vld [tilespmem:s13+$0x2580];
	[tilespmem:s13+$0x2510] =	vst v12;
	v3 =	vmul.f32 v3, v2  }
0xe3: {  	v57 =	vld [tilespmem:s13+$0x25A0];
	v7 =	vmul.f32 v50, v2;
	[tilespmem:s13+$0x2520] =	vst v11  }
0xe4: {  	v6 =	vmul.f32 v45, v44;
	[tilespmem:s13+$0x2500] =	vst v3;
	v3 =	vld [tilespmem:s13+$0x2570]  }
0xe5: {  	v52 =	vld [tilespmem:s13+$0x2540];
	v10 =	vmul.f32 v47, v44;
	[tilespmem:s13+$0x2530] =	vst v7  }
0xe6: {  	v56 =	vld [tilespmem:s13+$0x2590];
	v9 =	vmul.f32 v43, v44;
	[tilespmem:s13+$0x24D0] =	vst v6  }
0xe7: {  	v54 =	vld [tilespmem:s13+$0x2560];
	v12 =	vmul.f32 v55, v5;
	[tilespmem:s13+$0x24F0] =	vst v10  }
0xe8: {  	v58 =	vld [tilespmem:s13+$0x25B0];
	v7 =	vmul.f32 v57, v5;
	[tilespmem:s13+$0x24C0] =	vst v9  }
0xe9: {  	v53 =	vld [tilespmem:s13+$0x2550];
	[tilespmem:s13+$0x2580] =	vst v12;
	v3 =	vmul.f32 v3, v2  }
0xea: {  	v59 =	vld [tilespmem:s13+$0x25C0];
	v6 =	vmul.f32 v52, v2;
	[tilespmem:s13+$0x25A0] =	vst v7  }
0xeb: {  	v60 =	vld [tilespmem:s13+$0x25E0];
	[tilespmem:s13+$0x2570] =	vst v3;
	v3 =	vmul.f32 v56, v5  }
0xec: {  	v10 =	vmul.f32 v54, v2;
	[tilespmem:s13+$0x2540] =	vst v6  }
0xed: {  	v4 =	vld [tilespmem:s13+$0x2420];
	[tilespmem:s13+$0x2590] =	vst v3;
	v3 =	vmul.f32 v58, v5  }
0xee: {  	[tilespmem:s13+$0x2560] =	vst v10;
	v2 =	vmul.f32 v53, v2  }
0xef: {  	[tilespmem:s13+$0x25B0] =	vst v3;
	v3 =	vmul.f32 v59, v5  }
0xf0: {  	[tilespmem:s13+$0x2550] =	vst v2;
	v5 =	vmul.f32 v60, v5  }
0xf1: {  	[tilespmem:s13+$0x25C0] =	vst v3  }
0xf2: {  	s14 =	simm.s32 $0x1;
	v3 =	vmul.f32 v4, v35;
	[tilespmem:s13+$0x25E0] =	vst v5  }
.LBB2_6:
0xf3: {  	s15 =	sshll.u32 s14, $0x4  }
0xf4: {  	p0 =	sne.s32 s14, $0x4;
	[tilespmem:s13+$0x2420] =	vst v3;
	s13 =	smov.u32 s14;
	s14 =	sadd.s32 $0x1, s14  }
0xf5: {  	s15 =	sand.u32 $0x3FFFFFF0, s15  }
0xf6: {  	v2 =	vld.idx.msk [tilespmem:v1+s15+$0x0 ss:$0x1], $0xffff  }
0xf7: {  	s13 =	sshll.u32 s13, $0xB  }
0xf8: {  	s13 =	sand.u32 $0x3FFFF800, s13  }
0xf9: {  	v9 =	vld [tilespmem:s13+$0x1EC0]  }
0xfa: {  	v10 =	vld [tilespmem:s13+$0x1ED0]  }
0xfb: {  	v11 =	vld [tilespmem:s13+$0x1EB0]  }
0xfc: {  	v3 =	vbroadcast v2, $0x0;
	v8 =	vbroadcast v2, $0x4;
	v4 =	vld [tilespmem:s13+$0x1E20]  }
0xfd: {  	v6 =	vld [tilespmem:s13+$0x1E30]  }
0xfe: {  	v7 =	vld [tilespmem:s13+$0x2370]  }
0xff: {  	v12 =	vld [tilespmem:s13+$0x1E60]  }
0x100: {  	v13 =	vld [tilespmem:s13+$0x1E70]  }
0x101: {  	v5 =	vbroadcast v2, $0xA;
	v4 =	vmul.f32 v4, v3;
	v14 =	vld [tilespmem:s13+$0x1E80]  }
0x102: {  	v6 =	vmul.f32 v6, v3;
	v15 =	vld [tilespmem:s13+$0x1E90]  }
0x103: {  	[tilespmem:s13+$0x1E20] =	vst v4;
	v16 =	vld [tilespmem:s13+$0x1EA0];
	v4 =	vmul.f32 v7, v5  }
0x104: {  	[tilespmem:s13+$0x1E30] =	vst v6;
	v7 =	vmul.f32 v12, v3;
	v12 =	vbroadcast v2, $0x1;
	v6 =	vld [tilespmem:s13+$0x2380]  }
0x105: {  	v13 =	vmul.f32 v13, v3;
	[tilespmem:s13+$0x2370] =	vst v4;
	v4 =	vld [tilespmem:s13+$0x25D0]  }
0x106: {  	[tilespmem:s13+$0x1E60] =	vst v7;
	v14 =	vmul.f32 v14, v12;
	v7 =	vld [tilespmem:s13+$0x2390]  }
0x107: {  	[tilespmem:s13+$0x1E70] =	vst v13;
	v13 =	vmul.f32 v15, v12;
	v15 =	vld [tilespmem:s13+$0x1EE0]  }
0x108: {  	[tilespmem:s13+$0x1E80] =	vst v14;
	v14 =	vmul.f32 v16, v12;
	v16 =	vld [tilespmem:s13+$0x1EF0]  }
0x109: {  	v11 =	vmul.f32 v11, v12;
	[tilespmem:s13+$0x1E90] =	vst v13;
	v13 =	vld [tilespmem:s13+$0x1F00]  }
0x10a: {  	v9 =	vmul.f32 v9, v12;
	[tilespmem:s13+$0x1EA0] =	vst v14;
	v14 =	vld [tilespmem:s13+$0x1F10]  }
0x10b: {  	v10 =	vmul.f32 v10, v12;
	[tilespmem:s13+$0x1EB0] =	vst v11;
	v11 =	vld [tilespmem:s13+$0x1F20]  }
0x10c: {  	[tilespmem:s13+$0x1EC0] =	vst v9;
	v9 =	vmul.f32 v15, v12;
	v15 =	vbroadcast v2, $0x2;
	v17 =	vld [tilespmem:s13+$0x1F30]  }
0x10d: {  	[tilespmem:s13+$0x1ED0] =	vst v10;
	v10 =	vmul.f32 v16, v12;
	v12 =	vld [tilespmem:s13+$0x1F40]  }
0x10e: {  	[tilespmem:s13+$0x1EE0] =	vst v9;
	v9 =	vmul.f32 v13, v15;
	v13 =	vld [tilespmem:s13+$0x1F50]  }
0x10f: {  	[tilespmem:s13+$0x1EF0] =	vst v10;
	v10 =	vmul.f32 v14, v15;
	v14 =	vld [tilespmem:s13+$0x1F60]  }
0x110: {  	[tilespmem:s13+$0x1F00] =	vst v9;
	v9 =	vmul.f32 v11, v15;
	v11 =	vld [tilespmem:s13+$0x1F70]  }
0x111: {  	[tilespmem:s13+$0x1F10] =	vst v10;
	v10 =	vmul.f32 v17, v15;
	v16 =	vld [tilespmem:s13+$0x1F80]  }
0x112: {  	[tilespmem:s13+$0x1F20] =	vst v9;
	v9 =	vmul.f32 v12, v15;
	v12 =	vld [tilespmem:s13+$0x1F90]  }
0x113: {  	[tilespmem:s13+$0x1F30] =	vst v10;
	v10 =	vmul.f32 v13, v15;
	v13 =	vld [tilespmem:s13+$0x1FA0]  }
0x114: {  	[tilespmem:s13+$0x1F40] =	vst v9;
	v9 =	vmul.f32 v14, v15;
	v14 =	vbroadcast v2, $0x3;
	v17 =	vld [tilespmem:s13+$0x1FB0]  }
0x115: {  	[tilespmem:s13+$0x1F50] =	vst v10;
	v10 =	vmul.f32 v11, v15;
	v11 =	vld [tilespmem:s13+$0x1FC0]  }
0x116: {  	[tilespmem:s13+$0x1F60] =	vst v9;
	v9 =	vmul.f32 v16, v14;
	v15 =	vld [tilespmem:s13+$0x1FD0]  }
0x117: {  	[tilespmem:s13+$0x1F70] =	vst v10;
	v10 =	vmul.f32 v12, v14;
	v12 =	vld [tilespmem:s13+$0x1FE0]  }
0x118: {  	[tilespmem:s13+$0x1F80] =	vst v9;
	v9 =	vmul.f32 v13, v14;
	v13 =	vld [tilespmem:s13+$0x1FF0]  }
0x119: {  	[tilespmem:s13+$0x1F90] =	vst v10;
	v10 =	vmul.f32 v17, v14;
	v16 =	vld [tilespmem:s13+$0x2000]  }
0x11a: {  	[tilespmem:s13+$0x1FA0] =	vst v9;
	v9 =	vmul.f32 v11, v14;
	v11 =	vld [tilespmem:s13+$0x2010]  }
0x11b: {  	[tilespmem:s13+$0x1FB0] =	vst v10;
	v10 =	vmul.f32 v15, v14;
	v15 =	vld [tilespmem:s13+$0x2020]  }
0x11c: {  	[tilespmem:s13+$0x1FC0] =	vst v9;
	v9 =	vmul.f32 v12, v14;
	v12 =	vld [tilespmem:s13+$0x2030]  }
0x11d: {  	[tilespmem:s13+$0x1FD0] =	vst v10;
	v10 =	vmul.f32 v13, v14;
	v13 =	vld [tilespmem:s13+$0x2040]  }
0x11e: {  	[tilespmem:s13+$0x1FE0] =	vst v9;
	v9 =	vmul.f32 v16, v8;
	v14 =	vld [tilespmem:s13+$0x2050]  }
0x11f: {  	[tilespmem:s13+$0x1FF0] =	vst v10;
	v10 =	vmul.f32 v11, v8;
	v11 =	vld [tilespmem:s13+$0x2060]  }
0x120: {  	[tilespmem:s13+$0x2000] =	vst v9;
	v9 =	vmul.f32 v15, v8;
	v15 =	vld [tilespmem:s13+$0x2070]  }
0x121: {  	[tilespmem:s13+$0x2010] =	vst v10;
	v10 =	vmul.f32 v12, v8;
	v12 =	vld [tilespmem:s13+$0x2080]  }
0x122: {  	[tilespmem:s13+$0x2020] =	vst v9;
	v9 =	vmul.f32 v13, v8;
	v13 =	vld [tilespmem:s13+$0x2090]  }
0x123: {  	[tilespmem:s13+$0x2030] =	vst v10;
	v10 =	vmul.f32 v14, v8;
	v14 =	vld [tilespmem:s13+$0x20A0]  }
0x124: {  	[tilespmem:s13+$0x2040] =	vst v9;
	v9 =	vmul.f32 v11, v8;
	v11 =	vbroadcast v2, $0x5;
	v16 =	vld [tilespmem:s13+$0x20B0]  }
0x125: {  	[tilespmem:s13+$0x2050] =	vst v10;
	v8 =	vmul.f32 v15, v8;
	v10 =	vld [tilespmem:s13+$0x20C0]  }
0x126: {  	[tilespmem:s13+$0x2060] =	vst v9;
	v9 =	vmul.f32 v12, v11;
	v12 =	vld [tilespmem:s13+$0x20D0]  }
0x127: {  	[tilespmem:s13+$0x2070] =	vst v8;
	v8 =	vmul.f32 v13, v11;
	v13 =	vld [tilespmem:s13+$0x20E0]  }
0x128: {  	[tilespmem:s13+$0x2080] =	vst v9;
	v9 =	vmul.f32 v14, v11;
	v14 =	vld [tilespmem:s13+$0x20F0]  }
0x129: {  	[tilespmem:s13+$0x2090] =	vst v8;
	v8 =	vmul.f32 v16, v11;
	v15 =	vld [tilespmem:s13+$0x2100]  }
0x12a: {  	[tilespmem:s13+$0x20A0] =	vst v9;
	v9 =	vmul.f32 v10, v11;
	v10 =	vld [tilespmem:s13+$0x2110]  }
0x12b: {  	[tilespmem:s13+$0x20B0] =	vst v8;
	v8 =	vmul.f32 v12, v11;
	v12 =	vld [tilespmem:s13+$0x2120]  }
0x12c: {  	[tilespmem:s13+$0x20C0] =	vst v9;
	v9 =	vmul.f32 v13, v11;
	v13 =	vbroadcast v2, $0x6;
	v16 =	vld [tilespmem:s13+$0x2130]  }
0x12d: {  	[tilespmem:s13+$0x20D0] =	vst v8;
	v8 =	vmul.f32 v14, v11;
	v11 =	vld [tilespmem:s13+$0x2140]  }
0x12e: {  	[tilespmem:s13+$0x20E0] =	vst v9;
	v9 =	vmul.f32 v15, v13;
	v14 =	vld [tilespmem:s13+$0x2150]  }
0x12f: {  	[tilespmem:s13+$0x20F0] =	vst v8;
	v8 =	vmul.f32 v10, v13;
	v10 =	vld [tilespmem:s13+$0x2160]  }
0x130: {  	[tilespmem:s13+$0x2100] =	vst v9;
	v9 =	vmul.f32 v12, v13;
	v12 =	vld [tilespmem:s13+$0x2170]  }
0x131: {  	[tilespmem:s13+$0x2110] =	vst v8;
	v8 =	vmul.f32 v16, v13;
	v15 =	vld [tilespmem:s13+$0x2180]  }
0x132: {  	[tilespmem:s13+$0x2120] =	vst v9;
	v9 =	vmul.f32 v11, v13;
	v11 =	vld [tilespmem:s13+$0x2190]  }
0x133: {  	[tilespmem:s13+$0x2130] =	vst v8;
	v8 =	vmul.f32 v14, v13;
	v14 =	vld [tilespmem:s13+$0x21A0]  }
0x134: {  	[tilespmem:s13+$0x2140] =	vst v9;
	v9 =	vmul.f32 v10, v13;
	v10 =	vbroadcast v2, $0x7;
	v16 =	vld [tilespmem:s13+$0x21B0]  }
0x135: {  	[tilespmem:s13+$0x2150] =	vst v8;
	v8 =	vmul.f32 v12, v13;
	v12 =	vld [tilespmem:s13+$0x21C0]  }
0x136: {  	[tilespmem:s13+$0x2160] =	vst v9;
	v9 =	vmul.f32 v15, v10;
	v13 =	vld [tilespmem:s13+$0x21D0]  }
0x137: {  	[tilespmem:s13+$0x2170] =	vst v8;
	v8 =	vmul.f32 v11, v10;
	v11 =	vld [tilespmem:s13+$0x21E0]  }
0x138: {  	[tilespmem:s13+$0x2180] =	vst v9;
	v9 =	vmul.f32 v14, v10;
	v14 =	vld [tilespmem:s13+$0x21F0]  }
0x139: {  	[tilespmem:s13+$0x2190] =	vst v8;
	v8 =	vmul.f32 v16, v10;
	v15 =	vld [tilespmem:s13+$0x2200]  }
0x13a: {  	[tilespmem:s13+$0x21A0] =	vst v9;
	v9 =	vmul.f32 v12, v10;
	v12 =	vld [tilespmem:s13+$0x2210]  }
0x13b: {  	[tilespmem:s13+$0x21B0] =	vst v8;
	v8 =	vmul.f32 v13, v10;
	v13 =	vld [tilespmem:s13+$0x2220]  }
0x13c: {  	[tilespmem:s13+$0x21C0] =	vst v9;
	v9 =	vmul.f32 v11, v10;
	v11 =	vbroadcast v2, $0x8;
	v16 =	vld [tilespmem:s13+$0x2230]  }
0x13d: {  	[tilespmem:s13+$0x21D0] =	vst v8;
	v8 =	vmul.f32 v14, v10;
	v10 =	vld [tilespmem:s13+$0x2240]  }
0x13e: {  	[tilespmem:s13+$0x21E0] =	vst v9;
	v9 =	vmul.f32 v15, v11;
	v14 =	vld [tilespmem:s13+$0x2250]  }
0x13f: {  	[tilespmem:s13+$0x21F0] =	vst v8;
	v8 =	vmul.f32 v12, v11;
	v12 =	vld [tilespmem:s13+$0x2260]  }
0x140: {  	[tilespmem:s13+$0x2200] =	vst v9;
	v9 =	vmul.f32 v13, v11;
	v13 =	vld [tilespmem:s13+$0x2270]  }
0x141: {  	[tilespmem:s13+$0x2210] =	vst v8;
	v8 =	vmul.f32 v16, v11;
	v15 =	vld [tilespmem:s13+$0x2280]  }
0x142: {  	[tilespmem:s13+$0x2220] =	vst v9;
	v9 =	vmul.f32 v10, v11;
	v10 =	vld [tilespmem:s13+$0x2290]  }
0x143: {  	[tilespmem:s13+$0x2230] =	vst v8;
	v8 =	vmul.f32 v14, v11;
	v14 =	vld [tilespmem:s13+$0x22A0]  }
0x144: {  	[tilespmem:s13+$0x2240] =	vst v9;
	v9 =	vmul.f32 v12, v11;
	v12 =	vbroadcast v2, $0x9;
	v16 =	vld [tilespmem:s13+$0x22B0]  }
0x145: {  	[tilespmem:s13+$0x2250] =	vst v8;
	v8 =	vmul.f32 v13, v11;
	v11 =	vld [tilespmem:s13+$0x22C0]  }
0x146: {  	[tilespmem:s13+$0x2260] =	vst v9;
	v9 =	vmul.f32 v15, v12;
	v13 =	vld [tilespmem:s13+$0x22D0]  }
0x147: {  	[tilespmem:s13+$0x2270] =	vst v8;
	v8 =	vmul.f32 v10, v12;
	v10 =	vld [tilespmem:s13+$0x22E0]  }
0x148: {  	[tilespmem:s13+$0x2280] =	vst v9;
	v9 =	vmul.f32 v14, v12;
	v14 =	vld [tilespmem:s13+$0x22F0]  }
0x149: {  	[tilespmem:s13+$0x2290] =	vst v8;
	v8 =	vmul.f32 v16, v12;
	v15 =	vld [tilespmem:s13+$0x2300]  }
0x14a: {  	[tilespmem:s13+$0x22A0] =	vst v9;
	v9 =	vmul.f32 v11, v12;
	v11 =	vld [tilespmem:s13+$0x2310]  }
0x14b: {  	[tilespmem:s13+$0x22B0] =	vst v8;
	v8 =	vmul.f32 v13, v12;
	v13 =	vld [tilespmem:s13+$0x2320]  }
0x14c: {  	[tilespmem:s13+$0x22C0] =	vst v9;
	v9 =	vmul.f32 v10, v12;
	v10 =	vld [tilespmem:s13+$0x2330]  }
0x14d: {  	[tilespmem:s13+$0x22D0] =	vst v8;
	v8 =	vmul.f32 v14, v12;
	v12 =	vld [tilespmem:s13+$0x2340]  }
0x14e: {  	[tilespmem:s13+$0x22E0] =	vst v9;
	v9 =	vmul.f32 v15, v5;
	v14 =	vld [tilespmem:s13+$0x2350]  }
0x14f: {  	[tilespmem:s13+$0x22F0] =	vst v8;
	v8 =	vmul.f32 v11, v5;
	v11 =	vld [tilespmem:s13+$0x2360]  }
0x150: {  	v15 =	vld [tilespmem:s13+$0x1E00];
	[tilespmem:s13+$0x2300] =	vst v9;
	v9 =	vmul.f32 v13, v5  }
0x151: {  	v13 =	vld [tilespmem:s13+$0x1E10];
	[tilespmem:s13+$0x2310] =	vst v8;
	v8 =	vmul.f32 v10, v5  }
0x152: {  	v10 =	vld [tilespmem:s13+$0x1E40];
	[tilespmem:s13+$0x2320] =	vst v9;
	v9 =	vmul.f32 v12, v5  }
0x153: {  	v12 =	vld [tilespmem:s13+$0x1E50];
	[tilespmem:s13+$0x2330] =	vst v8;
	v8 =	vmul.f32 v14, v5  }
0x154: {  	[tilespmem:s13+$0x2340] =	vst v9;
	v9 =	vmul.f32 v11, v5;
	v11 =	vbroadcast v2, $0xB;
	v14 =	vld [tilespmem:s13+$0x23A0]  }
0x155: {  	v5 =	vbroadcast v2, $0xF;
	v15 =	vmul.f32 v3, v15;
	[tilespmem:s13+$0x2350] =	vst v8;
	v8 =	vld [tilespmem:s13+$0x23B0]  }
0x156: {  	v13 =	vmul.f32 v13, v3;
	[tilespmem:s13+$0x2360] =	vst v9;
	v6 =	vmul.f32 v6, v11;
	v9 =	vld [tilespmem:s13+$0x23C0]  }
0x157: {  	v7 =	vmul.f32 v7, v11;
	[tilespmem:s13+$0x1E00] =	vst v15;
	v10 =	vmul.f32 v10, v3;
	v15 =	vld [tilespmem:s13+$0x23D0]  }
0x158: {  	v4 =	vmul.f32 v4, v5;
	v12 =	vmul.f32 v12, v3;
	[tilespmem:s13+$0x2380] =	vst v6;
	v3 =	vld [tilespmem:s13+$0x23E0]  }
0x159: {  	[tilespmem:s13+$0x2390] =	vst v7;
	v6 =	vmul.f32 v14, v11;
	v7 =	vld [tilespmem:s13+$0x23F0]  }
0x15a: {  	v8 =	vmul.f32 v8, v11;
	v14 =	vld [tilespmem:s13+$0x2400];
	[tilespmem:s13+$0x25D0] =	vst v4  }
0x15b: {  	[tilespmem:s13+$0x1E10] =	vst v13;
	v4 =	vmul.f32 v9, v11;
	v9 =	vld [tilespmem:s13+$0x2410]  }
0x15c: {  	[tilespmem:s13+$0x1E40] =	vst v10;
	v10 =	vmul.f32 v15, v11;
	v13 =	vld [tilespmem:s13+$0x2420]  }
0x15d: {  	v15 =	vbroadcast v2, $0xC;
	[tilespmem:s13+$0x23A0] =	vst v6;
	v6 =	vmul.f32 v3, v11;
	v16 =	vld [tilespmem:s13+$0x2430]  }
0x15e: {  	[tilespmem:s13+$0x23D0] =	vst v10;
	v7 =	vmul.f32 v7, v11;
	v10 =	vld [tilespmem:s13+$0x2440]  }
0x15f: {  	[tilespmem:s13+$0x23B0] =	vst v8;
	v3 =	vmul.f32 v14, v15;
	v8 =	vld [tilespmem:s13+$0x2450]  }
0x160: {  	[tilespmem:s13+$0x23C0] =	vst v4;
	v4 =	vmul.f32 v9, v15;
	v9 =	vld [tilespmem:s13+$0x2460]  }
0x161: {  	[tilespmem:s13+$0x2400] =	vst v3;
	v3 =	vmul.f32 v13, v15;
	v11 =	vld [tilespmem:s13+$0x2470]  }
0x162: {  	[tilespmem:s13+$0x2410] =	vst v4;
	v4 =	vld [tilespmem:s13+$0x2480]  }
0x163: {  	[tilespmem:s13+$0x1E50] =	vst v12;
	v10 =	vmul.f32 v10, v15;
	v12 =	vld [tilespmem:s13+$0x2490]  }
0x164: {  	[tilespmem:s13+$0x23E0] =	vst v6;
	v6 =	vmul.f32 v8, v15;
	v8 =	vld [tilespmem:s13+$0x24A0]  }
0x165: {  	[tilespmem:s13+$0x2440] =	vst v10;
	v9 =	vmul.f32 v9, v15;
	v10 =	vbroadcast v2, $0xD;
	v13 =	vld [tilespmem:s13+$0x24B0]  }
0x166: {  	[tilespmem:s13+$0x2450] =	vst v6;
	v6 =	vmul.f32 v11, v15;
	v11 =	vld [tilespmem:s13+$0x24C0]  }
0x167: {  	[tilespmem:s13+$0x2460] =	vst v9;
	v4 =	vmul.f32 v4, v10;
	v9 =	vld [tilespmem:s13+$0x24D0]  }
0x168: {  	[tilespmem:s13+$0x2470] =	vst v6;
	v6 =	vmul.f32 v12, v10;
	v12 =	vld [tilespmem:s13+$0x24E0]  }
0x169: {  	[tilespmem:s13+$0x2480] =	vst v4;
	v4 =	vmul.f32 v8, v10;
	v8 =	vld [tilespmem:s13+$0x24F0]  }
0x16a: {  	[tilespmem:s13+$0x2490] =	vst v6;
	v6 =	vmul.f32 v13, v10;
	v13 =	vld [tilespmem:s13+$0x2500]  }
0x16b: {  	[tilespmem:s13+$0x24A0] =	vst v4;
	v4 =	vmul.f32 v11, v10;
	v11 =	vld [tilespmem:s13+$0x2510]  }
0x16c: {  	[tilespmem:s13+$0x24B0] =	vst v6;
	v6 =	vmul.f32 v9, v10;
	v9 =	vld [tilespmem:s13+$0x2520]  }
0x16d: {  	v2 =	vbroadcast v2, $0xE;
	[tilespmem:s13+$0x23F0] =	vst v7;
	v7 =	vmul.f32 v12, v10;
	v12 =	vld [tilespmem:s13+$0x2530]  }
0x16e: {  	[tilespmem:s13+$0x24D0] =	vst v6;
	v6 =	vmul.f32 v8, v10;
	v8 =	vld [tilespmem:s13+$0x2540]  }
0x16f: {  	[tilespmem:s13+$0x24E0] =	vst v7;
	v7 =	vmul.f32 v13, v2;
	v10 =	vld [tilespmem:s13+$0x2550]  }
0x170: {  	[tilespmem:s13+$0x24F0] =	vst v6;
	v6 =	vmul.f32 v11, v2;
	v11 =	vld [tilespmem:s13+$0x2560]  }
0x171: {  	[tilespmem:s13+$0x2500] =	vst v7;
	v7 =	vmul.f32 v9, v2;
	v9 =	vld [tilespmem:s13+$0x2570]  }
0x172: {  	[tilespmem:s13+$0x2510] =	vst v6;
	v6 =	vmul.f32 v12, v2;
	v12 =	vld [tilespmem:s13+$0x2580]  }
0x173: {  	[tilespmem:s13+$0x2520] =	vst v7;
	v7 =	vmul.f32 v8, v2;
	v8 =	vld [tilespmem:s13+$0x2590]  }
0x174: {  	[tilespmem:s13+$0x2530] =	vst v6;
	v6 =	vmul.f32 v10, v2;
	v10 =	vld [tilespmem:s13+$0x25A0]  }
0x175: {  	[tilespmem:s13+$0x2540] =	vst v7;
	v7 =	vmul.f32 v11, v2;
	v11 =	vld [tilespmem:s13+$0x25B0]  }
0x176: {  	[tilespmem:s13+$0x24C0] =	vst v4;
	v2 =	vmul.f32 v9, v2;
	v4 =	vld [tilespmem:s13+$0x25C0]  }
0x177: {  	[tilespmem:s13+$0x2560] =	vst v7;
	v7 =	vmul.f32 v12, v5;
	v9 =	vld [tilespmem:s13+$0x25E0]  }
0x178: {  	[tilespmem:s13+$0x2570] =	vst v2;
	v2 =	vmul.f32 v8, v5;
	v8 =	vld [tilespmem:s13+$0x25F0]  }
0x179: {  	[tilespmem:s13+$0x2580] =	vst v7;
	v7 =	vmul.f32 v10, v5  }
0x17a: {  	[tilespmem:s13+$0x2590] =	vst v2;
	v2 =	vmul.f32 v11, v5  }
0x17b: {  	v10 =	vmul.f32 v16, v15;
	[tilespmem:s13+$0x25A0] =	vst v7  }
0x17c: {  	[tilespmem:s13+$0x25B0] =	vst v2;
	v2 =	vmul.f32 v4, v5  }
.Ltmp3:
0x17d: {  	[tilespmem:s13+$0x2430] =	vst v10;
	v4 =	vmul.f32 v8, v5;
	(pc) =	sbr.rel @p0 .LBB2_6-.Ltmp3, $4  }
0x17e: {  	[tilespmem:s13+$0x25C0] =	vst v2  }
0x17f: {  	v2 =	vmul.f32 v9, v5;
	[tilespmem:s13+$0x25F0] =	vst v4  }
0x180: {  	[tilespmem:s13+$0x2550] =	vst v6  }
0x181: {  	[tilespmem:s13+$0x25E0] =	vst v2  }
0x182: {  	[tilespmem:s13+$0x2420] =	vst v3;
	s9 =	sadd.s32 $0xA00, s11;
	s14 =	sadd.s32 $0x140, s12;
	p0 =	seq.s32 s10, $0xF  }
0x183: {  	[spmem:s2] =	stream.indirect.scatter.add.f32 [tilespmem:s25], [sflag:$0x3], $0x80, s9, s30, $0xb8;
	[tilespmem:$0x1AE00] =	vst v63  }
0x184: {  	s13 =	sshra.s32 s14, $0x2;
	s12 =	sshra.s32 @!p0 s12, $0x2;
	_ =	swait.ge [sflag:s26], $0x2800  }
0x185: {  	s15 =	simm.s32 @!p0 $0x50;
	s14 =	sadd.s32 $0x1400, s13;
	[sflag:s26] =	ssyncset.done $0x0  }
0x186: {  	s12 =	sadd.s32 @!p0 $0xA0, s12;
	v1 =	vmov s14;
	s14 =	simm.s32 @!p0 $0x1E00;
	[sflag:s26] =	ssyncadd.s32 $0xFFFFD800  }
0x187: {  	[tilespmem:s14], [sflag:$0x1] =	stream.indirect.gather @!p0 [hbm4b:s1+s15], $0x80, s12, s15, $0xb8;
	[tilespmem:$0x1AE00] =	vst v63  }
0x188: {  	_ =	swait.ge [sflag:s3], $0x2800  }
0x189: {  	s15 =	simm.s32 $0x0;
	[sflag:s3] =	ssyncset.done $0x0  }
0x18a: {  	s22 =	simm.s32 $0x0;
	s12 =	sand.u32 $0x3FFFFFF0, s15;
	[sflag:s3] =	ssyncadd.s32 $0xFFFFD800  }
0x18b: {  	v2 =	vld.idx.msk [tilespmem:v1+s12+$0x0 ss:$0x1], $0xffff;
	s12 =	sand.u32 $0x3FFFF800, s22  }
0x18c: {  	v8 =	vld [tilespmem:s12+$0x46C0]  }
0x18d: {  	v4 =	vld [tilespmem:s12+$0x4620]  }
0x18e: {  	v5 =	vld [tilespmem:s12+$0x4630]  }
0x18f: {  	v11 =	vld [tilespmem:s12+$0x4660]  }
0x190: {  	v12 =	vld [tilespmem:s12+$0x4670];
	v3 =	vbroadcast v2, $0x0  }
0x191: {  	v13 =	vld [tilespmem:s12+$0x4680]  }
0x192: {  	v14 =	vld [tilespmem:s12+$0x4690];
	v4 =	vmul.f32 v4, v3  }
0x193: {  	v15 =	vld [tilespmem:s12+$0x46A0];
	v5 =	vmul.f32 v5, v3  }
0x194: {  	v10 =	vld [tilespmem:s12+$0x46B0];
	v21 =	vbroadcast v2, $0x1;
	v20 =	vmul.f32 v11, v3;
	[tilespmem:s12+$0x4620] =	vst v4  }
0x195: {  	v9 =	vld [tilespmem:s12+$0x46D0];
	v12 =	vmul.f32 v12, v3;
	[tilespmem:s12+$0x4630] =	vst v5  }
0x196: {  	v7 =	vld [tilespmem:s12+$0x4B70];
	v13 =	vmul.f32 v13, v21;
	[tilespmem:s12+$0x4660] =	vst v20  }
0x197: {  	v23 =	vld [tilespmem:s12+$0x46F0];
	v14 =	vmul.f32 v14, v21;
	[tilespmem:s12+$0x4670] =	vst v12  }
0x198: {  	v24 =	vld [tilespmem:s12+$0x4700];
	v15 =	vmul.f32 v15, v21;
	[tilespmem:s12+$0x4680] =	vst v13  }
0x199: {  	v25 =	vld [tilespmem:s12+$0x4710];
	v10 =	vmul.f32 v10, v21;
	[tilespmem:s12+$0x4690] =	vst v14  }
0x19a: {  	v22 =	vld [tilespmem:s12+$0x46E0];
	v8 =	vmul.f32 v8, v21;
	[tilespmem:s12+$0x46A0] =	vst v15  }
0x19b: {  	v26 =	vld [tilespmem:s12+$0x4720];
	v16 =	vbroadcast v2, $0x2;
	v9 =	vmul.f32 v9, v21;
	[tilespmem:s12+$0x46B0] =	vst v10  }
0x19c: {  	v27 =	vld [tilespmem:s12+$0x4730];
	v11 =	vmul.f32 v23, v21;
	[tilespmem:s12+$0x46C0] =	vst v8  }
0x19d: {  	v28 =	vld [tilespmem:s12+$0x4740];
	v6 =	vbroadcast v2, $0xA;
	v30 =	vmul.f32 v24, v16;
	[tilespmem:s12+$0x46D0] =	vst v9  }
0x19e: {  	v29 =	vld [tilespmem:s12+$0x4750];
	v32 =	vmul.f32 v25, v16;
	[tilespmem:s12+$0x46F0] =	vst v11  }
0x19f: {  	v31 =	vld [tilespmem:s12+$0x4760];
	v4 =	vmul.f32 v7, v6;
	[tilespmem:s12+$0x4700] =	vst v30  }
0x1a0: {  	v33 =	vld [tilespmem:s12+$0x4770];
	v12 =	vmul.f32 v22, v21;
	[tilespmem:s12+$0x4710] =	vst v32  }
0x1a1: {  	v34 =	vld [tilespmem:s12+$0x4780];
	v10 =	vmul.f32 v26, v16;
	[tilespmem:s12+$0x4B70] =	vst v4  }
0x1a2: {  	v35 =	vld [tilespmem:s12+$0x4790];
	v8 =	vmul.f32 v27, v16;
	[tilespmem:s12+$0x46E0] =	vst v12  }
0x1a3: {  	v36 =	vld [tilespmem:s12+$0x47A0];
	v9 =	vmul.f32 v28, v16;
	[tilespmem:s12+$0x4720] =	vst v10  }
0x1a4: {  	v37 =	vld [tilespmem:s12+$0x47B0];
	v39 =	vbroadcast v2, $0x3;
	v11 =	vmul.f32 v31, v16;
	[tilespmem:s12+$0x4730] =	vst v8  }
0x1a5: {  	v38 =	vld [tilespmem:s12+$0x47C0];
	v13 =	vmul.f32 v33, v16;
	[tilespmem:s12+$0x4740] =	vst v9  }
0x1a6: {  	v40 =	vld [tilespmem:s12+$0x47D0];
	v14 =	vmul.f32 v34, v39;
	[tilespmem:s12+$0x4760] =	vst v11  }
0x1a7: {  	v41 =	vld [tilespmem:s12+$0x47E0];
	v12 =	vmul.f32 v29, v16;
	[tilespmem:s12+$0x4770] =	vst v13  }
0x1a8: {  	v42 =	vld [tilespmem:s12+$0x47F0];
	v10 =	vmul.f32 v35, v39;
	[tilespmem:s12+$0x4780] =	vst v14  }
0x1a9: {  	v43 =	vld [tilespmem:s12+$0x4800];
	v8 =	vmul.f32 v36, v39;
	[tilespmem:s12+$0x4750] =	vst v12  }
0x1aa: {  	v44 =	vld [tilespmem:s12+$0x4810];
	v9 =	vmul.f32 v37, v39;
	[tilespmem:s12+$0x4790] =	vst v10  }
0x1ab: {  	v45 =	vld [tilespmem:s12+$0x4820];
	v11 =	vmul.f32 v40, v39;
	[tilespmem:s12+$0x47A0] =	vst v8  }
0x1ac: {  	v46 =	vld [tilespmem:s12+$0x4830];
	v13 =	vmul.f32 v41, v39;
	[tilespmem:s12+$0x47B0] =	vst v9  }
0x1ad: {  	v47 =	vld [tilespmem:s12+$0x4840];
	v48 =	vbroadcast v2, $0x4;
	v14 =	vmul.f32 v42, v39;
	[tilespmem:s12+$0x47D0] =	vst v11  }
0x1ae: {  	v49 =	vld [tilespmem:s12+$0x4850];
	v12 =	vmul.f32 v38, v39;
	[tilespmem:s12+$0x47E0] =	vst v13  }
0x1af: {  	v50 =	vld [tilespmem:s12+$0x4860];
	v10 =	vmul.f32 v43, v48;
	[tilespmem:s12+$0x47F0] =	vst v14  }
0x1b0: {  	v51 =	vld [tilespmem:s12+$0x4870];
	v8 =	vmul.f32 v44, v48;
	[tilespmem:s12+$0x47C0] =	vst v12  }
0x1b1: {  	v52 =	vld [tilespmem:s12+$0x4880];
	v9 =	vmul.f32 v45, v48;
	[tilespmem:s12+$0x4800] =	vst v10  }
0x1b2: {  	v53 =	vld [tilespmem:s12+$0x4890];
	v11 =	vmul.f32 v47, v48;
	[tilespmem:s12+$0x4810] =	vst v8  }
0x1b3: {  	v54 =	vld [tilespmem:s12+$0x48A0];
	v13 =	vmul.f32 v49, v48;
	[tilespmem:s12+$0x4820] =	vst v9  }
0x1b4: {  	v55 =	vld [tilespmem:s12+$0x48B0];
	v14 =	vmul.f32 v50, v48;
	[tilespmem:s12+$0x4840] =	vst v11  }
0x1b5: {  	v56 =	vld [tilespmem:s12+$0x48C0];
	v57 =	vbroadcast v2, $0x5;
	v12 =	vmul.f32 v46, v48;
	[tilespmem:s12+$0x4850] =	vst v13  }
0x1b6: {  	v58 =	vld [tilespmem:s12+$0x48D0];
	v10 =	vmul.f32 v51, v48;
	[tilespmem:s12+$0x4860] =	vst v14  }
0x1b7: {  	v59 =	vld [tilespmem:s12+$0x48E0];
	v8 =	vmul.f32 v52, v57;
	[tilespmem:s12+$0x4830] =	vst v12  }
0x1b8: {  	v60 =	vld [tilespmem:s12+$0x48F0];
	v9 =	vmul.f32 v53, v57;
	[tilespmem:s12+$0x4870] =	vst v10  }
0x1b9: {  	v61 =	vld [tilespmem:s12+$0x4900];
	v11 =	vmul.f32 v55, v57;
	[tilespmem:s12+$0x4880] =	vst v8  }
0x1ba: {  	v62 =	vld [tilespmem:s12+$0x4910];
	v13 =	vmul.f32 v56, v57;
	[tilespmem:s12+$0x4890] =	vst v9  }
0x1bb: {  	v63 =	vld [tilespmem:s12+$0x4920];
	v14 =	vmul.f32 v58, v57;
	[tilespmem:s12+$0x48B0] =	vst v11  }
0x1bc: {  	v20 =	vld [tilespmem:s12+$0x4930];
	v12 =	vmul.f32 v54, v57;
	[tilespmem:s12+$0x48C0] =	vst v13  }
0x1bd: {  	v21 =	vld [tilespmem:s12+$0x4940];
	v22 =	vbroadcast v2, $0x6;
	v10 =	vmul.f32 v59, v57;
	[tilespmem:s12+$0x48D0] =	vst v14  }
0x1be: {  	v23 =	vld [tilespmem:s12+$0x4950];
	v8 =	vmul.f32 v60, v57;
	[tilespmem:s12+$0x48A0] =	vst v12  }
0x1bf: {  	v24 =	vld [tilespmem:s12+$0x4960];
	v9 =	vmul.f32 v61, v22;
	[tilespmem:s12+$0x48E0] =	vst v10  }
0x1c0: {  	v25 =	vld [tilespmem:s12+$0x4970];
	v11 =	vmul.f32 v63, v22;
	[tilespmem:s12+$0x48F0] =	vst v8  }
0x1c1: {  	v5 =	vld [tilespmem:s12+$0x4B80];
	v13 =	vmul.f32 v20, v22;
	[tilespmem:s12+$0x4900] =	vst v9  }
0x1c2: {  	v27 =	vld [tilespmem:s12+$0x4990];
	v14 =	vmul.f32 v21, v22;
	[tilespmem:s12+$0x4920] =	vst v11  }
0x1c3: {  	v28 =	vld [tilespmem:s12+$0x49A0];
	v12 =	vmul.f32 v62, v22;
	[tilespmem:s12+$0x4930] =	vst v13  }
0x1c4: {  	v29 =	vld [tilespmem:s12+$0x49B0];
	v10 =	vmul.f32 v23, v22;
	[tilespmem:s12+$0x4940] =	vst v14  }
0x1c5: {  	v31 =	vbroadcast v2, $0x7;
	v53 =	vld [tilespmem:s12+$0x4B00];
	v8 =	vmul.f32 v24, v22;
	[tilespmem:s12+$0x4910] =	vst v12  }
0x1c6: {  	v58 =	vld [tilespmem:s12+$0x4B50];
	v9 =	vmul.f32 v25, v22;
	[tilespmem:s12+$0x4950] =	vst v10  }
0x1c7: {  	v26 =	vld [tilespmem:s12+$0x4980];
	v11 =	vmul.f32 v27, v31;
	[tilespmem:s12+$0x4960] =	vst v8  }
0x1c8: {  	v30 =	vld [tilespmem:s12+$0x49C0];
	v13 =	vmul.f32 v28, v31;
	[tilespmem:s12+$0x4970] =	vst v9  }
0x1c9: {  	v32 =	vld [tilespmem:s12+$0x49D0];
	v14 =	vmul.f32 v29, v31;
	[tilespmem:s12+$0x4990] =	vst v11  }
0x1ca: {  	v33 =	vld [tilespmem:s12+$0x49E0];
	v59 =	vmul.f32 v53, v6;
	[tilespmem:s12+$0x49A0] =	vst v13  }
0x1cb: {  	v35 =	vld [tilespmem:s12+$0x4A00];
	v21 =	vmul.f32 v58, v6;
	[tilespmem:s12+$0x49B0] =	vst v14  }
0x1cc: {  	v36 =	vld [tilespmem:s12+$0x4A10];
	v12 =	vmul.f32 v26, v31;
	[tilespmem:s12+$0x4B00] =	vst v59  }
0x1cd: {  	v37 =	vld [tilespmem:s12+$0x4A20];
	v10 =	vmul.f32 v30, v31;
	[tilespmem:s12+$0x4B50] =	vst v21  }
0x1ce: {  	v7 =	vld [tilespmem:s12+$0x4B90];
	v40 =	vbroadcast v2, $0x8;
	v8 =	vmul.f32 v32, v31;
	[tilespmem:s12+$0x4980] =	vst v12  }
0x1cf: {  	v34 =	vld [tilespmem:s12+$0x49F0];
	v9 =	vmul.f32 v33, v31;
	[tilespmem:s12+$0x49C0] =	vst v10  }
0x1d0: {  	v57 =	vld [tilespmem:s12+$0x4B40];
	v11 =	vmul.f32 v35, v40;
	[tilespmem:s12+$0x49D0] =	vst v8  }
0x1d1: {  	v61 =	vld [tilespmem:s12+$0x4600];
	v24 =	vbroadcast v2, $0xB;
	v13 =	vmul.f32 v36, v40;
	[tilespmem:s12+$0x49E0] =	vst v9  }
0x1d2: {  	v4 =	vld [tilespmem:s12+$0x4DD0];
	v14 =	vmul.f32 v37, v40;
	[tilespmem:s12+$0x4A00] =	vst v11  }
0x1d3: {  	v38 =	vld [tilespmem:s12+$0x4A30];
	v5 =	vmul.f32 v5, v24;
	[tilespmem:s12+$0x4A10] =	vst v13  }
0x1d4: {  	v39 =	vld [tilespmem:s12+$0x4A40];
	v7 =	vmul.f32 v7, v24;
	[tilespmem:s12+$0x4A20] =	vst v14  }
0x1d5: {  	v41 =	vld [tilespmem:s12+$0x4A50];
	v19 =	vmul.f32 v57, v6;
	[tilespmem:s12+$0x4B80] =	vst v5  }
0x1d6: {  	v43 =	vld [tilespmem:s12+$0x4A70];
	v25 =	vmul.f32 v3, v61;
	[tilespmem:s12+$0x4B90] =	vst v7  }
0x1d7: {  	v44 =	vld [tilespmem:s12+$0x4A80];
	v12 =	vmul.f32 v34, v31;
	[tilespmem:s12+$0x4B40] =	vst v19  }
0x1d8: {  	v45 =	vld [tilespmem:s12+$0x4A90];
	v10 =	vmul.f32 v38, v40;
	[tilespmem:s12+$0x4600] =	vst v25  }
0x1d9: {  	v27 =	vld [tilespmem:s12+$0x4BD0];
	v8 =	vmul.f32 v39, v40;
	[tilespmem:s12+$0x49F0] =	vst v12  }
0x1da: {  	v49 =	vbroadcast v2, $0x9;
	v29 =	vld [tilespmem:s12+$0x4BF0];
	v9 =	vmul.f32 v41, v40;
	[tilespmem:s12+$0x4A30] =	vst v10  }
0x1db: {  	v42 =	vld [tilespmem:s12+$0x4A60];
	v11 =	vmul.f32 v43, v40;
	[tilespmem:s12+$0x4A40] =	vst v8  }
0x1dc: {  	v46 =	vld [tilespmem:s12+$0x4AA0];
	v13 =	vmul.f32 v44, v49;
	[tilespmem:s12+$0x4A50] =	vst v9  }
0x1dd: {  	v47 =	vld [tilespmem:s12+$0x4AB0];
	v14 =	vmul.f32 v45, v49;
	[tilespmem:s12+$0x4A70] =	vst v11  }
0x1de: {  	v48 =	vld [tilespmem:s12+$0x4AC0];
	v32 =	vmul.f32 v27, v24;
	[tilespmem:s12+$0x4A80] =	vst v13  }
0x1df: {  	v51 =	vld [tilespmem:s12+$0x4AE0];
	v7 =	vmul.f32 v29, v24;
	[tilespmem:s12+$0x4A90] =	vst v14  }
0x1e0: {  	v52 =	vld [tilespmem:s12+$0x4AF0];
	v12 =	vmul.f32 v42, v40;
	[tilespmem:s12+$0x4BD0] =	vst v32  }
0x1e1: {  	v10 =	vmul.f32 v46, v49;
	[tilespmem:s12+$0x4BF0] =	vst v7  }
0x1e2: {  	v28 =	vld [tilespmem:s12+$0x4BE0];
	v8 =	vmul.f32 v47, v49;
	[tilespmem:s12+$0x4A60] =	vst v12  }
0x1e3: {  	v30 =	vld [tilespmem:s12+$0x4C00];
	v9 =	vmul.f32 v48, v49;
	[tilespmem:s12+$0x4AA0] =	vst v10  }
0x1e4: {  	v50 =	vld [tilespmem:s12+$0x4AD0];
	v5 =	vbroadcast v2, $0xF;
	v11 =	vmul.f32 v51, v49;
	[tilespmem:s12+$0x4AB0] =	vst v8  }
0x1e5: {  	v54 =	vld [tilespmem:s12+$0x4B10];
	v13 =	vmul.f32 v52, v49;
	[tilespmem:s12+$0x4AC0] =	vst v9  }
0x1e6: {  	v55 =	vld [tilespmem:s12+$0x4B20];
	v35 =	vbroadcast v2, $0xC;
	v4 =	vmul.f32 v4, v5;
	[tilespmem:s12+$0x4AE0] =	vst v11  }
0x1e7: {  	v56 =	vld [tilespmem:s12+$0x4B30];
	v40 =	vmul.f32 v28, v24;
	[tilespmem:s12+$0x4AF0] =	vst v13  }
0x1e8: {  	v60 =	vld [tilespmem:s12+$0x4B60];
	v16 =	vmul.f32 v30, v35;
	[tilespmem:s12+$0x4DD0] =	vst v4  }
0x1e9: {  	v62 =	vld [tilespmem:s12+$0x4610];
	v12 =	vmul.f32 v50, v49;
	[tilespmem:s12+$0x4BE0] =	vst v40  }
0x1ea: {  	v63 =	vld [tilespmem:s12+$0x4640];
	v10 =	vmul.f32 v54, v6;
	[tilespmem:s12+$0x4C00] =	vst v16  }
0x1eb: {  	v20 =	vld [tilespmem:s12+$0x4650];
	v8 =	vmul.f32 v55, v6;
	[tilespmem:s12+$0x4AD0] =	vst v12  }
0x1ec: {  	v33 =	vld [tilespmem:s12+$0x4C30];
	v9 =	vmul.f32 v56, v6;
	[tilespmem:s12+$0x4B10] =	vst v10  }
0x1ed: {  	v61 =	vld [tilespmem:s12+$0x4DF0];
	v6 =	vmul.f32 v60, v6;
	[tilespmem:s12+$0x4B20] =	vst v8  }
0x1ee: {  	v38 =	vld [tilespmem:s12+$0x4C70];
	v13 =	vmul.f32 v62, v3;
	[tilespmem:s12+$0x4B30] =	vst v9  }
0x1ef: {  	v22 =	vld [tilespmem:s12+$0x4BA0];
	v4 =	vmul.f32 v63, v3;
	[tilespmem:s12+$0x4B60] =	vst v6  }
0x1f0: {  	v23 =	vld [tilespmem:s12+$0x4BB0];
	v3 =	vmul.f32 v20, v3;
	[tilespmem:s12+$0x4610] =	vst v13  }
0x1f1: {  	v26 =	vld [tilespmem:s12+$0x4BC0];
	v62 =	vmul.f32 v33, v35;
	[tilespmem:s12+$0x4640] =	vst v4  }
0x1f2: {  	v31 =	vld [tilespmem:s12+$0x4C10];
	v63 =	vmul.f32 v61, v5;
	[tilespmem:s12+$0x4650] =	vst v3  }
0x1f3: {  	v34 =	vld [tilespmem:s12+$0x4C40];
	v16 =	vmul.f32 v38, v35;
	[tilespmem:s12+$0x4C30] =	vst v62  }
0x1f4: {  	v41 =	vld [tilespmem:s12+$0x4CA0];
	v8 =	vmul.f32 v22, v24;
	[tilespmem:s12+$0x4DF0] =	vst v63  }
0x1f5: {  	v46 =	vld [tilespmem:s12+$0x4CE0];
	v9 =	vmul.f32 v23, v24;
	[tilespmem:s12+$0x4C70] =	vst v16  }
0x1f6: {  	v6 =	vmul.f32 v26, v24;
	v3 =	vld [tilespmem:s12+$0x4C90];
	[tilespmem:s12+$0x4BA0] =	vst v8  }
0x1f7: {  	v36 =	vld [tilespmem:s12+$0x4C50];
	v44 =	vbroadcast v2, $0xD;
	v10 =	vmul.f32 v31, v35;
	[tilespmem:s12+$0x4BB0] =	vst v9  }
0x1f8: {  	v37 =	vld [tilespmem:s12+$0x4C60];
	v13 =	vmul.f32 v34, v35;
	[tilespmem:s12+$0x4BC0] =	vst v6  }
0x1f9: {  	v39 =	vld [tilespmem:s12+$0x4C80];
	v12 =	vmul.f32 v41, v44;
	[tilespmem:s12+$0x4C10] =	vst v10  }
0x1fa: {  	v42 =	vld [tilespmem:s12+$0x4CB0];
	v51 =	vmul.f32 v46, v44;
	[tilespmem:s12+$0x4C40] =	vst v13  }
0x1fb: {  	v48 =	vld [tilespmem:s12+$0x4D10];
	[tilespmem:s12+$0x4CA0] =	vst v12;
	v3 =	vmul.f32 v3, v44  }
0x1fc: {  	v49 =	vld [tilespmem:s12+$0x4D20];
	v9 =	vmul.f32 v36, v35;
	[tilespmem:s12+$0x4CE0] =	vst v51  }
0x1fd: {  	v6 =	vmul.f32 v37, v35;
	[tilespmem:s12+$0x4C90] =	vst v3;
	v3 =	vld [tilespmem:s12+$0x4D00]  }
0x1fe: {  	v2 =	vbroadcast v2, $0xE;
	v50 =	vld [tilespmem:s12+$0x4D30];
	v10 =	vmul.f32 v39, v44;
	[tilespmem:s12+$0x4C50] =	vst v9  }
0x1ff: {  	v45 =	vld [tilespmem:s12+$0x4CD0];
	v13 =	vmul.f32 v42, v44;
	[tilespmem:s12+$0x4C60] =	vst v6  }
0x200: {  	v47 =	vld [tilespmem:s12+$0x4CF0];
	v12 =	vmul.f32 v48, v2;
	[tilespmem:s12+$0x4C80] =	vst v10  }
0x201: {  	v43 =	vld [tilespmem:s12+$0x4CC0];
	v11 =	vmul.f32 v49, v2;
	[tilespmem:s12+$0x4CB0] =	vst v13  }
0x202: {  	v55 =	vld [tilespmem:s12+$0x4D80];
	[tilespmem:s12+$0x4D10] =	vst v12;
	v3 =	vmul.f32 v3, v2  }
0x203: {  	v57 =	vld [tilespmem:s12+$0x4DA0];
	v7 =	vmul.f32 v50, v2;
	[tilespmem:s12+$0x4D20] =	vst v11  }
0x204: {  	v6 =	vmul.f32 v45, v44;
	[tilespmem:s12+$0x4D00] =	vst v3;
	v3 =	vld [tilespmem:s12+$0x4D70]  }
0x205: {  	v52 =	vld [tilespmem:s12+$0x4D40];
	v10 =	vmul.f32 v47, v44;
	[tilespmem:s12+$0x4D30] =	vst v7  }
0x206: {  	v56 =	vld [tilespmem:s12+$0x4D90];
	v9 =	vmul.f32 v43, v44;
	[tilespmem:s12+$0x4CD0] =	vst v6  }
0x207: {  	v54 =	vld [tilespmem:s12+$0x4D60];
	v12 =	vmul.f32 v55, v5;
	[tilespmem:s12+$0x4CF0] =	vst v10  }
0x208: {  	v58 =	vld [tilespmem:s12+$0x4DB0];
	v7 =	vmul.f32 v57, v5;
	[tilespmem:s12+$0x4CC0] =	vst v9  }
0x209: {  	v53 =	vld [tilespmem:s12+$0x4D50];
	[tilespmem:s12+$0x4D80] =	vst v12;
	v3 =	vmul.f32 v3, v2  }
0x20a: {  	v59 =	vld [tilespmem:s12+$0x4DC0];
	v6 =	vmul.f32 v52, v2;
	[tilespmem:s12+$0x4DA0] =	vst v7  }
0x20b: {  	v60 =	vld [tilespmem:s12+$0x4DE0];
	[tilespmem:s12+$0x4D70] =	vst v3;
	v3 =	vmul.f32 v56, v5  }
0x20c: {  	v10 =	vmul.f32 v54, v2;
	[tilespmem:s12+$0x4D40] =	vst v6  }
0x20d: {  	v4 =	vld [tilespmem:s12+$0x4C20];
	[tilespmem:s12+$0x4D90] =	vst v3;
	v3 =	vmul.f32 v58, v5  }
0x20e: {  	[tilespmem:s12+$0x4D60] =	vst v10;
	v2 =	vmul.f32 v53, v2  }
0x20f: {  	[tilespmem:s12+$0x4DB0] =	vst v3;
	v3 =	vmul.f32 v59, v5  }
0x210: {  	[tilespmem:s12+$0x4D50] =	vst v2;
	v5 =	vmul.f32 v60, v5  }
0x211: {  	[tilespmem:s12+$0x4DC0] =	vst v3  }
0x212: {  	s14 =	simm.s32 $0x1;
	v3 =	vmul.f32 v4, v35;
	[tilespmem:s12+$0x4DE0] =	vst v5  }
.LBB2_8:
0x213: {  	s15 =	sshll.u32 s14, $0x4  }
0x214: {  	p1 =	sne.s32 s14, $0x4;
	[tilespmem:s12+$0x4C20] =	vst v3;
	s12 =	smov.u32 s14;
	s14 =	sadd.s32 $0x1, s14  }
0x215: {  	s15 =	sand.u32 $0x3FFFFFF0, s15  }
0x216: {  	v2 =	vld.idx.msk [tilespmem:v1+s15+$0x0 ss:$0x1], $0xffff  }
0x217: {  	s12 =	sshll.u32 s12, $0xB  }
0x218: {  	s12 =	sand.u32 $0x3FFFF800, s12  }
0x219: {  	v9 =	vld [tilespmem:s12+$0x46C0]  }
0x21a: {  	v10 =	vld [tilespmem:s12+$0x46D0]  }
0x21b: {  	v11 =	vld [tilespmem:s12+$0x46B0]  }
0x21c: {  	v3 =	vbroadcast v2, $0x0;
	v8 =	vbroadcast v2, $0x4;
	v4 =	vld [tilespmem:s12+$0x4620]  }
0x21d: {  	v6 =	vld [tilespmem:s12+$0x4630]  }
0x21e: {  	v7 =	vld [tilespmem:s12+$0x4B70]  }
0x21f: {  	v12 =	vld [tilespmem:s12+$0x4660]  }
0x220: {  	v13 =	vld [tilespmem:s12+$0x4670]  }
0x221: {  	v5 =	vbroadcast v2, $0xA;
	v4 =	vmul.f32 v4, v3;
	v14 =	vld [tilespmem:s12+$0x4680]  }
0x222: {  	v6 =	vmul.f32 v6, v3;
	v15 =	vld [tilespmem:s12+$0x4690]  }
0x223: {  	[tilespmem:s12+$0x4620] =	vst v4;
	v16 =	vld [tilespmem:s12+$0x46A0];
	v4 =	vmul.f32 v7, v5  }
0x224: {  	[tilespmem:s12+$0x4630] =	vst v6;
	v7 =	vmul.f32 v12, v3;
	v12 =	vbroadcast v2, $0x1;
	v6 =	vld [tilespmem:s12+$0x4B80]  }
0x225: {  	v13 =	vmul.f32 v13, v3;
	[tilespmem:s12+$0x4B70] =	vst v4;
	v4 =	vld [tilespmem:s12+$0x4DD0]  }
0x226: {  	[tilespmem:s12+$0x4660] =	vst v7;
	v14 =	vmul.f32 v14, v12;
	v7 =	vld [tilespmem:s12+$0x4B90]  }
0x227: {  	[tilespmem:s12+$0x4670] =	vst v13;
	v13 =	vmul.f32 v15, v12;
	v15 =	vld [tilespmem:s12+$0x46E0]  }
0x228: {  	[tilespmem:s12+$0x4680] =	vst v14;
	v14 =	vmul.f32 v16, v12;
	v16 =	vld [tilespmem:s12+$0x46F0]  }
0x229: {  	v11 =	vmul.f32 v11, v12;
	[tilespmem:s12+$0x4690] =	vst v13;
	v13 =	vld [tilespmem:s12+$0x4700]  }
0x22a: {  	v9 =	vmul.f32 v9, v12;
	[tilespmem:s12+$0x46A0] =	vst v14;
	v14 =	vld [tilespmem:s12+$0x4710]  }
0x22b: {  	v10 =	vmul.f32 v10, v12;
	[tilespmem:s12+$0x46B0] =	vst v11;
	v11 =	vld [tilespmem:s12+$0x4720]  }
0x22c: {  	[tilespmem:s12+$0x46C0] =	vst v9;
	v9 =	vmul.f32 v15, v12;
	v15 =	vbroadcast v2, $0x2;
	v17 =	vld [tilespmem:s12+$0x4730]  }
0x22d: {  	[tilespmem:s12+$0x46D0] =	vst v10;
	v10 =	vmul.f32 v16, v12;
	v12 =	vld [tilespmem:s12+$0x4740]  }
0x22e: {  	[tilespmem:s12+$0x46E0] =	vst v9;
	v9 =	vmul.f32 v13, v15;
	v13 =	vld [tilespmem:s12+$0x4750]  }
0x22f: {  	[tilespmem:s12+$0x46F0] =	vst v10;
	v10 =	vmul.f32 v14, v15;
	v14 =	vld [tilespmem:s12+$0x4760]  }
0x230: {  	[tilespmem:s12+$0x4700] =	vst v9;
	v9 =	vmul.f32 v11, v15;
	v11 =	vld [tilespmem:s12+$0x4770]  }
0x231: {  	[tilespmem:s12+$0x4710] =	vst v10;
	v10 =	vmul.f32 v17, v15;
	v16 =	vld [tilespmem:s12+$0x4780]  }
0x232: {  	[tilespmem:s12+$0x4720] =	vst v9;
	v9 =	vmul.f32 v12, v15;
	v12 =	vld [tilespmem:s12+$0x4790]  }
0x233: {  	[tilespmem:s12+$0x4730] =	vst v10;
	v10 =	vmul.f32 v13, v15;
	v13 =	vld [tilespmem:s12+$0x47A0]  }
0x234: {  	[tilespmem:s12+$0x4740] =	vst v9;
	v9 =	vmul.f32 v14, v15;
	v14 =	vbroadcast v2, $0x3;
	v17 =	vld [tilespmem:s12+$0x47B0]  }
0x235: {  	[tilespmem:s12+$0x4750] =	vst v10;
	v10 =	vmul.f32 v11, v15;
	v11 =	vld [tilespmem:s12+$0x47C0]  }
0x236: {  	[tilespmem:s12+$0x4760] =	vst v9;
	v9 =	vmul.f32 v16, v14;
	v15 =	vld [tilespmem:s12+$0x47D0]  }
0x237: {  	[tilespmem:s12+$0x4770] =	vst v10;
	v10 =	vmul.f32 v12, v14;
	v12 =	vld [tilespmem:s12+$0x47E0]  }
0x238: {  	[tilespmem:s12+$0x4780] =	vst v9;
	v9 =	vmul.f32 v13, v14;
	v13 =	vld [tilespmem:s12+$0x47F0]  }
0x239: {  	[tilespmem:s12+$0x4790] =	vst v10;
	v10 =	vmul.f32 v17, v14;
	v16 =	vld [tilespmem:s12+$0x4800]  }
0x23a: {  	[tilespmem:s12+$0x47A0] =	vst v9;
	v9 =	vmul.f32 v11, v14;
	v11 =	vld [tilespmem:s12+$0x4810]  }
0x23b: {  	[tilespmem:s12+$0x47B0] =	vst v10;
	v10 =	vmul.f32 v15, v14;
	v15 =	vld [tilespmem:s12+$0x4820]  }
0x23c: {  	[tilespmem:s12+$0x47C0] =	vst v9;
	v9 =	vmul.f32 v12, v14;
	v12 =	vld [tilespmem:s12+$0x4830]  }
0x23d: {  	[tilespmem:s12+$0x47D0] =	vst v10;
	v10 =	vmul.f32 v13, v14;
	v13 =	vld [tilespmem:s12+$0x4840]  }
0x23e: {  	[tilespmem:s12+$0x47E0] =	vst v9;
	v9 =	vmul.f32 v16, v8;
	v14 =	vld [tilespmem:s12+$0x4850]  }
0x23f: {  	[tilespmem:s12+$0x47F0] =	vst v10;
	v10 =	vmul.f32 v11, v8;
	v11 =	vld [tilespmem:s12+$0x4860]  }
0x240: {  	[tilespmem:s12+$0x4800] =	vst v9;
	v9 =	vmul.f32 v15, v8;
	v15 =	vld [tilespmem:s12+$0x4870]  }
0x241: {  	[tilespmem:s12+$0x4810] =	vst v10;
	v10 =	vmul.f32 v12, v8;
	v12 =	vld [tilespmem:s12+$0x4880]  }
0x242: {  	[tilespmem:s12+$0x4820] =	vst v9;
	v9 =	vmul.f32 v13, v8;
	v13 =	vld [tilespmem:s12+$0x4890]  }
0x243: {  	[tilespmem:s12+$0x4830] =	vst v10;
	v10 =	vmul.f32 v14, v8;
	v14 =	vld [tilespmem:s12+$0x48A0]  }
0x244: {  	[tilespmem:s12+$0x4840] =	vst v9;
	v9 =	vmul.f32 v11, v8;
	v11 =	vbroadcast v2, $0x5;
	v16 =	vld [tilespmem:s12+$0x48B0]  }
0x245: {  	[tilespmem:s12+$0x4850] =	vst v10;
	v8 =	vmul.f32 v15, v8;
	v10 =	vld [tilespmem:s12+$0x48C0]  }
0x246: {  	[tilespmem:s12+$0x4860] =	vst v9;
	v9 =	vmul.f32 v12, v11;
	v12 =	vld [tilespmem:s12+$0x48D0]  }
0x247: {  	[tilespmem:s12+$0x4870] =	vst v8;
	v8 =	vmul.f32 v13, v11;
	v13 =	vld [tilespmem:s12+$0x48E0]  }
0x248: {  	[tilespmem:s12+$0x4880] =	vst v9;
	v9 =	vmul.f32 v14, v11;
	v14 =	vld [tilespmem:s12+$0x48F0]  }
0x249: {  	[tilespmem:s12+$0x4890] =	vst v8;
	v8 =	vmul.f32 v16, v11;
	v15 =	vld [tilespmem:s12+$0x4900]  }
0x24a: {  	[tilespmem:s12+$0x48A0] =	vst v9;
	v9 =	vmul.f32 v10, v11;
	v10 =	vld [tilespmem:s12+$0x4910]  }
0x24b: {  	[tilespmem:s12+$0x48B0] =	vst v8;
	v8 =	vmul.f32 v12, v11;
	v12 =	vld [tilespmem:s12+$0x4920]  }
0x24c: {  	[tilespmem:s12+$0x48C0] =	vst v9;
	v9 =	vmul.f32 v13, v11;
	v13 =	vbroadcast v2, $0x6;
	v16 =	vld [tilespmem:s12+$0x4930]  }
0x24d: {  	[tilespmem:s12+$0x48D0] =	vst v8;
	v8 =	vmul.f32 v14, v11;
	v11 =	vld [tilespmem:s12+$0x4940]  }
0x24e: {  	[tilespmem:s12+$0x48E0] =	vst v9;
	v9 =	vmul.f32 v15, v13;
	v14 =	vld [tilespmem:s12+$0x4950]  }
0x24f: {  	[tilespmem:s12+$0x48F0] =	vst v8;
	v8 =	vmul.f32 v10, v13;
	v10 =	vld [tilespmem:s12+$0x4960]  }
0x250: {  	[tilespmem:s12+$0x4900] =	vst v9;
	v9 =	vmul.f32 v12, v13;
	v12 =	vld [tilespmem:s12+$0x4970]  }
0x251: {  	[tilespmem:s12+$0x4910] =	vst v8;
	v8 =	vmul.f32 v16, v13;
	v15 =	vld [tilespmem:s12+$0x4980]  }
0x252: {  	[tilespmem:s12+$0x4920] =	vst v9;
	v9 =	vmul.f32 v11, v13;
	v11 =	vld [tilespmem:s12+$0x4990]  }
0x253: {  	[tilespmem:s12+$0x4930] =	vst v8;
	v8 =	vmul.f32 v14, v13;
	v14 =	vld [tilespmem:s12+$0x49A0]  }
0x254: {  	[tilespmem:s12+$0x4940] =	vst v9;
	v9 =	vmul.f32 v10, v13;
	v10 =	vbroadcast v2, $0x7;
	v16 =	vld [tilespmem:s12+$0x49B0]  }
0x255: {  	[tilespmem:s12+$0x4950] =	vst v8;
	v8 =	vmul.f32 v12, v13;
	v12 =	vld [tilespmem:s12+$0x49C0]  }
0x256: {  	[tilespmem:s12+$0x4960] =	vst v9;
	v9 =	vmul.f32 v15, v10;
	v13 =	vld [tilespmem:s12+$0x49D0]  }
0x257: {  	[tilespmem:s12+$0x4970] =	vst v8;
	v8 =	vmul.f32 v11, v10;
	v11 =	vld [tilespmem:s12+$0x49E0]  }
0x258: {  	[tilespmem:s12+$0x4980] =	vst v9;
	v9 =	vmul.f32 v14, v10;
	v14 =	vld [tilespmem:s12+$0x49F0]  }
0x259: {  	[tilespmem:s12+$0x4990] =	vst v8;
	v8 =	vmul.f32 v16, v10;
	v15 =	vld [tilespmem:s12+$0x4A00]  }
0x25a: {  	[tilespmem:s12+$0x49A0] =	vst v9;
	v9 =	vmul.f32 v12, v10;
	v12 =	vld [tilespmem:s12+$0x4A10]  }
0x25b: {  	[tilespmem:s12+$0x49B0] =	vst v8;
	v8 =	vmul.f32 v13, v10;
	v13 =	vld [tilespmem:s12+$0x4A20]  }
0x25c: {  	[tilespmem:s12+$0x49C0] =	vst v9;
	v9 =	vmul.f32 v11, v10;
	v11 =	vbroadcast v2, $0x8;
	v16 =	vld [tilespmem:s12+$0x4A30]  }
0x25d: {  	[tilespmem:s12+$0x49D0] =	vst v8;
	v8 =	vmul.f32 v14, v10;
	v10 =	vld [tilespmem:s12+$0x4A40]  }
0x25e: {  	[tilespmem:s12+$0x49E0] =	vst v9;
	v9 =	vmul.f32 v15, v11;
	v14 =	vld [tilespmem:s12+$0x4A50]  }
0x25f: {  	[tilespmem:s12+$0x49F0] =	vst v8;
	v8 =	vmul.f32 v12, v11;
	v12 =	vld [tilespmem:s12+$0x4A60]  }
0x260: {  	[tilespmem:s12+$0x4A00] =	vst v9;
	v9 =	vmul.f32 v13, v11;
	v13 =	vld [tilespmem:s12+$0x4A70]  }
0x261: {  	[tilespmem:s12+$0x4A10] =	vst v8;
	v8 =	vmul.f32 v16, v11;
	v15 =	vld [tilespmem:s12+$0x4A80]  }
0x262: {  	[tilespmem:s12+$0x4A20] =	vst v9;
	v9 =	vmul.f32 v10, v11;
	v10 =	vld [tilespmem:s12+$0x4A90]  }
0x263: {  	[tilespmem:s12+$0x4A30] =	vst v8;
	v8 =	vmul.f32 v14, v11;
	v14 =	vld [tilespmem:s12+$0x4AA0]  }
0x264: {  	[tilespmem:s12+$0x4A40] =	vst v9;
	v9 =	vmul.f32 v12, v11;
	v12 =	vbroadcast v2, $0x9;
	v16 =	vld [tilespmem:s12+$0x4AB0]  }
0x265: {  	[tilespmem:s12+$0x4A50] =	vst v8;
	v8 =	vmul.f32 v13, v11;
	v11 =	vld [tilespmem:s12+$0x4AC0]  }
0x266: {  	[tilespmem:s12+$0x4A60] =	vst v9;
	v9 =	vmul.f32 v15, v12;
	v13 =	vld [tilespmem:s12+$0x4AD0]  }
0x267: {  	[tilespmem:s12+$0x4A70] =	vst v8;
	v8 =	vmul.f32 v10, v12;
	v10 =	vld [tilespmem:s12+$0x4AE0]  }
0x268: {  	[tilespmem:s12+$0x4A80] =	vst v9;
	v9 =	vmul.f32 v14, v12;
	v14 =	vld [tilespmem:s12+$0x4AF0]  }
0x269: {  	[tilespmem:s12+$0x4A90] =	vst v8;
	v8 =	vmul.f32 v16, v12;
	v15 =	vld [tilespmem:s12+$0x4B00]  }
0x26a: {  	[tilespmem:s12+$0x4AA0] =	vst v9;
	v9 =	vmul.f32 v11, v12;
	v11 =	vld [tilespmem:s12+$0x4B10]  }
0x26b: {  	[tilespmem:s12+$0x4AB0] =	vst v8;
	v8 =	vmul.f32 v13, v12;
	v13 =	vld [tilespmem:s12+$0x4B20]  }
0x26c: {  	[tilespmem:s12+$0x4AC0] =	vst v9;
	v9 =	vmul.f32 v10, v12;
	v10 =	vld [tilespmem:s12+$0x4B30]  }
0x26d: {  	[tilespmem:s12+$0x4AD0] =	vst v8;
	v8 =	vmul.f32 v14, v12;
	v12 =	vld [tilespmem:s12+$0x4B40]  }
0x26e: {  	[tilespmem:s12+$0x4AE0] =	vst v9;
	v9 =	vmul.f32 v15, v5;
	v14 =	vld [tilespmem:s12+$0x4B50]  }
0x26f: {  	[tilespmem:s12+$0x4AF0] =	vst v8;
	v8 =	vmul.f32 v11, v5;
	v11 =	vld [tilespmem:s12+$0x4B60]  }
0x270: {  	v15 =	vld [tilespmem:s12+$0x4600];
	[tilespmem:s12+$0x4B00] =	vst v9;
	v9 =	vmul.f32 v13, v5  }
0x271: {  	v13 =	vld [tilespmem:s12+$0x4610];
	[tilespmem:s12+$0x4B10] =	vst v8;
	v8 =	vmul.f32 v10, v5  }
0x272: {  	v10 =	vld [tilespmem:s12+$0x4640];
	[tilespmem:s12+$0x4B20] =	vst v9;
	v9 =	vmul.f32 v12, v5  }
0x273: {  	v12 =	vld [tilespmem:s12+$0x4650];
	[tilespmem:s12+$0x4B30] =	vst v8;
	v8 =	vmul.f32 v14, v5  }
0x274: {  	[tilespmem:s12+$0x4B40] =	vst v9;
	v9 =	vmul.f32 v11, v5;
	v11 =	vbroadcast v2, $0xB;
	v14 =	vld [tilespmem:s12+$0x4BA0]  }
0x275: {  	v5 =	vbroadcast v2, $0xF;
	v15 =	vmul.f32 v3, v15;
	[tilespmem:s12+$0x4B50] =	vst v8;
	v8 =	vld [tilespmem:s12+$0x4BB0]  }
0x276: {  	v13 =	vmul.f32 v13, v3;
	[tilespmem:s12+$0x4B60] =	vst v9;
	v6 =	vmul.f32 v6, v11;
	v9 =	vld [tilespmem:s12+$0x4BC0]  }
0x277: {  	v7 =	vmul.f32 v7, v11;
	[tilespmem:s12+$0x4600] =	vst v15;
	v10 =	vmul.f32 v10, v3;
	v15 =	vld [tilespmem:s12+$0x4BD0]  }
0x278: {  	v4 =	vmul.f32 v4, v5;
	v12 =	vmul.f32 v12, v3;
	[tilespmem:s12+$0x4B80] =	vst v6;
	v3 =	vld [tilespmem:s12+$0x4BE0]  }
0x279: {  	[tilespmem:s12+$0x4B90] =	vst v7;
	v6 =	vmul.f32 v14, v11;
	v7 =	vld [tilespmem:s12+$0x4BF0]  }
0x27a: {  	v8 =	vmul.f32 v8, v11;
	v14 =	vld [tilespmem:s12+$0x4C00];
	[tilespmem:s12+$0x4DD0] =	vst v4  }
0x27b: {  	[tilespmem:s12+$0x4610] =	vst v13;
	v4 =	vmul.f32 v9, v11;
	v9 =	vld [tilespmem:s12+$0x4C10]  }
0x27c: {  	[tilespmem:s12+$0x4640] =	vst v10;
	v10 =	vmul.f32 v15, v11;
	v13 =	vld [tilespmem:s12+$0x4C20]  }
0x27d: {  	v15 =	vbroadcast v2, $0xC;
	[tilespmem:s12+$0x4BA0] =	vst v6;
	v6 =	vmul.f32 v3, v11;
	v16 =	vld [tilespmem:s12+$0x4C30]  }
0x27e: {  	[tilespmem:s12+$0x4BD0] =	vst v10;
	v7 =	vmul.f32 v7, v11;
	v10 =	vld [tilespmem:s12+$0x4C40]  }
0x27f: {  	[tilespmem:s12+$0x4BB0] =	vst v8;
	v3 =	vmul.f32 v14, v15;
	v8 =	vld [tilespmem:s12+$0x4C50]  }
0x280: {  	[tilespmem:s12+$0x4BC0] =	vst v4;
	v4 =	vmul.f32 v9, v15;
	v9 =	vld [tilespmem:s12+$0x4C60]  }
0x281: {  	[tilespmem:s12+$0x4C00] =	vst v3;
	v3 =	vmul.f32 v13, v15;
	v11 =	vld [tilespmem:s12+$0x4C70]  }
0x282: {  	[tilespmem:s12+$0x4C10] =	vst v4;
	v4 =	vld [tilespmem:s12+$0x4C80]  }
0x283: {  	[tilespmem:s12+$0x4650] =	vst v12;
	v10 =	vmul.f32 v10, v15;
	v12 =	vld [tilespmem:s12+$0x4C90]  }
0x284: {  	[tilespmem:s12+$0x4BE0] =	vst v6;
	v6 =	vmul.f32 v8, v15;
	v8 =	vld [tilespmem:s12+$0x4CA0]  }
0x285: {  	[tilespmem:s12+$0x4C40] =	vst v10;
	v9 =	vmul.f32 v9, v15;
	v10 =	vbroadcast v2, $0xD;
	v13 =	vld [tilespmem:s12+$0x4CB0]  }
0x286: {  	[tilespmem:s12+$0x4C50] =	vst v6;
	v6 =	vmul.f32 v11, v15;
	v11 =	vld [tilespmem:s12+$0x4CC0]  }
0x287: {  	[tilespmem:s12+$0x4C60] =	vst v9;
	v4 =	vmul.f32 v4, v10;
	v9 =	vld [tilespmem:s12+$0x4CD0]  }
0x288: {  	[tilespmem:s12+$0x4C70] =	vst v6;
	v6 =	vmul.f32 v12, v10;
	v12 =	vld [tilespmem:s12+$0x4CE0]  }
0x289: {  	[tilespmem:s12+$0x4C80] =	vst v4;
	v4 =	vmul.f32 v8, v10;
	v8 =	vld [tilespmem:s12+$0x4CF0]  }
0x28a: {  	[tilespmem:s12+$0x4C90] =	vst v6;
	v6 =	vmul.f32 v13, v10;
	v13 =	vld [tilespmem:s12+$0x4D00]  }
0x28b: {  	[tilespmem:s12+$0x4CA0] =	vst v4;
	v4 =	vmul.f32 v11, v10;
	v11 =	vld [tilespmem:s12+$0x4D10]  }
0x28c: {  	[tilespmem:s12+$0x4CB0] =	vst v6;
	v6 =	vmul.f32 v9, v10;
	v9 =	vld [tilespmem:s12+$0x4D20]  }
0x28d: {  	v2 =	vbroadcast v2, $0xE;
	[tilespmem:s12+$0x4BF0] =	vst v7;
	v7 =	vmul.f32 v12, v10;
	v12 =	vld [tilespmem:s12+$0x4D30]  }
0x28e: {  	[tilespmem:s12+$0x4CD0] =	vst v6;
	v6 =	vmul.f32 v8, v10;
	v8 =	vld [tilespmem:s12+$0x4D40]  }
0x28f: {  	[tilespmem:s12+$0x4CE0] =	vst v7;
	v7 =	vmul.f32 v13, v2;
	v10 =	vld [tilespmem:s12+$0x4D50]  }
0x290: {  	[tilespmem:s12+$0x4CF0] =	vst v6;
	v6 =	vmul.f32 v11, v2;
	v11 =	vld [tilespmem:s12+$0x4D60]  }
0x291: {  	[tilespmem:s12+$0x4D00] =	vst v7;
	v7 =	vmul.f32 v9, v2;
	v9 =	vld [tilespmem:s12+$0x4D70]  }
0x292: {  	[tilespmem:s12+$0x4D10] =	vst v6;
	v6 =	vmul.f32 v12, v2;
	v12 =	vld [tilespmem:s12+$0x4D80]  }
0x293: {  	[tilespmem:s12+$0x4D20] =	vst v7;
	v7 =	vmul.f32 v8, v2;
	v8 =	vld [tilespmem:s12+$0x4D90]  }
0x294: {  	[tilespmem:s12+$0x4D30] =	vst v6;
	v6 =	vmul.f32 v10, v2;
	v10 =	vld [tilespmem:s12+$0x4DA0]  }
0x295: {  	[tilespmem:s12+$0x4D40] =	vst v7;
	v7 =	vmul.f32 v11, v2;
	v11 =	vld [tilespmem:s12+$0x4DB0]  }
0x296: {  	[tilespmem:s12+$0x4CC0] =	vst v4;
	v2 =	vmul.f32 v9, v2;
	v4 =	vld [tilespmem:s12+$0x4DC0]  }
0x297: {  	[tilespmem:s12+$0x4D60] =	vst v7;
	v7 =	vmul.f32 v12, v5;
	v9 =	vld [tilespmem:s12+$0x4DE0]  }
0x298: {  	[tilespmem:s12+$0x4D70] =	vst v2;
	v2 =	vmul.f32 v8, v5;
	v8 =	vld [tilespmem:s12+$0x4DF0]  }
0x299: {  	[tilespmem:s12+$0x4D80] =	vst v7;
	v7 =	vmul.f32 v10, v5  }
0x29a: {  	[tilespmem:s12+$0x4D90] =	vst v2;
	v2 =	vmul.f32 v11, v5  }
0x29b: {  	v10 =	vmul.f32 v16, v15;
	[tilespmem:s12+$0x4DA0] =	vst v7  }
0x29c: {  	[tilespmem:s12+$0x4DB0] =	vst v2;
	v2 =	vmul.f32 v4, v5  }
.Ltmp4:
0x29d: {  	[tilespmem:s12+$0x4C30] =	vst v10;
	v4 =	vmul.f32 v8, v5;
	(pc) =	sbr.rel @p1 .LBB2_8-.Ltmp4, $4  }
0x29e: {  	[tilespmem:s12+$0x4DC0] =	vst v2  }
0x29f: {  	v2 =	vmul.f32 v9, v5;
	[tilespmem:s12+$0x4DF0] =	vst v4  }
0x2a0: {  	[tilespmem:s12+$0x4D50] =	vst v6  }
0x2a1: {  	[tilespmem:s12+$0x4DE0] =	vst v2  }
.Ltmp5:
0x2a2: {  	[tilespmem:s12+$0x4C20] =	vst v3;
	s22 =	sadd.s32 $0xA00, s13;
	(pc) =	sbr.rel @p0 .LBB2_11-.Ltmp5, $4  }
0x2a3: {  	[spmem:s2] =	stream.indirect.scatter.add.f32 [tilespmem:s31], [sflag:$0x3], $0x80, s22, s30, $0xb8;
	[tilespmem:$0x1AE00] =	vst v63  }
0x2a4: {  	_ =	swait.ge [sflag:s26], $0x2800  }
0x2a5: {  	[sflag:s26] =	ssyncset.done $0x0  }
0x2a6: {  	[sflag:s26] =	ssyncadd.s32 $0xFFFFD800  }
.Ltmp6:
0x2a7: {  	(pc) =	sbr.rel .LBB2_5-.Ltmp6, $3  }
0x2a8: {  	_ =	sdelay $0x1  }
0x2a9: {  	s11 =	sadd.s32 $0xF0, s11;
	s10 =	sadd.s32 $0x1, s10  }
0x2aa: {  	[tilespmem:s31], [sflag:$0x2] =	stream.indirect.gather [hbm4b:s1+s30], $0x80, s11, s30, $0xb8;
	[tilespmem:$0x1AE00] =	vst v63  }
.LBB2_12:
0x2ab: {  	s9 =	stileid.u32  }
0x2ac: {  	[bflag:$0x0] =	sbarrier.arrive $0xFFFF;
	s10 =	sshll.u32 s9, $0x6  }
0x2ad: {  	s11 =	sshrl.u32 s16, $0x3;
	s24 =	rddreg [dreg:$0xb];
	s10 =	sor.u32 $0x1C03, s10  }
0x2ae: {  	[hbm:s24], [sflag:s10] =	dma.local [spmem:s11], $0x2800  }
0x2af: {  	_ =	swait.ge [sflag:s26], $0x2800  }
0x2b0: {  	[sflag:s26] =	ssyncset.done $0x0  }
0x2b1: {  	[sflag:s26] =	ssyncadd.s32 $0xFFFFD800  }
0x2b2: {  	s12 =	simm.s32 $0x0;
	s13 =	simm.s32 $0x200;
	[bflag:$0x0] =	sbarrier.arrive $0xFFFF  }
.LBB2_13:
0x2b3: {  	p0 =	sne.s32 s13, $0x9E00;
	[tilespmem:s12+$0x1E70] =	vst v0  }
0x2b4: {  	[tilespmem:s12+$0x1E00] =	vst v0  }
0x2b5: {  	[tilespmem:s12+$0x1E10] =	vst v0  }
.Ltmp7:
0x2b6: {  	[tilespmem:s12+$0x1E20] =	vst v0;
	(pc) =	sbr.rel @p0 .LBB2_13-.Ltmp7, $4  }
0x2b7: {  	[tilespmem:s12+$0x1E30] =	vst v0  }
0x2b8: {  	[tilespmem:s12+$0x1E40] =	vst v0  }
0x2b9: {  	[tilespmem:s12+$0x1E50] =	vst v0  }
0x2ba: {  	[tilespmem:s12+$0x1E60] =	vst v0;
	s12 =	sshra.s32 s13, $0x2;
	s13 =	sadd.s32 $0x200, s13  }
0x2bb: {  	[tilespmem:s12+$0x1E70] =	vst v0  }
0x2bc: {  	[tilespmem:s12+$0x1E00] =	vst v0  }
0x2bd: {  	[tilespmem:s12+$0x1E10] =	vst v0  }
0x2be: {  	[tilespmem:s12+$0x1E20] =	vst v0  }
0x2bf: {  	[tilespmem:s12+$0x1E30] =	vst v0  }
0x2c0: {  	[tilespmem:s12+$0x1E40] =	vst v0  }
0x2c1: {  	[tilespmem:s12+$0x1E50] =	vst v0  }
0x2c2: {  	[tilespmem:s12+$0x1E60] =	vst v0  }
0x2c3: {  	[spmem:s16] =	stream.linear.scatter [tilespmem:s25], [sflag:$0x3], $0x2800, $0x38;
	[tilespmem:$0x1AE00] =	vst v63  }
0x2c4: {  	_ =	swait.ge [sflag:s26], $0x2800  }
0x2c5: {  	[sflag:s26] =	ssyncset.done $0x0  }
0x2c6: {  	s9 =	rddreg [dreg:$0x4];
	[sflag:s26] =	ssyncadd.s32 $0xFFFFD800  }
0x2c7: {  	[spmem:s9] =	stream.linear.scatter [tilespmem:s25], [sflag:$0x3], $0x2800, $0x38;
	[tilespmem:$0x1AE00] =	vst v63  }
0x2c8: {  	_ =	swait.ge [sflag:s26], $0x2800  }
0x2c9: {  	[sflag:s26] =	ssyncset.done $0x0  }
0x2ca: {  	s13 =	rddreg [dreg:$0x5];
	[sflag:s26] =	ssyncadd.s32 $0xFFFFD800  }
0x2cb: {  	[spmem:s13] =	stream.linear.scatter [tilespmem:s25], [sflag:$0x3], $0x2800, $0x38;
	[tilespmem:$0x1AE00] =	vst v63  }
0x2cc: {  	_ =	swait.ge [sflag:s26], $0x2800  }
0x2cd: {  	[sflag:s26] =	ssyncset.done $0x0  }
0x2ce: {  	s14 =	rddreg [dreg:$0x6];
	[sflag:s26] =	ssyncadd.s32 $0xFFFFD800  }
0x2cf: {  	[spmem:s14] =	stream.linear.scatter [tilespmem:s25], [sflag:$0x3], $0x2800, $0x38;
	[tilespmem:$0x1AE00] =	vst v63  }
0x2d0: {  	_ =	swait.ge [sflag:s26], $0x2800  }
0x2d1: {  	[sflag:s26] =	ssyncset.done $0x0  }
0x2d2: {  	s15 =	rddreg [dreg:$0x7];
	[sflag:s26] =	ssyncadd.s32 $0xFFFFD800  }
0x2d3: {  	[spmem:s15] =	stream.linear.scatter [tilespmem:s25], [sflag:$0x3], $0x2800, $0x38;
	[tilespmem:$0x1AE00] =	vst v63  }
0x2d4: {  	_ =	swait.ge [sflag:s26], $0x2800  }
0x2d5: {  	[sflag:s26] =	ssyncset.done $0x0  }
0x2d6: {  	s22 =	smov.u32 s16;
	s16 =	rddreg [dreg:$0x8];
	[sflag:s26] =	ssyncadd.s32 $0xFFFFD800  }
0x2d7: {  	[spmem:s16] =	stream.linear.scatter [tilespmem:s25], [sflag:$0x3], $0x2800, $0x38;
	[tilespmem:$0x1AE00] =	vst v63  }
0x2d8: {  	_ =	swait.ge [sflag:s26], $0x2800  }
0x2d9: {  	[sflag:s26] =	ssyncset.done $0x0  }
0x2da: {  	s23 =	rddreg [dreg:$0x9];
	[sflag:s26] =	ssyncadd.s32 $0xFFFFD800  }
0x2db: {  	[spmem:s23] =	stream.linear.scatter [tilespmem:s25], [sflag:$0x3], $0x2800, $0x38;
	[tilespmem:$0x1AE00] =	vst v63  }
0x2dc: {  	_ =	swait.ge [sflag:s26], $0x2800  }
0x2dd: {  	[sflag:s26] =	ssyncset.done $0x0  }
0x2de: {  	s24 =	rddreg [dreg:$0xa];
	[sflag:s26] =	ssyncadd.s32 $0xFFFFD800  }
0x2df: {  	[spmem:s24] =	stream.linear.scatter [tilespmem:s25], [sflag:$0x3], $0x2800, $0x38;
	[tilespmem:$0x1AE00] =	vst v63  }
0x2e0: {  	_ =	swait.ge [sflag:s26], $0x2800  }
0x2e1: {  	[sflag:s26] =	ssyncset.done $0x0  }
0x2e2: {  	[sflag:s26] =	ssyncadd.s32 $0xFFFFD800  }
0x2e3: {  	[bflag:$0x0] =	sbarrier.arrive $0xFFFF  }
0x2e4: {  	s13 =	rddreg [dreg:$0xf]  }
0x2e5: {  	s12 =	simm.s32 $0x0;
	s23 =	simm.s32 $0x0;
	s14 =	rddreg [dreg:$0xe]  }
.LBB2_15:
0x2e6: {  	s15 =	smul.u32 $0xA00, s23;
	_ =	sdelay $0x1  }
0x2e7: {  	s15 =	sadd.s32 s17, s15  }
0x2e8: {  	s15 =	sshrl.u32 s15, $0x3  }
0x2e9: {  	s24 =	sshll.u32 s23, $0x5;
	s15 =	sadd.s32 s6, s15  }
0x2ea: {  	[tilespmem:s28], [sflag:$0x3] =	stream.linear.gather [hbm4b:s15+s12], $0xA00, $0x38;
	[tilespmem:$0x1AE00] =	vst v63  }
0x2eb: {  	s15 =	sadd.s32 s19, s24  }
0x2ec: {  	_ =	swait.ge [sflag:s26], $0xA00;
	s15 =	smul.u32 $0x500, s15  }
0x2ed: {  	[sflag:s26] =	ssyncset.done $0x0  }
0x2ee: {  	[sflag:s26] =	ssyncadd.s32 $0xFFFFF600;
	s16 =	sadd.s32 s8, s15  }
0x2ef: {  	[tilespmem:s25], [sflag:$0x1] =	stream.linear.gather [hbm4b:s16+s12], $0x2800, $0x38;
	[tilespmem:$0x1AE00] =	vst v63  }
0x2f0: {  	s15 =	sadd.s32 s15, s20  }
0x2f1: {  	[tilespmem:s31], [sflag:$0x2] =	stream.linear.gather [hbm4b:s15+s12], $0x2800, $0x38;
	[tilespmem:$0x1AE00] =	vst v63  }
0x2f2: {  	_ =	swait.ge [sflag:s0], $0x2800  }
0x2f3: {  	[sflag:s0] =	ssyncset.done $0x0  }
0x2f4: {  	s9 =	simm.s32 $0xA00;
	[sflag:s0] =	ssyncadd.s32 $0xFFFFD800  }
0x2f5: {  	[spmem:s2] =	stream.indirect.scatter.add.f32 [tilespmem:s25], [sflag:$0x3], $0x80, s9, s30, $0xb8;
	[tilespmem:$0x1AE00] =	vst v63  }
0x2f6: {  	_ =	swait.ge [sflag:s26], $0x2800  }
0x2f7: {  	[sflag:s26] =	ssyncset.done $0x0  }
0x2f8: {  	s16 =	sadd.s32 $0x0, s13;
	[sflag:s26] =	ssyncadd.s32 $0xFFFFD800  }
0x2f9: {  	[tilespmem:s25], [sflag:$0x1] =	stream.linear.gather [hbm4b:s16+s4], $0x2800, $0x38;
	[tilespmem:$0x1AE00] =	vst v63  }
0x2fa: {  	_ =	swait.ge [sflag:s3], $0x2800  }
0x2fb: {  	[sflag:s3] =	ssyncset.done $0x0  }
0x2fc: {  	s24 =	simm.s32 $0xA50;
	[sflag:s3] =	ssyncadd.s32 $0xFFFFD800  }
0x2fd: {  	[spmem:s2] =	stream.indirect.scatter.add.f32 [tilespmem:s31], [sflag:$0x3], $0x80, s24, s30, $0xb8;
	[tilespmem:$0x1AE00] =	vst v63  }
0x2fe: {  	_ =	swait.ge [sflag:s26], $0x2800  }
0x2ff: {  	s15 =	simm.s32 $0xAF0;
	[sflag:s26] =	ssyncset.done $0x0  }
0x300: {  	s16 =	sadd.s32 $0x0, s14;
	s24 =	simm.s32 $0xA00;
	[sflag:s26] =	ssyncadd.s32 $0xFFFFD800  }
.LBB2_16:
0x301: {  	[tilespmem:s31], [sflag:$0x2] =	stream.linear.gather [hbm4b:s16+s4], $0x2800, $0x38;
	[tilespmem:$0x1AE00] =	vst v63  }
0x302: {  	s16 =	smov.u32 s24  }
0x303: {  	p0 =	sne.s32 s24, $0x8C00;
	s24 =	sadd.s32 $0xA00, s24;
	_ =	swait.ge [sflag:s0], $0x2800  }
0x304: {  	[sflag:s0] =	ssyncset.done $0x0  }
0x305: {  	s9 =	sadd.s32 $0xFFFFFFB0, s15;
	[sflag:s0] =	ssyncadd.s32 $0xFFFFD800  }
0x306: {  	[spmem:s2] =	stream.indirect.scatter.add.f32 [tilespmem:s25], [sflag:$0x3], $0x80, s9, s30, $0xb8;
	[tilespmem:$0x1AE00] =	vst v63  }
0x307: {  	_ =	swait.ge [sflag:s26], $0x2800  }
0x308: {  	[sflag:s26] =	ssyncset.done $0x0  }
0x309: {  	s9 =	sadd.s32 s16, s13;
	[sflag:s26] =	ssyncadd.s32 $0xFFFFD800  }
0x30a: {  	[tilespmem:s25], [sflag:$0x1] =	stream.linear.gather [hbm4b:s9+s4], $0x2800, $0x38;
	[tilespmem:$0x1AE00] =	vst v63  }
0x30b: {  	_ =	swait.ge [sflag:s3], $0x2800  }
0x30c: {  	[sflag:s3] =	ssyncset.done $0x0  }
.Ltmp8:
0x30d: {  	[sflag:s3] =	ssyncadd.s32 $0xFFFFD800;
	(pc) =	sbr.rel @p0 .LBB2_16-.Ltmp8, $4  }
0x30e: {  	[spmem:s2] =	stream.indirect.scatter.add.f32 [tilespmem:s31], [sflag:$0x3], $0x80, s15, s30, $0xb8;
	[tilespmem:$0x1AE00] =	vst v63  }
0x30f: {  	_ =	swait.ge [sflag:s26], $0x2800  }
0x310: {  	[sflag:s26] =	ssyncset.done $0x0  }
0x311: {  	s16 =	sadd.s32 s16, s14;
	s15 =	sadd.s32 $0xA0, s15;
	[sflag:s26] =	ssyncadd.s32 $0xFFFFD800  }
0x312: {  	[tilespmem:s31], [sflag:$0x2] =	stream.linear.gather [hbm4b:s16+s4], $0x2800, $0x38;
	[tilespmem:$0x1AE00] =	vst v63  }
0x313: {  	_ =	swait.ge [sflag:s0], $0x2800  }
0x314: {  	[sflag:s0] =	ssyncset.done $0x0  }
0x315: {  	[sflag:s0] =	ssyncadd.s32 $0xFFFFD800  }
0x316: {  	[spmem:s2] =	stream.indirect.scatter.add.f32 [tilespmem:s25], [sflag:$0x3], $0x80, s18, s30, $0xb8;
	[tilespmem:$0x1AE00] =	vst v63  }
0x317: {  	_ =	swait.ge [sflag:s26], $0x2800  }
0x318: {  	[sflag:s26] =	ssyncset.done $0x0  }
0x319: {  	[sflag:s26] =	ssyncadd.s32 $0xFFFFD800  }
0x31a: {  	s23 =	sadd.s32 $0x1, s23;
	_ =	swait.ge [sflag:s3], $0x2800  }
0x31b: {  	p0 =	sne.s32 s23, $0x4;
	[sflag:s3] =	ssyncset.done $0x0  }
.Ltmp9:
0x31c: {  	[sflag:s3] =	ssyncadd.s32 $0xFFFFD800;
	(pc) =	sbr.rel @p0 .LBB2_15-.Ltmp9, $4  }
0x31d: {  	[spmem:s2] =	stream.indirect.scatter.add.f32 [tilespmem:s31], [sflag:$0x3], $0x80, s21, s30, $0xb8;
	[tilespmem:$0x1AE00] =	vst v63  }
0x31e: {  	_ =	swait.ge [sflag:s26], $0x2800  }
0x31f: {  	[sflag:s26] =	ssyncset.done $0x0  }
0x320: {  	s14 =	sadd.s32 $0xA000, s14;
	s13 =	sadd.s32 $0xA000, s13;
	[sflag:s26] =	ssyncadd.s32 $0xFFFFD800  }
0x321: {  	[bflag:$0x0] =	sbarrier.arrive $0xFFFF  }
0x322: {  	s9 =	rddreg [dreg:$0xc]  }
0x323: {  	[hbm:s9], [sflag:s10] =	dma.local [spmem:s11], $0x2800  }
0x324: {  	_ =	swait.ge [sflag:s26], $0x2800  }
0x325: {  	s23 =	rddreg [dreg:$0x10]  }
0x326: {  	s24 =	rddreg [dreg:$0xd];
	s10 =	sadd.s32 $0x1, s23  }
0x327: {  	p0 =	sne.s32 s10, s24  }
.Ltmp10:
0x328: {  	_ = 	snop;
	(pc) =	sbr.rel @p0 .LBB2_1-.Ltmp10, $3  }
0x329: {  	_ =	sdelay $0x1  }
0x32a: {  	[sflag:s26] =	ssyncset.done $0x0  }
0x32b: {  	s16 =	smov.u32 s22;
	[sflag:s26] =	ssyncadd.s32 $0xFFFFD800  }
0x32c: {  	_ =	sfence.sel $0x180000  }
0x32d: {  	[bflag:$0x0] =	sbarrier.arrive $0xFFFF  }
0x32e: {  	_ =	strace $0x9000004A  }
0x32f: {  	s0 =	stileid.u32;
	[bflag:$0x2] =	sbarrier.arrive $0xFFFF  }
0x330: {  	p0 =	sne.s32 s0, $0x0;
	s0 =	rddreg [dreg:$0x3]  }
0x331: {  	s0 =	sadd.s32 @!p0 $0x100000, s0  }
0x332: {  	[sflag:s0] =	ssyncadd.tile.s32 @!p0 $0x1;
	_ =	shalt  }
.Lfunc_end2:
_tile_overlayer_lowered:
.L_overlay_start_2:
0x333: {  	(tag) =	ssettag $0x2  }
0x334: {  	s0 =	rddreg [dreg:$0x0];
	s2 =	stileid.u32  }
0x335: {  	s1 =	rddreg [dreg:$0x1];
	p0 =	sne.s32 s2, $0x0  }
0x336: {  	s3 =	rddreg [dreg:$0x2];
	[bflag:$0x3] =	sbarrier.arrive $0xFFFF;
	s2 =	simm.s32 @!p0 $0x1C03  }
0x337: {  	[timem:s3], [sflag:s2] =	dma.local @!p0 [hbm:s0], s1  }
0x338: {  	s0 =	simm.s32 @!p0 $0x3  }
0x339: {  	_ =	swait.ge @!p0 [sflag:s0], s1  }
0x33a: {  	s1 =	ssub.s32 @!p0 $0x0, s1;
	[sflag:s0] =	ssyncset.done @!p0 $0x0  }
0x33b: {  	[sflag:s0] =	ssyncadd.s32 @!p0 s1  }
0x33c: {  	[bflag:$0x3] =	sbarrier.arrive $0xFFFF  }
0x33d: {  	_ =	shalt  }

// kernel: kernel.8.cloned.1.call-start
scs
__scs_entry_jumppad:
0x0: {  	(pc) =	sbr.rel $0x88, $3  }
0x1: {  	(tag) =	ssettag $0x0;
	lr =	simm.s32 $0x1  }
0x2: {  	[smem:$0x3F96] =	sst lr;
	_ =	strace $0xD0000000  }
0x3: {  	_ = 	snop  }
0x4: {  	_ = 	snop  }
0x5: {  	_ = 	snop  }
0x6: {  	_ = 	snop  }
0x7: {  	_ = 	snop  }
__scs_overlays_trampoline_lowered:
0x8: {  	[smem:$0x3FA5] =	sst s0  }
0x9: {  	[smem:$0x3FA6] =	sst s1  }
0xa: {  	[smem:$0x3FA7] =	sst s2  }
0xb: {  	[smem:$0x3FA8] =	sst s3  }
0xc: {  	[smem:$0x3FA9] =	sst s4  }
0xd: {  	[smem:$0x3FAA] =	sst s5  }
0xe: {  	[smem:$0x3FAB] =	sst s6  }
0xf: {  	[smem:$0x3FAC] =	sst s7  }
0x10: {  	[smem:$0x3FAD] =	sst s8  }
0x11: {  	[smem:$0x3FAE] =	sst s9;
	s0 =	simm.s32 @!p0 $0x0  }
0x12: {  	s1 =	sld [smem:$0x3F94];
	s0 =	simm.s32 @p0 $0x1  }
0x13: {  	[smem:$0x3FAF] =	sst s0;
	s0 =	simm.s32 @!p1 $0x0  }
0x14: {  	s2 =	sld [smem:$0x3F93];
	s0 =	simm.s32 @p1 $0x1  }
0x15: {  	[smem:$0x3FB0] =	sst s0;
	s0 =	simm.s32 @!p2 $0x0  }
0x16: {  	s3 =	sld [smem:$0x3FDB];
	s0 =	simm.s32 @p2 $0x1  }
0x17: {  	s4 =	simm.s32 $0x1BF5;
	[smem:$0x3FB2] =	sst s0  }
0x18: {  	s0 =	sld [smem:$0x3F95];
	_ =	swait.ge [sflag:s4], $0x0  }
0x19: {  	s7 =	sld [smem:$0x3F96]  }
0x1a: {  	s8 =	sadd.s32 $0xFFFFE003, lr  }
0x1b: {  	s9 =	sadd.s32 $0xFFFFFEF7, lr;
	s5 =	simm.s32 $0xFFFFFFFF;
	p2 =	slt.u32 s8, $0xFFFFF086  }
0x1c: {  	p1 =	slt.u32 s9, $0xF7A;
	s5 =	simm.s32 @!p2 $0x0  }
0x1d: {  	s5 =	simm.s32 @p1 $0x1;
	p0 =	seq.s32 s7, s2  }
0x1e: {  	s7 =	smul.u32 @!p0 $0xF7A, s2;
	p2 =	seq.s32 @!p0 s5, $0x0  }
0x1f: {  	s9 =	smul.u32 $0xF7A, s1;
	s8 =	simm.s32 @!p0 $0x1BF5;
	p2 =	por !p2, p0  }
0x20: {  	[sflag:s8] =	ssyncset.s32 @!p0 $0xFFFFF086;
	s6 =	sadd.s32 @!p0 s3, s7;
	s7 =	simm.s32 @!p0 $0x108  }
0x21: {  	s3 =	sadd.s32 s3, s9;
	s6 =	sadd.s32 @!p0 $0x88, s6;
	s7 =	simm.s32 @p2 $0x1082  }
0x22: {  	[simem:s7], [sflag:s8] =	dma.local @!p0 [hbm:s6], $0xF7A  }
0x23: {  	s9 =	sor.u32 $0xD0000000, s2;
	s6 =	simm.s32 $0x108;
	_ =	swait.ge @!p0 [sflag:s8], $0x0  }
0x24: {  	s3 =	sadd.s32 $0x88, s3;
	s6 =	simm.s32 @!p1 $0x1082;
	[sflag:s4] =	ssyncset.s32 $0xFFFFF086  }
0x25: {  	[simem:s6], [sflag:s4] =	dma.local [hbm:s3], $0xF7A  }
0x26: {  	[smem:$0x3F96] =	sst s1;
	(tag) =	ssettag s2;
	_ =	strace s9  }
0x27: {  	s1 =	sld [smem:$0x3FA6]  }
0x28: {  	s2 =	sld [smem:$0x3FA7]  }
0x29: {  	s4 =	sld [smem:$0x3FA9]  }
0x2a: {  	p0 =	seq.s32 s5, $0x0;
	s5 =	sld [smem:$0x3FAA]  }
0x2b: {  	s6 =	sld [smem:$0x3FAB]  }
0x2c: {  	s7 =	sld [smem:$0x3FAC]  }
0x2d: {  	s3 =	simm.s32 $0x108;
	s8 =	sld [smem:$0x3FAD]  }
0x2e: {  	s3 =	simm.s32 @!p0 $0x1082;
	s9 =	sld [smem:$0x3FAE]  }
0x2f: {  	lr =	sadd.s32 s0, s3;
	s0 =	sld [smem:$0x3FA5]  }
0x30: {  	s3 =	sld [smem:$0x3FA8]  }
0x31: {  	[smem:$0x3FB1] =	sst s10  }
0x32: {  	s10 =	sld [smem:$0x3FAF];
	_ =	sdelay $0x3  }
0x33: {  	p0 =	seq.s32 s10, $0x1;
	s10 =	sld [smem:$0x3FB1];
	_ =	sdelay $0x3  }
0x34: {  	[smem:$0x3FB1] =	sst s10  }
0x35: {  	s10 =	sld [smem:$0x3FB0];
	_ =	sdelay $0x3  }
0x36: {  	p1 =	seq.s32 s10, $0x1;
	s10 =	sld [smem:$0x3FB1];
	_ =	sdelay $0x3  }
0x37: {  	[smem:$0x3FB1] =	sst s10  }
0x38: {  	s10 =	sld [smem:$0x3FB2]  }
0x39: {  	_ = 	snop;
	(pc) =	sbr.ind lr, $3  }
0x3a: {  	_ = 	snop  }
0x3b: {  	_ = 	snop  }
0x3c: {  	p2 =	seq.s32 s10, $0x1;
	s10 =	sld [smem:$0x3FB1]  }
0x3d: {  	_ =	shalt  }
0x3e: {  	_ =	shalt  }
0x3f: {  	_ =	shalt  }
0x40: {  	_ =	shalt  }
0x41: {  	_ =	shalt  }
0x42: {  	_ =	shalt  }
0x43: {  	_ =	shalt  }
0x44: {  	_ =	shalt  }
0x45: {  	_ =	shalt  }
0x46: {  	_ =	shalt  }
0x47: {  	_ =	shalt  }
0x48: {  	_ =	shalt  }
0x49: {  	_ =	shalt  }
0x4a: {  	_ =	shalt  }
0x4b: {  	_ =	shalt  }
0x4c: {  	_ =	shalt  }
0x4d: {  	_ =	shalt  }
0x4e: {  	_ =	shalt  }
0x4f: {  	_ =	shalt  }
0x50: {  	_ =	shalt  }
0x51: {  	_ =	shalt  }
0x52: {  	_ =	shalt  }
0x53: {  	_ =	shalt  }
0x54: {  	_ =	shalt  }
0x55: {  	_ =	shalt  }
0x56: {  	_ =	shalt  }
0x57: {  	_ =	shalt  }
0x58: {  	_ =	shalt  }
0x59: {  	_ =	shalt  }
0x5a: {  	_ =	shalt  }
0x5b: {  	_ =	shalt  }
0x5c: {  	_ =	shalt  }
0x5d: {  	_ =	shalt  }
0x5e: {  	_ =	shalt  }
0x5f: {  	_ =	shalt  }
0x60: {  	_ =	shalt  }
0x61: {  	_ =	shalt  }
0x62: {  	_ =	shalt  }
0x63: {  	_ =	shalt  }
0x64: {  	_ =	shalt  }
0x65: {  	_ =	shalt  }
0x66: {  	_ =	shalt  }
0x67: {  	_ =	shalt  }
0x68: {  	_ =	shalt  }
0x69: {  	_ =	shalt  }
0x6a: {  	_ =	shalt  }
0x6b: {  	_ =	shalt  }
0x6c: {  	_ =	shalt  }
0x6d: {  	_ =	shalt  }
0x6e: {  	_ =	shalt  }
0x6f: {  	_ =	shalt  }
0x70: {  	_ =	shalt  }
0x71: {  	_ =	shalt  }
0x72: {  	_ =	shalt  }
0x73: {  	_ =	shalt  }
0x74: {  	_ =	shalt  }
0x75: {  	_ =	shalt  }
0x76: {  	_ =	shalt  }
0x77: {  	_ =	shalt  }
0x78: {  	_ =	shalt  }
0x79: {  	_ =	shalt  }
0x7a: {  	_ =	shalt  }
0x7b: {  	_ =	shalt  }
0x7c: {  	_ =	shalt  }
0x7d: {  	_ =	shalt  }
0x7e: {  	_ =	shalt  }
0x7f: {  	_ =	shalt  }
0x80: {  	_ =	shalt  }
0x81: {  	_ =	shalt  }
0x82: {  	_ =	shalt  }
0x83: {  	_ =	shalt  }
0x84: {  	_ =	shalt  }
0x85: {  	_ =	shalt  }
0x86: {  	_ =	shalt  }
0x87: {  	_ =	shalt  }
.Lfunc_end0:
.L_simem_size_0:
called_computation_lowered:
.L_overlay_start_0:
0x88: {  	s2 =	sld [smem:$0x3FD9]  }
0x89: {  	s3 =	sld [smem:$0x3FFE];
	_ =	sdelay $0x1  }
0x8a: {  	s1 =	srdreg.scid  }
0x8b: {  	s0 =	sand.u32 $0x1, s1  }
0x8c: {  	s17 =	sshll.u32 s0, $0xA;
	s2 =	sadd.s32 s3, s2  }
0x8d: {  	s2 =	sadd.s32 s2, s17  }
0x8e: {  	[smem:$0x3FBD] =	sst s2  }
0x8f: {  	_ = 	snop  }
0x90: {  	s2 =	sld [smem:$0x3FD0];
	(tm) =	ssettm $0x1  }
0x91: {  	s18 =	sld [smem:$0x3FFB];
	_ =	sdelay $0x3  }
0x92: {  	_ =	strace s18  }
0x93: {  	s3 =	sld [smem:$0x3FFC];
	_ =	sdelay $0x3  }
0x94: {  	_ =	strace s3  }
0x95: {  	s3 =	sld [smem:$0x3FFD];
	_ =	sdelay $0x3  }
0x96: {  	_ =	strace s3  }
0x97: {  	_ =	strace $0x8FFFFFFF  }
0x98: {  	s19 =	sld [smem:$0x3FDB];
	_ =	sdelay $0x1  }
0x99: {  	s4 =	simm.s32 $_scs_section_size  }
0x9a: {  	s5 =	simm.s32 $_size__tile_overlayer_lowered;
	s6 =	simm.s32 $_tile_overlayer_lowered  }
0x9b: {  	s22 =	simm.s32 $0x1BFF;
	s21 =	sshll.u32 s6, $0x1;
	s3 =	sadd.s32 s4, s19  }
0x9c: {  	s7 =	simm.s32 $0x0;
	s20 =	sshll.u32 s5, $0x1;
	s5 =	sadd.s32 s21, s3  }
0x9d: {  	[timem:s7], [sflag:s22] =	dma.local [hbm:s5], s20  }
0x9e: {  	_ =	swait.ge [sflag:s22], s20  }
0x9f: {  	s4 =	ssub.s32 $0x0, s20;
	[sflag:s22] =	ssyncset.done $0x0  }
0xa0: {  	[sflag:s22] =	ssyncadd.s32 s4;
	_ =	sdelay $0x1  }
0xa1: {  	s23 =	simm.s32 $0x1B8B  }
0xa2: {  	_ =	swait.ge [sflag:s23], $0x1  }
0xa3: {  	[sflag:s23] =	ssyncset.done $0x0  }
0xa4: {  	s25 =	simm.s32 $0x1B8E;
	s24 =	sld [smem:$0x3FFE];
	[sflag:s23] =	ssyncadd.s32 $0xFFFFFFFF  }
0xa5: {  	s26 =	simm.s32 $execute0_lowered;
	[smem:$0x3FD2] =	sst s25  }
0xa6: {  	s5 =	sshll.u32 s26, $0x1;
	_ =	strace $0x80000046;
	[dreg:$0x1] =	wrdreg $0xFFFFFFFF  }
0xa7: {  	s28 =	simm.s32 $_size_execute0_lowered;
	s3 =	sadd.s32 s3, s5;
	[dreg:$0x0] =	wrdreg $0x0  }
0xa8: {  	s5 =	sshll.u32 s28, $0x1;
	[dreg:$0x2] =	wrdreg s3  }
0xa9: {  	[dreg:$0x3] =	wrdreg s5  }
0xaa: {  	[dreg:$0x4] =	wrdreg $0xC0  }
0xab: {  	_ =	task [dreg:s7], $0x5FFFF  }
0xac: {  	[dreg:$0x1] =	wrdreg $0xFFFFFFFF  }
0xad: {  	[dreg:$0x0] =	wrdreg $0x60  }
0xae: {  	[dreg:$0x2] =	wrdreg s24  }
0xaf: {  	[dreg:$0x3] =	wrdreg s2  }
0xb0: {  	[dreg:$0x4] =	wrdreg $0x50000  }
0xb1: {  	[dreg:$0x5] =	wrdreg $0x9  }
0xb2: {  	_ =	task.clear_ibuf [dreg:s7], $0x6FFFF;
	_ =	strace $0x90000046  }
0xb3: {  	s29 =	simm.s32 $0x9;
	_ =	strace $0x80000048  }
0xb4: {  	_ =	swait.ge [sflag:s29], $0x1  }
0xb5: {  	[sflag:s29] =	ssyncadd.s32 $0xFFFFFFFF  }
0xb6: {  	_ =	strace $0x90000048  }
0xb7: {  	_ =	sfence  }
0xb8: {  	s30 =	sld [smem:$0x0];
	_ =	sdelay $0x2  }
0xb9: {  	s31 =	sshll.u32 s1, $0xD;
	s1 =	sshrl.u32 s1, $0x2  }
0xba: {  	s3 =	sand.u32 $0x4000, s31;
	s1 =	sadd.s32 s1, s30  }
0xbb: {  	s0 =	sor.u32 s3, s0;
	s1 =	sshll.u32 s1, $0x11  }
0xbc: {  	s0 =	sor.u32 s1, s0  }
0xbd: {  	s0 =	sadd.s32 $0x8F2B, s0  }
0xbe: {  	[sflag:s0] =	ssyncadd.remote.s32 $0x1  }
0xbf: {  	_ =	sfence.sel $0xFFFF  }
0xc0: {  	[dreg:$0x0] =	wrdreg $0xFFFFFFFF;
	(pc) =	sbr.abs _section_cstart, $3  }
0xc1: {  	[dreg:$0x1] =	wrdreg $0xFFFFFFFF  }
0xc2: {  	_ =	task.clear_ibuf [dreg:s7], $0x2FFFF;
	_ =	strace $0x9FFFFFFF  }
0xc3: {  	(tm) =	ssettm $0x7FFFFFFF  }
tec
execute0_lowered:
.L_overlay_start_1:
0x0: {  	(tag) =	ssettag $0x1  }
0x1: {  	s4 =	rddreg [dreg:$0x0]  }
0x2: {  	s0 =	srdreg.scid;
	s8 =	rddreg [dreg:$0x1]  }
0x3: {  	s2 =	rddreg [dreg:$0x2];
	s1 =	stileid.u32  }
0x4: {  	s3 =	simm.s32 $0x0;
	s14 =	simm.s32 $0x20;
	s15 =	simm.s32 $0x10  }
0x5: {  	s5 =	sand.u32 $0x1, s0;
	s0 =	rddreg [dreg:$0x3];
	s10 =	smul.u32 $0xA00, s1  }
0x6: {  	s16 =	simm.s32 $0x0;
	[smem:$0x7FF] =	sst s3;
	s26 =	smul.u32 $0x500, s1  }
0x7: {  	s29 =	sshll.u32 s1, $0x6;
	s6 =	sshll.u32 s5, $0x4;
	_ =	strace $0x80000047  }
0x8: {  	s7 =	ssub.s32 $0x2, s5;
	s12 =	sshll.u32 s5, $0x7;
	s5 =	sor.u32 $0x1C01, s29  }
0x9: {  	s6 =	sor.u32 s1, s6;
	s25 =	sshrl.u32 s7, $0x1;
	s28 =	sshrl.u32 s10, $0x2  }
0xa: {  	s30 =	sor.u32 s12, s26;
	s12 =	simm.s32 $0x2800;
	s6 =	smul.u32 $0x500, s6  }
0xb: {  	s11 =	ssub.s32 s7, s25;
	s13 =	sadd.s32 s28, s2;
	s31 =	sshrl.u32 s30, $0x3  }
0xc: {  	s8 =	sadd.s32 s8, s31;
	s10 =	sshrl.u32 s13, $0x3;
	s9 =	sadd.s32 s6, s4  }
0xd: {  	s13 =	simm.s32 $0x50;
	s4 =	sadd.s32 $0x20400, s4;
	s6 =	sadd.s32 $0x16400, s9  }
0xe: {  	s7 =	sadd.s32 $0x2400, s9;
	s9 =	smax.u32 s11, $0x1;
	s11 =	simm.s32 $0x1  }
.LBB2_1:
0xf: {  	[spmem:s10], [sflag:s5] =	dma.local [hbm:s4], $0x50  }
0x10: {  	_ =	swait.ge [sflag:s11], $0x50  }
0x11: {  	[sflag:s11] =	ssyncset.done $0x0  }
0x12: {  	[sflag:s11] =	ssyncadd.s32 $0xFFFFFFB0  }
0x13: {  	[bflag:$0x0] =	sbarrier.arrive $0xFFFF  }
0x14: {  	[tilespmem:s3], [sflag:$0x1] =	stream.linear.gather [hbm4b:s6+s3], $0x2800, $0x38;
	[tilespmem:$0x5280] =	vst v63  }
0x15: {  	_ =	swait.ge [sflag:s11], $0x2800  }
0x16: {  	[sflag:s11] =	ssyncset.done $0x0  }
0x17: {  	[sflag:s11] =	ssyncadd.s32 $0xFFFFD800  }
0x18: {  	[tilespmem:s12], [sflag:$0x1] =	stream.linear.gather [hbm4b:s7+s3], $0x2800, $0x38;
	[tilespmem:$0x5280] =	vst v63  }
0x19: {  	_ =	swait.ge [sflag:s11], $0x2800  }
0x1a: {  	[sflag:s11] =	ssyncset.done $0x0  }
0x1b: {  	s17 =	simm.s32 $0x0;
	s18 =	simm.s32 $0x2800;
	[sflag:s11] =	ssyncadd.s32 $0xFFFFD800  }
0x1c: {  	[spmem:s2] =	stream.indirect.scatter.add.f32 [tilespmem:s18], [sflag:$0x1], $0x1, s17, s13, $0xb8;
	[tilespmem:$0x5280] =	vst v63  }
0x1d: {  	s17 =	simm.s32 $0x140;
	_ =	swait.ge [sflag:s11], $0x50  }
.LBB2_2:
0x1e: {  	s18 =	sshra.s32 s17, $0x2;
	[sflag:s11] =	ssyncset.done $0x0;
	p0 =	sne.s32 s17, $0x9EC0  }
.Ltmp0:
0x1f: {  	s19 =	sadd.s32 $0x2800, s18;
	[sflag:s11] =	ssyncadd.s32 $0xFFFFFFB0;
	(pc) =	sbr.rel @p0 .LBB2_2-.Ltmp0, $3  }
0x20: {  	[spmem:s2] =	stream.indirect.scatter.add.f32 [tilespmem:s19], [sflag:$0x1], $0x1, s18, s13, $0xb8;
	[tilespmem:$0x5280] =	vst v63  }
0x21: {  	s17 =	sadd.s32 $0x140, s17;
	_ =	sdelay $0x1  }
0x22: {  	_ =	swait.ge [sflag:s11], $0x50  }
0x23: {  	[sflag:s11] =	ssyncset.done $0x0;
	s16 =	sadd.s32 $0x1, s16  }
0x24: {  	[sflag:s11] =	ssyncadd.s32 $0xFFFFFFB0;
	p0 =	sne.s32 s16, s9  }
.Ltmp1:
0x25: {  	[bflag:$0x0] =	sbarrier.arrive $0xFFFF;
	(pc) =	sbr.rel @p0 .LBB2_1-.Ltmp1, $4  }
0x26: {  	[hbm:s8@s14], [sflag:s5] =	dma.strided [spmem:s10@s15], $0x50, s11, $0x10   }
0x27: {  	_ =	swait.ge [sflag:s11], $0x50  }
0x28: {  	[sflag:s11] =	ssyncset.done $0x0  }
0x29: {  	[sflag:s11] =	ssyncadd.s32 $0xFFFFFFB0  }
0x2a: {  	_ =	sfence.sel $0x180000  }
0x2b: {  	[bflag:$0x0] =	sbarrier.arrive $0xFFFF  }
0x2c: {  	p0 =	sne.s32 s1, $0x0;
	_ =	strace $0x90000047  }
0x2d: {  	s0 =	sadd.s32 @!p0 $0x100000, s0;
	[bflag:$0x2] =	sbarrier.arrive $0xFFFF  }
0x2e: {  	[sflag:s0] =	ssyncadd.tile.s32 @!p0 $0x1;
	_ =	shalt  }
.Lfunc_end2:
_tile_overlayer_lowered:
.L_overlay_start_2:
0x2f: {  	(tag) =	ssettag $0x2  }
0x30: {  	s0 =	rddreg [dreg:$0x0];
	s2 =	stileid.u32  }
0x31: {  	s1 =	rddreg [dreg:$0x1];
	p0 =	sne.s32 s2, $0x0  }
0x32: {  	s3 =	rddreg [dreg:$0x2];
	[bflag:$0x3] =	sbarrier.arrive $0xFFFF;
	s2 =	simm.s32 @!p0 $0x1C01  }
0x33: {  	[timem:s3], [sflag:s2] =	dma.local @!p0 [hbm:s0], s1  }
0x34: {  	s0 =	simm.s32 @!p0 $0x1  }
0x35: {  	_ =	swait.ge @!p0 [sflag:s0], s1  }
0x36: {  	s1 =	ssub.s32 @!p0 $0x0, s1;
	[sflag:s0] =	ssyncset.done @!p0 $0x0  }
0x37: {  	[sflag:s0] =	ssyncadd.s32 @!p0 s1  }
0x38: {  	[bflag:$0x3] =	sbarrier.arrive $0xFFFF  }
0x39: {  	_ =	shalt  }

</sc_bundles>
